<compile_context>
chip_gen: v7x
topology: tpu7x:2x2x1
jax: 0.10.2.dev20260603
libtpu: 0.0.44.dev20260713+nightly
codegen_flags: <defaults>
</compile_context>

<pallas_src>
import functools

import jax
import jax.numpy as jnp
from jax import lax
from jax.experimental import pallas as pl
from jax.experimental.pallas import tpu as pltpu

B = 1024
T = 8
D = 64
N = 100000
MAX_K = 60
KPAD = 64
TOP_K = 8
CDIM = 17
CHUNK = 4096
NCHUNK = (N + CHUNK - 1) // CHUNK
NPAD = NCHUNK * CHUNK
GROUPS = CHUNK // 128
INF = 3.0e38


def _knn_kernel(hs_ref, keys_ref, out_d_ref, out_i_ref, q_ref, qn_ref,
                run_d_ref, run_i_ref, dm_ref):
    i = pl.program_id(0)

    @pl.when(i == 0)
    def _init():
        acc = jnp.zeros((B, D), jnp.float32)
        for t in range(T):
            acc = acc + hs_ref[:, t * D:(t + 1) * D]
        q = acc * (1.0 / T)
        q_ref[...] = q
        qn_ref[...] = jnp.sum(q * q, axis=1, keepdims=True)
        run_d_ref[...] = jnp.full((B, KPAD), INF, jnp.float32)
        run_i_ref[...] = jnp.zeros((B, KPAD), jnp.float32)

    q = q_ref[...]
    kt = keys_ref[...]
    qk = jnp.dot(q, kt, preferred_element_type=jnp.float32)
    kn = jnp.sum(kt * kt, axis=0, keepdims=True)
    d = qn_ref[...] - 2.0 * qk + kn
    ci = lax.broadcasted_iota(jnp.int32, (1, CHUNK), 1)
    d = jnp.where(ci < N - i * CHUNK, d, INF)
    dm_ref[...] = d

    lane = lax.broadcasted_iota(jnp.int32, (1, KPAD), 1).astype(jnp.float32)
    li = lax.broadcasted_iota(jnp.int32, (1, 128), 1).astype(jnp.float32)
    base = (i * CHUNK).astype(jnp.float32)

    def merge_round(more):
        del more
        for g in range(GROUPS):
            sl0 = dm_ref[:, g * 128:(g + 1) * 128]
            thr = run_d_ref[:, KPAD - 1:KPAD]
            fire = jnp.any(sl0 < thr)

            @pl.when(fire)
            def _(sl=sl0, g=g):
                rd = run_d_ref[...]
                ri = run_i_ref[...]
                v1 = jnp.min(sl, axis=1, keepdims=True)
                pos1 = jnp.min(jnp.where(sl == v1, li, 10000.0),
                               axis=1, keepdims=True)
                sl = jnp.where(li == pos1, INF, sl)
                v2 = jnp.min(sl, axis=1, keepdims=True)
                pos2 = jnp.min(jnp.where(sl == v2, li, 10000.0),
                               axis=1, keepdims=True)
                sl = jnp.where(li == pos2, INF, sl)
                dm_ref[:, g * 128:(g + 1) * 128] = sl
                i1 = base + (g * 128) + pos1
                i2 = base + (g * 128) + pos2
                p1 = jnp.sum((rd <= v1).astype(jnp.float32),
                             axis=1, keepdims=True)
                p2 = jnp.sum((rd <= v2).astype(jnp.float32),
                             axis=1, keepdims=True) + 1.0
                r1d = pltpu.roll(rd, 1, 1)
                r2d = pltpu.roll(rd, 2, 1)
                r1i = pltpu.roll(ri, 1, 1)
                r2i = pltpu.roll(ri, 2, 1)
                nd = jnp.where(lane < p1, rd,
                               jnp.where(lane == p1, v1,
                                         jnp.where(lane < p2, r1d,
                                                   jnp.where(lane == p2, v2,
                                                             r2d))))
                ni = jnp.where(lane < p1, ri,
                               jnp.where(lane == p1, i1,
                                         jnp.where(lane < p2, r1i,
                                                   jnp.where(lane == p2, i2,
                                                             r2i))))
                run_d_ref[...] = nd
                run_i_ref[...] = ni
        thr = run_d_ref[:, KPAD - 1:KPAD]
        return jnp.any(dm_ref[...] < thr)

    more0 = jnp.any(d < run_d_ref[:, KPAD - 1:KPAD])
    lax.while_loop(lambda m: m, merge_round, more0)

    @pl.when(i == NCHUNK - 1)
    def _out():
        out_d_ref[...] = run_d_ref[...]
        out_i_ref[...] = run_i_ref[...].astype(jnp.int32)


def _knn_topk(hs2d, keys_pad):
    return pl.pallas_call(
        _knn_kernel,
        grid=(NCHUNK,),
        in_specs=[
            pl.BlockSpec((B, T * D), lambda i: (0, 0)),
            pl.BlockSpec((D, CHUNK), lambda i: (0, i)),
        ],
        out_specs=[
            pl.BlockSpec((B, KPAD), lambda i: (0, 0)),
            pl.BlockSpec((B, KPAD), lambda i: (0, 0)),
        ],
        out_shape=[
            jax.ShapeDtypeStruct((B, KPAD), jnp.float32),
            jax.ShapeDtypeStruct((B, KPAD), jnp.int32),
        ],
        scratch_shapes=[
            pltpu.VMEM((B, D), jnp.float32),
            pltpu.VMEM((B, 1), jnp.float32),
            pltpu.VMEM((B, KPAD), jnp.float32),
            pltpu.VMEM((B, KPAD), jnp.float32),
            pltpu.VMEM((B, CHUNK), jnp.float32),
        ],
    )(hs2d, keys_pad)


def _head_kernel(d_ref, sc_ref, p_ref, conf_ref,
                 k1wT_ref, k1b_ref, k2wT_ref, k2b_ref,
                 lk1wT_ref, lk1b_ref, lk2w_ref, lk2b_ref,
                 lw1dT_ref, lw1sr_ref, lw1sp_ref, lw1t8_ref, lw1b_ref,
                 lw2w_ref, lw2b_ref,
                 final_ref, np_ref, lam0_ref, lam1_ref):
    d = d_ref[...]
    sc = sc_ref[...]
    p = p_ref[...]
    lane64 = lax.broadcasted_iota(jnp.int32, (1, KPAD), 1)

    dot = functools.partial(jnp.dot, preferred_element_type=jnp.float32)
    h1 = jnp.tanh(dot(d, k1wT_ref[...]) + k1b_ref[0:1, :])
    logits = dot(h1, k2wT_ref[...]) + k2b_ref[0:1, :]
    logits = jnp.where(lane64 < MAX_K, logits, -INF)
    mx = jnp.max(logits, axis=1, keepdims=True)
    e = jnp.exp(logits - mx)
    w = e / jnp.sum(e, axis=1, keepdims=True)
    np_s = jnp.sum(w * sc, axis=1, keepdims=True)

    h2 = jnp.tanh(dot(d, lk1wT_ref[...]) + lk1b_ref[0:1, :])
    knn_lam = (jnp.sum(h2 * lk2w_ref[0:1, :], axis=1, keepdims=True)
               + lk2b_ref[0:1, 0:1])

    acc = jnp.zeros((B, CDIM), jnp.float32)
    for t in range(T):
        acc = acc + conf_ref[:, t * CDIM:(t + 1) * CDIM]
    conf = acc * (1.0 / T)
    i17 = lax.broadcasted_iota(jnp.int32, (1, CDIM), 1)

    def bin_idx(x):
        xi = jnp.clip((x - 1.0) * 4.0, 0.0, 16.0)
        return xi.astype(jnp.int32)

    sr = bin_idx(p)
    sp = bin_idx(np_s)
    sr_conf = jnp.sum(jnp.where(i17 == sr, conf, 0.0), axis=1, keepdims=True)
    sp_conf = jnp.sum(jnp.where(i17 == sp, conf, 0.0), axis=1, keepdims=True)

    pre = (dot(d, lw1dT_ref[...])
           + sr_conf * lw1sr_ref[0:1, :]
           + sp_conf * lw1sp_ref[0:1, :]
           + lw1b_ref[0:1, :])
    c = conf
    for j in range(TOP_K):
        mxc = jnp.max(c, axis=1, keepdims=True)
        pos = jnp.min(jnp.where(c == mxc, i17, 99), axis=1, keepdims=True)
        pre = pre + mxc * lw1t8_ref[j:j + 1, :]
        c = jnp.where(i17 == pos, -INF, c)
    h3 = jnp.tanh(pre)
    wav_lam = (jnp.sum(h3 * lw2w_ref[0:1, :], axis=1, keepdims=True)
               + lw2b_ref[0:1, 0:1])

    m2 = jnp.maximum(knn_lam, wav_lam)
    e0 = jnp.exp(knn_lam - m2)
    e1 = jnp.exp(wav_lam - m2)
    s2 = e0 + e1
    lam0 = e0 / s2
    lam1 = e1 / s2
    final_ref[...] = lam0 * np_s + lam1 * p
    np_ref[...] = np_s
    lam0_ref[...] = lam0
    lam1_ref[...] = lam1


def _heads(knn_d, knn_sc, p2d, conf2d, *weights):
    return pl.pallas_call(
        _head_kernel,
        in_specs=[pl.BlockSpec(a.shape, lambda: (0, 0)) for a in
                  (knn_d, knn_sc, p2d, conf2d) + weights],
        out_specs=[pl.BlockSpec((B, 1), lambda: (0, 0))] * 4,
        out_shape=[jax.ShapeDtypeStruct((B, 1), jnp.float32)] * 4,
    )(knn_d, knn_sc, p2d, conf2d, *weights)


def kernel(p_scores, hs, confidences, datastore_keys, datastore_scores,
           k1w, k1b, k2w, k2b, lk1w, lk1b, lk2w, lk2b, lw1w, lw1b, lw2w, lw2b):
    hs2d = hs.reshape(B, T * D)
    keys_pad = jnp.pad(datastore_keys.T, ((0, 0), (0, NPAD - N)))
    knn_d, knn_i = _knn_topk(hs2d, keys_pad)

    knn_sc = jnp.take(datastore_scores, knn_i.reshape(-1), axis=0)
    knn_sc = knn_sc.reshape(B, KPAD)

    def tile8(v):
        return jnp.tile(v.reshape(1, -1), (8, 1)).astype(jnp.float32)

    k1wT = jnp.pad(k1w.T, ((0, KPAD - MAX_K), (0, 0)))
    k2wT = jnp.pad(k2w.T, ((0, 0), (0, KPAD - MAX_K)))
    k2b_p = jnp.pad(k2b, (0, KPAD - MAX_K))
    lk1wT = jnp.pad(lk1w.T, ((0, KPAD - MAX_K), (0, 0)))
    lw1dT = jnp.pad(lw1w[:, 10:].T, ((0, KPAD - MAX_K), (0, 0)))
    lw1t8 = lw1w[:, 2:10].T

    weights = (k1wT, tile8(k1b), k2wT, tile8(k2b_p),
               lk1wT, tile8(lk1b), tile8(lk2w), tile8(lk2b),
               lw1dT, tile8(lw1w[:, 0]), tile8(lw1w[:, 1]), lw1t8,
               tile8(lw1b), tile8(lw2w), tile8(lw2b))

    p2d = p_scores.reshape(B, 1)
    conf2d = confidences.reshape(B, T * CDIM)
    final, np_s, lam0, lam1 = _heads(knn_d, knn_sc, p2d, conf2d, *weights)
    return (final, p_scores, np_s[:, 0], lam0[:, 0], lam1[:, 0])

# --- scband reference (transcript-rebuilt; emitter-appended) ---
"""Pipeline reference for scband-ramp-78975858639414 (READ-ONLY COPY).

The authoritative reference and input builder live on the scoring server;
editing this copy changes nothing except your own understanding.
"""

import jax, jax.numpy as jnp
import numpy as np

B = 1024
T = 8
D = 64
N = 100000
MAX_K = 60
TOP_K = 8
CDIM = 17
K_NET_DIM = 32
L_NET_DIM = 32
STEP_INV = 1.0 / 0.25
LW_IN = MAX_K + TOP_K + 2


def _lin_init(k, out_dim, in_dim):
    s = 1.0 / np.sqrt(in_dim)
    kw, kb = jax.random.split(k)
    w = jax.random.uniform(kw, (out_dim, in_dim), minval=-s, maxval=s, dtype=jnp.float32)
    b = jax.random.uniform(kb, (out_dim,), minval=-s, maxval=s, dtype=jnp.float32)
    return w, b


def setup_inputs(seed: int = 0) -> dict:
    key = jax.random.key(seed)
    ks = jax.random.split(key, 12)
    p_scores = jax.random.uniform(ks[0], (B,), minval=1.0, maxval=5.0, dtype=jnp.float32)
    hs = jax.random.normal(ks[1], (B, T, D), dtype=jnp.float32)
    confidences = jax.random.uniform(ks[2], (B, T, CDIM), dtype=jnp.float32)
    datastore_keys = jax.random.normal(ks[3], (N, D), dtype=jnp.float32)
    datastore_scores = jax.random.uniform(ks[4], (N,), minval=1.0, maxval=5.0, dtype=jnp.float32)
    k1w, k1b = _lin_init(ks[5], K_NET_DIM, MAX_K)
    k2w, k2b = _lin_init(ks[6], MAX_K, K_NET_DIM)
    lk1w, lk1b = _lin_init(ks[7], L_NET_DIM, MAX_K)
    lk2w, lk2b = _lin_init(ks[8], 1, L_NET_DIM)
    lw1w, lw1b = _lin_init(ks[9], L_NET_DIM, LW_IN)
    lw2w, lw2b = _lin_init(ks[10], 1, L_NET_DIM)
    return {
        'p_scores': p_scores, 'hs': hs, 'confidences': confidences,
        'datastore_keys': datastore_keys, 'datastore_scores': datastore_scores,
        'k1w': k1w, 'k1b': k1b, 'k2w': k2w, 'k2b': k2b,
        'lk1w': lk1w, 'lk1b': lk1b, 'lk2w': lk2w, 'lk2b': lk2b,
        'lw1w': lw1w, 'lw1b': lw1b, 'lw2w': lw2w, 'lw2b': lw2b,
    }


def _get_bin_index(x):
    xi = (x - 1.0) * STEP_INV
    xi = jnp.clip(xi, 0.0, STEP_INV * 4.0)
    return xi.astype(jnp.int32)


def reference(p_scores, hs, confidences, datastore_keys, datastore_scores,
              k1w, k1b, k2w, k2b, lk1w, lk1b, lk2w, lk2b, lw1w, lw1b, lw2w, lw2b):
    # nonparametric_model_inference: mean-pool SSL embeddings, brute-force kNN over datastore
    q = jnp.mean(hs, axis=1)                              # [B, D]
    qn = jnp.sum(q * q, axis=1, keepdims=True)            # [B, 1]
    kn = jnp.sum(datastore_keys * datastore_keys, axis=1)[None, :]  # [1, N]
    d2 = qn - 2.0 * (q @ datastore_keys.T) + kn           # [B, N] squared L2 distances
    neg_top, knn_idx = jax.lax.top_k(-d2, MAX_K)          # smallest distances
    knn_distances = -neg_top                              # [B, MAX_K]
    knn_scores = jnp.take(datastore_scores, knn_idx, axis=0)  # [B, MAX_K] gather
    # k_net (dropout is identity in eval)
    h = jnp.tanh(knn_distances @ k1w.T + k1b)
    weights = jax.nn.softmax(h @ k2w.T + k2b, axis=-1)
    np_scores = jnp.sum(weights * knn_scores, axis=1)     # [B]
    # lambda_net_forward
    knn_lambda = jnp.tanh(knn_distances @ lk1w.T + lk1b) @ lk2w.T + lk2b  # [B, 1]
    conf = jnp.mean(confidences, axis=1)                  # [B, CDIM]
    s_r_idx = _get_bin_index(p_scores)
    s_p_idx = _get_bin_index(np_scores)
    idx2 = jnp.stack([s_r_idx, s_p_idx], axis=-1)         # [B, 2]
    s_r_s_p_conf = jnp.take_along_axis(conf, idx2, axis=-1)  # [B, 2]
    top_k_conf, _ = jax.lax.top_k(conf, TOP_K)            # [B, TOP_K]
    all_conf = jnp.concatenate([s_r_s_p_conf, top_k_conf], axis=-1)
    lw_in = jnp.concatenate([all_conf, knn_distances], axis=-1)  # [B, MAX_K+TOP_K+2]
    wav_lambda = jnp.tanh(lw_in @ lw1w.T + lw1b) @ lw2w.T + lw2b  # [B, 1]
    lam = jax.nn.softmax(jnp.concatenate([knn_lambda, wav_lambda], axis=-1), axis=-1)
    final_scores = lam[:, 0] * np_scores + lam[:, 1] * p_scores
    return (final_scores[:, None], p_scores, np_scores, lam[:, 0], lam[:, 1])

if __name__ == "__main__":
    import jax
    _d = setup_inputs()
    print(jax.jit(kernel)(*tuple(_d.values())))

</pallas_src>

<mosaic_0001>
module attributes {stable_mosaic.version = 14 : i64} {
  func.func @_knn_kernel(%arg0: i32, %arg1: memref<1024x512xf32, #tpu.memory_space<vmem>>, %arg2: memref<64x4096xf32, #tpu.memory_space<vmem>>, %arg3: memref<1024x64xf32, #tpu.memory_space<vmem>>, %arg4: memref<1024x64xi32, #tpu.memory_space<vmem>>, %arg5: memref<1024x64xf32, #tpu.memory_space<vmem>>, %arg6: memref<1024x1xf32, #tpu.memory_space<vmem>>, %arg7: memref<1024x64xf32, #tpu.memory_space<vmem>>, %arg8: memref<1024x64xf32, #tpu.memory_space<vmem>>, %arg9: memref<1024x4096xf32, #tpu.memory_space<vmem>>) attributes {dimension_semantics = [#tpu.dimension_semantics<arbitrary>], iteration_bounds = array<i64: 25>, scalar_prefetch = 0 : i64, scratch_operands = 5 : i64, tpu.core_type = #tpu.core_type<tc>, window_params = [{pipeline_mode = #tpu.pipeline_mode<synchronous>, transform_indices = @transform_0, window_bounds = array<i64: 1024, 512>}, {transform_indices = @transform_1, window_bounds = array<i64: 64, 4096>}, {pipeline_mode = #tpu.pipeline_mode<synchronous>, transform_indices = @transform_2, window_bounds = array<i64: 1024, 64>}, {pipeline_mode = #tpu.pipeline_mode<synchronous>, transform_indices = @transform_3, window_bounds = array<i64: 1024, 64>}]} {
    %eq3A = arith.constant 0 : i32
    %eq3A_0 = arith.cmpi eq, %arg0, %eq3A : i32
    %convert_element_type3A = arith.extui %eq3A_0 : i1 to i32
    %cond3A = arith.constant 0 : i32
    %cond3A_1 = arith.cmpi ne, %convert_element_type3A, %cond3A : i32
    scf.if %cond3A_1 {
      %broadcast_in_dim3A_55 = arith.constant 0.000000e+00 : f32
      %broadcast_in_dim3A_56 = vector.broadcast %broadcast_in_dim3A_55 : f32 to vector<1024x64xf32>
      %get3A_57 = arith.constant 0 : index
      %get3A_58 = arith.constant 0 : index
      %get3A_59 = vector.load %arg1[%get3A_57, %get3A_58] : memref<1024x512xf32, #tpu.memory_space<vmem>>, vector<1024x64xf32>
      %add3A_60 = arith.addf %broadcast_in_dim3A_56, %get3A_59 : vector<1024x64xf32>
      %get3A_61 = arith.constant 0 : index
      %get3A_62 = arith.constant 64 : index
      %get3A_63 = vector.load %arg1[%get3A_61, %get3A_62] : memref<1024x512xf32, #tpu.memory_space<vmem>>, vector<1024x64xf32>
      %add3A_64 = arith.addf %add3A_60, %get3A_63 : vector<1024x64xf32>
      %get3A_65 = arith.constant 0 : index
      %get3A_66 = arith.constant 128 : index
      %get3A_67 = vector.load %arg1[%get3A_65, %get3A_66] : memref<1024x512xf32, #tpu.memory_space<vmem>>, vector<1024x64xf32>
      %add3A_68 = arith.addf %add3A_64, %get3A_67 : vector<1024x64xf32>
      %get3A_69 = arith.constant 0 : index
      %get3A_70 = arith.constant 192 : index
      %get3A_71 = vector.load %arg1[%get3A_69, %get3A_70] : memref<1024x512xf32, #tpu.memory_space<vmem>>, vector<1024x64xf32>
      %add3A_72 = arith.addf %add3A_68, %get3A_71 : vector<1024x64xf32>
      %get3A_73 = arith.constant 0 : index
      %get3A_74 = arith.constant 256 : index
      %get3A_75 = vector.load %arg1[%get3A_73, %get3A_74] : memref<1024x512xf32, #tpu.memory_space<vmem>>, vector<1024x64xf32>
      %add3A_76 = arith.addf %add3A_72, %get3A_75 : vector<1024x64xf32>
      %get3A_77 = arith.constant 0 : index
      %get3A_78 = arith.constant 320 : index
      %get3A_79 = vector.load %arg1[%get3A_77, %get3A_78] : memref<1024x512xf32, #tpu.memory_space<vmem>>, vector<1024x64xf32>
      %add3A_80 = arith.addf %add3A_76, %get3A_79 : vector<1024x64xf32>
      %get3A_81 = arith.constant 0 : index
      %get3A_82 = arith.constant 384 : index
      %get3A_83 = vector.load %arg1[%get3A_81, %get3A_82] : memref<1024x512xf32, #tpu.memory_space<vmem>>, vector<1024x64xf32>
      %add3A_84 = arith.addf %add3A_80, %get3A_83 : vector<1024x64xf32>
      %get3A_85 = arith.constant 0 : index
      %get3A_86 = arith.constant 448 : index
      %get3A_87 = vector.load %arg1[%get3A_85, %get3A_86] : memref<1024x512xf32, #tpu.memory_space<vmem>>, vector<1024x64xf32>
      %add3A_88 = arith.addf %add3A_84, %get3A_87 : vector<1024x64xf32>
      %mul3A_89 = arith.constant 1.250000e-01 : f32
      %mul3A_90 = vector.broadcast %mul3A_89 : f32 to vector<1024x64xf32>
      %mul3A_91 = arith.mulf %add3A_88, %mul3A_90 : vector<1024x64xf32>
      %swap3A_92 = arith.constant 0 : index
      %swap3A_93 = arith.constant 0 : index
      %swap3A_94 = vector.load %arg5[%swap3A_92, %swap3A_93] : memref<1024x64xf32, #tpu.memory_space<vmem>>, vector<1024x64xf32>
      tpu.vector_store %arg5[%swap3A_92, %swap3A_93], %mul3A_91 {strides = array<i32>} : memref<1024x64xf32, #tpu.memory_space<vmem>>, vector<1024x64xf32>,
      %mul3A_95 = arith.mulf %mul3A_91, %mul3A_91 : vector<1024x64xf32>
      %reduce_sum3A_96 = arith.constant dense<0.000000e+00> : vector<1024xf32>
      %reduce_sum3A_97 = vector.multi_reduction <add>, %mul3A_95, %reduce_sum3A_96 [1] : vector<1024x64xf32> to vector<1024xf32>
      %broadcast_in_dim3A_98 = vector.shape_cast %reduce_sum3A_97 : vector<1024xf32> to vector<1024x1xf32>
      %swap3A_99 = arith.constant 0 : index
      %swap3A_100 = arith.constant 0 : index
      %swap3A_101 = vector.load %arg6[%swap3A_99, %swap3A_100] : memref<1024x1xf32, #tpu.memory_space<vmem>>, vector<1024x1xf32>
      tpu.vector_store %arg6[%swap3A_99, %swap3A_100], %broadcast_in_dim3A_98 {strides = array<i32>} : memref<1024x1xf32, #tpu.memory_space<vmem>>, vector<1024x1xf32>,
      %broadcast_in_dim3A_102 = arith.constant 3.000000e+38 : f32
      %broadcast_in_dim3A_103 = vector.broadcast %broadcast_in_dim3A_102 : f32 to vector<1024x64xf32>
      %swap3A_104 = arith.constant 0 : index
      %swap3A_105 = arith.constant 0 : index
      %swap3A_106 = vector.load %arg7[%swap3A_104, %swap3A_105] : memref<1024x64xf32, #tpu.memory_space<vmem>>, vector<1024x64xf32>
      tpu.vector_store %arg7[%swap3A_104, %swap3A_105], %broadcast_in_dim3A_103 {strides = array<i32>} : memref<1024x64xf32, #tpu.memory_space<vmem>>, vector<1024x64xf32>,
      %broadcast_in_dim3A_107 = arith.constant 0.000000e+00 : f32
      %broadcast_in_dim3A_108 = vector.broadcast %broadcast_in_dim3A_107 : f32 to vector<1024x64xf32>
      %swap3A_109 = arith.constant 0 : index
      %swap3A_110 = arith.constant 0 : index
      %swap3A_111 = vector.load %arg8[%swap3A_109, %swap3A_110] : memref<1024x64xf32, #tpu.memory_space<vmem>>, vector<1024x64xf32>
      tpu.vector_store %arg8[%swap3A_109, %swap3A_110], %broadcast_in_dim3A_108 {strides = array<i32>} : memref<1024x64xf32, #tpu.memory_space<vmem>>, vector<1024x64xf32>,
    } else {
    }
    %get3A = arith.constant 0 : index
    %get3A_2 = arith.constant 0 : index
    %get3A_3 = vector.load %arg5[%get3A, %get3A_2] : memref<1024x64xf32, #tpu.memory_space<vmem>>, vector<1024x64xf32>
    %get3A_4 = arith.constant 0 : index
    %get3A_5 = arith.constant 0 : index
    %get3A_6 = vector.load %arg2[%get3A_4, %get3A_5] : memref<64x4096xf32, #tpu.memory_space<vmem>>, vector<64x4096xf32>
    %dot_general3A = arith.constant dense<0.000000e+00> : vector<1024x4096xf32>
    %dot_general3A_7 = tpu.matmul %get3A_3, %get3A_6, %dot_general3A {dimension_numbers = #tpu.dot_dimension_numbers<[1], [0], [0], [1], [0, 0, 1, 1], [], []>, transpose_lhs_hint = false} : vector<1024x64xf32>, vector<64x4096xf32>, vector<1024x4096xf32> -> vector<1024x4096xf32>
    %mul3A = arith.mulf %get3A_6, %get3A_6 : vector<64x4096xf32>
    %reduce_sum3A = arith.constant dense<0.000000e+00> : vector<4096xf32>
    %reduce_sum3A_8 = vector.multi_reduction <add>, %mul3A, %reduce_sum3A [0] : vector<64x4096xf32> to vector<4096xf32>
    %broadcast_in_dim3A = vector.shape_cast %reduce_sum3A_8 : vector<4096xf32> to vector<1x4096xf32>
    %get3A_9 = arith.constant 0 : index
    %get3A_10 = arith.constant 0 : index
    %get3A_11 = vector.load %arg6[%get3A_9, %get3A_10] : memref<1024x1xf32, #tpu.memory_space<vmem>>, vector<1024x1xf32>
    %mul3A_12 = arith.constant 2.000000e+00 : f32
    %mul3A_13 = vector.broadcast %mul3A_12 : f32 to vector<1024x4096xf32>
    %mul3A_14 = arith.mulf %mul3A_13, %dot_general3A_7 : vector<1024x4096xf32>
    %sub3A = vector.broadcast %get3A_11 : vector<1024x1xf32> to vector<1024x4096xf32>
    %sub3A_15 = arith.subf %sub3A, %mul3A_14 : vector<1024x4096xf32>
    %add3A = vector.broadcast %broadcast_in_dim3A : vector<1x4096xf32> to vector<1024x4096xf32>
    %add3A_16 = arith.addf %sub3A_15, %add3A : vector<1024x4096xf32>
    %iota3A = tpu.iota {dimensions = array<i32: 1>} : vector<1x4096xi32>
    %mul3A_17 = arith.constant 4096 : i32
    %mul3A_18 = arith.muli %arg0, %mul3A_17 : i32
    %sub3A_19 = arith.constant 100000 : i32
    %sub3A_20 = arith.subi %sub3A_19, %mul3A_18 : i32
    %lt3A = vector.broadcast %sub3A_20 : i32 to vector<1x4096xi32>
    %lt3A_21 = arith.cmpi slt, %iota3A, %lt3A : vector<1x4096xi32>
    %jit3A = arith.constant 3.000000e+38 : f32
    %broadcast_in_dim3A_22 = vector.shape_cast %lt3A_21 : vector<1x4096xi1> to vector<1x4096xi1>
    %broadcast_in_dim3A_23 = vector.broadcast %broadcast_in_dim3A_22 : vector<1x4096xi1> to vector<1024x4096xi1>
    %broadcast_in_dim3A_24 = vector.broadcast %jit3A : f32 to vector<1024x4096xf32>
    %select_n3A = arith.select %broadcast_in_dim3A_23, %add3A_16, %broadcast_in_dim3A_24 : vector<1024x4096xi1>, vector<1024x4096xf32>
    %swap3A = arith.constant 0 : index
    %swap3A_25 = arith.constant 0 : index
    %swap3A_26 = vector.load %arg9[%swap3A, %swap3A_25] : memref<1024x4096xf32, #tpu.memory_space<vmem>>, vector<1024x4096xf32>
    tpu.vector_store %arg9[%swap3A, %swap3A_25], %select_n3A {strides = array<i32>} : memref<1024x4096xf32, #tpu.memory_space<vmem>>, vector<1024x4096xf32>,
    %iota3A_27 = tpu.iota {dimensions = array<i32: 1>} : vector<1x64xi32>
    %convert_element_type3A_28 = arith.sitofp %iota3A_27 : vector<1x64xi32> to vector<1x64xf32>
    %iota3A_29 = tpu.iota {dimensions = array<i32: 1>} : vector<1x128xi32>
    %convert_element_type3A_30 = arith.sitofp %iota3A_29 : vector<1x128xi32> to vector<1x128xf32>
    %mul3A_31 = arith.constant 4096 : i32
    %mul3A_32 = arith.muli %arg0, %mul3A_31 : i32
    %convert_element_type3A_33 = arith.sitofp %mul3A_32 : i32 to f32
    %get3A_34 = arith.constant 0 : index
    %get3A_35 = arith.constant 63 : index
    %get3A_36 = vector.load %arg7[%get3A_34, %get3A_35] : memref<1024x64xf32, #tpu.memory_space<vmem>>, vector<1024x1xf32>
    %lt3A_37 = vector.broadcast %get3A_36 : vector<1024x1xf32> to vector<1024x4096xf32>
    %lt3A_38 = arith.cmpf olt, %select_n3A, %lt3A_37 : vector<1024x4096xf32>
    %reduce_or3A = arith.constant 1.000000e+00 : f32
    %reduce_or3A_39 = arith.constant 0.000000e+00 : f32
    %reduce_or3A_40 = vector.broadcast %reduce_or3A : f32 to vector<1024x4096xf32>
    %reduce_or3A_41 = vector.broadcast %reduce_or3A_39 : f32 to vector<1024x4096xf32>
    %reduce_or3A_42 = arith.select %lt3A_38, %reduce_or3A_40, %reduce_or3A_41 : vector<1024x4096xi1>, vector<1024x4096xf32>
    %reduce_or3A_43 = vector.shape_cast %reduce_or3A_42 : vector<1024x4096xf32> to vector<1x1024x4096xf32>
    %reduce_or3A_44 = arith.constant dense<0xFF800000> : vector<1xf32>
    %reduce_or3A_45 = vector.multi_reduction <maximumf>, %reduce_or3A_43, %reduce_or3A_44 [1, 2] : vector<1x1024x4096xf32> to vector<1xf32>
    %reduce_or3A_46 = vector.shape_cast %reduce_or3A_45 : vector<1xf32> to vector<1x1x1xf32>
    %reduce_or3A_47 = vector.extract %reduce_or3A_46[0, 0, 0] : f32 from vector<1x1x1xf32>
    %reduce_or3A_48 = arith.constant 0.000000e+00 : f32
    %reduce_or3A_49 = arith.cmpf ogt, %reduce_or3A_47, %reduce_or3A_48 : f32
    %while3A = scf.while (%while3A_55 = %reduce_or3A_49) : (i1) -> i1 {
      scf.condition(%while3A_55) %while3A_55 : i1
    } do {
    ^bb0(%while3A_55: i1):
      %get3A_56 = arith.constant 0 : index
      %get3A_57 = arith.constant 0 : index
      %get3A_58 = vector.load %arg9[%get3A_56, %get3A_57] : memref<1024x4096xf32, #tpu.memory_space<vmem>>, vector<1024x128xf32>
      %get3A_59 = arith.constant 0 : index
      %get3A_60 = arith.constant 63 : index
      %get3A_61 = vector.load %arg7[%get3A_59, %get3A_60] : memref<1024x64xf32, #tpu.memory_space<vmem>>, vector<1024x1xf32>
      %lt3A_62 = vector.broadcast %get3A_61 : vector<1024x1xf32> to vector<1024x128xf32>
      %lt3A_63 = arith.cmpf olt, %get3A_58, %lt3A_62 : vector<1024x128xf32>
      %reduce_or3A_64 = arith.constant 1.000000e+00 : f32
      %reduce_or3A_65 = arith.constant 0.000000e+00 : f32
      %reduce_or3A_66 = vector.broadcast %reduce_or3A_64 : f32 to vector<1024x128xf32>
      %reduce_or3A_67 = vector.broadcast %reduce_or3A_65 : f32 to vector<1024x128xf32>
      %reduce_or3A_68 = arith.select %lt3A_63, %reduce_or3A_66, %reduce_or3A_67 : vector<1024x128xi1>, vector<1024x128xf32>
      %reduce_or3A_69 = vector.shape_cast %reduce_or3A_68 : vector<1024x128xf32> to vector<1x1024x128xf32>
      %reduce_or3A_70 = arith.constant dense<0xFF800000> : vector<1xf32>
      %reduce_or3A_71 = vector.multi_reduction <maximumf>, %reduce_or3A_69, %reduce_or3A_70 [1, 2] : vector<1x1024x128xf32> to vector<1xf32>
      %reduce_or3A_72 = vector.shape_cast %reduce_or3A_71 : vector<1xf32> to vector<1x1x1xf32>
      %reduce_or3A_73 = vector.extract %reduce_or3A_72[0, 0, 0] : f32 from vector<1x1x1xf32>
      %reduce_or3A_74 = arith.constant 0.000000e+00 : f32
      %reduce_or3A_75 = arith.cmpf ogt, %reduce_or3A_73, %reduce_or3A_74 : f32
      %convert_element_type3A_76 = arith.extui %reduce_or3A_75 : i1 to i32
      %cond3A_77 = arith.constant 0 : i32
      %cond3A_78 = arith.cmpi ne, %convert_element_type3A_76, %cond3A_77 : i32
      scf.if %cond3A_78 {
        %get3A_812 = arith.constant 0 : index
        %get3A_813 = arith.constant 0 : index
        %get3A_814 = vector.load %arg7[%get3A_812, %get3A_813] : memref<1024x64xf32, #tpu.memory_space<vmem>>, vector<1024x64xf32>
        %get3A_815 = arith.constant 0 : index
        %get3A_816 = arith.constant 0 : index
        %get3A_817 = vector.load %arg8[%get3A_815, %get3A_816] : memref<1024x64xf32, #tpu.memory_space<vmem>>, vector<1024x64xf32>
        %reduce_min3A = arith.constant dense<0x7F800000> : vector<1024xf32>
        %reduce_min3A_818 = vector.multi_reduction <minimumf>, %get3A_58, %reduce_min3A [1] : vector<1024x128xf32> to vector<1024xf32>
        %broadcast_in_dim3A_819 = vector.shape_cast %reduce_min3A_818 : vector<1024xf32> to vector<1024x1xf32>
        %eq3A_820 = vector.broadcast %broadcast_in_dim3A_819 : vector<1024x1xf32> to vector<1024x128xf32>
        %eq3A_821 = arith.cmpf oeq, %get3A_58, %eq3A_820 : vector<1024x128xf32>
        %jit3A_822 = arith.constant 1.000000e+04 : f32
        %broadcast_in_dim3A_823 = vector.shape_cast %convert_element_type3A_30 : vector<1x128xf32> to vector<1x128xf32>
        %broadcast_in_dim3A_824 = vector.broadcast %broadcast_in_dim3A_823 : vector<1x128xf32> to vector<1024x128xf32>
        %broadcast_in_dim3A_825 = vector.broadcast %jit3A_822 : f32 to vector<1024x128xf32>
        %select_n3A_826 = arith.select %eq3A_821, %broadcast_in_dim3A_824, %broadcast_in_dim3A_825 : vector<1024x128xi1>, vector<1024x128xf32>
        %reduce_min3A_827 = arith.constant dense<0x7F800000> : vector<1024xf32>
        %reduce_min3A_828 = vector.multi_reduction <minimumf>, %select_n3A_826, %reduce_min3A_827 [1] : vector<1024x128xf32> to vector<1024xf32>
        %broadcast_in_dim3A_829 = vector.shape_cast %reduce_min3A_828 : vector<1024xf32> to vector<1024x1xf32>
        %eq3A_830 = vector.broadcast %convert_element_type3A_30 : vector<1x128xf32> to vector<1024x128xf32>
        %eq3A_831 = vector.broadcast %broadcast_in_dim3A_829 : vector<1024x1xf32> to vector<1024x128xf32>
        %eq3A_832 = arith.cmpf oeq, %eq3A_830, %eq3A_831 : vector<1024x128xf32>
        %jit3A_833 = arith.constant 3.000000e+38 : f32
        %broadcast_in_dim3A_834 = vector.broadcast %jit3A_833 : f32 to vector<1024x128xf32>
        %select_n3A_835 = arith.select %eq3A_832, %broadcast_in_dim3A_834, %get3A_58 : vector<1024x128xi1>, vector<1024x128xf32>
        %reduce_min3A_836 = arith.constant dense<0x7F800000> : vector<1024xf32>
        %reduce_min3A_837 = vector.multi_reduction <minimumf>, %select_n3A_835, %reduce_min3A_836 [1] : vector<1024x128xf32> to vector<1024xf32>
        %broadcast_in_dim3A_838 = vector.shape_cast %reduce_min3A_837 : vector<1024xf32> to vector<1024x1xf32>
        %eq3A_839 = vector.broadcast %broadcast_in_dim3A_838 : vector<1024x1xf32> to vector<1024x128xf32>
        %eq3A_840 = arith.cmpf oeq, %select_n3A_835, %eq3A_839 : vector<1024x128xf32>
        %jit3A_841 = arith.constant 1.000000e+04 : f32
        %broadcast_in_dim3A_842 = vector.shape_cast %convert_element_type3A_30 : vector<1x128xf32> to vector<1x128xf32>
        %broadcast_in_dim3A_843 = vector.broadcast %broadcast_in_dim3A_842 : vector<1x128xf32> to vector<1024x128xf32>
        %broadcast_in_dim3A_844 = vector.broadcast %jit3A_841 : f32 to vector<1024x128xf32>
        %select_n3A_845 = arith.select %eq3A_840, %broadcast_in_dim3A_843, %broadcast_in_dim3A_844 : vector<1024x128xi1>, vector<1024x128xf32>
        %reduce_min3A_846 = arith.constant dense<0x7F800000> : vector<1024xf32>
        %reduce_min3A_847 = vector.multi_reduction <minimumf>, %select_n3A_845, %reduce_min3A_846 [1] : vector<1024x128xf32> to vector<1024xf32>
        %broadcast_in_dim3A_848 = vector.shape_cast %reduce_min3A_847 : vector<1024xf32> to vector<1024x1xf32>
        %eq3A_849 = vector.broadcast %convert_element_type3A_30 : vector<1x128xf32> to vector<1024x128xf32>
        %eq3A_850 = vector.broadcast %broadcast_in_dim3A_848 : vector<1024x1xf32> to vector<1024x128xf32>
        %eq3A_851 = arith.cmpf oeq, %eq3A_849, %eq3A_850 : vector<1024x128xf32>
        %jit3A_852 = arith.constant 3.000000e+38 : f32
        %broadcast_in_dim3A_853 = vector.broadcast %jit3A_852 : f32 to vector<1024x128xf32>
        %select_n3A_854 = arith.select %eq3A_851, %broadcast_in_dim3A_853, %select_n3A_835 : vector<1024x128xi1>, vector<1024x128xf32>
        %swap3A_855 = arith.constant 0 : index
        %swap3A_856 = arith.constant 0 : index
        %swap3A_857 = vector.load %arg9[%swap3A_855, %swap3A_856] : memref<1024x4096xf32, #tpu.memory_space<vmem>>, vector<1024x128xf32>
        tpu.vector_store %arg9[%swap3A_855, %swap3A_856], %select_n3A_854 {strides = array<i32>} : memref<1024x4096xf32, #tpu.memory_space<vmem>>, vector<1024x128xf32>,
        %add3A_858 = arith.constant 0.000000e+00 : f32
        %add3A_859 = arith.addf %convert_element_type3A_33, %add3A_858 : f32
        %add3A_860 = vector.broadcast %add3A_859 : f32 to vector<1024x1xf32>
        %add3A_861 = arith.addf %add3A_860, %broadcast_in_dim3A_829 : vector<1024x1xf32>
        %add3A_862 = arith.constant 0.000000e+00 : f32
        %add3A_863 = arith.addf %convert_element_type3A_33, %add3A_862 : f32
        %add3A_864 = vector.broadcast %add3A_863 : f32 to vector<1024x1xf32>
        %add3A_865 = arith.addf %add3A_864, %broadcast_in_dim3A_848 : vector<1024x1xf32>
        %le3A = vector.broadcast %broadcast_in_dim3A_819 : vector<1024x1xf32> to vector<1024x64xf32>
        %le3A_866 = arith.cmpf ole, %get3A_814, %le3A : vector<1024x64xf32>
        %convert_element_type3A_867 = arith.extui %le3A_866 : vector<1024x64xi1> to vector<1024x64xi32>
        %convert_element_type3A_868 = arith.sitofp %convert_element_type3A_867 : vector<1024x64xi32> to vector<1024x64xf32>
        %reduce_sum3A_869 = arith.constant dense<0.000000e+00> : vector<1024xf32>
        %reduce_sum3A_870 = vector.multi_reduction <add>, %convert_element_type3A_868, %reduce_sum3A_869 [1] : vector<1024x64xf32> to vector<1024xf32>
        %broadcast_in_dim3A_871 = vector.shape_cast %reduce_sum3A_870 : vector<1024xf32> to vector<1024x1xf32>
        %le3A_872 = vector.broadcast %broadcast_in_dim3A_838 : vector<1024x1xf32> to vector<1024x64xf32>
        %le3A_873 = arith.cmpf ole, %get3A_814, %le3A_872 : vector<1024x64xf32>
        %convert_element_type3A_874 = arith.extui %le3A_873 : vector<1024x64xi1> to vector<1024x64xi32>
        %convert_element_type3A_875 = arith.sitofp %convert_element_type3A_874 : vector<1024x64xi32> to vector<1024x64xf32>
        %reduce_sum3A_876 = arith.constant dense<0.000000e+00> : vector<1024xf32>
        %reduce_sum3A_877 = vector.multi_reduction <add>, %convert_element_type3A_875, %reduce_sum3A_876 [1] : vector<1024x64xf32> to vector<1024xf32>
        %broadcast_in_dim3A_878 = vector.shape_cast %reduce_sum3A_877 : vector<1024xf32> to vector<1024x1xf32>
        %add3A_879 = arith.constant 1.000000e+00 : f32
        %add3A_880 = vector.broadcast %add3A_879 : f32 to vector<1024x1xf32>
        %add3A_881 = arith.addf %broadcast_in_dim3A_878, %add3A_880 : vector<1024x1xf32>
        %roll3A = arith.constant 1 : i32
        %roll3A_882 = tpu.dynamic_rotate %get3A_814 by %roll3A dim 1 : vector<1024x64xf32>, i32 -> vector<1024x64xf32>
        %roll3A_883 = arith.constant 2 : i32
        %roll3A_884 = tpu.dynamic_rotate %get3A_814 by %roll3A_883 dim 1 : vector<1024x64xf32>, i32 -> vector<1024x64xf32>
        %roll3A_885 = arith.constant 1 : i32
        %roll3A_886 = tpu.dynamic_rotate %get3A_817 by %roll3A_885 dim 1 : vector<1024x64xf32>, i32 -> vector<1024x64xf32>
        %roll3A_887 = arith.constant 2 : i32
        %roll3A_888 = tpu.dynamic_rotate %get3A_817 by %roll3A_887 dim 1 : vector<1024x64xf32>, i32 -> vector<1024x64xf32>
        %lt3A_889 = vector.broadcast %convert_element_type3A_28 : vector<1x64xf32> to vector<1024x64xf32>
        %lt3A_890 = vector.broadcast %broadcast_in_dim3A_871 : vector<1024x1xf32> to vector<1024x64xf32>
        %lt3A_891 = arith.cmpf olt, %lt3A_889, %lt3A_890 : vector<1024x64xf32>
        %eq3A_892 = vector.broadcast %convert_element_type3A_28 : vector<1x64xf32> to vector<1024x64xf32>
        %eq3A_893 = vector.broadcast %broadcast_in_dim3A_871 : vector<1024x1xf32> to vector<1024x64xf32>
        %eq3A_894 = arith.cmpf oeq, %eq3A_892, %eq3A_893 : vector<1024x64xf32>
        %lt3A_895 = vector.broadcast %convert_element_type3A_28 : vector<1x64xf32> to vector<1024x64xf32>
        %lt3A_896 = vector.broadcast %add3A_881 : vector<1024x1xf32> to vector<1024x64xf32>
        %lt3A_897 = arith.cmpf olt, %lt3A_895, %lt3A_896 : vector<1024x64xf32>
        %eq3A_898 = vector.broadcast %convert_element_type3A_28 : vector<1x64xf32> to vector<1024x64xf32>
        %eq3A_899 = vector.broadcast %add3A_881 : vector<1024x1xf32> to vector<1024x64xf32>
        %eq3A_900 = arith.cmpf oeq, %eq3A_898, %eq3A_899 : vector<1024x64xf32>
        %broadcast_in_dim3A_901 = vector.shape_cast %broadcast_in_dim3A_838 : vector<1024x1xf32> to vector<1024x1xf32>
        %broadcast_in_dim3A_902 = vector.broadcast %broadcast_in_dim3A_901 : vector<1024x1xf32> to vector<1024x64xf32>
        %select_n3A_903 = arith.select %eq3A_900, %broadcast_in_dim3A_902, %roll3A_884 : vector<1024x64xi1>, vector<1024x64xf32>
        %select_n3A_904 = arith.select %lt3A_897, %roll3A_882, %select_n3A_903 : vector<1024x64xi1>, vector<1024x64xf32>
        %broadcast_in_dim3A_905 = vector.shape_cast %broadcast_in_dim3A_819 : vector<1024x1xf32> to vector<1024x1xf32>
        %broadcast_in_dim3A_906 = vector.broadcast %broadcast_in_dim3A_905 : vector<1024x1xf32> to vector<1024x64xf32>
        %select_n3A_907 = arith.select %eq3A_894, %broadcast_in_dim3A_906, %select_n3A_904 : vector<1024x64xi1>, vector<1024x64xf32>
        %select_n3A_908 = arith.select %lt3A_891, %get3A_814, %select_n3A_907 : vector<1024x64xi1>, vector<1024x64xf32>
        %lt3A_909 = vector.broadcast %convert_element_type3A_28 : vector<1x64xf32> to vector<1024x64xf32>
        %lt3A_910 = vector.broadcast %broadcast_in_dim3A_871 : vector<1024x1xf32> to vector<1024x64xf32>
        %lt3A_911 = arith.cmpf olt, %lt3A_909, %lt3A_910 : vector<1024x64xf32>
        %eq3A_912 = vector.broadcast %convert_element_type3A_28 : vector<1x64xf32> to vector<1024x64xf32>
        %eq3A_913 = vector.broadcast %broadcast_in_dim3A_871 : vector<1024x1xf32> to vector<1024x64xf32>
        %eq3A_914 = arith.cmpf oeq, %eq3A_912, %eq3A_913 : vector<1024x64xf32>
        %lt3A_915 = vector.broadcast %convert_element_type3A_28 : vector<1x64xf32> to vector<1024x64xf32>
        %lt3A_916 = vector.broadcast %add3A_881 : vector<1024x1xf32> to vector<1024x64xf32>
        %lt3A_917 = arith.cmpf olt, %lt3A_915, %lt3A_916 : vector<1024x64xf32>
        %eq3A_918 = vector.broadcast %convert_element_type3A_28 : vector<1x64xf32> to vector<1024x64xf32>
        %eq3A_919 = vector.broadcast %add3A_881 : vector<1024x1xf32> to vector<1024x64xf32>
        %eq3A_920 = arith.cmpf oeq, %eq3A_918, %eq3A_919 : vector<1024x64xf32>
        %broadcast_in_dim3A_921 = vector.shape_cast %add3A_865 : vector<1024x1xf32> to vector<1024x1xf32>
        %broadcast_in_dim3A_922 = vector.broadcast %broadcast_in_dim3A_921 : vector<1024x1xf32> to vector<1024x64xf32>
        %select_n3A_923 = arith.select %eq3A_920, %broadcast_in_dim3A_922, %roll3A_888 : vector<1024x64xi1>, vector<1024x64xf32>
        %select_n3A_924 = arith.select %lt3A_917, %roll3A_886, %select_n3A_923 : vector<1024x64xi1>, vector<1024x64xf32>
        %broadcast_in_dim3A_925 = vector.shape_cast %add3A_861 : vector<1024x1xf32> to vector<1024x1xf32>
        %broadcast_in_dim3A_926 = vector.broadcast %broadcast_in_dim3A_925 : vector<1024x1xf32> to vector<1024x64xf32>
        %select_n3A_927 = arith.select %eq3A_914, %broadcast_in_dim3A_926, %select_n3A_924 : vector<1024x64xi1>, vector<1024x64xf32>
        %select_n3A_928 = arith.select %lt3A_911, %get3A_817, %select_n3A_927 : vector<1024x64xi1>, vector<1024x64xf32>
        %swap3A_929 = arith.constant 0 : index
        %swap3A_930 = arith.constant 0 : index
        %swap3A_931 = vector.load %arg7[%swap3A_929, %swap3A_930] : memref<1024x64xf32, #tpu.memory_space<vmem>>, vector<1024x64xf32>
        tpu.vector_store %arg7[%swap3A_929, %swap3A_930], %select_n3A_908 {strides = array<i32>} : memref<1024x64xf32, #tpu.memory_space<vmem>>, vector<1024x64xf32>,
        %swap3A_932 = arith.constant 0 : index
        %swap3A_933 = arith.constant 0 : index
        %swap3A_934 = vector.load %arg8[%swap3A_932, %swap3A_933] : memref<1024x64xf32, #tpu.memory_space<vmem>>, vector<1024x64xf32>
        tpu.vector_store %arg8[%swap3A_932, %swap3A_933], %select_n3A_928 {strides = array<i32>} : memref<1024x64xf32, #tpu.memory_space<vmem>>, vector<1024x64xf32>,
      } else {
      }
      %get3A_79 = arith.constant 0 : index
      %get3A_80 = arith.constant 128 : index
      %get3A_81 = vector.load %arg9[%get3A_79, %get3A_80] : memref<1024x4096xf32, #tpu.memory_space<vmem>>, vector<1024x128xf32>
      %get3A_82 = arith.constant 0 : index
      %get3A_83 = arith.constant 63 : index
      %get3A_84 = vector.load %arg7[%get3A_82, %get3A_83] : memref<1024x64xf32, #tpu.memory_space<vmem>>, vector<1024x1xf32>
      %lt3A_85 = vector.broadcast %get3A_84 : vector<1024x1xf32> to vector<1024x128xf32>
      %lt3A_86 = arith.cmpf olt, %get3A_81, %lt3A_85 : vector<1024x128xf32>
      %reduce_or3A_87 = arith.constant 1.000000e+00 : f32
      %reduce_or3A_88 = arith.constant 0.000000e+00 : f32
      %reduce_or3A_89 = vector.broadcast %reduce_or3A_87 : f32 to vector<1024x128xf32>
      %reduce_or3A_90 = vector.broadcast %reduce_or3A_88 : f32 to vector<1024x128xf32>
      %reduce_or3A_91 = arith.select %lt3A_86, %reduce_or3A_89, %reduce_or3A_90 : vector<1024x128xi1>, vector<1024x128xf32>
      %reduce_or3A_92 = vector.shape_cast %reduce_or3A_91 : vector<1024x128xf32> to vector<1x1024x128xf32>
      %reduce_or3A_93 = arith.constant dense<0xFF800000> : vector<1xf32>
      %reduce_or3A_94 = vector.multi_reduction <maximumf>, %reduce_or3A_92, %reduce_or3A_93 [1, 2] : vector<1x1024x128xf32> to vector<1xf32>
      %reduce_or3A_95 = vector.shape_cast %reduce_or3A_94 : vector<1xf32> to vector<1x1x1xf32>
      %reduce_or3A_96 = vector.extract %reduce_or3A_95[0, 0, 0] : f32 from vector<1x1x1xf32>
      %reduce_or3A_97 = arith.constant 0.000000e+00 : f32
      %reduce_or3A_98 = arith.cmpf ogt, %reduce_or3A_96, %reduce_or3A_97 : f32
      %convert_element_type3A_99 = arith.extui %reduce_or3A_98 : i1 to i32
      %cond3A_100 = arith.constant 0 : i32
      %cond3A_101 = arith.cmpi ne, %convert_element_type3A_99, %cond3A_100 : i32
      scf.if %cond3A_101 {
        %get3A_812 = arith.constant 0 : index
        %get3A_813 = arith.constant 0 : index
        %get3A_814 = vector.load %arg7[%get3A_812, %get3A_813] : memref<1024x64xf32, #tpu.memory_space<vmem>>, vector<1024x64xf32>
        %get3A_815 = arith.constant 0 : index
        %get3A_816 = arith.constant 0 : index
        %get3A_817 = vector.load %arg8[%get3A_815, %get3A_816] : memref<1024x64xf32, #tpu.memory_space<vmem>>, vector<1024x64xf32>
        %reduce_min3A = arith.constant dense<0x7F800000> : vector<1024xf32>
        %reduce_min3A_818 = vector.multi_reduction <minimumf>, %get3A_81, %reduce_min3A [1] : vector<1024x128xf32> to vector<1024xf32>
        %broadcast_in_dim3A_819 = vector.shape_cast %reduce_min3A_818 : vector<1024xf32> to vector<1024x1xf32>
        %eq3A_820 = vector.broadcast %broadcast_in_dim3A_819 : vector<1024x1xf32> to vector<1024x128xf32>
        %eq3A_821 = arith.cmpf oeq, %get3A_81, %eq3A_820 : vector<1024x128xf32>
        %jit3A_822 = arith.constant 1.000000e+04 : f32
        %broadcast_in_dim3A_823 = vector.shape_cast %convert_element_type3A_30 : vector<1x128xf32> to vector<1x128xf32>
        %broadcast_in_dim3A_824 = vector.broadcast %broadcast_in_dim3A_823 : vector<1x128xf32> to vector<1024x128xf32>
        %broadcast_in_dim3A_825 = vector.broadcast %jit3A_822 : f32 to vector<1024x128xf32>
        %select_n3A_826 = arith.select %eq3A_821, %broadcast_in_dim3A_824, %broadcast_in_dim3A_825 : vector<1024x128xi1>, vector<1024x128xf32>
        %reduce_min3A_827 = arith.constant dense<0x7F800000> : vector<1024xf32>
        %reduce_min3A_828 = vector.multi_reduction <minimumf>, %select_n3A_826, %reduce_min3A_827 [1] : vector<1024x128xf32> to vector<1024xf32>
        %broadcast_in_dim3A_829 = vector.shape_cast %reduce_min3A_828 : vector<1024xf32> to vector<1024x1xf32>
        %eq3A_830 = vector.broadcast %convert_element_type3A_30 : vector<1x128xf32> to vector<1024x128xf32>
        %eq3A_831 = vector.broadcast %broadcast_in_dim3A_829 : vector<1024x1xf32> to vector<1024x128xf32>
        %eq3A_832 = arith.cmpf oeq, %eq3A_830, %eq3A_831 : vector<1024x128xf32>
        %jit3A_833 = arith.constant 3.000000e+38 : f32
        %broadcast_in_dim3A_834 = vector.broadcast %jit3A_833 : f32 to vector<1024x128xf32>
        %select_n3A_835 = arith.select %eq3A_832, %broadcast_in_dim3A_834, %get3A_81 : vector<1024x128xi1>, vector<1024x128xf32>
        %reduce_min3A_836 = arith.constant dense<0x7F800000> : vector<1024xf32>
        %reduce_min3A_837 = vector.multi_reduction <minimumf>, %select_n3A_835, %reduce_min3A_836 [1] : vector<1024x128xf32> to vector<1024xf32>
        %broadcast_in_dim3A_838 = vector.shape_cast %reduce_min3A_837 : vector<1024xf32> to vector<1024x1xf32>
        %eq3A_839 = vector.broadcast %broadcast_in_dim3A_838 : vector<1024x1xf32> to vector<1024x128xf32>
        %eq3A_840 = arith.cmpf oeq, %select_n3A_835, %eq3A_839 : vector<1024x128xf32>
        %jit3A_841 = arith.constant 1.000000e+04 : f32
        %broadcast_in_dim3A_842 = vector.shape_cast %convert_element_type3A_30 : vector<1x128xf32> to vector<1x128xf32>
        %broadcast_in_dim3A_843 = vector.broadcast %broadcast_in_dim3A_842 : vector<1x128xf32> to vector<1024x128xf32>
        %broadcast_in_dim3A_844 = vector.broadcast %jit3A_841 : f32 to vector<1024x128xf32>
        %select_n3A_845 = arith.select %eq3A_840, %broadcast_in_dim3A_843, %broadcast_in_dim3A_844 : vector<1024x128xi1>, vector<1024x128xf32>
        %reduce_min3A_846 = arith.constant dense<0x7F800000> : vector<1024xf32>
        %reduce_min3A_847 = vector.multi_reduction <minimumf>, %select_n3A_845, %reduce_min3A_846 [1] : vector<1024x128xf32> to vector<1024xf32>
        %broadcast_in_dim3A_848 = vector.shape_cast %reduce_min3A_847 : vector<1024xf32> to vector<1024x1xf32>
        %eq3A_849 = vector.broadcast %convert_element_type3A_30 : vector<1x128xf32> to vector<1024x128xf32>
        %eq3A_850 = vector.broadcast %broadcast_in_dim3A_848 : vector<1024x1xf32> to vector<1024x128xf32>
        %eq3A_851 = arith.cmpf oeq, %eq3A_849, %eq3A_850 : vector<1024x128xf32>
        %jit3A_852 = arith.constant 3.000000e+38 : f32
        %broadcast_in_dim3A_853 = vector.broadcast %jit3A_852 : f32 to vector<1024x128xf32>
        %select_n3A_854 = arith.select %eq3A_851, %broadcast_in_dim3A_853, %select_n3A_835 : vector<1024x128xi1>, vector<1024x128xf32>
        %swap3A_855 = arith.constant 0 : index
        %swap3A_856 = arith.constant 128 : index
        %swap3A_857 = vector.load %arg9[%swap3A_855, %swap3A_856] : memref<1024x4096xf32, #tpu.memory_space<vmem>>, vector<1024x128xf32>
        tpu.vector_store %arg9[%swap3A_855, %swap3A_856], %select_n3A_854 {strides = array<i32>} : memref<1024x4096xf32, #tpu.memory_space<vmem>>, vector<1024x128xf32>,
        %add3A_858 = arith.constant 1.280000e+02 : f32
        %add3A_859 = arith.addf %convert_element_type3A_33, %add3A_858 : f32
        %add3A_860 = vector.broadcast %add3A_859 : f32 to vector<1024x1xf32>
        %add3A_861 = arith.addf %add3A_860, %broadcast_in_dim3A_829 : vector<1024x1xf32>
        %add3A_862 = arith.constant 1.280000e+02 : f32
        %add3A_863 = arith.addf %convert_element_type3A_33, %add3A_862 : f32
        %add3A_864 = vector.broadcast %add3A_863 : f32 to vector<1024x1xf32>
        %add3A_865 = arith.addf %add3A_864, %broadcast_in_dim3A_848 : vector<1024x1xf32>
        %le3A = vector.broadcast %broadcast_in_dim3A_819 : vector<1024x1xf32> to vector<1024x64xf32>
        %le3A_866 = arith.cmpf ole, %get3A_814, %le3A : vector<1024x64xf32>
        %convert_element_type3A_867 = arith.extui %le3A_866 : vector<1024x64xi1> to vector<1024x64xi32>
        %convert_element_type3A_868 = arith.sitofp %convert_element_type3A_867 : vector<1024x64xi32> to vector<1024x64xf32>
        %reduce_sum3A_869 = arith.constant dense<0.000000e+00> : vector<1024xf32>
        %reduce_sum3A_870 = vector.multi_reduction <add>, %convert_element_type3A_868, %reduce_sum3A_869 [1] : vector<1024x64xf32> to vector<1024xf32>
        %broadcast_in_dim3A_871 = vector.shape_cast %reduce_sum3A_870 : vector<1024xf32> to vector<1024x1xf32>
        %le3A_872 = vector.broadcast %broadcast_in_dim3A_838 : vector<1024x1xf32> to vector<1024x64xf32>
        %le3A_873 = arith.cmpf ole, %get3A_814, %le3A_872 : vector<1024x64xf32>
        %convert_element_type3A_874 = arith.extui %le3A_873 : vector<1024x64xi1> to vector<1024x64xi32>
        %convert_element_type3A_875 = arith.sitofp %convert_element_type3A_874 : vector<1024x64xi32> to vector<1024x64xf32>
        %reduce_sum3A_876 = arith.constant dense<0.000000e+00> : vector<1024xf32>
        %reduce_sum3A_877 = vector.multi_reduction <add>, %convert_element_type3A_875, %reduce_sum3A_876 [1] : vector<1024x64xf32> to vector<1024xf32>
        %broadcast_in_dim3A_878 = vector.shape_cast %reduce_sum3A_877 : vector<1024xf32> to vector<1024x1xf32>
        %add3A_879 = arith.constant 1.000000e+00 : f32
        %add3A_880 = vector.broadcast %add3A_879 : f32 to vector<1024x1xf32>
        %add3A_881 = arith.addf %broadcast_in_dim3A_878, %add3A_880 : vector<1024x1xf32>
        %roll3A = arith.constant 1 : i32
        %roll3A_882 = tpu.dynamic_rotate %get3A_814 by %roll3A dim 1 : vector<1024x64xf32>, i32 -> vector<1024x64xf32>
        %roll3A_883 = arith.constant 2 : i32
        %roll3A_884 = tpu.dynamic_rotate %get3A_814 by %roll3A_883 dim 1 : vector<1024x64xf32>, i32 -> vector<1024x64xf32>
        %roll3A_885 = arith.constant 1 : i32
        %roll3A_886 = tpu.dynamic_rotate %get3A_817 by %roll3A_885 dim 1 : vector<1024x64xf32>, i32 -> vector<1024x64xf32>
        %roll3A_887 = arith.constant 2 : i32
        %roll3A_888 = tpu.dynamic_rotate %get3A_817 by %roll3A_887 dim 1 : vector<1024x64xf32>, i32 -> vector<1024x64xf32>
        %lt3A_889 = vector.broadcast %convert_element_type3A_28 : vector<1x64xf32> to vector<1024x64xf32>
        %lt3A_890 = vector.broadcast %broadcast_in_dim3A_871 : vector<1024x1xf32> to vector<1024x64xf32>
        %lt3A_891 = arith.cmpf olt, %lt3A_889, %lt3A_890 : vector<1024x64xf32>
        %eq3A_892 = vector.broadcast %convert_element_type3A_28 : vector<1x64xf32> to vector<1024x64xf32>
        %eq3A_893 = vector.broadcast %broadcast_in_dim3A_871 : vector<1024x1xf32> to vector<1024x64xf32>
        %eq3A_894 = arith.cmpf oeq, %eq3A_892, %eq3A_893 : vector<1024x64xf32>
        %lt3A_895 = vector.broadcast %convert_element_type3A_28 : vector<1x64xf32> to vector<1024x64xf32>
        %lt3A_896 = vector.broadcast %add3A_881 : vector<1024x1xf32> to vector<1024x64xf32>
        %lt3A_897 = arith.cmpf olt, %lt3A_895, %lt3A_896 : vector<1024x64xf32>
        %eq3A_898 = vector.broadcast %convert_element_type3A_28 : vector<1x64xf32> to vector<1024x64xf32>
        %eq3A_899 = vector.broadcast %add3A_881 : vector<1024x1xf32> to vector<1024x64xf32>
        %eq3A_900 = arith.cmpf oeq, %eq3A_898, %eq3A_899 : vector<1024x64xf32>
        %broadcast_in_dim3A_901 = vector.shape_cast %broadcast_in_dim3A_838 : vector<1024x1xf32> to vector<1024x1xf32>
        %broadcast_in_dim3A_902 = vector.broadcast %broadcast_in_dim3A_901 : vector<1024x1xf32> to vector<1024x64xf32>
        %select_n3A_903 = arith.select %eq3A_900, %broadcast_in_dim3A_902, %roll3A_884 : vector<1024x64xi1>, vector<1024x64xf32>
        %select_n3A_904 = arith.select %lt3A_897, %roll3A_882, %select_n3A_903 : vector<1024x64xi1>, vector<1024x64xf32>
        %broadcast_in_dim3A_905 = vector.shape_cast %broadcast_in_dim3A_819 : vector<1024x1xf32> to vector<1024x1xf32>
        %broadcast_in_dim3A_906 = vector.broadcast %broadcast_in_dim3A_905 : vector<1024x1xf32> to vector<1024x64xf32>
        %select_n3A_907 = arith.select %eq3A_894, %broadcast_in_dim3A_906, %select_n3A_904 : vector<1024x64xi1>, vector<1024x64xf32>
        %select_n3A_908 = arith.select %lt3A_891, %get3A_814, %select_n3A_907 : vector<1024x64xi1>, vector<1024x64xf32>
        %lt3A_909 = vector.broadcast %convert_element_type3A_28 : vector<1x64xf32> to vector<1024x64xf32>
        %lt3A_910 = vector.broadcast %broadcast_in_dim3A_871 : vector<1024x1xf32> to vector<1024x64xf32>
        %lt3A_911 = arith.cmpf olt, %lt3A_909, %lt3A_910 : vector<1024x64xf32>
        %eq3A_912 = vector.broadcast %convert_element_type3A_28 : vector<1x64xf32> to vector<1024x64xf32>
        %eq3A_913 = vector.broadcast %broadcast_in_dim3A_871 : vector<1024x1xf32> to vector<1024x64xf32>
        %eq3A_914 = arith.cmpf oeq, %eq3A_912, %eq3A_913 : vector<1024x64xf32>
        %lt3A_915 = vector.broadcast %convert_element_type3A_28 : vector<1x64xf32> to vector<1024x64xf32>
        %lt3A_916 = vector.broadcast %add3A_881 : vector<1024x1xf32> to vector<1024x64xf32>
        %lt3A_917 = arith.cmpf olt, %lt3A_915, %lt3A_916 : vector<1024x64xf32>
        %eq3A_918 = vector.broadcast %convert_element_type3A_28 : vector<1x64xf32> to vector<1024x64xf32>
        %eq3A_919 = vector.broadcast %add3A_881 : vector<1024x1xf32> to vector<1024x64xf32>
        %eq3A_920 = arith.cmpf oeq, %eq3A_918, %eq3A_919 : vector<1024x64xf32>
        %broadcast_in_dim3A_921 = vector.shape_cast %add3A_865 : vector<1024x1xf32> to vector<1024x1xf32>
        %broadcast_in_dim3A_922 = vector.broadcast %broadcast_in_dim3A_921 : vector<1024x1xf32> to vector<1024x64xf32>
        %select_n3A_923 = arith.select %eq3A_920, %broadcast_in_dim3A_922, %roll3A_888 : vector<1024x64xi1>, vector<1024x64xf32>
        %select_n3A_924 = arith.select %lt3A_917, %roll3A_886, %select_n3A_923 : vector<1024x64xi1>, vector<1024x64xf32>
        %broadcast_in_dim3A_925 = vector.shape_cast %add3A_861 : vector<1024x1xf32> to vector<1024x1xf32>
        %broadcast_in_dim3A_926 = vector.broadcast %broadcast_in_dim3A_925 : vector<1024x1xf32> to vector<1024x64xf32>
        %select_n3A_927 = arith.select %eq3A_914, %broadcast_in_dim3A_926, %select_n3A_924 : vector<1024x64xi1>, vector<1024x64xf32>
        %select_n3A_928 = arith.select %lt3A_911, %get3A_817, %select_n3A_927 : vector<1024x64xi1>, vector<1024x64xf32>
        %swap3A_929 = arith.constant 0 : index
        %swap3A_930 = arith.constant 0 : index
        %swap3A_931 = vector.load %arg7[%swap3A_929, %swap3A_930] : memref<1024x64xf32, #tpu.memory_space<vmem>>, vector<1024x64xf32>
        tpu.vector_store %arg7[%swap3A_929, %swap3A_930], %select_n3A_908 {strides = array<i32>} : memref<1024x64xf32, #tpu.memory_space<vmem>>, vector<1024x64xf32>,
        %swap3A_932 = arith.constant 0 : index
        %swap3A_933 = arith.constant 0 : index
        %swap3A_934 = vector.load %arg8[%swap3A_932, %swap3A_933] : memref<1024x64xf32, #tpu.memory_space<vmem>>, vector<1024x64xf32>
        tpu.vector_store %arg8[%swap3A_932, %swap3A_933], %select_n3A_928 {strides = array<i32>} : memref<1024x64xf32, #tpu.memory_space<vmem>>, vector<1024x64xf32>,
      } else {
      }
      %get3A_102 = arith.constant 0 : index
      %get3A_103 = arith.constant 256 : index
      %get3A_104 = vector.load %arg9[%get3A_102, %get3A_103] : memref<1024x4096xf32, #tpu.memory_space<vmem>>, vector<1024x128xf32>
      %get3A_105 = arith.constant 0 : index
      %get3A_106 = arith.constant 63 : index
      %get3A_107 = vector.load %arg7[%get3A_105, %get3A_106] : memref<1024x64xf32, #tpu.memory_space<vmem>>, vector<1024x1xf32>
      %lt3A_108 = vector.broadcast %get3A_107 : vector<1024x1xf32> to vector<1024x128xf32>
      %lt3A_109 = arith.cmpf olt, %get3A_104, %lt3A_108 : vector<1024x128xf32>
      %reduce_or3A_110 = arith.constant 1.000000e+00 : f32
      %reduce_or3A_111 = arith.constant 0.000000e+00 : f32
      %reduce_or3A_112 = vector.broadcast %reduce_or3A_110 : f32 to vector<1024x128xf32>
      %reduce_or3A_113 = vector.broadcast %reduce_or3A_111 : f32 to vector<1024x128xf32>
      %reduce_or3A_114 = arith.select %lt3A_109, %reduce_or3A_112, %reduce_or3A_113 : vector<1024x128xi1>, vector<1024x128xf32>
      %reduce_or3A_115 = vector.shape_cast %reduce_or3A_114 : vector<1024x128xf32> to vector<1x1024x128xf32>
      %reduce_or3A_116 = arith.constant dense<0xFF800000> : vector<1xf32>
      %reduce_or3A_117 = vector.multi_reduction <maximumf>, %reduce_or3A_115, %reduce_or3A_116 [1, 2] : vector<1x1024x128xf32> to vector<1xf32>
      %reduce_or3A_118 = vector.shape_cast %reduce_or3A_117 : vector<1xf32> to vector<1x1x1xf32>
      %reduce_or3A_119 = vector.extract %reduce_or3A_118[0, 0, 0] : f32 from vector<1x1x1xf32>
      %reduce_or3A_120 = arith.constant 0.000000e+00 : f32
      %reduce_or3A_121 = arith.cmpf ogt, %reduce_or3A_119, %reduce_or3A_120 : f32
      %convert_element_type3A_122 = arith.extui %reduce_or3A_121 : i1 to i32
      %cond3A_123 = arith.constant 0 : i32
      %cond3A_124 = arith.cmpi ne, %convert_element_type3A_122, %cond3A_123 : i32
      scf.if %cond3A_124 {
        %get3A_812 = arith.constant 0 : index
        %get3A_813 = arith.constant 0 : index
        %get3A_814 = vector.load %arg7[%get3A_812, %get3A_813] : memref<1024x64xf32, #tpu.memory_space<vmem>>, vector<1024x64xf32>
        %get3A_815 = arith.constant 0 : index
        %get3A_816 = arith.constant 0 : index
        %get3A_817 = vector.load %arg8[%get3A_815, %get3A_816] : memref<1024x64xf32, #tpu.memory_space<vmem>>, vector<1024x64xf32>
        %reduce_min3A = arith.constant dense<0x7F800000> : vector<1024xf32>
        %reduce_min3A_818 = vector.multi_reduction <minimumf>, %get3A_104, %reduce_min3A [1] : vector<1024x128xf32> to vector<1024xf32>
        %broadcast_in_dim3A_819 = vector.shape_cast %reduce_min3A_818 : vector<1024xf32> to vector<1024x1xf32>
        %eq3A_820 = vector.broadcast %broadcast_in_dim3A_819 : vector<1024x1xf32> to vector<1024x128xf32>
        %eq3A_821 = arith.cmpf oeq, %get3A_104, %eq3A_820 : vector<1024x128xf32>
        %jit3A_822 = arith.constant 1.000000e+04 : f32
        %broadcast_in_dim3A_823 = vector.shape_cast %convert_element_type3A_30 : vector<1x128xf32> to vector<1x128xf32>
        %broadcast_in_dim3A_824 = vector.broadcast %broadcast_in_dim3A_823 : vector<1x128xf32> to vector<1024x128xf32>
        %broadcast_in_dim3A_825 = vector.broadcast %jit3A_822 : f32 to vector<1024x128xf32>
        %select_n3A_826 = arith.select %eq3A_821, %broadcast_in_dim3A_824, %broadcast_in_dim3A_825 : vector<1024x128xi1>, vector<1024x128xf32>
        %reduce_min3A_827 = arith.constant dense<0x7F800000> : vector<1024xf32>
        %reduce_min3A_828 = vector.multi_reduction <minimumf>, %select_n3A_826, %reduce_min3A_827 [1] : vector<1024x128xf32> to vector<1024xf32>
        %broadcast_in_dim3A_829 = vector.shape_cast %reduce_min3A_828 : vector<1024xf32> to vector<1024x1xf32>
        %eq3A_830 = vector.broadcast %convert_element_type3A_30 : vector<1x128xf32> to vector<1024x128xf32>
        %eq3A_831 = vector.broadcast %broadcast_in_dim3A_829 : vector<1024x1xf32> to vector<1024x128xf32>
        %eq3A_832 = arith.cmpf oeq, %eq3A_830, %eq3A_831 : vector<1024x128xf32>
        %jit3A_833 = arith.constant 3.000000e+38 : f32
        %broadcast_in_dim3A_834 = vector.broadcast %jit3A_833 : f32 to vector<1024x128xf32>
        %select_n3A_835 = arith.select %eq3A_832, %broadcast_in_dim3A_834, %get3A_104 : vector<1024x128xi1>, vector<1024x128xf32>
        %reduce_min3A_836 = arith.constant dense<0x7F800000> : vector<1024xf32>
        %reduce_min3A_837 = vector.multi_reduction <minimumf>, %select_n3A_835, %reduce_min3A_836 [1] : vector<1024x128xf32> to vector<1024xf32>
        %broadcast_in_dim3A_838 = vector.shape_cast %reduce_min3A_837 : vector<1024xf32> to vector<1024x1xf32>
        %eq3A_839 = vector.broadcast %broadcast_in_dim3A_838 : vector<1024x1xf32> to vector<1024x128xf32>
        %eq3A_840 = arith.cmpf oeq, %select_n3A_835, %eq3A_839 : vector<1024x128xf32>
        %jit3A_841 = arith.constant 1.000000e+04 : f32
        %broadcast_in_dim3A_842 = vector.shape_cast %convert_element_type3A_30 : vector<1x128xf32> to vector<1x128xf32>
        %broadcast_in_dim3A_843 = vector.broadcast %broadcast_in_dim3A_842 : vector<1x128xf32> to vector<1024x128xf32>
        %broadcast_in_dim3A_844 = vector.broadcast %jit3A_841 : f32 to vector<1024x128xf32>
        %select_n3A_845 = arith.select %eq3A_840, %broadcast_in_dim3A_843, %broadcast_in_dim3A_844 : vector<1024x128xi1>, vector<1024x128xf32>
        %reduce_min3A_846 = arith.constant dense<0x7F800000> : vector<1024xf32>
        %reduce_min3A_847 = vector.multi_reduction <minimumf>, %select_n3A_845, %reduce_min3A_846 [1] : vector<1024x128xf32> to vector<1024xf32>
        %broadcast_in_dim3A_848 = vector.shape_cast %reduce_min3A_847 : vector<1024xf32> to vector<1024x1xf32>
        %eq3A_849 = vector.broadcast %convert_element_type3A_30 : vector<1x128xf32> to vector<1024x128xf32>
        %eq3A_850 = vector.broadcast %broadcast_in_dim3A_848 : vector<1024x1xf32> to vector<1024x128xf32>
        %eq3A_851 = arith.cmpf oeq, %eq3A_849, %eq3A_850 : vector<1024x128xf32>
        %jit3A_852 = arith.constant 3.000000e+38 : f32
        %broadcast_in_dim3A_853 = vector.broadcast %jit3A_852 : f32 to vector<1024x128xf32>
        %select_n3A_854 = arith.select %eq3A_851, %broadcast_in_dim3A_853, %select_n3A_835 : vector<1024x128xi1>, vector<1024x128xf32>
        %swap3A_855 = arith.constant 0 : index
        %swap3A_856 = arith.constant 256 : index
        %swap3A_857 = vector.load %arg9[%swap3A_855, %swap3A_856] : memref<1024x4096xf32, #tpu.memory_space<vmem>>, vector<1024x128xf32>
        tpu.vector_store %arg9[%swap3A_855, %swap3A_856], %select_n3A_854 {strides = array<i32>} : memref<1024x4096xf32, #tpu.memory_space<vmem>>, vector<1024x128xf32>,
        %add3A_858 = arith.constant 2.560000e+02 : f32
        %add3A_859 = arith.addf %convert_element_type3A_33, %add3A_858 : f32
        %add3A_860 = vector.broadcast %add3A_859 : f32 to vector<1024x1xf32>
        %add3A_861 = arith.addf %add3A_860, %broadcast_in_dim3A_829 : vector<1024x1xf32>
        %add3A_862 = arith.constant 2.560000e+02 : f32
        %add3A_863 = arith.addf %convert_element_type3A_33, %add3A_862 : f32
        %add3A_864 = vector.broadcast %add3A_863 : f32 to vector<1024x1xf32>
        %add3A_865 = arith.addf %add3A_864, %broadcast_in_dim3A_848 : vector<1024x1xf32>
        %le3A = vector.broadcast %broadcast_in_dim3A_819 : vector<1024x1xf32> to vector<1024x64xf32>
        %le3A_866 = arith.cmpf ole, %get3A_814, %le3A : vector<1024x64xf32>
        %convert_element_type3A_867 = arith.extui %le3A_866 : vector<1024x64xi1> to vector<1024x64xi32>
        %convert_element_type3A_868 = arith.sitofp %convert_element_type3A_867 : vector<1024x64xi32> to vector<1024x64xf32>
        %reduce_sum3A_869 = arith.constant dense<0.000000e+00> : vector<1024xf32>
        %reduce_sum3A_870 = vector.multi_reduction <add>, %convert_element_type3A_868, %reduce_sum3A_869 [1] : vector<1024x64xf32> to vector<1024xf32>
        %broadcast_in_dim3A_871 = vector.shape_cast %reduce_sum3A_870 : vector<1024xf32> to vector<1024x1xf32>
        %le3A_872 = vector.broadcast %broadcast_in_dim3A_838 : vector<1024x1xf32> to vector<1024x64xf32>
        %le3A_873 = arith.cmpf ole, %get3A_814, %le3A_872 : vector<1024x64xf32>
        %convert_element_type3A_874 = arith.extui %le3A_873 : vector<1024x64xi1> to vector<1024x64xi32>
        %convert_element_type3A_875 = arith.sitofp %convert_element_type3A_874 : vector<1024x64xi32> to vector<1024x64xf32>
        %reduce_sum3A_876 = arith.constant dense<0.000000e+00> : vector<1024xf32>
        %reduce_sum3A_877 = vector.multi_reduction <add>, %convert_element_type3A_875, %reduce_sum3A_876 [1] : vector<1024x64xf32> to vector<1024xf32>
        %broadcast_in_dim3A_878 = vector.shape_cast %reduce_sum3A_877 : vector<1024xf32> to vector<1024x1xf32>
        %add3A_879 = arith.constant 1.000000e+00 : f32
        %add3A_880 = vector.broadcast %add3A_879 : f32 to vector<1024x1xf32>
        %add3A_881 = arith.addf %broadcast_in_dim3A_878, %add3A_880 : vector<1024x1xf32>
        %roll3A = arith.constant 1 : i32
        %roll3A_882 = tpu.dynamic_rotate %get3A_814 by %roll3A dim 1 : vector<1024x64xf32>, i32 -> vector<1024x64xf32>
        %roll3A_883 = arith.constant 2 : i32
        %roll3A_884 = tpu.dynamic_rotate %get3A_814 by %roll3A_883 dim 1 : vector<1024x64xf32>, i32 -> vector<1024x64xf32>
        %roll3A_885 = arith.constant 1 : i32
        %roll3A_886 = tpu.dynamic_rotate %get3A_817 by %roll3A_885 dim 1 : vector<1024x64xf32>, i32 -> vector<1024x64xf32>
        %roll3A_887 = arith.constant 2 : i32
        %roll3A_888 = tpu.dynamic_rotate %get3A_817 by %roll3A_887 dim 1 : vector<1024x64xf32>, i32 -> vector<1024x64xf32>
        %lt3A_889 = vector.broadcast %convert_element_type3A_28 : vector<1x64xf32> to vector<1024x64xf32>
        %lt3A_890 = vector.broadcast %broadcast_in_dim3A_871 : vector<1024x1xf32> to vector<1024x64xf32>
        %lt3A_891 = arith.cmpf olt, %lt3A_889, %lt3A_890 : vector<1024x64xf32>
        %eq3A_892 = vector.broadcast %convert_element_type3A_28 : vector<1x64xf32> to vector<1024x64xf32>
        %eq3A_893 = vector.broadcast %broadcast_in_dim3A_871 : vector<1024x1xf32> to vector<1024x64xf32>
        %eq3A_894 = arith.cmpf oeq, %eq3A_892, %eq3A_893 : vector<1024x64xf32>
        %lt3A_895 = vector.broadcast %convert_element_type3A_28 : vector<1x64xf32> to vector<1024x64xf32>
        %lt3A_896 = vector.broadcast %add3A_881 : vector<1024x1xf32> to vector<1024x64xf32>
        %lt3A_897 = arith.cmpf olt, %lt3A_895, %lt3A_896 : vector<1024x64xf32>
        %eq3A_898 = vector.broadcast %convert_element_type3A_28 : vector<1x64xf32> to vector<1024x64xf32>
        %eq3A_899 = vector.broadcast %add3A_881 : vector<1024x1xf32> to vector<1024x64xf32>
        %eq3A_900 = arith.cmpf oeq, %eq3A_898, %eq3A_899 : vector<1024x64xf32>
        %broadcast_in_dim3A_901 = vector.shape_cast %broadcast_in_dim3A_838 : vector<1024x1xf32> to vector<1024x1xf32>
        %broadcast_in_dim3A_902 = vector.broadcast %broadcast_in_dim3A_901 : vector<1024x1xf32> to vector<1024x64xf32>
        %select_n3A_903 = arith.select %eq3A_900, %broadcast_in_dim3A_902, %roll3A_884 : vector<1024x64xi1>, vector<1024x64xf32>
        %select_n3A_904 = arith.select %lt3A_897, %roll3A_882, %select_n3A_903 : vector<1024x64xi1>, vector<1024x64xf32>
        %broadcast_in_dim3A_905 = vector.shape_cast %broadcast_in_dim3A_819 : vector<1024x1xf32> to vector<1024x1xf32>
        %broadcast_in_dim3A_906 = vector.broadcast %broadcast_in_dim3A_905 : vector<1024x1xf32> to vector<1024x64xf32>
        %select_n3A_907 = arith.select %eq3A_894, %broadcast_in_dim3A_906, %select_n3A_904 : vector<1024x64xi1>, vector<1024x64xf32>
        %select_n3A_908 = arith.select %lt3A_891, %get3A_814, %select_n3A_907 : vector<1024x64xi1>, vector<1024x64xf32>
        %lt3A_909 = vector.broadcast %convert_element_type3A_28 : vector<1x64xf32> to vector<1024x64xf32>
        %lt3A_910 = vector.broadcast %broadcast_in_dim3A_871 : vector<1024x1xf32> to vector<1024x64xf32>
        %lt3A_911 = arith.cmpf olt, %lt3A_909, %lt3A_910 : vector<1024x64xf32>
        %eq3A_912 = vector.broadcast %convert_element_type3A_28 : vector<1x64xf32> to vector<1024x64xf32>
        %eq3A_913 = vector.broadcast %broadcast_in_dim3A_871 : vector<1024x1xf32> to vector<1024x64xf32>
        %eq3A_914 = arith.cmpf oeq, %eq3A_912, %eq3A_913 : vector<1024x64xf32>
        %lt3A_915 = vector.broadcast %convert_element_type3A_28 : vector<1x64xf32> to vector<1024x64xf32>
        %lt3A_916 = vector.broadcast %add3A_881 : vector<1024x1xf32> to vector<1024x64xf32>
        %lt3A_917 = arith.cmpf olt, %lt3A_915, %lt3A_916 : vector<1024x64xf32>
        %eq3A_918 = vector.broadcast %convert_element_type3A_28 : vector<1x64xf32> to vector<1024x64xf32>
        %eq3A_919 = vector.broadcast %add3A_881 : vector<1024x1xf32> to vector<1024x64xf32>
        %eq3A_920 = arith.cmpf oeq, %eq3A_918, %eq3A_919 : vector<1024x64xf32>
        %broadcast_in_dim3A_921 = vector.shape_cast %add3A_865 : vector<1024x1xf32> to vector<1024x1xf32>
        %broadcast_in_dim3A_922 = vector.broadcast %broadcast_in_dim3A_921 : vector<1024x1xf32> to vector<1024x64xf32>
        %select_n3A_923 = arith.select %eq3A_920, %broadcast_in_dim3A_922, %roll3A_888 : vector<1024x64xi1>, vector<1024x64xf32>
        %select_n3A_924 = arith.select %lt3A_917, %roll3A_886, %select_n3A_923 : vector<1024x64xi1>, vector<1024x64xf32>
        %broadcast_in_dim3A_925 = vector.shape_cast %add3A_861 : vector<1024x1xf32> to vector<1024x1xf32>
        %broadcast_in_dim3A_926 = vector.broadcast %broadcast_in_dim3A_925 : vector<1024x1xf32> to vector<1024x64xf32>
        %select_n3A_927 = arith.select %eq3A_914, %broadcast_in_dim3A_926, %select_n3A_924 : vector<1024x64xi1>, vector<1024x64xf32>
        %select_n3A_928 = arith.select %lt3A_911, %get3A_817, %select_n3A_927 : vector<1024x64xi1>, vector<1024x64xf32>
        %swap3A_929 = arith.constant 0 : index
        %swap3A_930 = arith.constant 0 : index
        %swap3A_931 = vector.load %arg7[%swap3A_929, %swap3A_930] : memref<1024x64xf32, #tpu.memory_space<vmem>>, vector<1024x64xf32>
        tpu.vector_store %arg7[%swap3A_929, %swap3A_930], %select_n3A_908 {strides = array<i32>} : memref<1024x64xf32, #tpu.memory_space<vmem>>, vector<1024x64xf32>,
        %swap3A_932 = arith.constant 0 : index
        %swap3A_933 = arith.constant 0 : index
        %swap3A_934 = vector.load %arg8[%swap3A_932, %swap3A_933] : memref<1024x64xf32, #tpu.memory_space<vmem>>, vector<1024x64xf32>
        tpu.vector_store %arg8[%swap3A_932, %swap3A_933], %select_n3A_928 {strides = array<i32>} : memref<1024x64xf32, #tpu.memory_space<vmem>>, vector<1024x64xf32>,
      } else {
      }
      %get3A_125 = arith.constant 0 : index
      %get3A_126 = arith.constant 384 : index
      %get3A_127 = vector.load %arg9[%get3A_125, %get3A_126] : memref<1024x4096xf32, #tpu.memory_space<vmem>>, vector<1024x128xf32>
      %get3A_128 = arith.constant 0 : index
      %get3A_129 = arith.constant 63 : index
      %get3A_130 = vector.load %arg7[%get3A_128, %get3A_129] : memref<1024x64xf32, #tpu.memory_space<vmem>>, vector<1024x1xf32>
      %lt3A_131 = vector.broadcast %get3A_130 : vector<1024x1xf32> to vector<1024x128xf32>
      %lt3A_132 = arith.cmpf olt, %get3A_127, %lt3A_131 : vector<1024x128xf32>
      %reduce_or3A_133 = arith.constant 1.000000e+00 : f32
      %reduce_or3A_134 = arith.constant 0.000000e+00 : f32
      %reduce_or3A_135 = vector.broadcast %reduce_or3A_133 : f32 to vector<1024x128xf32>
      %reduce_or3A_136 = vector.broadcast %reduce_or3A_134 : f32 to vector<1024x128xf32>
      %reduce_or3A_137 = arith.select %lt3A_132, %reduce_or3A_135, %reduce_or3A_136 : vector<1024x128xi1>, vector<1024x128xf32>
      %reduce_or3A_138 = vector.shape_cast %reduce_or3A_137 : vector<1024x128xf32> to vector<1x1024x128xf32>
      %reduce_or3A_139 = arith.constant dense<0xFF800000> : vector<1xf32>
      %reduce_or3A_140 = vector.multi_reduction <maximumf>, %reduce_or3A_138, %reduce_or3A_139 [1, 2] : vector<1x1024x128xf32> to vector<1xf32>
      %reduce_or3A_141 = vector.shape_cast %reduce_or3A_140 : vector<1xf32> to vector<1x1x1xf32>
      %reduce_or3A_142 = vector.extract %reduce_or3A_141[0, 0, 0] : f32 from vector<1x1x1xf32>
      %reduce_or3A_143 = arith.constant 0.000000e+00 : f32
      %reduce_or3A_144 = arith.cmpf ogt, %reduce_or3A_142, %reduce_or3A_143 : f32
      %convert_element_type3A_145 = arith.extui %reduce_or3A_144 : i1 to i32
      %cond3A_146 = arith.constant 0 : i32
      %cond3A_147 = arith.cmpi ne, %convert_element_type3A_145, %cond3A_146 : i32
      scf.if %cond3A_147 {
        %get3A_812 = arith.constant 0 : index
        %get3A_813 = arith.constant 0 : index
        %get3A_814 = vector.load %arg7[%get3A_812, %get3A_813] : memref<1024x64xf32, #tpu.memory_space<vmem>>, vector<1024x64xf32>
        %get3A_815 = arith.constant 0 : index
        %get3A_816 = arith.constant 0 : index
        %get3A_817 = vector.load %arg8[%get3A_815, %get3A_816] : memref<1024x64xf32, #tpu.memory_space<vmem>>, vector<1024x64xf32>
        %reduce_min3A = arith.constant dense<0x7F800000> : vector<1024xf32>
        %reduce_min3A_818 = vector.multi_reduction <minimumf>, %get3A_127, %reduce_min3A [1] : vector<1024x128xf32> to vector<1024xf32>
        %broadcast_in_dim3A_819 = vector.shape_cast %reduce_min3A_818 : vector<1024xf32> to vector<1024x1xf32>
        %eq3A_820 = vector.broadcast %broadcast_in_dim3A_819 : vector<1024x1xf32> to vector<1024x128xf32>
        %eq3A_821 = arith.cmpf oeq, %get3A_127, %eq3A_820 : vector<1024x128xf32>
        %jit3A_822 = arith.constant 1.000000e+04 : f32
        %broadcast_in_dim3A_823 = vector.shape_cast %convert_element_type3A_30 : vector<1x128xf32> to vector<1x128xf32>
        %broadcast_in_dim3A_824 = vector.broadcast %broadcast_in_dim3A_823 : vector<1x128xf32> to vector<1024x128xf32>
        %broadcast_in_dim3A_825 = vector.broadcast %jit3A_822 : f32 to vector<1024x128xf32>
        %select_n3A_826 = arith.select %eq3A_821, %broadcast_in_dim3A_824, %broadcast_in_dim3A_825 : vector<1024x128xi1>, vector<1024x128xf32>
        %reduce_min3A_827 = arith.constant dense<0x7F800000> : vector<1024xf32>
        %reduce_min3A_828 = vector.multi_reduction <minimumf>, %select_n3A_826, %reduce_min3A_827 [1] : vector<1024x128xf32> to vector<1024xf32>
        %broadcast_in_dim3A_829 = vector.shape_cast %reduce_min3A_828 : vector<1024xf32> to vector<1024x1xf32>
        %eq3A_830 = vector.broadcast %convert_element_type3A_30 : vector<1x128xf32> to vector<1024x128xf32>
        %eq3A_831 = vector.broadcast %broadcast_in_dim3A_829 : vector<1024x1xf32> to vector<1024x128xf32>
        %eq3A_832 = arith.cmpf oeq, %eq3A_830, %eq3A_831 : vector<1024x128xf32>
        %jit3A_833 = arith.constant 3.000000e+38 : f32
        %broadcast_in_dim3A_834 = vector.broadcast %jit3A_833 : f32 to vector<1024x128xf32>
        %select_n3A_835 = arith.select %eq3A_832, %broadcast_in_dim3A_834, %get3A_127 : vector<1024x128xi1>, vector<1024x128xf32>
        %reduce_min3A_836 = arith.constant dense<0x7F800000> : vector<1024xf32>
        %reduce_min3A_837 = vector.multi_reduction <minimumf>, %select_n3A_835, %reduce_min3A_836 [1] : vector<1024x128xf32> to vector<1024xf32>
        %broadcast_in_dim3A_838 = vector.shape_cast %reduce_min3A_837 : vector<1024xf32> to vector<1024x1xf32>
        %eq3A_839 = vector.broadcast %broadcast_in_dim3A_838 : vector<1024x1xf32> to vector<1024x128xf32>
        %eq3A_840 = arith.cmpf oeq, %select_n3A_835, %eq3A_839 : vector<1024x128xf32>
        %jit3A_841 = arith.constant 1.000000e+04 : f32
        %broadcast_in_dim3A_842 = vector.shape_cast %convert_element_type3A_30 : vector<1x128xf32> to vector<1x128xf32>
        %broadcast_in_dim3A_843 = vector.broadcast %broadcast_in_dim3A_842 : vector<1x128xf32> to vector<1024x128xf32>
        %broadcast_in_dim3A_844 = vector.broadcast %jit3A_841 : f32 to vector<1024x128xf32>
        %select_n3A_845 = arith.select %eq3A_840, %broadcast_in_dim3A_843, %broadcast_in_dim3A_844 : vector<1024x128xi1>, vector<1024x128xf32>
        %reduce_min3A_846 = arith.constant dense<0x7F800000> : vector<1024xf32>
        %reduce_min3A_847 = vector.multi_reduction <minimumf>, %select_n3A_845, %reduce_min3A_846 [1] : vector<1024x128xf32> to vector<1024xf32>
        %broadcast_in_dim3A_848 = vector.shape_cast %reduce_min3A_847 : vector<1024xf32> to vector<1024x1xf32>
        %eq3A_849 = vector.broadcast %convert_element_type3A_30 : vector<1x128xf32> to vector<1024x128xf32>
        %eq3A_850 = vector.broadcast %broadcast_in_dim3A_848 : vector<1024x1xf32> to vector<1024x128xf32>
        %eq3A_851 = arith.cmpf oeq, %eq3A_849, %eq3A_850 : vector<1024x128xf32>
        %jit3A_852 = arith.constant 3.000000e+38 : f32
        %broadcast_in_dim3A_853 = vector.broadcast %jit3A_852 : f32 to vector<1024x128xf32>
        %select_n3A_854 = arith.select %eq3A_851, %broadcast_in_dim3A_853, %select_n3A_835 : vector<1024x128xi1>, vector<1024x128xf32>
        %swap3A_855 = arith.constant 0 : index
        %swap3A_856 = arith.constant 384 : index
        %swap3A_857 = vector.load %arg9[%swap3A_855, %swap3A_856] : memref<1024x4096xf32, #tpu.memory_space<vmem>>, vector<1024x128xf32>
        tpu.vector_store %arg9[%swap3A_855, %swap3A_856], %select_n3A_854 {strides = array<i32>} : memref<1024x4096xf32, #tpu.memory_space<vmem>>, vector<1024x128xf32>,
        %add3A_858 = arith.constant 3.840000e+02 : f32
        %add3A_859 = arith.addf %convert_element_type3A_33, %add3A_858 : f32
        %add3A_860 = vector.broadcast %add3A_859 : f32 to vector<1024x1xf32>
        %add3A_861 = arith.addf %add3A_860, %broadcast_in_dim3A_829 : vector<1024x1xf32>
        %add3A_862 = arith.constant 3.840000e+02 : f32
        %add3A_863 = arith.addf %convert_element_type3A_33, %add3A_862 : f32
        %add3A_864 = vector.broadcast %add3A_863 : f32 to vector<1024x1xf32>
        %add3A_865 = arith.addf %add3A_864, %broadcast_in_dim3A_848 : vector<1024x1xf32>
        %le3A = vector.broadcast %broadcast_in_dim3A_819 : vector<1024x1xf32> to vector<1024x64xf32>
        %le3A_866 = arith.cmpf ole, %get3A_814, %le3A : vector<1024x64xf32>
        %convert_element_type3A_867 = arith.extui %le3A_866 : vector<1024x64xi1> to vector<1024x64xi32>
        %convert_element_type3A_868 = arith.sitofp %convert_element_type3A_867 : vector<1024x64xi32> to vector<1024x64xf32>
        %reduce_sum3A_869 = arith.constant dense<0.000000e+00> : vector<1024xf32>
        %reduce_sum3A_870 = vector.multi_reduction <add>, %convert_element_type3A_868, %reduce_sum3A_869 [1] : vector<1024x64xf32> to vector<1024xf32>
        %broadcast_in_dim3A_871 = vector.shape_cast %reduce_sum3A_870 : vector<1024xf32> to vector<1024x1xf32>
        %le3A_872 = vector.broadcast %broadcast_in_dim3A_838 : vector<1024x1xf32> to vector<1024x64xf32>
        %le3A_873 = arith.cmpf ole, %get3A_814, %le3A_872 : vector<1024x64xf32>
        %convert_element_type3A_874 = arith.extui %le3A_873 : vector<1024x64xi1> to vector<1024x64xi32>
        %convert_element_type3A_875 = arith.sitofp %convert_element_type3A_874 : vector<1024x64xi32> to vector<1024x64xf32>
        %reduce_sum3A_876 = arith.constant dense<0.000000e+00> : vector<1024xf32>
        %reduce_sum3A_877 = vector.multi_reduction <add>, %convert_element_type3A_875, %reduce_sum3A_876 [1] : vector<1024x64xf32> to vector<1024xf32>
        %broadcast_in_dim3A_878 = vector.shape_cast %reduce_sum3A_877 : vector<1024xf32> to vector<1024x1xf32>
        %add3A_879 = arith.constant 1.000000e+00 : f32
        %add3A_880 = vector.broadcast %add3A_879 : f32 to vector<1024x1xf32>
        %add3A_881 = arith.addf %broadcast_in_dim3A_878, %add3A_880 : vector<1024x1xf32>
        %roll3A = arith.constant 1 : i32
        %roll3A_882 = tpu.dynamic_rotate %get3A_814 by %roll3A dim 1 : vector<1024x64xf32>, i32 -> vector<1024x64xf32>
        %roll3A_883 = arith.constant 2 : i32
        %roll3A_884 = tpu.dynamic_rotate %get3A_814 by %roll3A_883 dim 1 : vector<1024x64xf32>, i32 -> vector<1024x64xf32>
        %roll3A_885 = arith.constant 1 : i32
        %roll3A_886 = tpu.dynamic_rotate %get3A_817 by %roll3A_885 dim 1 : vector<1024x64xf32>, i32 -> vector<1024x64xf32>
        %roll3A_887 = arith.constant 2 : i32
        %roll3A_888 = tpu.dynamic_rotate %get3A_817 by %roll3A_887 dim 1 : vector<1024x64xf32>, i32 -> vector<1024x64xf32>
        %lt3A_889 = vector.broadcast %convert_element_type3A_28 : vector<1x64xf32> to vector<1024x64xf32>
        %lt3A_890 = vector.broadcast %broadcast_in_dim3A_871 : vector<1024x1xf32> to vector<1024x64xf32>
        %lt3A_891 = arith.cmpf olt, %lt3A_889, %lt3A_890 : vector<1024x64xf32>
        %eq3A_892 = vector.broadcast %convert_element_type3A_28 : vector<1x64xf32> to vector<1024x64xf32>
        %eq3A_893 = vector.broadcast %broadcast_in_dim3A_871 : vector<1024x1xf32> to vector<1024x64xf32>
        %eq3A_894 = arith.cmpf oeq, %eq3A_892, %eq3A_893 : vector<1024x64xf32>
        %lt3A_895 = vector.broadcast %convert_element_type3A_28 : vector<1x64xf32> to vector<1024x64xf32>
        %lt3A_896 = vector.broadcast %add3A_881 : vector<1024x1xf32> to vector<1024x64xf32>
        %lt3A_897 = arith.cmpf olt, %lt3A_895, %lt3A_896 : vector<1024x64xf32>
        %eq3A_898 = vector.broadcast %convert_element_type3A_28 : vector<1x64xf32> to vector<1024x64xf32>
        %eq3A_899 = vector.broadcast %add3A_881 : vector<1024x1xf32> to vector<1024x64xf32>
        %eq3A_900 = arith.cmpf oeq, %eq3A_898, %eq3A_899 : vector<1024x64xf32>
        %broadcast_in_dim3A_901 = vector.shape_cast %broadcast_in_dim3A_838 : vector<1024x1xf32> to vector<1024x1xf32>
        %broadcast_in_dim3A_902 = vector.broadcast %broadcast_in_dim3A_901 : vector<1024x1xf32> to vector<1024x64xf32>
        %select_n3A_903 = arith.select %eq3A_900, %broadcast_in_dim3A_902, %roll3A_884 : vector<1024x64xi1>, vector<1024x64xf32>
        %select_n3A_904 = arith.select %lt3A_897, %roll3A_882, %select_n3A_903 : vector<1024x64xi1>, vector<1024x64xf32>
        %broadcast_in_dim3A_905 = vector.shape_cast %broadcast_in_dim3A_819 : vector<1024x1xf32> to vector<1024x1xf32>
        %broadcast_in_dim3A_906 = vector.broadcast %broadcast_in_dim3A_905 : vector<1024x1xf32> to vector<1024x64xf32>
        %select_n3A_907 = arith.select %eq3A_894, %broadcast_in_dim3A_906, %select_n3A_904 : vector<1024x64xi1>, vector<1024x64xf32>
        %select_n3A_908 = arith.select %lt3A_891, %get3A_814, %select_n3A_907 : vector<1024x64xi1>, vector<1024x64xf32>
        %lt3A_909 = vector.broadcast %convert_element_type3A_28 : vector<1x64xf32> to vector<1024x64xf32>
        %lt3A_910 = vector.broadcast %broadcast_in_dim3A_871 : vector<1024x1xf32> to vector<1024x64xf32>
        %lt3A_911 = arith.cmpf olt, %lt3A_909, %lt3A_910 : vector<1024x64xf32>
        %eq3A_912 = vector.broadcast %convert_element_type3A_28 : vector<1x64xf32> to vector<1024x64xf32>
        %eq3A_913 = vector.broadcast %broadcast_in_dim3A_871 : vector<1024x1xf32> to vector<1024x64xf32>
        %eq3A_914 = arith.cmpf oeq, %eq3A_912, %eq3A_913 : vector<1024x64xf32>
        %lt3A_915 = vector.broadcast %convert_element_type3A_28 : vector<1x64xf32> to vector<1024x64xf32>
        %lt3A_916 = vector.broadcast %add3A_881 : vector<1024x1xf32> to vector<1024x64xf32>
        %lt3A_917 = arith.cmpf olt, %lt3A_915, %lt3A_916 : vector<1024x64xf32>
        %eq3A_918 = vector.broadcast %convert_element_type3A_28 : vector<1x64xf32> to vector<1024x64xf32>
        %eq3A_919 = vector.broadcast %add3A_881 : vector<1024x1xf32> to vector<1024x64xf32>
        %eq3A_920 = arith.cmpf oeq, %eq3A_918, %eq3A_919 : vector<1024x64xf32>
        %broadcast_in_dim3A_921 = vector.shape_cast %add3A_865 : vector<1024x1xf32> to vector<1024x1xf32>
        %broadcast_in_dim3A_922 = vector.broadcast %broadcast_in_dim3A_921 : vector<1024x1xf32> to vector<1024x64xf32>
        %select_n3A_923 = arith.select %eq3A_920, %broadcast_in_dim3A_922, %roll3A_888 : vector<1024x64xi1>, vector<1024x64xf32>
        %select_n3A_924 = arith.select %lt3A_917, %roll3A_886, %select_n3A_923 : vector<1024x64xi1>, vector<1024x64xf32>
        %broadcast_in_dim3A_925 = vector.shape_cast %add3A_861 : vector<1024x1xf32> to vector<1024x1xf32>
        %broadcast_in_dim3A_926 = vector.broadcast %broadcast_in_dim3A_925 : vector<1024x1xf32> to vector<1024x64xf32>
        %select_n3A_927 = arith.select %eq3A_914, %broadcast_in_dim3A_926, %select_n3A_924 : vector<1024x64xi1>, vector<1024x64xf32>
        %select_n3A_928 = arith.select %lt3A_911, %get3A_817, %select_n3A_927 : vector<1024x64xi1>, vector<1024x64xf32>
        %swap3A_929 = arith.constant 0 : index
        %swap3A_930 = arith.constant 0 : index
        %swap3A_931 = vector.load %arg7[%swap3A_929, %swap3A_930] : memref<1024x64xf32, #tpu.memory_space<vmem>>, vector<1024x64xf32>
        tpu.vector_store %arg7[%swap3A_929, %swap3A_930], %select_n3A_908 {strides = array<i32>} : memref<1024x64xf32, #tpu.memory_space<vmem>>, vector<1024x64xf32>,
        %swap3A_932 = arith.constant 0 : index
        %swap3A_933 = arith.constant 0 : index
        %swap3A_934 = vector.load %arg8[%swap3A_932, %swap3A_933] : memref<1024x64xf32, #tpu.memory_space<vmem>>, vector<1024x64xf32>
        tpu.vector_store %arg8[%swap3A_932, %swap3A_933], %select_n3A_928 {strides = array<i32>} : memref<1024x64xf32, #tpu.memory_space<vmem>>, vector<1024x64xf32>,
      } else {
      }
      %get3A_148 = arith.constant 0 : index
      %get3A_149 = arith.constant 512 : index
      %get3A_150 = vector.load %arg9[%get3A_148, %get3A_149] : memref<1024x4096xf32, #tpu.memory_space<vmem>>, vector<1024x128xf32>
      %get3A_151 = arith.constant 0 : index
      %get3A_152 = arith.constant 63 : index
      %get3A_153 = vector.load %arg7[%get3A_151, %get3A_152] : memref<1024x64xf32, #tpu.memory_space<vmem>>, vector<1024x1xf32>
      %lt3A_154 = vector.broadcast %get3A_153 : vector<1024x1xf32> to vector<1024x128xf32>
      %lt3A_155 = arith.cmpf olt, %get3A_150, %lt3A_154 : vector<1024x128xf32>
      %reduce_or3A_156 = arith.constant 1.000000e+00 : f32
      %reduce_or3A_157 = arith.constant 0.000000e+00 : f32
      %reduce_or3A_158 = vector.broadcast %reduce_or3A_156 : f32 to vector<1024x128xf32>
      %reduce_or3A_159 = vector.broadcast %reduce_or3A_157 : f32 to vector<1024x128xf32>
      %reduce_or3A_160 = arith.select %lt3A_155, %reduce_or3A_158, %reduce_or3A_159 : vector<1024x128xi1>, vector<1024x128xf32>
      %reduce_or3A_161 = vector.shape_cast %reduce_or3A_160 : vector<1024x128xf32> to vector<1x1024x128xf32>
      %reduce_or3A_162 = arith.constant dense<0xFF800000> : vector<1xf32>
      %reduce_or3A_163 = vector.multi_reduction <maximumf>, %reduce_or3A_161, %reduce_or3A_162 [1, 2] : vector<1x1024x128xf32> to vector<1xf32>
      %reduce_or3A_164 = vector.shape_cast %reduce_or3A_163 : vector<1xf32> to vector<1x1x1xf32>
      %reduce_or3A_165 = vector.extract %reduce_or3A_164[0, 0, 0] : f32 from vector<1x1x1xf32>
      %reduce_or3A_166 = arith.constant 0.000000e+00 : f32
      %reduce_or3A_167 = arith.cmpf ogt, %reduce_or3A_165, %reduce_or3A_166 : f32
      %convert_element_type3A_168 = arith.extui %reduce_or3A_167 : i1 to i32
      %cond3A_169 = arith.constant 0 : i32
      %cond3A_170 = arith.cmpi ne, %convert_element_type3A_168, %cond3A_169 : i32
      scf.if %cond3A_170 {
        %get3A_812 = arith.constant 0 : index
        %get3A_813 = arith.constant 0 : index
        %get3A_814 = vector.load %arg7[%get3A_812, %get3A_813] : memref<1024x64xf32, #tpu.memory_space<vmem>>, vector<1024x64xf32>
        %get3A_815 = arith.constant 0 : index
        %get3A_816 = arith.constant 0 : index
        %get3A_817 = vector.load %arg8[%get3A_815, %get3A_816] : memref<1024x64xf32, #tpu.memory_space<vmem>>, vector<1024x64xf32>
        %reduce_min3A = arith.constant dense<0x7F800000> : vector<1024xf32>
        %reduce_min3A_818 = vector.multi_reduction <minimumf>, %get3A_150, %reduce_min3A [1] : vector<1024x128xf32> to vector<1024xf32>
        %broadcast_in_dim3A_819 = vector.shape_cast %reduce_min3A_818 : vector<1024xf32> to vector<1024x1xf32>
        %eq3A_820 = vector.broadcast %broadcast_in_dim3A_819 : vector<1024x1xf32> to vector<1024x128xf32>
        %eq3A_821 = arith.cmpf oeq, %get3A_150, %eq3A_820 : vector<1024x128xf32>
        %jit3A_822 = arith.constant 1.000000e+04 : f32
        %broadcast_in_dim3A_823 = vector.shape_cast %convert_element_type3A_30 : vector<1x128xf32> to vector<1x128xf32>
        %broadcast_in_dim3A_824 = vector.broadcast %broadcast_in_dim3A_823 : vector<1x128xf32> to vector<1024x128xf32>
        %broadcast_in_dim3A_825 = vector.broadcast %jit3A_822 : f32 to vector<1024x128xf32>
        %select_n3A_826 = arith.select %eq3A_821, %broadcast_in_dim3A_824, %broadcast_in_dim3A_825 : vector<1024x128xi1>, vector<1024x128xf32>
        %reduce_min3A_827 = arith.constant dense<0x7F800000> : vector<1024xf32>
        %reduce_min3A_828 = vector.multi_reduction <minimumf>, %select_n3A_826, %reduce_min3A_827 [1] : vector<1024x128xf32> to vector<1024xf32>
        %broadcast_in_dim3A_829 = vector.shape_cast %reduce_min3A_828 : vector<1024xf32> to vector<1024x1xf32>
        %eq3A_830 = vector.broadcast %convert_element_type3A_30 : vector<1x128xf32> to vector<1024x128xf32>
        %eq3A_831 = vector.broadcast %broadcast_in_dim3A_829 : vector<1024x1xf32> to vector<1024x128xf32>
        %eq3A_832 = arith.cmpf oeq, %eq3A_830, %eq3A_831 : vector<1024x128xf32>
        %jit3A_833 = arith.constant 3.000000e+38 : f32
        %broadcast_in_dim3A_834 = vector.broadcast %jit3A_833 : f32 to vector<1024x128xf32>
        %select_n3A_835 = arith.select %eq3A_832, %broadcast_in_dim3A_834, %get3A_150 : vector<1024x128xi1>, vector<1024x128xf32>
        %reduce_min3A_836 = arith.constant dense<0x7F800000> : vector<1024xf32>
        %reduce_min3A_837 = vector.multi_reduction <minimumf>, %select_n3A_835, %reduce_min3A_836 [1] : vector<1024x128xf32> to vector<1024xf32>
        %broadcast_in_dim3A_838 = vector.shape_cast %reduce_min3A_837 : vector<1024xf32> to vector<1024x1xf32>
        %eq3A_839 = vector.broadcast %broadcast_in_dim3A_838 : vector<1024x1xf32> to vector<1024x128xf32>
        %eq3A_840 = arith.cmpf oeq, %select_n3A_835, %eq3A_839 : vector<1024x128xf32>
        %jit3A_841 = arith.constant 1.000000e+04 : f32
        %broadcast_in_dim3A_842 = vector.shape_cast %convert_element_type3A_30 : vector<1x128xf32> to vector<1x128xf32>
        %broadcast_in_dim3A_843 = vector.broadcast %broadcast_in_dim3A_842 : vector<1x128xf32> to vector<1024x128xf32>
        %broadcast_in_dim3A_844 = vector.broadcast %jit3A_841 : f32 to vector<1024x128xf32>
        %select_n3A_845 = arith.select %eq3A_840, %broadcast_in_dim3A_843, %broadcast_in_dim3A_844 : vector<1024x128xi1>, vector<1024x128xf32>
        %reduce_min3A_846 = arith.constant dense<0x7F800000> : vector<1024xf32>
        %reduce_min3A_847 = vector.multi_reduction <minimumf>, %select_n3A_845, %reduce_min3A_846 [1] : vector<1024x128xf32> to vector<1024xf32>
        %broadcast_in_dim3A_848 = vector.shape_cast %reduce_min3A_847 : vector<1024xf32> to vector<1024x1xf32>
        %eq3A_849 = vector.broadcast %convert_element_type3A_30 : vector<1x128xf32> to vector<1024x128xf32>
        %eq3A_850 = vector.broadcast %broadcast_in_dim3A_848 : vector<1024x1xf32> to vector<1024x128xf32>
        %eq3A_851 = arith.cmpf oeq, %eq3A_849, %eq3A_850 : vector<1024x128xf32>
        %jit3A_852 = arith.constant 3.000000e+38 : f32
        %broadcast_in_dim3A_853 = vector.broadcast %jit3A_852 : f32 to vector<1024x128xf32>
        %select_n3A_854 = arith.select %eq3A_851, %broadcast_in_dim3A_853, %select_n3A_835 : vector<1024x128xi1>, vector<1024x128xf32>
        %swap3A_855 = arith.constant 0 : index
        %swap3A_856 = arith.constant 512 : index
        %swap3A_857 = vector.load %arg9[%swap3A_855, %swap3A_856] : memref<1024x4096xf32, #tpu.memory_space<vmem>>, vector<1024x128xf32>
        tpu.vector_store %arg9[%swap3A_855, %swap3A_856], %select_n3A_854 {strides = array<i32>} : memref<1024x4096xf32, #tpu.memory_space<vmem>>, vector<1024x128xf32>,
        %add3A_858 = arith.constant 5.120000e+02 : f32
        %add3A_859 = arith.addf %convert_element_type3A_33, %add3A_858 : f32
        %add3A_860 = vector.broadcast %add3A_859 : f32 to vector<1024x1xf32>
        %add3A_861 = arith.addf %add3A_860, %broadcast_in_dim3A_829 : vector<1024x1xf32>
        %add3A_862 = arith.constant 5.120000e+02 : f32
        %add3A_863 = arith.addf %convert_element_type3A_33, %add3A_862 : f32
        %add3A_864 = vector.broadcast %add3A_863 : f32 to vector<1024x1xf32>
        %add3A_865 = arith.addf %add3A_864, %broadcast_in_dim3A_848 : vector<1024x1xf32>
        %le3A = vector.broadcast %broadcast_in_dim3A_819 : vector<1024x1xf32> to vector<1024x64xf32>
        %le3A_866 = arith.cmpf ole, %get3A_814, %le3A : vector<1024x64xf32>
        %convert_element_type3A_867 = arith.extui %le3A_866 : vector<1024x64xi1> to vector<1024x64xi32>
        %convert_element_type3A_868 = arith.sitofp %convert_element_type3A_867 : vector<1024x64xi32> to vector<1024x64xf32>
        %reduce_sum3A_869 = arith.constant dense<0.000000e+00> : vector<1024xf32>
        %reduce_sum3A_870 = vector.multi_reduction <add>, %convert_element_type3A_868, %reduce_sum3A_869 [1] : vector<1024x64xf32> to vector<1024xf32>
        %broadcast_in_dim3A_871 = vector.shape_cast %reduce_sum3A_870 : vector<1024xf32> to vector<1024x1xf32>
        %le3A_872 = vector.broadcast %broadcast_in_dim3A_838 : vector<1024x1xf32> to vector<1024x64xf32>
        %le3A_873 = arith.cmpf ole, %get3A_814, %le3A_872 : vector<1024x64xf32>
        %convert_element_type3A_874 = arith.extui %le3A_873 : vector<1024x64xi1> to vector<1024x64xi32>
        %convert_element_type3A_875 = arith.sitofp %convert_element_type3A_874 : vector<1024x64xi32> to vector<1024x64xf32>
        %reduce_sum3A_876 = arith.constant dense<0.000000e+00> : vector<1024xf32>
        %reduce_sum3A_877 = vector.multi_reduction <add>, %convert_element_type3A_875, %reduce_sum3A_876 [1] : vector<1024x64xf32> to vector<1024xf32>
        %broadcast_in_dim3A_878 = vector.shape_cast %reduce_sum3A_877 : vector<1024xf32> to vector<1024x1xf32>
        %add3A_879 = arith.constant 1.000000e+00 : f32
        %add3A_880 = vector.broadcast %add3A_879 : f32 to vector<1024x1xf32>
        %add3A_881 = arith.addf %broadcast_in_dim3A_878, %add3A_880 : vector<1024x1xf32>
        %roll3A = arith.constant 1 : i32
        %roll3A_882 = tpu.dynamic_rotate %get3A_814 by %roll3A dim 1 : vector<1024x64xf32>, i32 -> vector<1024x64xf32>
        %roll3A_883 = arith.constant 2 : i32
        %roll3A_884 = tpu.dynamic_rotate %get3A_814 by %roll3A_883 dim 1 : vector<1024x64xf32>, i32 -> vector<1024x64xf32>
        %roll3A_885 = arith.constant 1 : i32
        %roll3A_886 = tpu.dynamic_rotate %get3A_817 by %roll3A_885 dim 1 : vector<1024x64xf32>, i32 -> vector<1024x64xf32>
        %roll3A_887 = arith.constant 2 : i32
        %roll3A_888 = tpu.dynamic_rotate %get3A_817 by %roll3A_887 dim 1 : vector<1024x64xf32>, i32 -> vector<1024x64xf32>
        %lt3A_889 = vector.broadcast %convert_element_type3A_28 : vector<1x64xf32> to vector<1024x64xf32>
        %lt3A_890 = vector.broadcast %broadcast_in_dim3A_871 : vector<1024x1xf32> to vector<1024x64xf32>
        %lt3A_891 = arith.cmpf olt, %lt3A_889, %lt3A_890 : vector<1024x64xf32>
        %eq3A_892 = vector.broadcast %convert_element_type3A_28 : vector<1x64xf32> to vector<1024x64xf32>
        %eq3A_893 = vector.broadcast %broadcast_in_dim3A_871 : vector<1024x1xf32> to vector<1024x64xf32>
        %eq3A_894 = arith.cmpf oeq, %eq3A_892, %eq3A_893 : vector<1024x64xf32>
        %lt3A_895 = vector.broadcast %convert_element_type3A_28 : vector<1x64xf32> to vector<1024x64xf32>
        %lt3A_896 = vector.broadcast %add3A_881 : vector<1024x1xf32> to vector<1024x64xf32>
        %lt3A_897 = arith.cmpf olt, %lt3A_895, %lt3A_896 : vector<1024x64xf32>
        %eq3A_898 = vector.broadcast %convert_element_type3A_28 : vector<1x64xf32> to vector<1024x64xf32>
        %eq3A_899 = vector.broadcast %add3A_881 : vector<1024x1xf32> to vector<1024x64xf32>
        %eq3A_900 = arith.cmpf oeq, %eq3A_898, %eq3A_899 : vector<1024x64xf32>
        %broadcast_in_dim3A_901 = vector.shape_cast %broadcast_in_dim3A_838 : vector<1024x1xf32> to vector<1024x1xf32>
        %broadcast_in_dim3A_902 = vector.broadcast %broadcast_in_dim3A_901 : vector<1024x1xf32> to vector<1024x64xf32>
        %select_n3A_903 = arith.select %eq3A_900, %broadcast_in_dim3A_902, %roll3A_884 : vector<1024x64xi1>, vector<1024x64xf32>
        %select_n3A_904 = arith.select %lt3A_897, %roll3A_882, %select_n3A_903 : vector<1024x64xi1>, vector<1024x64xf32>
        %broadcast_in_dim3A_905 = vector.shape_cast %broadcast_in_dim3A_819 : vector<1024x1xf32> to vector<1024x1xf32>
        %broadcast_in_dim3A_906 = vector.broadcast %broadcast_in_dim3A_905 : vector<1024x1xf32> to vector<1024x64xf32>
        %select_n3A_907 = arith.select %eq3A_894, %broadcast_in_dim3A_906, %select_n3A_904 : vector<1024x64xi1>, vector<1024x64xf32>
        %select_n3A_908 = arith.select %lt3A_891, %get3A_814, %select_n3A_907 : vector<1024x64xi1>, vector<1024x64xf32>
        %lt3A_909 = vector.broadcast %convert_element_type3A_28 : vector<1x64xf32> to vector<1024x64xf32>
        %lt3A_910 = vector.broadcast %broadcast_in_dim3A_871 : vector<1024x1xf32> to vector<1024x64xf32>
        %lt3A_911 = arith.cmpf olt, %lt3A_909, %lt3A_910 : vector<1024x64xf32>
        %eq3A_912 = vector.broadcast %convert_element_type3A_28 : vector<1x64xf32> to vector<1024x64xf32>
        %eq3A_913 = vector.broadcast %broadcast_in_dim3A_871 : vector<1024x1xf32> to vector<1024x64xf32>
        %eq3A_914 = arith.cmpf oeq, %eq3A_912, %eq3A_913 : vector<1024x64xf32>
        %lt3A_915 = vector.broadcast %convert_element_type3A_28 : vector<1x64xf32> to vector<1024x64xf32>
        %lt3A_916 = vector.broadcast %add3A_881 : vector<1024x1xf32> to vector<1024x64xf32>
        %lt3A_917 = arith.cmpf olt, %lt3A_915, %lt3A_916 : vector<1024x64xf32>
        %eq3A_918 = vector.broadcast %convert_element_type3A_28 : vector<1x64xf32> to vector<1024x64xf32>
        %eq3A_919 = vector.broadcast %add3A_881 : vector<1024x1xf32> to vector<1024x64xf32>
        %eq3A_920 = arith.cmpf oeq, %eq3A_918, %eq3A_919 : vector<1024x64xf32>
        %broadcast_in_dim3A_921 = vector.shape_cast %add3A_865 : vector<1024x1xf32> to vector<1024x1xf32>
        %broadcast_in_dim3A_922 = vector.broadcast %broadcast_in_dim3A_921 : vector<1024x1xf32> to vector<1024x64xf32>
        %select_n3A_923 = arith.select %eq3A_920, %broadcast_in_dim3A_922, %roll3A_888 : vector<1024x64xi1>, vector<1024x64xf32>
        %select_n3A_924 = arith.select %lt3A_917, %roll3A_886, %select_n3A_923 : vector<1024x64xi1>, vector<1024x64xf32>
        %broadcast_in_dim3A_925 = vector.shape_cast %add3A_861 : vector<1024x1xf32> to vector<1024x1xf32>
        %broadcast_in_dim3A_926 = vector.broadcast %broadcast_in_dim3A_925 : vector<1024x1xf32> to vector<1024x64xf32>
        %select_n3A_927 = arith.select %eq3A_914, %broadcast_in_dim3A_926, %select_n3A_924 : vector<1024x64xi1>, vector<1024x64xf32>
        %select_n3A_928 = arith.select %lt3A_911, %get3A_817, %select_n3A_927 : vector<1024x64xi1>, vector<1024x64xf32>
        %swap3A_929 = arith.constant 0 : index
        %swap3A_930 = arith.constant 0 : index
        %swap3A_931 = vector.load %arg7[%swap3A_929, %swap3A_930] : memref<1024x64xf32, #tpu.memory_space<vmem>>, vector<1024x64xf32>
        tpu.vector_store %arg7[%swap3A_929, %swap3A_930], %select_n3A_908 {strides = array<i32>} : memref<1024x64xf32, #tpu.memory_space<vmem>>, vector<1024x64xf32>,
        %swap3A_932 = arith.constant 0 : index
        %swap3A_933 = arith.constant 0 : index
        %swap3A_934 = vector.load %arg8[%swap3A_932, %swap3A_933] : memref<1024x64xf32, #tpu.memory_space<vmem>>, vector<1024x64xf32>
        tpu.vector_store %arg8[%swap3A_932, %swap3A_933], %select_n3A_928 {strides = array<i32>} : memref<1024x64xf32, #tpu.memory_space<vmem>>, vector<1024x64xf32>,
      } else {
      }
      %get3A_171 = arith.constant 0 : index
      %get3A_172 = arith.constant 640 : index
      %get3A_173 = vector.load %arg9[%get3A_171, %get3A_172] : memref<1024x4096xf32, #tpu.memory_space<vmem>>, vector<1024x128xf32>
      %get3A_174 = arith.constant 0 : index
      %get3A_175 = arith.constant 63 : index
      %get3A_176 = vector.load %arg7[%get3A_174, %get3A_175] : memref<1024x64xf32, #tpu.memory_space<vmem>>, vector<1024x1xf32>
      %lt3A_177 = vector.broadcast %get3A_176 : vector<1024x1xf32> to vector<1024x128xf32>
      %lt3A_178 = arith.cmpf olt, %get3A_173, %lt3A_177 : vector<1024x128xf32>
      %reduce_or3A_179 = arith.constant 1.000000e+00 : f32
      %reduce_or3A_180 = arith.constant 0.000000e+00 : f32
      %reduce_or3A_181 = vector.broadcast %reduce_or3A_179 : f32 to vector<1024x128xf32>
      %reduce_or3A_182 = vector.broadcast %reduce_or3A_180 : f32 to vector<1024x128xf32>
      %reduce_or3A_183 = arith.select %lt3A_178, %reduce_or3A_181, %reduce_or3A_182 : vector<1024x128xi1>, vector<1024x128xf32>
      %reduce_or3A_184 = vector.shape_cast %reduce_or3A_183 : vector<1024x128xf32> to vector<1x1024x128xf32>
      %reduce_or3A_185 = arith.constant dense<0xFF800000> : vector<1xf32>
      %reduce_or3A_186 = vector.multi_reduction <maximumf>, %reduce_or3A_184, %reduce_or3A_185 [1, 2] : vector<1x1024x128xf32> to vector<1xf32>
      %reduce_or3A_187 = vector.shape_cast %reduce_or3A_186 : vector<1xf32> to vector<1x1x1xf32>
      %reduce_or3A_188 = vector.extract %reduce_or3A_187[0, 0, 0] : f32 from vector<1x1x1xf32>
      %reduce_or3A_189 = arith.constant 0.000000e+00 : f32
      %reduce_or3A_190 = arith.cmpf ogt, %reduce_or3A_188, %reduce_or3A_189 : f32
      %convert_element_type3A_191 = arith.extui %reduce_or3A_190 : i1 to i32
      %cond3A_192 = arith.constant 0 : i32
      %cond3A_193 = arith.cmpi ne, %convert_element_type3A_191, %cond3A_192 : i32
      scf.if %cond3A_193 {
        %get3A_812 = arith.constant 0 : index
        %get3A_813 = arith.constant 0 : index
        %get3A_814 = vector.load %arg7[%get3A_812, %get3A_813] : memref<1024x64xf32, #tpu.memory_space<vmem>>, vector<1024x64xf32>
        %get3A_815 = arith.constant 0 : index
        %get3A_816 = arith.constant 0 : index
        %get3A_817 = vector.load %arg8[%get3A_815, %get3A_816] : memref<1024x64xf32, #tpu.memory_space<vmem>>, vector<1024x64xf32>
        %reduce_min3A = arith.constant dense<0x7F800000> : vector<1024xf32>
        %reduce_min3A_818 = vector.multi_reduction <minimumf>, %get3A_173, %reduce_min3A [1] : vector<1024x128xf32> to vector<1024xf32>
        %broadcast_in_dim3A_819 = vector.shape_cast %reduce_min3A_818 : vector<1024xf32> to vector<1024x1xf32>
        %eq3A_820 = vector.broadcast %broadcast_in_dim3A_819 : vector<1024x1xf32> to vector<1024x128xf32>
        %eq3A_821 = arith.cmpf oeq, %get3A_173, %eq3A_820 : vector<1024x128xf32>
        %jit3A_822 = arith.constant 1.000000e+04 : f32
        %broadcast_in_dim3A_823 = vector.shape_cast %convert_element_type3A_30 : vector<1x128xf32> to vector<1x128xf32>
        %broadcast_in_dim3A_824 = vector.broadcast %broadcast_in_dim3A_823 : vector<1x128xf32> to vector<1024x128xf32>
        %broadcast_in_dim3A_825 = vector.broadcast %jit3A_822 : f32 to vector<1024x128xf32>
        %select_n3A_826 = arith.select %eq3A_821, %broadcast_in_dim3A_824, %broadcast_in_dim3A_825 : vector<1024x128xi1>, vector<1024x128xf32>
        %reduce_min3A_827 = arith.constant dense<0x7F800000> : vector<1024xf32>
        %reduce_min3A_828 = vector.multi_reduction <minimumf>, %select_n3A_826, %reduce_min3A_827 [1] : vector<1024x128xf32> to vector<1024xf32>
        %broadcast_in_dim3A_829 = vector.shape_cast %reduce_min3A_828 : vector<1024xf32> to vector<1024x1xf32>
        %eq3A_830 = vector.broadcast %convert_element_type3A_30 : vector<1x128xf32> to vector<1024x128xf32>
        %eq3A_831 = vector.broadcast %broadcast_in_dim3A_829 : vector<1024x1xf32> to vector<1024x128xf32>
        %eq3A_832 = arith.cmpf oeq, %eq3A_830, %eq3A_831 : vector<1024x128xf32>
        %jit3A_833 = arith.constant 3.000000e+38 : f32
        %broadcast_in_dim3A_834 = vector.broadcast %jit3A_833 : f32 to vector<1024x128xf32>
        %select_n3A_835 = arith.select %eq3A_832, %broadcast_in_dim3A_834, %get3A_173 : vector<1024x128xi1>, vector<1024x128xf32>
        %reduce_min3A_836 = arith.constant dense<0x7F800000> : vector<1024xf32>
        %reduce_min3A_837 = vector.multi_reduction <minimumf>, %select_n3A_835, %reduce_min3A_836 [1] : vector<1024x128xf32> to vector<1024xf32>
        %broadcast_in_dim3A_838 = vector.shape_cast %reduce_min3A_837 : vector<1024xf32> to vector<1024x1xf32>
        %eq3A_839 = vector.broadcast %broadcast_in_dim3A_838 : vector<1024x1xf32> to vector<1024x128xf32>
        %eq3A_840 = arith.cmpf oeq, %select_n3A_835, %eq3A_839 : vector<1024x128xf32>
        %jit3A_841 = arith.constant 1.000000e+04 : f32
        %broadcast_in_dim3A_842 = vector.shape_cast %convert_element_type3A_30 : vector<1x128xf32> to vector<1x128xf32>
        %broadcast_in_dim3A_843 = vector.broadcast %broadcast_in_dim3A_842 : vector<1x128xf32> to vector<1024x128xf32>
        %broadcast_in_dim3A_844 = vector.broadcast %jit3A_841 : f32 to vector<1024x128xf32>
        %select_n3A_845 = arith.select %eq3A_840, %broadcast_in_dim3A_843, %broadcast_in_dim3A_844 : vector<1024x128xi1>, vector<1024x128xf32>
        %reduce_min3A_846 = arith.constant dense<0x7F800000> : vector<1024xf32>
        %reduce_min3A_847 = vector.multi_reduction <minimumf>, %select_n3A_845, %reduce_min3A_846 [1] : vector<1024x128xf32> to vector<1024xf32>
        %broadcast_in_dim3A_848 = vector.shape_cast %reduce_min3A_847 : vector<1024xf32> to vector<1024x1xf32>
        %eq3A_849 = vector.broadcast %convert_element_type3A_30 : vector<1x128xf32> to vector<1024x128xf32>
        %eq3A_850 = vector.broadcast %broadcast_in_dim3A_848 : vector<1024x1xf32> to vector<1024x128xf32>
        %eq3A_851 = arith.cmpf oeq, %eq3A_849, %eq3A_850 : vector<1024x128xf32>
        %jit3A_852 = arith.constant 3.000000e+38 : f32
        %broadcast_in_dim3A_853 = vector.broadcast %jit3A_852 : f32 to vector<1024x128xf32>
        %select_n3A_854 = arith.select %eq3A_851, %broadcast_in_dim3A_853, %select_n3A_835 : vector<1024x128xi1>, vector<1024x128xf32>
        %swap3A_855 = arith.constant 0 : index
        %swap3A_856 = arith.constant 640 : index
        %swap3A_857 = vector.load %arg9[%swap3A_855, %swap3A_856] : memref<1024x4096xf32, #tpu.memory_space<vmem>>, vector<1024x128xf32>
        tpu.vector_store %arg9[%swap3A_855, %swap3A_856], %select_n3A_854 {strides = array<i32>} : memref<1024x4096xf32, #tpu.memory_space<vmem>>, vector<1024x128xf32>,
        %add3A_858 = arith.constant 6.400000e+02 : f32
        %add3A_859 = arith.addf %convert_element_type3A_33, %add3A_858 : f32
        %add3A_860 = vector.broadcast %add3A_859 : f32 to vector<1024x1xf32>
        %add3A_861 = arith.addf %add3A_860, %broadcast_in_dim3A_829 : vector<1024x1xf32>
        %add3A_862 = arith.constant 6.400000e+02 : f32
        %add3A_863 = arith.addf %convert_element_type3A_33, %add3A_862 : f32
        %add3A_864 = vector.broadcast %add3A_863 : f32 to vector<1024x1xf32>
        %add3A_865 = arith.addf %add3A_864, %broadcast_in_dim3A_848 : vector<1024x1xf32>
        %le3A = vector.broadcast %broadcast_in_dim3A_819 : vector<1024x1xf32> to vector<1024x64xf32>
        %le3A_866 = arith.cmpf ole, %get3A_814, %le3A : vector<1024x64xf32>
        %convert_element_type3A_867 = arith.extui %le3A_866 : vector<1024x64xi1> to vector<1024x64xi32>
        %convert_element_type3A_868 = arith.sitofp %convert_element_type3A_867 : vector<1024x64xi32> to vector<1024x64xf32>
        %reduce_sum3A_869 = arith.constant dense<0.000000e+00> : vector<1024xf32>
        %reduce_sum3A_870 = vector.multi_reduction <add>, %convert_element_type3A_868, %reduce_sum3A_869 [1] : vector<1024x64xf32> to vector<1024xf32>
        %broadcast_in_dim3A_871 = vector.shape_cast %reduce_sum3A_870 : vector<1024xf32> to vector<1024x1xf32>
        %le3A_872 = vector.broadcast %broadcast_in_dim3A_838 : vector<1024x1xf32> to vector<1024x64xf32>
        %le3A_873 = arith.cmpf ole, %get3A_814, %le3A_872 : vector<1024x64xf32>
        %convert_element_type3A_874 = arith.extui %le3A_873 : vector<1024x64xi1> to vector<1024x64xi32>
        %convert_element_type3A_875 = arith.sitofp %convert_element_type3A_874 : vector<1024x64xi32> to vector<1024x64xf32>
        %reduce_sum3A_876 = arith.constant dense<0.000000e+00> : vector<1024xf32>
        %reduce_sum3A_877 = vector.multi_reduction <add>, %convert_element_type3A_875, %reduce_sum3A_876 [1] : vector<1024x64xf32> to vector<1024xf32>
        %broadcast_in_dim3A_878 = vector.shape_cast %reduce_sum3A_877 : vector<1024xf32> to vector<1024x1xf32>
        %add3A_879 = arith.constant 1.000000e+00 : f32
        %add3A_880 = vector.broadcast %add3A_879 : f32 to vector<1024x1xf32>
        %add3A_881 = arith.addf %broadcast_in_dim3A_878, %add3A_880 : vector<1024x1xf32>
        %roll3A = arith.constant 1 : i32
        %roll3A_882 = tpu.dynamic_rotate %get3A_814 by %roll3A dim 1 : vector<1024x64xf32>, i32 -> vector<1024x64xf32>
        %roll3A_883 = arith.constant 2 : i32
        %roll3A_884 = tpu.dynamic_rotate %get3A_814 by %roll3A_883 dim 1 : vector<1024x64xf32>, i32 -> vector<1024x64xf32>
        %roll3A_885 = arith.constant 1 : i32
        %roll3A_886 = tpu.dynamic_rotate %get3A_817 by %roll3A_885 dim 1 : vector<1024x64xf32>, i32 -> vector<1024x64xf32>
        %roll3A_887 = arith.constant 2 : i32
        %roll3A_888 = tpu.dynamic_rotate %get3A_817 by %roll3A_887 dim 1 : vector<1024x64xf32>, i32 -> vector<1024x64xf32>
        %lt3A_889 = vector.broadcast %convert_element_type3A_28 : vector<1x64xf32> to vector<1024x64xf32>
        %lt3A_890 = vector.broadcast %broadcast_in_dim3A_871 : vector<1024x1xf32> to vector<1024x64xf32>
        %lt3A_891 = arith.cmpf olt, %lt3A_889, %lt3A_890 : vector<1024x64xf32>
        %eq3A_892 = vector.broadcast %convert_element_type3A_28 : vector<1x64xf32> to vector<1024x64xf32>
        %eq3A_893 = vector.broadcast %broadcast_in_dim3A_871 : vector<1024x1xf32> to vector<1024x64xf32>
        %eq3A_894 = arith.cmpf oeq, %eq3A_892, %eq3A_893 : vector<1024x64xf32>
        %lt3A_895 = vector.broadcast %convert_element_type3A_28 : vector<1x64xf32> to vector<1024x64xf32>
        %lt3A_896 = vector.broadcast %add3A_881 : vector<1024x1xf32> to vector<1024x64xf32>
        %lt3A_897 = arith.cmpf olt, %lt3A_895, %lt3A_896 : vector<1024x64xf32>
        %eq3A_898 = vector.broadcast %convert_element_type3A_28 : vector<1x64xf32> to vector<1024x64xf32>
        %eq3A_899 = vector.broadcast %add3A_881 : vector<1024x1xf32> to vector<1024x64xf32>
        %eq3A_900 = arith.cmpf oeq, %eq3A_898, %eq3A_899 : vector<1024x64xf32>
        %broadcast_in_dim3A_901 = vector.shape_cast %broadcast_in_dim3A_838 : vector<1024x1xf32> to vector<1024x1xf32>
        %broadcast_in_dim3A_902 = vector.broadcast %broadcast_in_dim3A_901 : vector<1024x1xf32> to vector<1024x64xf32>
        %select_n3A_903 = arith.select %eq3A_900, %broadcast_in_dim3A_902, %roll3A_884 : vector<1024x64xi1>, vector<1024x64xf32>
        %select_n3A_904 = arith.select %lt3A_897, %roll3A_882, %select_n3A_903 : vector<1024x64xi1>, vector<1024x64xf32>
        %broadcast_in_dim3A_905 = vector.shape_cast %broadcast_in_dim3A_819 : vector<1024x1xf32> to vector<1024x1xf32>
        %broadcast_in_dim3A_906 = vector.broadcast %broadcast_in_dim3A_905 : vector<1024x1xf32> to vector<1024x64xf32>
        %select_n3A_907 = arith.select %eq3A_894, %broadcast_in_dim3A_906, %select_n3A_904 : vector<1024x64xi1>, vector<1024x64xf32>
        %select_n3A_908 = arith.select %lt3A_891, %get3A_814, %select_n3A_907 : vector<1024x64xi1>, vector<1024x64xf32>
        %lt3A_909 = vector.broadcast %convert_element_type3A_28 : vector<1x64xf32> to vector<1024x64xf32>
        %lt3A_910 = vector.broadcast %broadcast_in_dim3A_871 : vector<1024x1xf32> to vector<1024x64xf32>
        %lt3A_911 = arith.cmpf olt, %lt3A_909, %lt3A_910 : vector<1024x64xf32>
        %eq3A_912 = vector.broadcast %convert_element_type3A_28 : vector<1x64xf32> to vector<1024x64xf32>
        %eq3A_913 = vector.broadcast %broadcast_in_dim3A_871 : vector<1024x1xf32> to vector<1024x64xf32>
        %eq3A_914 = arith.cmpf oeq, %eq3A_912, %eq3A_913 : vector<1024x64xf32>
        %lt3A_915 = vector.broadcast %convert_element_type3A_28 : vector<1x64xf32> to vector<1024x64xf32>
        %lt3A_916 = vector.broadcast %add3A_881 : vector<1024x1xf32> to vector<1024x64xf32>
        %lt3A_917 = arith.cmpf olt, %lt3A_915, %lt3A_916 : vector<1024x64xf32>
        %eq3A_918 = vector.broadcast %convert_element_type3A_28 : vector<1x64xf32> to vector<1024x64xf32>
        %eq3A_919 = vector.broadcast %add3A_881 : vector<1024x1xf32> to vector<1024x64xf32>
        %eq3A_920 = arith.cmpf oeq, %eq3A_918, %eq3A_919 : vector<1024x64xf32>
        %broadcast_in_dim3A_921 = vector.shape_cast %add3A_865 : vector<1024x1xf32> to vector<1024x1xf32>
        %broadcast_in_dim3A_922 = vector.broadcast %broadcast_in_dim3A_921 : vector<1024x1xf32> to vector<1024x64xf32>
        %select_n3A_923 = arith.select %eq3A_920, %broadcast_in_dim3A_922, %roll3A_888 : vector<1024x64xi1>, vector<1024x64xf32>
        %select_n3A_924 = arith.select %lt3A_917, %roll3A_886, %select_n3A_923 : vector<1024x64xi1>, vector<1024x64xf32>
        %broadcast_in_dim3A_925 = vector.shape_cast %add3A_861 : vector<1024x1xf32> to vector<1024x1xf32>
        %broadcast_in_dim3A_926 = vector.broadcast %broadcast_in_dim3A_925 : vector<1024x1xf32> to vector<1024x64xf32>
        %select_n3A_927 = arith.select %eq3A_914, %broadcast_in_dim3A_926, %select_n3A_924 : vector<1024x64xi1>, vector<1024x64xf32>
        %select_n3A_928 = arith.select %lt3A_911, %get3A_817, %select_n3A_927 : vector<1024x64xi1>, vector<1024x64xf32>
        %swap3A_929 = arith.constant 0 : index
        %swap3A_930 = arith.constant 0 : index
        %swap3A_931 = vector.load %arg7[%swap3A_929, %swap3A_930] : memref<1024x64xf32, #tpu.memory_space<vmem>>, vector<1024x64xf32>
        tpu.vector_store %arg7[%swap3A_929, %swap3A_930], %select_n3A_908 {strides = array<i32>} : memref<1024x64xf32, #tpu.memory_space<vmem>>, vector<1024x64xf32>,
        %swap3A_932 = arith.constant 0 : index
        %swap3A_933 = arith.constant 0 : index
        %swap3A_934 = vector.load %arg8[%swap3A_932, %swap3A_933] : memref<1024x64xf32, #tpu.memory_space<vmem>>, vector<1024x64xf32>
        tpu.vector_store %arg8[%swap3A_932, %swap3A_933], %select_n3A_928 {strides = array<i32>} : memref<1024x64xf32, #tpu.memory_space<vmem>>, vector<1024x64xf32>,
      } else {
      }
      %get3A_194 = arith.constant 0 : index
      %get3A_195 = arith.constant 768 : index
      %get3A_196 = vector.load %arg9[%get3A_194, %get3A_195] : memref<1024x4096xf32, #tpu.memory_space<vmem>>, vector<1024x128xf32>
      %get3A_197 = arith.constant 0 : index
      %get3A_198 = arith.constant 63 : index
      %get3A_199 = vector.load %arg7[%get3A_197, %get3A_198] : memref<1024x64xf32, #tpu.memory_space<vmem>>, vector<1024x1xf32>
      %lt3A_200 = vector.broadcast %get3A_199 : vector<1024x1xf32> to vector<1024x128xf32>
      %lt3A_201 = arith.cmpf olt, %get3A_196, %lt3A_200 : vector<1024x128xf32>
      %reduce_or3A_202 = arith.constant 1.000000e+00 : f32
      %reduce_or3A_203 = arith.constant 0.000000e+00 : f32
      %reduce_or3A_204 = vector.broadcast %reduce_or3A_202 : f32 to vector<1024x128xf32>
      %reduce_or3A_205 = vector.broadcast %reduce_or3A_203 : f32 to vector<1024x128xf32>
      %reduce_or3A_206 = arith.select %lt3A_201, %reduce_or3A_204, %reduce_or3A_205 : vector<1024x128xi1>, vector<1024x128xf32>
      %reduce_or3A_207 = vector.shape_cast %reduce_or3A_206 : vector<1024x128xf32> to vector<1x1024x128xf32>
      %reduce_or3A_208 = arith.constant dense<0xFF800000> : vector<1xf32>
      %reduce_or3A_209 = vector.multi_reduction <maximumf>, %reduce_or3A_207, %reduce_or3A_208 [1, 2] : vector<1x1024x128xf32> to vector<1xf32>
      %reduce_or3A_210 = vector.shape_cast %reduce_or3A_209 : vector<1xf32> to vector<1x1x1xf32>
      %reduce_or3A_211 = vector.extract %reduce_or3A_210[0, 0, 0] : f32 from vector<1x1x1xf32>
      %reduce_or3A_212 = arith.constant 0.000000e+00 : f32
      %reduce_or3A_213 = arith.cmpf ogt, %reduce_or3A_211, %reduce_or3A_212 : f32
      %convert_element_type3A_214 = arith.extui %reduce_or3A_213 : i1 to i32
      %cond3A_215 = arith.constant 0 : i32
      %cond3A_216 = arith.cmpi ne, %convert_element_type3A_214, %cond3A_215 : i32
      scf.if %cond3A_216 {
        %get3A_812 = arith.constant 0 : index
        %get3A_813 = arith.constant 0 : index
        %get3A_814 = vector.load %arg7[%get3A_812, %get3A_813] : memref<1024x64xf32, #tpu.memory_space<vmem>>, vector<1024x64xf32>
        %get3A_815 = arith.constant 0 : index
        %get3A_816 = arith.constant 0 : index
        %get3A_817 = vector.load %arg8[%get3A_815, %get3A_816] : memref<1024x64xf32, #tpu.memory_space<vmem>>, vector<1024x64xf32>
        %reduce_min3A = arith.constant dense<0x7F800000> : vector<1024xf32>
        %reduce_min3A_818 = vector.multi_reduction <minimumf>, %get3A_196, %reduce_min3A [1] : vector<1024x128xf32> to vector<1024xf32>
        %broadcast_in_dim3A_819 = vector.shape_cast %reduce_min3A_818 : vector<1024xf32> to vector<1024x1xf32>
        %eq3A_820 = vector.broadcast %broadcast_in_dim3A_819 : vector<1024x1xf32> to vector<1024x128xf32>
        %eq3A_821 = arith.cmpf oeq, %get3A_196, %eq3A_820 : vector<1024x128xf32>
        %jit3A_822 = arith.constant 1.000000e+04 : f32
        %broadcast_in_dim3A_823 = vector.shape_cast %convert_element_type3A_30 : vector<1x128xf32> to vector<1x128xf32>
        %broadcast_in_dim3A_824 = vector.broadcast %broadcast_in_dim3A_823 : vector<1x128xf32> to vector<1024x128xf32>
        %broadcast_in_dim3A_825 = vector.broadcast %jit3A_822 : f32 to vector<1024x128xf32>
        %select_n3A_826 = arith.select %eq3A_821, %broadcast_in_dim3A_824, %broadcast_in_dim3A_825 : vector<1024x128xi1>, vector<1024x128xf32>
        %reduce_min3A_827 = arith.constant dense<0x7F800000> : vector<1024xf32>
        %reduce_min3A_828 = vector.multi_reduction <minimumf>, %select_n3A_826, %reduce_min3A_827 [1] : vector<1024x128xf32> to vector<1024xf32>
        %broadcast_in_dim3A_829 = vector.shape_cast %reduce_min3A_828 : vector<1024xf32> to vector<1024x1xf32>
        %eq3A_830 = vector.broadcast %convert_element_type3A_30 : vector<1x128xf32> to vector<1024x128xf32>
        %eq3A_831 = vector.broadcast %broadcast_in_dim3A_829 : vector<1024x1xf32> to vector<1024x128xf32>
        %eq3A_832 = arith.cmpf oeq, %eq3A_830, %eq3A_831 : vector<1024x128xf32>
        %jit3A_833 = arith.constant 3.000000e+38 : f32
        %broadcast_in_dim3A_834 = vector.broadcast %jit3A_833 : f32 to vector<1024x128xf32>
        %select_n3A_835 = arith.select %eq3A_832, %broadcast_in_dim3A_834, %get3A_196 : vector<1024x128xi1>, vector<1024x128xf32>
        %reduce_min3A_836 = arith.constant dense<0x7F800000> : vector<1024xf32>
        %reduce_min3A_837 = vector.multi_reduction <minimumf>, %select_n3A_835, %reduce_min3A_836 [1] : vector<1024x128xf32> to vector<1024xf32>
        %broadcast_in_dim3A_838 = vector.shape_cast %reduce_min3A_837 : vector<1024xf32> to vector<1024x1xf32>
        %eq3A_839 = vector.broadcast %broadcast_in_dim3A_838 : vector<1024x1xf32> to vector<1024x128xf32>
        %eq3A_840 = arith.cmpf oeq, %select_n3A_835, %eq3A_839 : vector<1024x128xf32>
        %jit3A_841 = arith.constant 1.000000e+04 : f32
        %broadcast_in_dim3A_842 = vector.shape_cast %convert_element_type3A_30 : vector<1x128xf32> to vector<1x128xf32>
        %broadcast_in_dim3A_843 = vector.broadcast %broadcast_in_dim3A_842 : vector<1x128xf32> to vector<1024x128xf32>
        %broadcast_in_dim3A_844 = vector.broadcast %jit3A_841 : f32 to vector<1024x128xf32>
        %select_n3A_845 = arith.select %eq3A_840, %broadcast_in_dim3A_843, %broadcast_in_dim3A_844 : vector<1024x128xi1>, vector<1024x128xf32>
        %reduce_min3A_846 = arith.constant dense<0x7F800000> : vector<1024xf32>
        %reduce_min3A_847 = vector.multi_reduction <minimumf>, %select_n3A_845, %reduce_min3A_846 [1] : vector<1024x128xf32> to vector<1024xf32>
        %broadcast_in_dim3A_848 = vector.shape_cast %reduce_min3A_847 : vector<1024xf32> to vector<1024x1xf32>
        %eq3A_849 = vector.broadcast %convert_element_type3A_30 : vector<1x128xf32> to vector<1024x128xf32>
        %eq3A_850 = vector.broadcast %broadcast_in_dim3A_848 : vector<1024x1xf32> to vector<1024x128xf32>
        %eq3A_851 = arith.cmpf oeq, %eq3A_849, %eq3A_850 : vector<1024x128xf32>
        %jit3A_852 = arith.constant 3.000000e+38 : f32
        %broadcast_in_dim3A_853 = vector.broadcast %jit3A_852 : f32 to vector<1024x128xf32>
        %select_n3A_854 = arith.select %eq3A_851, %broadcast_in_dim3A_853, %select_n3A_835 : vector<1024x128xi1>, vector<1024x128xf32>
        %swap3A_855 = arith.constant 0 : index
        %swap3A_856 = arith.constant 768 : index
        %swap3A_857 = vector.load %arg9[%swap3A_855, %swap3A_856] : memref<1024x4096xf32, #tpu.memory_space<vmem>>, vector<1024x128xf32>
        tpu.vector_store %arg9[%swap3A_855, %swap3A_856], %select_n3A_854 {strides = array<i32>} : memref<1024x4096xf32, #tpu.memory_space<vmem>>, vector<1024x128xf32>,
        %add3A_858 = arith.constant 7.680000e+02 : f32
        %add3A_859 = arith.addf %convert_element_type3A_33, %add3A_858 : f32
        %add3A_860 = vector.broadcast %add3A_859 : f32 to vector<1024x1xf32>
        %add3A_861 = arith.addf %add3A_860, %broadcast_in_dim3A_829 : vector<1024x1xf32>
        %add3A_862 = arith.constant 7.680000e+02 : f32
        %add3A_863 = arith.addf %convert_element_type3A_33, %add3A_862 : f32
        %add3A_864 = vector.broadcast %add3A_863 : f32 to vector<1024x1xf32>
        %add3A_865 = arith.addf %add3A_864, %broadcast_in_dim3A_848 : vector<1024x1xf32>
        %le3A = vector.broadcast %broadcast_in_dim3A_819 : vector<1024x1xf32> to vector<1024x64xf32>
        %le3A_866 = arith.cmpf ole, %get3A_814, %le3A : vector<1024x64xf32>
        %convert_element_type3A_867 = arith.extui %le3A_866 : vector<1024x64xi1> to vector<1024x64xi32>
        %convert_element_type3A_868 = arith.sitofp %convert_element_type3A_867 : vector<1024x64xi32> to vector<1024x64xf32>
        %reduce_sum3A_869 = arith.constant dense<0.000000e+00> : vector<1024xf32>
        %reduce_sum3A_870 = vector.multi_reduction <add>, %convert_element_type3A_868, %reduce_sum3A_869 [1] : vector<1024x64xf32> to vector<1024xf32>
        %broadcast_in_dim3A_871 = vector.shape_cast %reduce_sum3A_870 : vector<1024xf32> to vector<1024x1xf32>
        %le3A_872 = vector.broadcast %broadcast_in_dim3A_838 : vector<1024x1xf32> to vector<1024x64xf32>
        %le3A_873 = arith.cmpf ole, %get3A_814, %le3A_872 : vector<1024x64xf32>
        %convert_element_type3A_874 = arith.extui %le3A_873 : vector<1024x64xi1> to vector<1024x64xi32>
        %convert_element_type3A_875 = arith.sitofp %convert_element_type3A_874 : vector<1024x64xi32> to vector<1024x64xf32>
        %reduce_sum3A_876 = arith.constant dense<0.000000e+00> : vector<1024xf32>
        %reduce_sum3A_877 = vector.multi_reduction <add>, %convert_element_type3A_875, %reduce_sum3A_876 [1] : vector<1024x64xf32> to vector<1024xf32>
        %broadcast_in_dim3A_878 = vector.shape_cast %reduce_sum3A_877 : vector<1024xf32> to vector<1024x1xf32>
        %add3A_879 = arith.constant 1.000000e+00 : f32
        %add3A_880 = vector.broadcast %add3A_879 : f32 to vector<1024x1xf32>
        %add3A_881 = arith.addf %broadcast_in_dim3A_878, %add3A_880 : vector<1024x1xf32>
        %roll3A = arith.constant 1 : i32
        %roll3A_882 = tpu.dynamic_rotate %get3A_814 by %roll3A dim 1 : vector<1024x64xf32>, i32 -> vector<1024x64xf32>
        %roll3A_883 = arith.constant 2 : i32
        %roll3A_884 = tpu.dynamic_rotate %get3A_814 by %roll3A_883 dim 1 : vector<1024x64xf32>, i32 -> vector<1024x64xf32>
        %roll3A_885 = arith.constant 1 : i32
        %roll3A_886 = tpu.dynamic_rotate %get3A_817 by %roll3A_885 dim 1 : vector<1024x64xf32>, i32 -> vector<1024x64xf32>
        %roll3A_887 = arith.constant 2 : i32
        %roll3A_888 = tpu.dynamic_rotate %get3A_817 by %roll3A_887 dim 1 : vector<1024x64xf32>, i32 -> vector<1024x64xf32>
        %lt3A_889 = vector.broadcast %convert_element_type3A_28 : vector<1x64xf32> to vector<1024x64xf32>
        %lt3A_890 = vector.broadcast %broadcast_in_dim3A_871 : vector<1024x1xf32> to vector<1024x64xf32>
        %lt3A_891 = arith.cmpf olt, %lt3A_889, %lt3A_890 : vector<1024x64xf32>
        %eq3A_892 = vector.broadcast %convert_element_type3A_28 : vector<1x64xf32> to vector<1024x64xf32>
        %eq3A_893 = vector.broadcast %broadcast_in_dim3A_871 : vector<1024x1xf32> to vector<1024x64xf32>
        %eq3A_894 = arith.cmpf oeq, %eq3A_892, %eq3A_893 : vector<1024x64xf32>
        %lt3A_895 = vector.broadcast %convert_element_type3A_28 : vector<1x64xf32> to vector<1024x64xf32>
        %lt3A_896 = vector.broadcast %add3A_881 : vector<1024x1xf32> to vector<1024x64xf32>
        %lt3A_897 = arith.cmpf olt, %lt3A_895, %lt3A_896 : vector<1024x64xf32>
        %eq3A_898 = vector.broadcast %convert_element_type3A_28 : vector<1x64xf32> to vector<1024x64xf32>
        %eq3A_899 = vector.broadcast %add3A_881 : vector<1024x1xf32> to vector<1024x64xf32>
        %eq3A_900 = arith.cmpf oeq, %eq3A_898, %eq3A_899 : vector<1024x64xf32>
        %broadcast_in_dim3A_901 = vector.shape_cast %broadcast_in_dim3A_838 : vector<1024x1xf32> to vector<1024x1xf32>
        %broadcast_in_dim3A_902 = vector.broadcast %broadcast_in_dim3A_901 : vector<1024x1xf32> to vector<1024x64xf32>
        %select_n3A_903 = arith.select %eq3A_900, %broadcast_in_dim3A_902, %roll3A_884 : vector<1024x64xi1>, vector<1024x64xf32>
        %select_n3A_904 = arith.select %lt3A_897, %roll3A_882, %select_n3A_903 : vector<1024x64xi1>, vector<1024x64xf32>
        %broadcast_in_dim3A_905 = vector.shape_cast %broadcast_in_dim3A_819 : vector<1024x1xf32> to vector<1024x1xf32>
        %broadcast_in_dim3A_906 = vector.broadcast %broadcast_in_dim3A_905 : vector<1024x1xf32> to vector<1024x64xf32>
        %select_n3A_907 = arith.select %eq3A_894, %broadcast_in_dim3A_906, %select_n3A_904 : vector<1024x64xi1>, vector<1024x64xf32>
        %select_n3A_908 = arith.select %lt3A_891, %get3A_814, %select_n3A_907 : vector<1024x64xi1>, vector<1024x64xf32>
        %lt3A_909 = vector.broadcast %convert_element_type3A_28 : vector<1x64xf32> to vector<1024x64xf32>
        %lt3A_910 = vector.broadcast %broadcast_in_dim3A_871 : vector<1024x1xf32> to vector<1024x64xf32>
        %lt3A_911 = arith.cmpf olt, %lt3A_909, %lt3A_910 : vector<1024x64xf32>
        %eq3A_912 = vector.broadcast %convert_element_type3A_28 : vector<1x64xf32> to vector<1024x64xf32>
        %eq3A_913 = vector.broadcast %broadcast_in_dim3A_871 : vector<1024x1xf32> to vector<1024x64xf32>
        %eq3A_914 = arith.cmpf oeq, %eq3A_912, %eq3A_913 : vector<1024x64xf32>
        %lt3A_915 = vector.broadcast %convert_element_type3A_28 : vector<1x64xf32> to vector<1024x64xf32>
        %lt3A_916 = vector.broadcast %add3A_881 : vector<1024x1xf32> to vector<1024x64xf32>
        %lt3A_917 = arith.cmpf olt, %lt3A_915, %lt3A_916 : vector<1024x64xf32>
        %eq3A_918 = vector.broadcast %convert_element_type3A_28 : vector<1x64xf32> to vector<1024x64xf32>
        %eq3A_919 = vector.broadcast %add3A_881 : vector<1024x1xf32> to vector<1024x64xf32>
        %eq3A_920 = arith.cmpf oeq, %eq3A_918, %eq3A_919 : vector<1024x64xf32>
        %broadcast_in_dim3A_921 = vector.shape_cast %add3A_865 : vector<1024x1xf32> to vector<1024x1xf32>
        %broadcast_in_dim3A_922 = vector.broadcast %broadcast_in_dim3A_921 : vector<1024x1xf32> to vector<1024x64xf32>
        %select_n3A_923 = arith.select %eq3A_920, %broadcast_in_dim3A_922, %roll3A_888 : vector<1024x64xi1>, vector<1024x64xf32>
        %select_n3A_924 = arith.select %lt3A_917, %roll3A_886, %select_n3A_923 : vector<1024x64xi1>, vector<1024x64xf32>
        %broadcast_in_dim3A_925 = vector.shape_cast %add3A_861 : vector<1024x1xf32> to vector<1024x1xf32>
        %broadcast_in_dim3A_926 = vector.broadcast %broadcast_in_dim3A_925 : vector<1024x1xf32> to vector<1024x64xf32>
        %select_n3A_927 = arith.select %eq3A_914, %broadcast_in_dim3A_926, %select_n3A_924 : vector<1024x64xi1>, vector<1024x64xf32>
        %select_n3A_928 = arith.select %lt3A_911, %get3A_817, %select_n3A_927 : vector<1024x64xi1>, vector<1024x64xf32>
        %swap3A_929 = arith.constant 0 : index
        %swap3A_930 = arith.constant 0 : index
        %swap3A_931 = vector.load %arg7[%swap3A_929, %swap3A_930] : memref<1024x64xf32, #tpu.memory_space<vmem>>, vector<1024x64xf32>
        tpu.vector_store %arg7[%swap3A_929, %swap3A_930], %select_n3A_908 {strides = array<i32>} : memref<1024x64xf32, #tpu.memory_space<vmem>>, vector<1024x64xf32>,
        %swap3A_932 = arith.constant 0 : index
        %swap3A_933 = arith.constant 0 : index
        %swap3A_934 = vector.load %arg8[%swap3A_932, %swap3A_933] : memref<1024x64xf32, #tpu.memory_space<vmem>>, vector<1024x64xf32>
        tpu.vector_store %arg8[%swap3A_932, %swap3A_933], %select_n3A_928 {strides = array<i32>} : memref<1024x64xf32, #tpu.memory_space<vmem>>, vector<1024x64xf32>,
      } else {
      }
      %get3A_217 = arith.constant 0 : index
      %get3A_218 = arith.constant 896 : index
      %get3A_219 = vector.load %arg9[%get3A_217, %get3A_218] : memref<1024x4096xf32, #tpu.memory_space<vmem>>, vector<1024x128xf32>
      %get3A_220 = arith.constant 0 : index
      %get3A_221 = arith.constant 63 : index
      %get3A_222 = vector.load %arg7[%get3A_220, %get3A_221] : memref<1024x64xf32, #tpu.memory_space<vmem>>, vector<1024x1xf32>
      %lt3A_223 = vector.broadcast %get3A_222 : vector<1024x1xf32> to vector<1024x128xf32>
      %lt3A_224 = arith.cmpf olt, %get3A_219, %lt3A_223 : vector<1024x128xf32>
      %reduce_or3A_225 = arith.constant 1.000000e+00 : f32
      %reduce_or3A_226 = arith.constant 0.000000e+00 : f32
      %reduce_or3A_227 = vector.broadcast %reduce_or3A_225 : f32 to vector<1024x128xf32>
      %reduce_or3A_228 = vector.broadcast %reduce_or3A_226 : f32 to vector<1024x128xf32>
      %reduce_or3A_229 = arith.select %lt3A_224, %reduce_or3A_227, %reduce_or3A_228 : vector<1024x128xi1>, vector<1024x128xf32>
      %reduce_or3A_230 = vector.shape_cast %reduce_or3A_229 : vector<1024x128xf32> to vector<1x1024x128xf32>
      %reduce_or3A_231 = arith.constant dense<0xFF800000> : vector<1xf32>
      %reduce_or3A_232 = vector.multi_reduction <maximumf>, %reduce_or3A_230, %reduce_or3A_231 [1, 2] : vector<1x1024x128xf32> to vector<1xf32>
      %reduce_or3A_233 = vector.shape_cast %reduce_or3A_232 : vector<1xf32> to vector<1x1x1xf32>
      %reduce_or3A_234 = vector.extract %reduce_or3A_233[0, 0, 0] : f32 from vector<1x1x1xf32>
      %reduce_or3A_235 = arith.constant 0.000000e+00 : f32
      %reduce_or3A_236 = arith.cmpf ogt, %reduce_or3A_234, %reduce_or3A_235 : f32
      %convert_element_type3A_237 = arith.extui %reduce_or3A_236 : i1 to i32
      %cond3A_238 = arith.constant 0 : i32
      %cond3A_239 = arith.cmpi ne, %convert_element_type3A_237, %cond3A_238 : i32
      scf.if %cond3A_239 {
        %get3A_812 = arith.constant 0 : index
        %get3A_813 = arith.constant 0 : index
        %get3A_814 = vector.load %arg7[%get3A_812, %get3A_813] : memref<1024x64xf32, #tpu.memory_space<vmem>>, vector<1024x64xf32>
        %get3A_815 = arith.constant 0 : index
        %get3A_816 = arith.constant 0 : index
        %get3A_817 = vector.load %arg8[%get3A_815, %get3A_816] : memref<1024x64xf32, #tpu.memory_space<vmem>>, vector<1024x64xf32>
        %reduce_min3A = arith.constant dense<0x7F800000> : vector<1024xf32>
        %reduce_min3A_818 = vector.multi_reduction <minimumf>, %get3A_219, %reduce_min3A [1] : vector<1024x128xf32> to vector<1024xf32>
        %broadcast_in_dim3A_819 = vector.shape_cast %reduce_min3A_818 : vector<1024xf32> to vector<1024x1xf32>
        %eq3A_820 = vector.broadcast %broadcast_in_dim3A_819 : vector<1024x1xf32> to vector<1024x128xf32>
        %eq3A_821 = arith.cmpf oeq, %get3A_219, %eq3A_820 : vector<1024x128xf32>
        %jit3A_822 = arith.constant 1.000000e+04 : f32
        %broadcast_in_dim3A_823 = vector.shape_cast %convert_element_type3A_30 : vector<1x128xf32> to vector<1x128xf32>
        %broadcast_in_dim3A_824 = vector.broadcast %broadcast_in_dim3A_823 : vector<1x128xf32> to vector<1024x128xf32>
        %broadcast_in_dim3A_825 = vector.broadcast %jit3A_822 : f32 to vector<1024x128xf32>
        %select_n3A_826 = arith.select %eq3A_821, %broadcast_in_dim3A_824, %broadcast_in_dim3A_825 : vector<1024x128xi1>, vector<1024x128xf32>
        %reduce_min3A_827 = arith.constant dense<0x7F800000> : vector<1024xf32>
        %reduce_min3A_828 = vector.multi_reduction <minimumf>, %select_n3A_826, %reduce_min3A_827 [1] : vector<1024x128xf32> to vector<1024xf32>
        %broadcast_in_dim3A_829 = vector.shape_cast %reduce_min3A_828 : vector<1024xf32> to vector<1024x1xf32>
        %eq3A_830 = vector.broadcast %convert_element_type3A_30 : vector<1x128xf32> to vector<1024x128xf32>
        %eq3A_831 = vector.broadcast %broadcast_in_dim3A_829 : vector<1024x1xf32> to vector<1024x128xf32>
        %eq3A_832 = arith.cmpf oeq, %eq3A_830, %eq3A_831 : vector<1024x128xf32>
        %jit3A_833 = arith.constant 3.000000e+38 : f32
        %broadcast_in_dim3A_834 = vector.broadcast %jit3A_833 : f32 to vector<1024x128xf32>
        %select_n3A_835 = arith.select %eq3A_832, %broadcast_in_dim3A_834, %get3A_219 : vector<1024x128xi1>, vector<1024x128xf32>
        %reduce_min3A_836 = arith.constant dense<0x7F800000> : vector<1024xf32>
        %reduce_min3A_837 = vector.multi_reduction <minimumf>, %select_n3A_835, %reduce_min3A_836 [1] : vector<1024x128xf32> to vector<1024xf32>
        %broadcast_in_dim3A_838 = vector.shape_cast %reduce_min3A_837 : vector<1024xf32> to vector<1024x1xf32>
        %eq3A_839 = vector.broadcast %broadcast_in_dim3A_838 : vector<1024x1xf32> to vector<1024x128xf32>
        %eq3A_840 = arith.cmpf oeq, %select_n3A_835, %eq3A_839 : vector<1024x128xf32>
        %jit3A_841 = arith.constant 1.000000e+04 : f32
        %broadcast_in_dim3A_842 = vector.shape_cast %convert_element_type3A_30 : vector<1x128xf32> to vector<1x128xf32>
        %broadcast_in_dim3A_843 = vector.broadcast %broadcast_in_dim3A_842 : vector<1x128xf32> to vector<1024x128xf32>
        %broadcast_in_dim3A_844 = vector.broadcast %jit3A_841 : f32 to vector<1024x128xf32>
        %select_n3A_845 = arith.select %eq3A_840, %broadcast_in_dim3A_843, %broadcast_in_dim3A_844 : vector<1024x128xi1>, vector<1024x128xf32>
        %reduce_min3A_846 = arith.constant dense<0x7F800000> : vector<1024xf32>
        %reduce_min3A_847 = vector.multi_reduction <minimumf>, %select_n3A_845, %reduce_min3A_846 [1] : vector<1024x128xf32> to vector<1024xf32>
        %broadcast_in_dim3A_848 = vector.shape_cast %reduce_min3A_847 : vector<1024xf32> to vector<1024x1xf32>
        %eq3A_849 = vector.broadcast %convert_element_type3A_30 : vector<1x128xf32> to vector<1024x128xf32>
        %eq3A_850 = vector.broadcast %broadcast_in_dim3A_848 : vector<1024x1xf32> to vector<1024x128xf32>
        %eq3A_851 = arith.cmpf oeq, %eq3A_849, %eq3A_850 : vector<1024x128xf32>
        %jit3A_852 = arith.constant 3.000000e+38 : f32
        %broadcast_in_dim3A_853 = vector.broadcast %jit3A_852 : f32 to vector<1024x128xf32>
        %select_n3A_854 = arith.select %eq3A_851, %broadcast_in_dim3A_853, %select_n3A_835 : vector<1024x128xi1>, vector<1024x128xf32>
        %swap3A_855 = arith.constant 0 : index
        %swap3A_856 = arith.constant 896 : index
        %swap3A_857 = vector.load %arg9[%swap3A_855, %swap3A_856] : memref<1024x4096xf32, #tpu.memory_space<vmem>>, vector<1024x128xf32>
        tpu.vector_store %arg9[%swap3A_855, %swap3A_856], %select_n3A_854 {strides = array<i32>} : memref<1024x4096xf32, #tpu.memory_space<vmem>>, vector<1024x128xf32>,
        %add3A_858 = arith.constant 8.960000e+02 : f32
        %add3A_859 = arith.addf %convert_element_type3A_33, %add3A_858 : f32
        %add3A_860 = vector.broadcast %add3A_859 : f32 to vector<1024x1xf32>
        %add3A_861 = arith.addf %add3A_860, %broadcast_in_dim3A_829 : vector<1024x1xf32>
        %add3A_862 = arith.constant 8.960000e+02 : f32
        %add3A_863 = arith.addf %convert_element_type3A_33, %add3A_862 : f32
        %add3A_864 = vector.broadcast %add3A_863 : f32 to vector<1024x1xf32>
        %add3A_865 = arith.addf %add3A_864, %broadcast_in_dim3A_848 : vector<1024x1xf32>
        %le3A = vector.broadcast %broadcast_in_dim3A_819 : vector<1024x1xf32> to vector<1024x64xf32>
        %le3A_866 = arith.cmpf ole, %get3A_814, %le3A : vector<1024x64xf32>
        %convert_element_type3A_867 = arith.extui %le3A_866 : vector<1024x64xi1> to vector<1024x64xi32>
        %convert_element_type3A_868 = arith.sitofp %convert_element_type3A_867 : vector<1024x64xi32> to vector<1024x64xf32>
        %reduce_sum3A_869 = arith.constant dense<0.000000e+00> : vector<1024xf32>
        %reduce_sum3A_870 = vector.multi_reduction <add>, %convert_element_type3A_868, %reduce_sum3A_869 [1] : vector<1024x64xf32> to vector<1024xf32>
        %broadcast_in_dim3A_871 = vector.shape_cast %reduce_sum3A_870 : vector<1024xf32> to vector<1024x1xf32>
        %le3A_872 = vector.broadcast %broadcast_in_dim3A_838 : vector<1024x1xf32> to vector<1024x64xf32>
        %le3A_873 = arith.cmpf ole, %get3A_814, %le3A_872 : vector<1024x64xf32>
        %convert_element_type3A_874 = arith.extui %le3A_873 : vector<1024x64xi1> to vector<1024x64xi32>
        %convert_element_type3A_875 = arith.sitofp %convert_element_type3A_874 : vector<1024x64xi32> to vector<1024x64xf32>
        %reduce_sum3A_876 = arith.constant dense<0.000000e+00> : vector<1024xf32>
        %reduce_sum3A_877 = vector.multi_reduction <add>, %convert_element_type3A_875, %reduce_sum3A_876 [1] : vector<1024x64xf32> to vector<1024xf32>
        %broadcast_in_dim3A_878 = vector.shape_cast %reduce_sum3A_877 : vector<1024xf32> to vector<1024x1xf32>
        %add3A_879 = arith.constant 1.000000e+00 : f32
        %add3A_880 = vector.broadcast %add3A_879 : f32 to vector<1024x1xf32>
        %add3A_881 = arith.addf %broadcast_in_dim3A_878, %add3A_880 : vector<1024x1xf32>
        %roll3A = arith.constant 1 : i32
        %roll3A_882 = tpu.dynamic_rotate %get3A_814 by %roll3A dim 1 : vector<1024x64xf32>, i32 -> vector<1024x64xf32>
        %roll3A_883 = arith.constant 2 : i32
        %roll3A_884 = tpu.dynamic_rotate %get3A_814 by %roll3A_883 dim 1 : vector<1024x64xf32>, i32 -> vector<1024x64xf32>
        %roll3A_885 = arith.constant 1 : i32
        %roll3A_886 = tpu.dynamic_rotate %get3A_817 by %roll3A_885 dim 1 : vector<1024x64xf32>, i32 -> vector<1024x64xf32>
        %roll3A_887 = arith.constant 2 : i32
        %roll3A_888 = tpu.dynamic_rotate %get3A_817 by %roll3A_887 dim 1 : vector<1024x64xf32>, i32 -> vector<1024x64xf32>
        %lt3A_889 = vector.broadcast %convert_element_type3A_28 : vector<1x64xf32> to vector<1024x64xf32>
        %lt3A_890 = vector.broadcast %broadcast_in_dim3A_871 : vector<1024x1xf32> to vector<1024x64xf32>
        %lt3A_891 = arith.cmpf olt, %lt3A_889, %lt3A_890 : vector<1024x64xf32>
        %eq3A_892 = vector.broadcast %convert_element_type3A_28 : vector<1x64xf32> to vector<1024x64xf32>
        %eq3A_893 = vector.broadcast %broadcast_in_dim3A_871 : vector<1024x1xf32> to vector<1024x64xf32>
        %eq3A_894 = arith.cmpf oeq, %eq3A_892, %eq3A_893 : vector<1024x64xf32>
        %lt3A_895 = vector.broadcast %convert_element_type3A_28 : vector<1x64xf32> to vector<1024x64xf32>
        %lt3A_896 = vector.broadcast %add3A_881 : vector<1024x1xf32> to vector<1024x64xf32>
        %lt3A_897 = arith.cmpf olt, %lt3A_895, %lt3A_896 : vector<1024x64xf32>
        %eq3A_898 = vector.broadcast %convert_element_type3A_28 : vector<1x64xf32> to vector<1024x64xf32>
        %eq3A_899 = vector.broadcast %add3A_881 : vector<1024x1xf32> to vector<1024x64xf32>
        %eq3A_900 = arith.cmpf oeq, %eq3A_898, %eq3A_899 : vector<1024x64xf32>
        %broadcast_in_dim3A_901 = vector.shape_cast %broadcast_in_dim3A_838 : vector<1024x1xf32> to vector<1024x1xf32>
        %broadcast_in_dim3A_902 = vector.broadcast %broadcast_in_dim3A_901 : vector<1024x1xf32> to vector<1024x64xf32>
        %select_n3A_903 = arith.select %eq3A_900, %broadcast_in_dim3A_902, %roll3A_884 : vector<1024x64xi1>, vector<1024x64xf32>
        %select_n3A_904 = arith.select %lt3A_897, %roll3A_882, %select_n3A_903 : vector<1024x64xi1>, vector<1024x64xf32>
        %broadcast_in_dim3A_905 = vector.shape_cast %broadcast_in_dim3A_819 : vector<1024x1xf32> to vector<1024x1xf32>
        %broadcast_in_dim3A_906 = vector.broadcast %broadcast_in_dim3A_905 : vector<1024x1xf32> to vector<1024x64xf32>
        %select_n3A_907 = arith.select %eq3A_894, %broadcast_in_dim3A_906, %select_n3A_904 : vector<1024x64xi1>, vector<1024x64xf32>
        %select_n3A_908 = arith.select %lt3A_891, %get3A_814, %select_n3A_907 : vector<1024x64xi1>, vector<1024x64xf32>
        %lt3A_909 = vector.broadcast %convert_element_type3A_28 : vector<1x64xf32> to vector<1024x64xf32>
        %lt3A_910 = vector.broadcast %broadcast_in_dim3A_871 : vector<1024x1xf32> to vector<1024x64xf32>
        %lt3A_911 = arith.cmpf olt, %lt3A_909, %lt3A_910 : vector<1024x64xf32>
        %eq3A_912 = vector.broadcast %convert_element_type3A_28 : vector<1x64xf32> to vector<1024x64xf32>
        %eq3A_913 = vector.broadcast %broadcast_in_dim3A_871 : vector<1024x1xf32> to vector<1024x64xf32>
        %eq3A_914 = arith.cmpf oeq, %eq3A_912, %eq3A_913 : vector<1024x64xf32>
        %lt3A_915 = vector.broadcast %convert_element_type3A_28 : vector<1x64xf32> to vector<1024x64xf32>
        %lt3A_916 = vector.broadcast %add3A_881 : vector<1024x1xf32> to vector<1024x64xf32>
        %lt3A_917 = arith.cmpf olt, %lt3A_915, %lt3A_916 : vector<1024x64xf32>
        %eq3A_918 = vector.broadcast %convert_element_type3A_28 : vector<1x64xf32> to vector<1024x64xf32>
        %eq3A_919 = vector.broadcast %add3A_881 : vector<1024x1xf32> to vector<1024x64xf32>
        %eq3A_920 = arith.cmpf oeq, %eq3A_918, %eq3A_919 : vector<1024x64xf32>
        %broadcast_in_dim3A_921 = vector.shape_cast %add3A_865 : vector<1024x1xf32> to vector<1024x1xf32>
        %broadcast_in_dim3A_922 = vector.broadcast %broadcast_in_dim3A_921 : vector<1024x1xf32> to vector<1024x64xf32>
        %select_n3A_923 = arith.select %eq3A_920, %broadcast_in_dim3A_922, %roll3A_888 : vector<1024x64xi1>, vector<1024x64xf32>
        %select_n3A_924 = arith.select %lt3A_917, %roll3A_886, %select_n3A_923 : vector<1024x64xi1>, vector<1024x64xf32>
        %broadcast_in_dim3A_925 = vector.shape_cast %add3A_861 : vector<1024x1xf32> to vector<1024x1xf32>
        %broadcast_in_dim3A_926 = vector.broadcast %broadcast_in_dim3A_925 : vector<1024x1xf32> to vector<1024x64xf32>
        %select_n3A_927 = arith.select %eq3A_914, %broadcast_in_dim3A_926, %select_n3A_924 : vector<1024x64xi1>, vector<1024x64xf32>
        %select_n3A_928 = arith.select %lt3A_911, %get3A_817, %select_n3A_927 : vector<1024x64xi1>, vector<1024x64xf32>
        %swap3A_929 = arith.constant 0 : index
        %swap3A_930 = arith.constant 0 : index
        %swap3A_931 = vector.load %arg7[%swap3A_929, %swap3A_930] : memref<1024x64xf32, #tpu.memory_space<vmem>>, vector<1024x64xf32>
        tpu.vector_store %arg7[%swap3A_929, %swap3A_930], %select_n3A_908 {strides = array<i32>} : memref<1024x64xf32, #tpu.memory_space<vmem>>, vector<1024x64xf32>,
        %swap3A_932 = arith.constant 0 : index
        %swap3A_933 = arith.constant 0 : index
        %swap3A_934 = vector.load %arg8[%swap3A_932, %swap3A_933] : memref<1024x64xf32, #tpu.memory_space<vmem>>, vector<1024x64xf32>
        tpu.vector_store %arg8[%swap3A_932, %swap3A_933], %select_n3A_928 {strides = array<i32>} : memref<1024x64xf32, #tpu.memory_space<vmem>>, vector<1024x64xf32>,
      } else {
      }
      %get3A_240 = arith.constant 0 : index
      %get3A_241 = arith.constant 1024 : index
      %get3A_242 = vector.load %arg9[%get3A_240, %get3A_241] : memref<1024x4096xf32, #tpu.memory_space<vmem>>, vector<1024x128xf32>
      %get3A_243 = arith.constant 0 : index
      %get3A_244 = arith.constant 63 : index
      %get3A_245 = vector.load %arg7[%get3A_243, %get3A_244] : memref<1024x64xf32, #tpu.memory_space<vmem>>, vector<1024x1xf32>
      %lt3A_246 = vector.broadcast %get3A_245 : vector<1024x1xf32> to vector<1024x128xf32>
      %lt3A_247 = arith.cmpf olt, %get3A_242, %lt3A_246 : vector<1024x128xf32>
      %reduce_or3A_248 = arith.constant 1.000000e+00 : f32
      %reduce_or3A_249 = arith.constant 0.000000e+00 : f32
      %reduce_or3A_250 = vector.broadcast %reduce_or3A_248 : f32 to vector<1024x128xf32>
      %reduce_or3A_251 = vector.broadcast %reduce_or3A_249 : f32 to vector<1024x128xf32>
      %reduce_or3A_252 = arith.select %lt3A_247, %reduce_or3A_250, %reduce_or3A_251 : vector<1024x128xi1>, vector<1024x128xf32>
      %reduce_or3A_253 = vector.shape_cast %reduce_or3A_252 : vector<1024x128xf32> to vector<1x1024x128xf32>
      %reduce_or3A_254 = arith.constant dense<0xFF800000> : vector<1xf32>
      %reduce_or3A_255 = vector.multi_reduction <maximumf>, %reduce_or3A_253, %reduce_or3A_254 [1, 2] : vector<1x1024x128xf32> to vector<1xf32>
      %reduce_or3A_256 = vector.shape_cast %reduce_or3A_255 : vector<1xf32> to vector<1x1x1xf32>
      %reduce_or3A_257 = vector.extract %reduce_or3A_256[0, 0, 0] : f32 from vector<1x1x1xf32>
      %reduce_or3A_258 = arith.constant 0.000000e+00 : f32
      %reduce_or3A_259 = arith.cmpf ogt, %reduce_or3A_257, %reduce_or3A_258 : f32
      %convert_element_type3A_260 = arith.extui %reduce_or3A_259 : i1 to i32
      %cond3A_261 = arith.constant 0 : i32
      %cond3A_262 = arith.cmpi ne, %convert_element_type3A_260, %cond3A_261 : i32
      scf.if %cond3A_262 {
        %get3A_812 = arith.constant 0 : index
        %get3A_813 = arith.constant 0 : index
        %get3A_814 = vector.load %arg7[%get3A_812, %get3A_813] : memref<1024x64xf32, #tpu.memory_space<vmem>>, vector<1024x64xf32>
        %get3A_815 = arith.constant 0 : index
        %get3A_816 = arith.constant 0 : index
        %get3A_817 = vector.load %arg8[%get3A_815, %get3A_816] : memref<1024x64xf32, #tpu.memory_space<vmem>>, vector<1024x64xf32>
        %reduce_min3A = arith.constant dense<0x7F800000> : vector<1024xf32>
        %reduce_min3A_818 = vector.multi_reduction <minimumf>, %get3A_242, %reduce_min3A [1] : vector<1024x128xf32> to vector<1024xf32>
        %broadcast_in_dim3A_819 = vector.shape_cast %reduce_min3A_818 : vector<1024xf32> to vector<1024x1xf32>
        %eq3A_820 = vector.broadcast %broadcast_in_dim3A_819 : vector<1024x1xf32> to vector<1024x128xf32>
        %eq3A_821 = arith.cmpf oeq, %get3A_242, %eq3A_820 : vector<1024x128xf32>
        %jit3A_822 = arith.constant 1.000000e+04 : f32
        %broadcast_in_dim3A_823 = vector.shape_cast %convert_element_type3A_30 : vector<1x128xf32> to vector<1x128xf32>
        %broadcast_in_dim3A_824 = vector.broadcast %broadcast_in_dim3A_823 : vector<1x128xf32> to vector<1024x128xf32>
        %broadcast_in_dim3A_825 = vector.broadcast %jit3A_822 : f32 to vector<1024x128xf32>
        %select_n3A_826 = arith.select %eq3A_821, %broadcast_in_dim3A_824, %broadcast_in_dim3A_825 : vector<1024x128xi1>, vector<1024x128xf32>
        %reduce_min3A_827 = arith.constant dense<0x7F800000> : vector<1024xf32>
        %reduce_min3A_828 = vector.multi_reduction <minimumf>, %select_n3A_826, %reduce_min3A_827 [1] : vector<1024x128xf32> to vector<1024xf32>
        %broadcast_in_dim3A_829 = vector.shape_cast %reduce_min3A_828 : vector<1024xf32> to vector<1024x1xf32>
        %eq3A_830 = vector.broadcast %convert_element_type3A_30 : vector<1x128xf32> to vector<1024x128xf32>
        %eq3A_831 = vector.broadcast %broadcast_in_dim3A_829 : vector<1024x1xf32> to vector<1024x128xf32>
        %eq3A_832 = arith.cmpf oeq, %eq3A_830, %eq3A_831 : vector<1024x128xf32>
        %jit3A_833 = arith.constant 3.000000e+38 : f32
        %broadcast_in_dim3A_834 = vector.broadcast %jit3A_833 : f32 to vector<1024x128xf32>
        %select_n3A_835 = arith.select %eq3A_832, %broadcast_in_dim3A_834, %get3A_242 : vector<1024x128xi1>, vector<1024x128xf32>
        %reduce_min3A_836 = arith.constant dense<0x7F800000> : vector<1024xf32>
        %reduce_min3A_837 = vector.multi_reduction <minimumf>, %select_n3A_835, %reduce_min3A_836 [1] : vector<1024x128xf32> to vector<1024xf32>
        %broadcast_in_dim3A_838 = vector.shape_cast %reduce_min3A_837 : vector<1024xf32> to vector<1024x1xf32>
        %eq3A_839 = vector.broadcast %broadcast_in_dim3A_838 : vector<1024x1xf32> to vector<1024x128xf32>
        %eq3A_840 = arith.cmpf oeq, %select_n3A_835, %eq3A_839 : vector<1024x128xf32>
        %jit3A_841 = arith.constant 1.000000e+04 : f32
        %broadcast_in_dim3A_842 = vector.shape_cast %convert_element_type3A_30 : vector<1x128xf32> to vector<1x128xf32>
        %broadcast_in_dim3A_843 = vector.broadcast %broadcast_in_dim3A_842 : vector<1x128xf32> to vector<1024x128xf32>
        %broadcast_in_dim3A_844 = vector.broadcast %jit3A_841 : f32 to vector<1024x128xf32>
        %select_n3A_845 = arith.select %eq3A_840, %broadcast_in_dim3A_843, %broadcast_in_dim3A_844 : vector<1024x128xi1>, vector<1024x128xf32>
        %reduce_min3A_846 = arith.constant dense<0x7F800000> : vector<1024xf32>
        %reduce_min3A_847 = vector.multi_reduction <minimumf>, %select_n3A_845, %reduce_min3A_846 [1] : vector<1024x128xf32> to vector<1024xf32>
        %broadcast_in_dim3A_848 = vector.shape_cast %reduce_min3A_847 : vector<1024xf32> to vector<1024x1xf32>
        %eq3A_849 = vector.broadcast %convert_element_type3A_30 : vector<1x128xf32> to vector<1024x128xf32>
        %eq3A_850 = vector.broadcast %broadcast_in_dim3A_848 : vector<1024x1xf32> to vector<1024x128xf32>
        %eq3A_851 = arith.cmpf oeq, %eq3A_849, %eq3A_850 : vector<1024x128xf32>
        %jit3A_852 = arith.constant 3.000000e+38 : f32
        %broadcast_in_dim3A_853 = vector.broadcast %jit3A_852 : f32 to vector<1024x128xf32>
        %select_n3A_854 = arith.select %eq3A_851, %broadcast_in_dim3A_853, %select_n3A_835 : vector<1024x128xi1>, vector<1024x128xf32>
        %swap3A_855 = arith.constant 0 : index
        %swap3A_856 = arith.constant 1024 : index
        %swap3A_857 = vector.load %arg9[%swap3A_855, %swap3A_856] : memref<1024x4096xf32, #tpu.memory_space<vmem>>, vector<1024x128xf32>
        tpu.vector_store %arg9[%swap3A_855, %swap3A_856], %select_n3A_854 {strides = array<i32>} : memref<1024x4096xf32, #tpu.memory_space<vmem>>, vector<1024x128xf32>,
        %add3A_858 = arith.constant 1.024000e+03 : f32
        %add3A_859 = arith.addf %convert_element_type3A_33, %add3A_858 : f32
        %add3A_860 = vector.broadcast %add3A_859 : f32 to vector<1024x1xf32>
        %add3A_861 = arith.addf %add3A_860, %broadcast_in_dim3A_829 : vector<1024x1xf32>
        %add3A_862 = arith.constant 1.024000e+03 : f32
        %add3A_863 = arith.addf %convert_element_type3A_33, %add3A_862 : f32
        %add3A_864 = vector.broadcast %add3A_863 : f32 to vector<1024x1xf32>
        %add3A_865 = arith.addf %add3A_864, %broadcast_in_dim3A_848 : vector<1024x1xf32>
        %le3A = vector.broadcast %broadcast_in_dim3A_819 : vector<1024x1xf32> to vector<1024x64xf32>
        %le3A_866 = arith.cmpf ole, %get3A_814, %le3A : vector<1024x64xf32>
        %convert_element_type3A_867 = arith.extui %le3A_866 : vector<1024x64xi1> to vector<1024x64xi32>
        %convert_element_type3A_868 = arith.sitofp %convert_element_type3A_867 : vector<1024x64xi32> to vector<1024x64xf32>
        %reduce_sum3A_869 = arith.constant dense<0.000000e+00> : vector<1024xf32>
        %reduce_sum3A_870 = vector.multi_reduction <add>, %convert_element_type3A_868, %reduce_sum3A_869 [1] : vector<1024x64xf32> to vector<1024xf32>
        %broadcast_in_dim3A_871 = vector.shape_cast %reduce_sum3A_870 : vector<1024xf32> to vector<1024x1xf32>
        %le3A_872 = vector.broadcast %broadcast_in_dim3A_838 : vector<1024x1xf32> to vector<1024x64xf32>
        %le3A_873 = arith.cmpf ole, %get3A_814, %le3A_872 : vector<1024x64xf32>
        %convert_element_type3A_874 = arith.extui %le3A_873 : vector<1024x64xi1> to vector<1024x64xi32>
        %convert_element_type3A_875 = arith.sitofp %convert_element_type3A_874 : vector<1024x64xi32> to vector<1024x64xf32>
        %reduce_sum3A_876 = arith.constant dense<0.000000e+00> : vector<1024xf32>
        %reduce_sum3A_877 = vector.multi_reduction <add>, %convert_element_type3A_875, %reduce_sum3A_876 [1] : vector<1024x64xf32> to vector<1024xf32>
        %broadcast_in_dim3A_878 = vector.shape_cast %reduce_sum3A_877 : vector<1024xf32> to vector<1024x1xf32>
        %add3A_879 = arith.constant 1.000000e+00 : f32
        %add3A_880 = vector.broadcast %add3A_879 : f32 to vector<1024x1xf32>
        %add3A_881 = arith.addf %broadcast_in_dim3A_878, %add3A_880 : vector<1024x1xf32>
        %roll3A = arith.constant 1 : i32
        %roll3A_882 = tpu.dynamic_rotate %get3A_814 by %roll3A dim 1 : vector<1024x64xf32>, i32 -> vector<1024x64xf32>
        %roll3A_883 = arith.constant 2 : i32
        %roll3A_884 = tpu.dynamic_rotate %get3A_814 by %roll3A_883 dim 1 : vector<1024x64xf32>, i32 -> vector<1024x64xf32>
        %roll3A_885 = arith.constant 1 : i32
        %roll3A_886 = tpu.dynamic_rotate %get3A_817 by %roll3A_885 dim 1 : vector<1024x64xf32>, i32 -> vector<1024x64xf32>
        %roll3A_887 = arith.constant 2 : i32
        %roll3A_888 = tpu.dynamic_rotate %get3A_817 by %roll3A_887 dim 1 : vector<1024x64xf32>, i32 -> vector<1024x64xf32>
        %lt3A_889 = vector.broadcast %convert_element_type3A_28 : vector<1x64xf32> to vector<1024x64xf32>
        %lt3A_890 = vector.broadcast %broadcast_in_dim3A_871 : vector<1024x1xf32> to vector<1024x64xf32>
        %lt3A_891 = arith.cmpf olt, %lt3A_889, %lt3A_890 : vector<1024x64xf32>
        %eq3A_892 = vector.broadcast %convert_element_type3A_28 : vector<1x64xf32> to vector<1024x64xf32>
        %eq3A_893 = vector.broadcast %broadcast_in_dim3A_871 : vector<1024x1xf32> to vector<1024x64xf32>
        %eq3A_894 = arith.cmpf oeq, %eq3A_892, %eq3A_893 : vector<1024x64xf32>
        %lt3A_895 = vector.broadcast %convert_element_type3A_28 : vector<1x64xf32> to vector<1024x64xf32>
        %lt3A_896 = vector.broadcast %add3A_881 : vector<1024x1xf32> to vector<1024x64xf32>
        %lt3A_897 = arith.cmpf olt, %lt3A_895, %lt3A_896 : vector<1024x64xf32>
        %eq3A_898 = vector.broadcast %convert_element_type3A_28 : vector<1x64xf32> to vector<1024x64xf32>
        %eq3A_899 = vector.broadcast %add3A_881 : vector<1024x1xf32> to vector<1024x64xf32>
        %eq3A_900 = arith.cmpf oeq, %eq3A_898, %eq3A_899 : vector<1024x64xf32>
        %broadcast_in_dim3A_901 = vector.shape_cast %broadcast_in_dim3A_838 : vector<1024x1xf32> to vector<1024x1xf32>
        %broadcast_in_dim3A_902 = vector.broadcast %broadcast_in_dim3A_901 : vector<1024x1xf32> to vector<1024x64xf32>
        %select_n3A_903 = arith.select %eq3A_900, %broadcast_in_dim3A_902, %roll3A_884 : vector<1024x64xi1>, vector<1024x64xf32>
        %select_n3A_904 = arith.select %lt3A_897, %roll3A_882, %select_n3A_903 : vector<1024x64xi1>, vector<1024x64xf32>
        %broadcast_in_dim3A_905 = vector.shape_cast %broadcast_in_dim3A_819 : vector<1024x1xf32> to vector<1024x1xf32>
        %broadcast_in_dim3A_906 = vector.broadcast %broadcast_in_dim3A_905 : vector<1024x1xf32> to vector<1024x64xf32>
        %select_n3A_907 = arith.select %eq3A_894, %broadcast_in_dim3A_906, %select_n3A_904 : vector<1024x64xi1>, vector<1024x64xf32>
        %select_n3A_908 = arith.select %lt3A_891, %get3A_814, %select_n3A_907 : vector<1024x64xi1>, vector<1024x64xf32>
        %lt3A_909 = vector.broadcast %convert_element_type3A_28 : vector<1x64xf32> to vector<1024x64xf32>
        %lt3A_910 = vector.broadcast %broadcast_in_dim3A_871 : vector<1024x1xf32> to vector<1024x64xf32>
        %lt3A_911 = arith.cmpf olt, %lt3A_909, %lt3A_910 : vector<1024x64xf32>
        %eq3A_912 = vector.broadcast %convert_element_type3A_28 : vector<1x64xf32> to vector<1024x64xf32>
        %eq3A_913 = vector.broadcast %broadcast_in_dim3A_871 : vector<1024x1xf32> to vector<1024x64xf32>
        %eq3A_914 = arith.cmpf oeq, %eq3A_912, %eq3A_913 : vector<1024x64xf32>
        %lt3A_915 = vector.broadcast %convert_element_type3A_28 : vector<1x64xf32> to vector<1024x64xf32>
        %lt3A_916 = vector.broadcast %add3A_881 : vector<1024x1xf32> to vector<1024x64xf32>
        %lt3A_917 = arith.cmpf olt, %lt3A_915, %lt3A_916 : vector<1024x64xf32>
        %eq3A_918 = vector.broadcast %convert_element_type3A_28 : vector<1x64xf32> to vector<1024x64xf32>
        %eq3A_919 = vector.broadcast %add3A_881 : vector<1024x1xf32> to vector<1024x64xf32>
        %eq3A_920 = arith.cmpf oeq, %eq3A_918, %eq3A_919 : vector<1024x64xf32>
        %broadcast_in_dim3A_921 = vector.shape_cast %add3A_865 : vector<1024x1xf32> to vector<1024x1xf32>
        %broadcast_in_dim3A_922 = vector.broadcast %broadcast_in_dim3A_921 : vector<1024x1xf32> to vector<1024x64xf32>
        %select_n3A_923 = arith.select %eq3A_920, %broadcast_in_dim3A_922, %roll3A_888 : vector<1024x64xi1>, vector<1024x64xf32>
        %select_n3A_924 = arith.select %lt3A_917, %roll3A_886, %select_n3A_923 : vector<1024x64xi1>, vector<1024x64xf32>
        %broadcast_in_dim3A_925 = vector.shape_cast %add3A_861 : vector<1024x1xf32> to vector<1024x1xf32>
        %broadcast_in_dim3A_926 = vector.broadcast %broadcast_in_dim3A_925 : vector<1024x1xf32> to vector<1024x64xf32>
        %select_n3A_927 = arith.select %eq3A_914, %broadcast_in_dim3A_926, %select_n3A_924 : vector<1024x64xi1>, vector<1024x64xf32>
        %select_n3A_928 = arith.select %lt3A_911, %get3A_817, %select_n3A_927 : vector<1024x64xi1>, vector<1024x64xf32>
        %swap3A_929 = arith.constant 0 : index
        %swap3A_930 = arith.constant 0 : index
        %swap3A_931 = vector.load %arg7[%swap3A_929, %swap3A_930] : memref<1024x64xf32, #tpu.memory_space<vmem>>, vector<1024x64xf32>
        tpu.vector_store %arg7[%swap3A_929, %swap3A_930], %select_n3A_908 {strides = array<i32>} : memref<1024x64xf32, #tpu.memory_space<vmem>>, vector<1024x64xf32>,
        %swap3A_932 = arith.constant 0 : index
        %swap3A_933 = arith.constant 0 : index
        %swap3A_934 = vector.load %arg8[%swap3A_932, %swap3A_933] : memref<1024x64xf32, #tpu.memory_space<vmem>>, vector<1024x64xf32>
        tpu.vector_store %arg8[%swap3A_932, %swap3A_933], %select_n3A_928 {strides = array<i32>} : memref<1024x64xf32, #tpu.memory_space<vmem>>, vector<1024x64xf32>,
      } else {
      }
      %get3A_263 = arith.constant 0 : index
      %get3A_264 = arith.constant 1152 : index
      %get3A_265 = vector.load %arg9[%get3A_263, %get3A_264] : memref<1024x4096xf32, #tpu.memory_space<vmem>>, vector<1024x128xf32>
      %get3A_266 = arith.constant 0 : index
      %get3A_267 = arith.constant 63 : index
      %get3A_268 = vector.load %arg7[%get3A_266, %get3A_267] : memref<1024x64xf32, #tpu.memory_space<vmem>>, vector<1024x1xf32>
      %lt3A_269 = vector.broadcast %get3A_268 : vector<1024x1xf32> to vector<1024x128xf32>
      %lt3A_270 = arith.cmpf olt, %get3A_265, %lt3A_269 : vector<1024x128xf32>
      %reduce_or3A_271 = arith.constant 1.000000e+00 : f32
      %reduce_or3A_272 = arith.constant 0.000000e+00 : f32
      %reduce_or3A_273 = vector.broadcast %reduce_or3A_271 : f32 to vector<1024x128xf32>
      %reduce_or3A_274 = vector.broadcast %reduce_or3A_272 : f32 to vector<1024x128xf32>
      %reduce_or3A_275 = arith.select %lt3A_270, %reduce_or3A_273, %reduce_or3A_274 : vector<1024x128xi1>, vector<1024x128xf32>
      %reduce_or3A_276 = vector.shape_cast %reduce_or3A_275 : vector<1024x128xf32> to vector<1x1024x128xf32>
      %reduce_or3A_277 = arith.constant dense<0xFF800000> : vector<1xf32>
      %reduce_or3A_278 = vector.multi_reduction <maximumf>, %reduce_or3A_276, %reduce_or3A_277 [1, 2] : vector<1x1024x128xf32> to vector<1xf32>
      %reduce_or3A_279 = vector.shape_cast %reduce_or3A_278 : vector<1xf32> to vector<1x1x1xf32>
      %reduce_or3A_280 = vector.extract %reduce_or3A_279[0, 0, 0] : f32 from vector<1x1x1xf32>
      %reduce_or3A_281 = arith.constant 0.000000e+00 : f32
      %reduce_or3A_282 = arith.cmpf ogt, %reduce_or3A_280, %reduce_or3A_281 : f32
      %convert_element_type3A_283 = arith.extui %reduce_or3A_282 : i1 to i32
      %cond3A_284 = arith.constant 0 : i32
      %cond3A_285 = arith.cmpi ne, %convert_element_type3A_283, %cond3A_284 : i32
      scf.if %cond3A_285 {
        %get3A_812 = arith.constant 0 : index
        %get3A_813 = arith.constant 0 : index
        %get3A_814 = vector.load %arg7[%get3A_812, %get3A_813] : memref<1024x64xf32, #tpu.memory_space<vmem>>, vector<1024x64xf32>
        %get3A_815 = arith.constant 0 : index
        %get3A_816 = arith.constant 0 : index
        %get3A_817 = vector.load %arg8[%get3A_815, %get3A_816] : memref<1024x64xf32, #tpu.memory_space<vmem>>, vector<1024x64xf32>
        %reduce_min3A = arith.constant dense<0x7F800000> : vector<1024xf32>
        %reduce_min3A_818 = vector.multi_reduction <minimumf>, %get3A_265, %reduce_min3A [1] : vector<1024x128xf32> to vector<1024xf32>
        %broadcast_in_dim3A_819 = vector.shape_cast %reduce_min3A_818 : vector<1024xf32> to vector<1024x1xf32>
        %eq3A_820 = vector.broadcast %broadcast_in_dim3A_819 : vector<1024x1xf32> to vector<1024x128xf32>
        %eq3A_821 = arith.cmpf oeq, %get3A_265, %eq3A_820 : vector<1024x128xf32>
        %jit3A_822 = arith.constant 1.000000e+04 : f32
        %broadcast_in_dim3A_823 = vector.shape_cast %convert_element_type3A_30 : vector<1x128xf32> to vector<1x128xf32>
        %broadcast_in_dim3A_824 = vector.broadcast %broadcast_in_dim3A_823 : vector<1x128xf32> to vector<1024x128xf32>
        %broadcast_in_dim3A_825 = vector.broadcast %jit3A_822 : f32 to vector<1024x128xf32>
        %select_n3A_826 = arith.select %eq3A_821, %broadcast_in_dim3A_824, %broadcast_in_dim3A_825 : vector<1024x128xi1>, vector<1024x128xf32>
        %reduce_min3A_827 = arith.constant dense<0x7F800000> : vector<1024xf32>
        %reduce_min3A_828 = vector.multi_reduction <minimumf>, %select_n3A_826, %reduce_min3A_827 [1] : vector<1024x128xf32> to vector<1024xf32>
        %broadcast_in_dim3A_829 = vector.shape_cast %reduce_min3A_828 : vector<1024xf32> to vector<1024x1xf32>
        %eq3A_830 = vector.broadcast %convert_element_type3A_30 : vector<1x128xf32> to vector<1024x128xf32>
        %eq3A_831 = vector.broadcast %broadcast_in_dim3A_829 : vector<1024x1xf32> to vector<1024x128xf32>
        %eq3A_832 = arith.cmpf oeq, %eq3A_830, %eq3A_831 : vector<1024x128xf32>
        %jit3A_833 = arith.constant 3.000000e+38 : f32
        %broadcast_in_dim3A_834 = vector.broadcast %jit3A_833 : f32 to vector<1024x128xf32>
        %select_n3A_835 = arith.select %eq3A_832, %broadcast_in_dim3A_834, %get3A_265 : vector<1024x128xi1>, vector<1024x128xf32>
        %reduce_min3A_836 = arith.constant dense<0x7F800000> : vector<1024xf32>
        %reduce_min3A_837 = vector.multi_reduction <minimumf>, %select_n3A_835, %reduce_min3A_836 [1] : vector<1024x128xf32> to vector<1024xf32>
        %broadcast_in_dim3A_838 = vector.shape_cast %reduce_min3A_837 : vector<1024xf32> to vector<1024x1xf32>
        %eq3A_839 = vector.broadcast %broadcast_in_dim3A_838 : vector<1024x1xf32> to vector<1024x128xf32>
        %eq3A_840 = arith.cmpf oeq, %select_n3A_835, %eq3A_839 : vector<1024x128xf32>
        %jit3A_841 = arith.constant 1.000000e+04 : f32
        %broadcast_in_dim3A_842 = vector.shape_cast %convert_element_type3A_30 : vector<1x128xf32> to vector<1x128xf32>
        %broadcast_in_dim3A_843 = vector.broadcast %broadcast_in_dim3A_842 : vector<1x128xf32> to vector<1024x128xf32>
        %broadcast_in_dim3A_844 = vector.broadcast %jit3A_841 : f32 to vector<1024x128xf32>
        %select_n3A_845 = arith.select %eq3A_840, %broadcast_in_dim3A_843, %broadcast_in_dim3A_844 : vector<1024x128xi1>, vector<1024x128xf32>
        %reduce_min3A_846 = arith.constant dense<0x7F800000> : vector<1024xf32>
        %reduce_min3A_847 = vector.multi_reduction <minimumf>, %select_n3A_845, %reduce_min3A_846 [1] : vector<1024x128xf32> to vector<1024xf32>
        %broadcast_in_dim3A_848 = vector.shape_cast %reduce_min3A_847 : vector<1024xf32> to vector<1024x1xf32>
        %eq3A_849 = vector.broadcast %convert_element_type3A_30 : vector<1x128xf32> to vector<1024x128xf32>
        %eq3A_850 = vector.broadcast %broadcast_in_dim3A_848 : vector<1024x1xf32> to vector<1024x128xf32>
        %eq3A_851 = arith.cmpf oeq, %eq3A_849, %eq3A_850 : vector<1024x128xf32>
        %jit3A_852 = arith.constant 3.000000e+38 : f32
        %broadcast_in_dim3A_853 = vector.broadcast %jit3A_852 : f32 to vector<1024x128xf32>
        %select_n3A_854 = arith.select %eq3A_851, %broadcast_in_dim3A_853, %select_n3A_835 : vector<1024x128xi1>, vector<1024x128xf32>
        %swap3A_855 = arith.constant 0 : index
        %swap3A_856 = arith.constant 1152 : index
        %swap3A_857 = vector.load %arg9[%swap3A_855, %swap3A_856] : memref<1024x4096xf32, #tpu.memory_space<vmem>>, vector<1024x128xf32>
        tpu.vector_store %arg9[%swap3A_855, %swap3A_856], %select_n3A_854 {strides = array<i32>} : memref<1024x4096xf32, #tpu.memory_space<vmem>>, vector<1024x128xf32>,
        %add3A_858 = arith.constant 1.152000e+03 : f32
        %add3A_859 = arith.addf %convert_element_type3A_33, %add3A_858 : f32
        %add3A_860 = vector.broadcast %add3A_859 : f32 to vector<1024x1xf32>
        %add3A_861 = arith.addf %add3A_860, %broadcast_in_dim3A_829 : vector<1024x1xf32>
        %add3A_862 = arith.constant 1.152000e+03 : f32
        %add3A_863 = arith.addf %convert_element_type3A_33, %add3A_862 : f32
        %add3A_864 = vector.broadcast %add3A_863 : f32 to vector<1024x1xf32>
        %add3A_865 = arith.addf %add3A_864, %broadcast_in_dim3A_848 : vector<1024x1xf32>
        %le3A = vector.broadcast %broadcast_in_dim3A_819 : vector<1024x1xf32> to vector<1024x64xf32>
        %le3A_866 = arith.cmpf ole, %get3A_814, %le3A : vector<1024x64xf32>
        %convert_element_type3A_867 = arith.extui %le3A_866 : vector<1024x64xi1> to vector<1024x64xi32>
        %convert_element_type3A_868 = arith.sitofp %convert_element_type3A_867 : vector<1024x64xi32> to vector<1024x64xf32>
        %reduce_sum3A_869 = arith.constant dense<0.000000e+00> : vector<1024xf32>
        %reduce_sum3A_870 = vector.multi_reduction <add>, %convert_element_type3A_868, %reduce_sum3A_869 [1] : vector<1024x64xf32> to vector<1024xf32>
        %broadcast_in_dim3A_871 = vector.shape_cast %reduce_sum3A_870 : vector<1024xf32> to vector<1024x1xf32>
        %le3A_872 = vector.broadcast %broadcast_in_dim3A_838 : vector<1024x1xf32> to vector<1024x64xf32>
        %le3A_873 = arith.cmpf ole, %get3A_814, %le3A_872 : vector<1024x64xf32>
        %convert_element_type3A_874 = arith.extui %le3A_873 : vector<1024x64xi1> to vector<1024x64xi32>
        %convert_element_type3A_875 = arith.sitofp %convert_element_type3A_874 : vector<1024x64xi32> to vector<1024x64xf32>
        %reduce_sum3A_876 = arith.constant dense<0.000000e+00> : vector<1024xf32>
        %reduce_sum3A_877 = vector.multi_reduction <add>, %convert_element_type3A_875, %reduce_sum3A_876 [1] : vector<1024x64xf32> to vector<1024xf32>
        %broadcast_in_dim3A_878 = vector.shape_cast %reduce_sum3A_877 : vector<1024xf32> to vector<1024x1xf32>
        %add3A_879 = arith.constant 1.000000e+00 : f32
        %add3A_880 = vector.broadcast %add3A_879 : f32 to vector<1024x1xf32>
        %add3A_881 = arith.addf %broadcast_in_dim3A_878, %add3A_880 : vector<1024x1xf32>
        %roll3A = arith.constant 1 : i32
        %roll3A_882 = tpu.dynamic_rotate %get3A_814 by %roll3A dim 1 : vector<1024x64xf32>, i32 -> vector<1024x64xf32>
        %roll3A_883 = arith.constant 2 : i32
        %roll3A_884 = tpu.dynamic_rotate %get3A_814 by %roll3A_883 dim 1 : vector<1024x64xf32>, i32 -> vector<1024x64xf32>
        %roll3A_885 = arith.constant 1 : i32
        %roll3A_886 = tpu.dynamic_rotate %get3A_817 by %roll3A_885 dim 1 : vector<1024x64xf32>, i32 -> vector<1024x64xf32>
        %roll3A_887 = arith.constant 2 : i32
        %roll3A_888 = tpu.dynamic_rotate %get3A_817 by %roll3A_887 dim 1 : vector<1024x64xf32>, i32 -> vector<1024x64xf32>
        %lt3A_889 = vector.broadcast %convert_element_type3A_28 : vector<1x64xf32> to vector<1024x64xf32>
        %lt3A_890 = vector.broadcast %broadcast_in_dim3A_871 : vector<1024x1xf32> to vector<1024x64xf32>
        %lt3A_891 = arith.cmpf olt, %lt3A_889, %lt3A_890 : vector<1024x64xf32>
        %eq3A_892 = vector.broadcast %convert_element_type3A_28 : vector<1x64xf32> to vector<1024x64xf32>
        %eq3A_893 = vector.broadcast %broadcast_in_dim3A_871 : vector<1024x1xf32> to vector<1024x64xf32>
        %eq3A_894 = arith.cmpf oeq, %eq3A_892, %eq3A_893 : vector<1024x64xf32>
        %lt3A_895 = vector.broadcast %convert_element_type3A_28 : vector<1x64xf32> to vector<1024x64xf32>
        %lt3A_896 = vector.broadcast %add3A_881 : vector<1024x1xf32> to vector<1024x64xf32>
        %lt3A_897 = arith.cmpf olt, %lt3A_895, %lt3A_896 : vector<1024x64xf32>
        %eq3A_898 = vector.broadcast %convert_element_type3A_28 : vector<1x64xf32> to vector<1024x64xf32>
        %eq3A_899 = vector.broadcast %add3A_881 : vector<1024x1xf32> to vector<1024x64xf32>
        %eq3A_900 = arith.cmpf oeq, %eq3A_898, %eq3A_899 : vector<1024x64xf32>
        %broadcast_in_dim3A_901 = vector.shape_cast %broadcast_in_dim3A_838 : vector<1024x1xf32> to vector<1024x1xf32>
        %broadcast_in_dim3A_902 = vector.broadcast %broadcast_in_dim3A_901 : vector<1024x1xf32> to vector<1024x64xf32>
        %select_n3A_903 = arith.select %eq3A_900, %broadcast_in_dim3A_902, %roll3A_884 : vector<1024x64xi1>, vector<1024x64xf32>
        %select_n3A_904 = arith.select %lt3A_897, %roll3A_882, %select_n3A_903 : vector<1024x64xi1>, vector<1024x64xf32>
        %broadcast_in_dim3A_905 = vector.shape_cast %broadcast_in_dim3A_819 : vector<1024x1xf32> to vector<1024x1xf32>
        %broadcast_in_dim3A_906 = vector.broadcast %broadcast_in_dim3A_905 : vector<1024x1xf32> to vector<1024x64xf32>
        %select_n3A_907 = arith.select %eq3A_894, %broadcast_in_dim3A_906, %select_n3A_904 : vector<1024x64xi1>, vector<1024x64xf32>
        %select_n3A_908 = arith.select %lt3A_891, %get3A_814, %select_n3A_907 : vector<1024x64xi1>, vector<1024x64xf32>
        %lt3A_909 = vector.broadcast %convert_element_type3A_28 : vector<1x64xf32> to vector<1024x64xf32>
        %lt3A_910 = vector.broadcast %broadcast_in_dim3A_871 : vector<1024x1xf32> to vector<1024x64xf32>
        %lt3A_911 = arith.cmpf olt, %lt3A_909, %lt3A_910 : vector<1024x64xf32>
        %eq3A_912 = vector.broadcast %convert_element_type3A_28 : vector<1x64xf32> to vector<1024x64xf32>
        %eq3A_913 = vector.broadcast %broadcast_in_dim3A_871 : vector<1024x1xf32> to vector<1024x64xf32>
        %eq3A_914 = arith.cmpf oeq, %eq3A_912, %eq3A_913 : vector<1024x64xf32>
        %lt3A_915 = vector.broadcast %convert_element_type3A_28 : vector<1x64xf32> to vector<1024x64xf32>
        %lt3A_916 = vector.broadcast %add3A_881 : vector<1024x1xf32> to vector<1024x64xf32>
        %lt3A_917 = arith.cmpf olt, %lt3A_915, %lt3A_916 : vector<1024x64xf32>
        %eq3A_918 = vector.broadcast %convert_element_type3A_28 : vector<1x64xf32> to vector<1024x64xf32>
        %eq3A_919 = vector.broadcast %add3A_881 : vector<1024x1xf32> to vector<1024x64xf32>
        %eq3A_920 = arith.cmpf oeq, %eq3A_918, %eq3A_919 : vector<1024x64xf32>
        %broadcast_in_dim3A_921 = vector.shape_cast %add3A_865 : vector<1024x1xf32> to vector<1024x1xf32>
        %broadcast_in_dim3A_922 = vector.broadcast %broadcast_in_dim3A_921 : vector<1024x1xf32> to vector<1024x64xf32>
        %select_n3A_923 = arith.select %eq3A_920, %broadcast_in_dim3A_922, %roll3A_888 : vector<1024x64xi1>, vector<1024x64xf32>
        %select_n3A_924 = arith.select %lt3A_917, %roll3A_886, %select_n3A_923 : vector<1024x64xi1>, vector<1024x64xf32>
        %broadcast_in_dim3A_925 = vector.shape_cast %add3A_861 : vector<1024x1xf32> to vector<1024x1xf32>
        %broadcast_in_dim3A_926 = vector.broadcast %broadcast_in_dim3A_925 : vector<1024x1xf32> to vector<1024x64xf32>
        %select_n3A_927 = arith.select %eq3A_914, %broadcast_in_dim3A_926, %select_n3A_924 : vector<1024x64xi1>, vector<1024x64xf32>
        %select_n3A_928 = arith.select %lt3A_911, %get3A_817, %select_n3A_927 : vector<1024x64xi1>, vector<1024x64xf32>
        %swap3A_929 = arith.constant 0 : index
        %swap3A_930 = arith.constant 0 : index
        %swap3A_931 = vector.load %arg7[%swap3A_929, %swap3A_930] : memref<1024x64xf32, #tpu.memory_space<vmem>>, vector<1024x64xf32>
        tpu.vector_store %arg7[%swap3A_929, %swap3A_930], %select_n3A_908 {strides = array<i32>} : memref<1024x64xf32, #tpu.memory_space<vmem>>, vector<1024x64xf32>,
        %swap3A_932 = arith.constant 0 : index
        %swap3A_933 = arith.constant 0 : index
        %swap3A_934 = vector.load %arg8[%swap3A_932, %swap3A_933] : memref<1024x64xf32, #tpu.memory_space<vmem>>, vector<1024x64xf32>
        tpu.vector_store %arg8[%swap3A_932, %swap3A_933], %select_n3A_928 {strides = array<i32>} : memref<1024x64xf32, #tpu.memory_space<vmem>>, vector<1024x64xf32>,
      } else {
      }
      %get3A_286 = arith.constant 0 : index
      %get3A_287 = arith.constant 1280 : index
      %get3A_288 = vector.load %arg9[%get3A_286, %get3A_287] : memref<1024x4096xf32, #tpu.memory_space<vmem>>, vector<1024x128xf32>
      %get3A_289 = arith.constant 0 : index
      %get3A_290 = arith.constant 63 : index
      %get3A_291 = vector.load %arg7[%get3A_289, %get3A_290] : memref<1024x64xf32, #tpu.memory_space<vmem>>, vector<1024x1xf32>
      %lt3A_292 = vector.broadcast %get3A_291 : vector<1024x1xf32> to vector<1024x128xf32>
      %lt3A_293 = arith.cmpf olt, %get3A_288, %lt3A_292 : vector<1024x128xf32>
      %reduce_or3A_294 = arith.constant 1.000000e+00 : f32
      %reduce_or3A_295 = arith.constant 0.000000e+00 : f32
      %reduce_or3A_296 = vector.broadcast %reduce_or3A_294 : f32 to vector<1024x128xf32>
      %reduce_or3A_297 = vector.broadcast %reduce_or3A_295 : f32 to vector<1024x128xf32>
      %reduce_or3A_298 = arith.select %lt3A_293, %reduce_or3A_296, %reduce_or3A_297 : vector<1024x128xi1>, vector<1024x128xf32>
      %reduce_or3A_299 = vector.shape_cast %reduce_or3A_298 : vector<1024x128xf32> to vector<1x1024x128xf32>
      %reduce_or3A_300 = arith.constant dense<0xFF800000> : vector<1xf32>
      %reduce_or3A_301 = vector.multi_reduction <maximumf>, %reduce_or3A_299, %reduce_or3A_300 [1, 2] : vector<1x1024x128xf32> to vector<1xf32>
      %reduce_or3A_302 = vector.shape_cast %reduce_or3A_301 : vector<1xf32> to vector<1x1x1xf32>
      %reduce_or3A_303 = vector.extract %reduce_or3A_302[0, 0, 0] : f32 from vector<1x1x1xf32>
      %reduce_or3A_304 = arith.constant 0.000000e+00 : f32
      %reduce_or3A_305 = arith.cmpf ogt, %reduce_or3A_303, %reduce_or3A_304 : f32
      %convert_element_type3A_306 = arith.extui %reduce_or3A_305 : i1 to i32
      %cond3A_307 = arith.constant 0 : i32
      %cond3A_308 = arith.cmpi ne, %convert_element_type3A_306, %cond3A_307 : i32
      scf.if %cond3A_308 {
        %get3A_812 = arith.constant 0 : index
        %get3A_813 = arith.constant 0 : index
        %get3A_814 = vector.load %arg7[%get3A_812, %get3A_813] : memref<1024x64xf32, #tpu.memory_space<vmem>>, vector<1024x64xf32>
        %get3A_815 = arith.constant 0 : index
        %get3A_816 = arith.constant 0 : index
        %get3A_817 = vector.load %arg8[%get3A_815, %get3A_816] : memref<1024x64xf32, #tpu.memory_space<vmem>>, vector<1024x64xf32>
        %reduce_min3A = arith.constant dense<0x7F800000> : vector<1024xf32>
        %reduce_min3A_818 = vector.multi_reduction <minimumf>, %get3A_288, %reduce_min3A [1] : vector<1024x128xf32> to vector<1024xf32>
        %broadcast_in_dim3A_819 = vector.shape_cast %reduce_min3A_818 : vector<1024xf32> to vector<1024x1xf32>
        %eq3A_820 = vector.broadcast %broadcast_in_dim3A_819 : vector<1024x1xf32> to vector<1024x128xf32>
        %eq3A_821 = arith.cmpf oeq, %get3A_288, %eq3A_820 : vector<1024x128xf32>
        %jit3A_822 = arith.constant 1.000000e+04 : f32
        %broadcast_in_dim3A_823 = vector.shape_cast %convert_element_type3A_30 : vector<1x128xf32> to vector<1x128xf32>
        %broadcast_in_dim3A_824 = vector.broadcast %broadcast_in_dim3A_823 : vector<1x128xf32> to vector<1024x128xf32>
        %broadcast_in_dim3A_825 = vector.broadcast %jit3A_822 : f32 to vector<1024x128xf32>
        %select_n3A_826 = arith.select %eq3A_821, %broadcast_in_dim3A_824, %broadcast_in_dim3A_825 : vector<1024x128xi1>, vector<1024x128xf32>
        %reduce_min3A_827 = arith.constant dense<0x7F800000> : vector<1024xf32>
        %reduce_min3A_828 = vector.multi_reduction <minimumf>, %select_n3A_826, %reduce_min3A_827 [1] : vector<1024x128xf32> to vector<1024xf32>
        %broadcast_in_dim3A_829 = vector.shape_cast %reduce_min3A_828 : vector<1024xf32> to vector<1024x1xf32>
        %eq3A_830 = vector.broadcast %convert_element_type3A_30 : vector<1x128xf32> to vector<1024x128xf32>
        %eq3A_831 = vector.broadcast %broadcast_in_dim3A_829 : vector<1024x1xf32> to vector<1024x128xf32>
        %eq3A_832 = arith.cmpf oeq, %eq3A_830, %eq3A_831 : vector<1024x128xf32>
        %jit3A_833 = arith.constant 3.000000e+38 : f32
        %broadcast_in_dim3A_834 = vector.broadcast %jit3A_833 : f32 to vector<1024x128xf32>
        %select_n3A_835 = arith.select %eq3A_832, %broadcast_in_dim3A_834, %get3A_288 : vector<1024x128xi1>, vector<1024x128xf32>
        %reduce_min3A_836 = arith.constant dense<0x7F800000> : vector<1024xf32>
        %reduce_min3A_837 = vector.multi_reduction <minimumf>, %select_n3A_835, %reduce_min3A_836 [1] : vector<1024x128xf32> to vector<1024xf32>
        %broadcast_in_dim3A_838 = vector.shape_cast %reduce_min3A_837 : vector<1024xf32> to vector<1024x1xf32>
        %eq3A_839 = vector.broadcast %broadcast_in_dim3A_838 : vector<1024x1xf32> to vector<1024x128xf32>
        %eq3A_840 = arith.cmpf oeq, %select_n3A_835, %eq3A_839 : vector<1024x128xf32>
        %jit3A_841 = arith.constant 1.000000e+04 : f32
        %broadcast_in_dim3A_842 = vector.shape_cast %convert_element_type3A_30 : vector<1x128xf32> to vector<1x128xf32>
        %broadcast_in_dim3A_843 = vector.broadcast %broadcast_in_dim3A_842 : vector<1x128xf32> to vector<1024x128xf32>
        %broadcast_in_dim3A_844 = vector.broadcast %jit3A_841 : f32 to vector<1024x128xf32>
        %select_n3A_845 = arith.select %eq3A_840, %broadcast_in_dim3A_843, %broadcast_in_dim3A_844 : vector<1024x128xi1>, vector<1024x128xf32>
        %reduce_min3A_846 = arith.constant dense<0x7F800000> : vector<1024xf32>
        %reduce_min3A_847 = vector.multi_reduction <minimumf>, %select_n3A_845, %reduce_min3A_846 [1] : vector<1024x128xf32> to vector<1024xf32>
        %broadcast_in_dim3A_848 = vector.shape_cast %reduce_min3A_847 : vector<1024xf32> to vector<1024x1xf32>
        %eq3A_849 = vector.broadcast %convert_element_type3A_30 : vector<1x128xf32> to vector<1024x128xf32>
        %eq3A_850 = vector.broadcast %broadcast_in_dim3A_848 : vector<1024x1xf32> to vector<1024x128xf32>
        %eq3A_851 = arith.cmpf oeq, %eq3A_849, %eq3A_850 : vector<1024x128xf32>
        %jit3A_852 = arith.constant 3.000000e+38 : f32
        %broadcast_in_dim3A_853 = vector.broadcast %jit3A_852 : f32 to vector<1024x128xf32>
        %select_n3A_854 = arith.select %eq3A_851, %broadcast_in_dim3A_853, %select_n3A_835 : vector<1024x128xi1>, vector<1024x128xf32>
        %swap3A_855 = arith.constant 0 : index
        %swap3A_856 = arith.constant 1280 : index
        %swap3A_857 = vector.load %arg9[%swap3A_855, %swap3A_856] : memref<1024x4096xf32, #tpu.memory_space<vmem>>, vector<1024x128xf32>
        tpu.vector_store %arg9[%swap3A_855, %swap3A_856], %select_n3A_854 {strides = array<i32>} : memref<1024x4096xf32, #tpu.memory_space<vmem>>, vector<1024x128xf32>,
        %add3A_858 = arith.constant 1.280000e+03 : f32
        %add3A_859 = arith.addf %convert_element_type3A_33, %add3A_858 : f32
        %add3A_860 = vector.broadcast %add3A_859 : f32 to vector<1024x1xf32>
        %add3A_861 = arith.addf %add3A_860, %broadcast_in_dim3A_829 : vector<1024x1xf32>
        %add3A_862 = arith.constant 1.280000e+03 : f32
        %add3A_863 = arith.addf %convert_element_type3A_33, %add3A_862 : f32
        %add3A_864 = vector.broadcast %add3A_863 : f32 to vector<1024x1xf32>
        %add3A_865 = arith.addf %add3A_864, %broadcast_in_dim3A_848 : vector<1024x1xf32>
        %le3A = vector.broadcast %broadcast_in_dim3A_819 : vector<1024x1xf32> to vector<1024x64xf32>
        %le3A_866 = arith.cmpf ole, %get3A_814, %le3A : vector<1024x64xf32>
        %convert_element_type3A_867 = arith.extui %le3A_866 : vector<1024x64xi1> to vector<1024x64xi32>
        %convert_element_type3A_868 = arith.sitofp %convert_element_type3A_867 : vector<1024x64xi32> to vector<1024x64xf32>
        %reduce_sum3A_869 = arith.constant dense<0.000000e+00> : vector<1024xf32>
        %reduce_sum3A_870 = vector.multi_reduction <add>, %convert_element_type3A_868, %reduce_sum3A_869 [1] : vector<1024x64xf32> to vector<1024xf32>
        %broadcast_in_dim3A_871 = vector.shape_cast %reduce_sum3A_870 : vector<1024xf32> to vector<1024x1xf32>
        %le3A_872 = vector.broadcast %broadcast_in_dim3A_838 : vector<1024x1xf32> to vector<1024x64xf32>
        %le3A_873 = arith.cmpf ole, %get3A_814, %le3A_872 : vector<1024x64xf32>
        %convert_element_type3A_874 = arith.extui %le3A_873 : vector<1024x64xi1> to vector<1024x64xi32>
        %convert_element_type3A_875 = arith.sitofp %convert_element_type3A_874 : vector<1024x64xi32> to vector<1024x64xf32>
        %reduce_sum3A_876 = arith.constant dense<0.000000e+00> : vector<1024xf32>
        %reduce_sum3A_877 = vector.multi_reduction <add>, %convert_element_type3A_875, %reduce_sum3A_876 [1] : vector<1024x64xf32> to vector<1024xf32>
        %broadcast_in_dim3A_878 = vector.shape_cast %reduce_sum3A_877 : vector<1024xf32> to vector<1024x1xf32>
        %add3A_879 = arith.constant 1.000000e+00 : f32
        %add3A_880 = vector.broadcast %add3A_879 : f32 to vector<1024x1xf32>
        %add3A_881 = arith.addf %broadcast_in_dim3A_878, %add3A_880 : vector<1024x1xf32>
        %roll3A = arith.constant 1 : i32
        %roll3A_882 = tpu.dynamic_rotate %get3A_814 by %roll3A dim 1 : vector<1024x64xf32>, i32 -> vector<1024x64xf32>
        %roll3A_883 = arith.constant 2 : i32
        %roll3A_884 = tpu.dynamic_rotate %get3A_814 by %roll3A_883 dim 1 : vector<1024x64xf32>, i32 -> vector<1024x64xf32>
        %roll3A_885 = arith.constant 1 : i32
        %roll3A_886 = tpu.dynamic_rotate %get3A_817 by %roll3A_885 dim 1 : vector<1024x64xf32>, i32 -> vector<1024x64xf32>
        %roll3A_887 = arith.constant 2 : i32
        %roll3A_888 = tpu.dynamic_rotate %get3A_817 by %roll3A_887 dim 1 : vector<1024x64xf32>, i32 -> vector<1024x64xf32>
        %lt3A_889 = vector.broadcast %convert_element_type3A_28 : vector<1x64xf32> to vector<1024x64xf32>
        %lt3A_890 = vector.broadcast %broadcast_in_dim3A_871 : vector<1024x1xf32> to vector<1024x64xf32>
        %lt3A_891 = arith.cmpf olt, %lt3A_889, %lt3A_890 : vector<1024x64xf32>
        %eq3A_892 = vector.broadcast %convert_element_type3A_28 : vector<1x64xf32> to vector<1024x64xf32>
        %eq3A_893 = vector.broadcast %broadcast_in_dim3A_871 : vector<1024x1xf32> to vector<1024x64xf32>
        %eq3A_894 = arith.cmpf oeq, %eq3A_892, %eq3A_893 : vector<1024x64xf32>
        %lt3A_895 = vector.broadcast %convert_element_type3A_28 : vector<1x64xf32> to vector<1024x64xf32>
        %lt3A_896 = vector.broadcast %add3A_881 : vector<1024x1xf32> to vector<1024x64xf32>
        %lt3A_897 = arith.cmpf olt, %lt3A_895, %lt3A_896 : vector<1024x64xf32>
        %eq3A_898 = vector.broadcast %convert_element_type3A_28 : vector<1x64xf32> to vector<1024x64xf32>
        %eq3A_899 = vector.broadcast %add3A_881 : vector<1024x1xf32> to vector<1024x64xf32>
        %eq3A_900 = arith.cmpf oeq, %eq3A_898, %eq3A_899 : vector<1024x64xf32>
        %broadcast_in_dim3A_901 = vector.shape_cast %broadcast_in_dim3A_838 : vector<1024x1xf32> to vector<1024x1xf32>
        %broadcast_in_dim3A_902 = vector.broadcast %broadcast_in_dim3A_901 : vector<1024x1xf32> to vector<1024x64xf32>
        %select_n3A_903 = arith.select %eq3A_900, %broadcast_in_dim3A_902, %roll3A_884 : vector<1024x64xi1>, vector<1024x64xf32>
        %select_n3A_904 = arith.select %lt3A_897, %roll3A_882, %select_n3A_903 : vector<1024x64xi1>, vector<1024x64xf32>
        %broadcast_in_dim3A_905 = vector.shape_cast %broadcast_in_dim3A_819 : vector<1024x1xf32> to vector<1024x1xf32>
        %broadcast_in_dim3A_906 = vector.broadcast %broadcast_in_dim3A_905 : vector<1024x1xf32> to vector<1024x64xf32>
        %select_n3A_907 = arith.select %eq3A_894, %broadcast_in_dim3A_906, %select_n3A_904 : vector<1024x64xi1>, vector<1024x64xf32>
        %select_n3A_908 = arith.select %lt3A_891, %get3A_814, %select_n3A_907 : vector<1024x64xi1>, vector<1024x64xf32>
        %lt3A_909 = vector.broadcast %convert_element_type3A_28 : vector<1x64xf32> to vector<1024x64xf32>
        %lt3A_910 = vector.broadcast %broadcast_in_dim3A_871 : vector<1024x1xf32> to vector<1024x64xf32>
        %lt3A_911 = arith.cmpf olt, %lt3A_909, %lt3A_910 : vector<1024x64xf32>
        %eq3A_912 = vector.broadcast %convert_element_type3A_28 : vector<1x64xf32> to vector<1024x64xf32>
        %eq3A_913 = vector.broadcast %broadcast_in_dim3A_871 : vector<1024x1xf32> to vector<1024x64xf32>
        %eq3A_914 = arith.cmpf oeq, %eq3A_912, %eq3A_913 : vector<1024x64xf32>
        %lt3A_915 = vector.broadcast %convert_element_type3A_28 : vector<1x64xf32> to vector<1024x64xf32>
        %lt3A_916 = vector.broadcast %add3A_881 : vector<1024x1xf32> to vector<1024x64xf32>
        %lt3A_917 = arith.cmpf olt, %lt3A_915, %lt3A_916 : vector<1024x64xf32>
        %eq3A_918 = vector.broadcast %convert_element_type3A_28 : vector<1x64xf32> to vector<1024x64xf32>
        %eq3A_919 = vector.broadcast %add3A_881 : vector<1024x1xf32> to vector<1024x64xf32>
        %eq3A_920 = arith.cmpf oeq, %eq3A_918, %eq3A_919 : vector<1024x64xf32>
        %broadcast_in_dim3A_921 = vector.shape_cast %add3A_865 : vector<1024x1xf32> to vector<1024x1xf32>
        %broadcast_in_dim3A_922 = vector.broadcast %broadcast_in_dim3A_921 : vector<1024x1xf32> to vector<1024x64xf32>
        %select_n3A_923 = arith.select %eq3A_920, %broadcast_in_dim3A_922, %roll3A_888 : vector<1024x64xi1>, vector<1024x64xf32>
        %select_n3A_924 = arith.select %lt3A_917, %roll3A_886, %select_n3A_923 : vector<1024x64xi1>, vector<1024x64xf32>
        %broadcast_in_dim3A_925 = vector.shape_cast %add3A_861 : vector<1024x1xf32> to vector<1024x1xf32>
        %broadcast_in_dim3A_926 = vector.broadcast %broadcast_in_dim3A_925 : vector<1024x1xf32> to vector<1024x64xf32>
        %select_n3A_927 = arith.select %eq3A_914, %broadcast_in_dim3A_926, %select_n3A_924 : vector<1024x64xi1>, vector<1024x64xf32>
        %select_n3A_928 = arith.select %lt3A_911, %get3A_817, %select_n3A_927 : vector<1024x64xi1>, vector<1024x64xf32>
        %swap3A_929 = arith.constant 0 : index
        %swap3A_930 = arith.constant 0 : index
        %swap3A_931 = vector.load %arg7[%swap3A_929, %swap3A_930] : memref<1024x64xf32, #tpu.memory_space<vmem>>, vector<1024x64xf32>
        tpu.vector_store %arg7[%swap3A_929, %swap3A_930], %select_n3A_908 {strides = array<i32>} : memref<1024x64xf32, #tpu.memory_space<vmem>>, vector<1024x64xf32>,
        %swap3A_932 = arith.constant 0 : index
        %swap3A_933 = arith.constant 0 : index
        %swap3A_934 = vector.load %arg8[%swap3A_932, %swap3A_933] : memref<1024x64xf32, #tpu.memory_space<vmem>>, vector<1024x64xf32>
        tpu.vector_store %arg8[%swap3A_932, %swap3A_933], %select_n3A_928 {strides = array<i32>} : memref<1024x64xf32, #tpu.memory_space<vmem>>, vector<1024x64xf32>,
      } else {
      }
      %get3A_309 = arith.constant 0 : index
      %get3A_310 = arith.constant 1408 : index
      %get3A_311 = vector.load %arg9[%get3A_309, %get3A_310] : memref<1024x4096xf32, #tpu.memory_space<vmem>>, vector<1024x128xf32>
      %get3A_312 = arith.constant 0 : index
      %get3A_313 = arith.constant 63 : index
      %get3A_314 = vector.load %arg7[%get3A_312, %get3A_313] : memref<1024x64xf32, #tpu.memory_space<vmem>>, vector<1024x1xf32>
      %lt3A_315 = vector.broadcast %get3A_314 : vector<1024x1xf32> to vector<1024x128xf32>
      %lt3A_316 = arith.cmpf olt, %get3A_311, %lt3A_315 : vector<1024x128xf32>
      %reduce_or3A_317 = arith.constant 1.000000e+00 : f32
      %reduce_or3A_318 = arith.constant 0.000000e+00 : f32
      %reduce_or3A_319 = vector.broadcast %reduce_or3A_317 : f32 to vector<1024x128xf32>
      %reduce_or3A_320 = vector.broadcast %reduce_or3A_318 : f32 to vector<1024x128xf32>
      %reduce_or3A_321 = arith.select %lt3A_316, %reduce_or3A_319, %reduce_or3A_320 : vector<1024x128xi1>, vector<1024x128xf32>
      %reduce_or3A_322 = vector.shape_cast %reduce_or3A_321 : vector<1024x128xf32> to vector<1x1024x128xf32>
      %reduce_or3A_323 = arith.constant dense<0xFF800000> : vector<1xf32>
      %reduce_or3A_324 = vector.multi_reduction <maximumf>, %reduce_or3A_322, %reduce_or3A_323 [1, 2] : vector<1x1024x128xf32> to vector<1xf32>
      %reduce_or3A_325 = vector.shape_cast %reduce_or3A_324 : vector<1xf32> to vector<1x1x1xf32>
      %reduce_or3A_326 = vector.extract %reduce_or3A_325[0, 0, 0] : f32 from vector<1x1x1xf32>
      %reduce_or3A_327 = arith.constant 0.000000e+00 : f32
      %reduce_or3A_328 = arith.cmpf ogt, %reduce_or3A_326, %reduce_or3A_327 : f32
      %convert_element_type3A_329 = arith.extui %reduce_or3A_328 : i1 to i32
      %cond3A_330 = arith.constant 0 : i32
      %cond3A_331 = arith.cmpi ne, %convert_element_type3A_329, %cond3A_330 : i32
      scf.if %cond3A_331 {
        %get3A_812 = arith.constant 0 : index
        %get3A_813 = arith.constant 0 : index
        %get3A_814 = vector.load %arg7[%get3A_812, %get3A_813] : memref<1024x64xf32, #tpu.memory_space<vmem>>, vector<1024x64xf32>
        %get3A_815 = arith.constant 0 : index
        %get3A_816 = arith.constant 0 : index
        %get3A_817 = vector.load %arg8[%get3A_815, %get3A_816] : memref<1024x64xf32, #tpu.memory_space<vmem>>, vector<1024x64xf32>
        %reduce_min3A = arith.constant dense<0x7F800000> : vector<1024xf32>
        %reduce_min3A_818 = vector.multi_reduction <minimumf>, %get3A_311, %reduce_min3A [1] : vector<1024x128xf32> to vector<1024xf32>
        %broadcast_in_dim3A_819 = vector.shape_cast %reduce_min3A_818 : vector<1024xf32> to vector<1024x1xf32>
        %eq3A_820 = vector.broadcast %broadcast_in_dim3A_819 : vector<1024x1xf32> to vector<1024x128xf32>
        %eq3A_821 = arith.cmpf oeq, %get3A_311, %eq3A_820 : vector<1024x128xf32>
        %jit3A_822 = arith.constant 1.000000e+04 : f32
        %broadcast_in_dim3A_823 = vector.shape_cast %convert_element_type3A_30 : vector<1x128xf32> to vector<1x128xf32>
        %broadcast_in_dim3A_824 = vector.broadcast %broadcast_in_dim3A_823 : vector<1x128xf32> to vector<1024x128xf32>
        %broadcast_in_dim3A_825 = vector.broadcast %jit3A_822 : f32 to vector<1024x128xf32>
        %select_n3A_826 = arith.select %eq3A_821, %broadcast_in_dim3A_824, %broadcast_in_dim3A_825 : vector<1024x128xi1>, vector<1024x128xf32>
        %reduce_min3A_827 = arith.constant dense<0x7F800000> : vector<1024xf32>
        %reduce_min3A_828 = vector.multi_reduction <minimumf>, %select_n3A_826, %reduce_min3A_827 [1] : vector<1024x128xf32> to vector<1024xf32>
        %broadcast_in_dim3A_829 = vector.shape_cast %reduce_min3A_828 : vector<1024xf32> to vector<1024x1xf32>
        %eq3A_830 = vector.broadcast %convert_element_type3A_30 : vector<1x128xf32> to vector<1024x128xf32>
        %eq3A_831 = vector.broadcast %broadcast_in_dim3A_829 : vector<1024x1xf32> to vector<1024x128xf32>
        %eq3A_832 = arith.cmpf oeq, %eq3A_830, %eq3A_831 : vector<1024x128xf32>
        %jit3A_833 = arith.constant 3.000000e+38 : f32
        %broadcast_in_dim3A_834 = vector.broadcast %jit3A_833 : f32 to vector<1024x128xf32>
        %select_n3A_835 = arith.select %eq3A_832, %broadcast_in_dim3A_834, %get3A_311 : vector<1024x128xi1>, vector<1024x128xf32>
        %reduce_min3A_836 = arith.constant dense<0x7F800000> : vector<1024xf32>
        %reduce_min3A_837 = vector.multi_reduction <minimumf>, %select_n3A_835, %reduce_min3A_836 [1] : vector<1024x128xf32> to vector<1024xf32>
        %broadcast_in_dim3A_838 = vector.shape_cast %reduce_min3A_837 : vector<1024xf32> to vector<1024x1xf32>
        %eq3A_839 = vector.broadcast %broadcast_in_dim3A_838 : vector<1024x1xf32> to vector<1024x128xf32>
        %eq3A_840 = arith.cmpf oeq, %select_n3A_835, %eq3A_839 : vector<1024x128xf32>
        %jit3A_841 = arith.constant 1.000000e+04 : f32
        %broadcast_in_dim3A_842 = vector.shape_cast %convert_element_type3A_30 : vector<1x128xf32> to vector<1x128xf32>
        %broadcast_in_dim3A_843 = vector.broadcast %broadcast_in_dim3A_842 : vector<1x128xf32> to vector<1024x128xf32>
        %broadcast_in_dim3A_844 = vector.broadcast %jit3A_841 : f32 to vector<1024x128xf32>
        %select_n3A_845 = arith.select %eq3A_840, %broadcast_in_dim3A_843, %broadcast_in_dim3A_844 : vector<1024x128xi1>, vector<1024x128xf32>
        %reduce_min3A_846 = arith.constant dense<0x7F800000> : vector<1024xf32>
        %reduce_min3A_847 = vector.multi_reduction <minimumf>, %select_n3A_845, %reduce_min3A_846 [1] : vector<1024x128xf32> to vector<1024xf32>
        %broadcast_in_dim3A_848 = vector.shape_cast %reduce_min3A_847 : vector<1024xf32> to vector<1024x1xf32>
        %eq3A_849 = vector.broadcast %convert_element_type3A_30 : vector<1x128xf32> to vector<1024x128xf32>
        %eq3A_850 = vector.broadcast %broadcast_in_dim3A_848 : vector<1024x1xf32> to vector<1024x128xf32>
        %eq3A_851 = arith.cmpf oeq, %eq3A_849, %eq3A_850 : vector<1024x128xf32>
        %jit3A_852 = arith.constant 3.000000e+38 : f32
        %broadcast_in_dim3A_853 = vector.broadcast %jit3A_852 : f32 to vector<1024x128xf32>
        %select_n3A_854 = arith.select %eq3A_851, %broadcast_in_dim3A_853, %select_n3A_835 : vector<1024x128xi1>, vector<1024x128xf32>
        %swap3A_855 = arith.constant 0 : index
        %swap3A_856 = arith.constant 1408 : index
        %swap3A_857 = vector.load %arg9[%swap3A_855, %swap3A_856] : memref<1024x4096xf32, #tpu.memory_space<vmem>>, vector<1024x128xf32>
        tpu.vector_store %arg9[%swap3A_855, %swap3A_856], %select_n3A_854 {strides = array<i32>} : memref<1024x4096xf32, #tpu.memory_space<vmem>>, vector<1024x128xf32>,
        %add3A_858 = arith.constant 1.408000e+03 : f32
        %add3A_859 = arith.addf %convert_element_type3A_33, %add3A_858 : f32
        %add3A_860 = vector.broadcast %add3A_859 : f32 to vector<1024x1xf32>
        %add3A_861 = arith.addf %add3A_860, %broadcast_in_dim3A_829 : vector<1024x1xf32>
        %add3A_862 = arith.constant 1.408000e+03 : f32
        %add3A_863 = arith.addf %convert_element_type3A_33, %add3A_862 : f32
        %add3A_864 = vector.broadcast %add3A_863 : f32 to vector<1024x1xf32>
        %add3A_865 = arith.addf %add3A_864, %broadcast_in_dim3A_848 : vector<1024x1xf32>
        %le3A = vector.broadcast %broadcast_in_dim3A_819 : vector<1024x1xf32> to vector<1024x64xf32>
        %le3A_866 = arith.cmpf ole, %get3A_814, %le3A : vector<1024x64xf32>
        %convert_element_type3A_867 = arith.extui %le3A_866 : vector<1024x64xi1> to vector<1024x64xi32>
        %convert_element_type3A_868 = arith.sitofp %convert_element_type3A_867 : vector<1024x64xi32> to vector<1024x64xf32>
        %reduce_sum3A_869 = arith.constant dense<0.000000e+00> : vector<1024xf32>
        %reduce_sum3A_870 = vector.multi_reduction <add>, %convert_element_type3A_868, %reduce_sum3A_869 [1] : vector<1024x64xf32> to vector<1024xf32>
        %broadcast_in_dim3A_871 = vector.shape_cast %reduce_sum3A_870 : vector<1024xf32> to vector<1024x1xf32>
        %le3A_872 = vector.broadcast %broadcast_in_dim3A_838 : vector<1024x1xf32> to vector<1024x64xf32>
        %le3A_873 = arith.cmpf ole, %get3A_814, %le3A_872 : vector<1024x64xf32>
        %convert_element_type3A_874 = arith.extui %le3A_873 : vector<1024x64xi1> to vector<1024x64xi32>
        %convert_element_type3A_875 = arith.sitofp %convert_element_type3A_874 : vector<1024x64xi32> to vector<1024x64xf32>
        %reduce_sum3A_876 = arith.constant dense<0.000000e+00> : vector<1024xf32>
        %reduce_sum3A_877 = vector.multi_reduction <add>, %convert_element_type3A_875, %reduce_sum3A_876 [1] : vector<1024x64xf32> to vector<1024xf32>
        %broadcast_in_dim3A_878 = vector.shape_cast %reduce_sum3A_877 : vector<1024xf32> to vector<1024x1xf32>
        %add3A_879 = arith.constant 1.000000e+00 : f32
        %add3A_880 = vector.broadcast %add3A_879 : f32 to vector<1024x1xf32>
        %add3A_881 = arith.addf %broadcast_in_dim3A_878, %add3A_880 : vector<1024x1xf32>
        %roll3A = arith.constant 1 : i32
        %roll3A_882 = tpu.dynamic_rotate %get3A_814 by %roll3A dim 1 : vector<1024x64xf32>, i32 -> vector<1024x64xf32>
        %roll3A_883 = arith.constant 2 : i32
        %roll3A_884 = tpu.dynamic_rotate %get3A_814 by %roll3A_883 dim 1 : vector<1024x64xf32>, i32 -> vector<1024x64xf32>
        %roll3A_885 = arith.constant 1 : i32
        %roll3A_886 = tpu.dynamic_rotate %get3A_817 by %roll3A_885 dim 1 : vector<1024x64xf32>, i32 -> vector<1024x64xf32>
        %roll3A_887 = arith.constant 2 : i32
        %roll3A_888 = tpu.dynamic_rotate %get3A_817 by %roll3A_887 dim 1 : vector<1024x64xf32>, i32 -> vector<1024x64xf32>
        %lt3A_889 = vector.broadcast %convert_element_type3A_28 : vector<1x64xf32> to vector<1024x64xf32>
        %lt3A_890 = vector.broadcast %broadcast_in_dim3A_871 : vector<1024x1xf32> to vector<1024x64xf32>
        %lt3A_891 = arith.cmpf olt, %lt3A_889, %lt3A_890 : vector<1024x64xf32>
        %eq3A_892 = vector.broadcast %convert_element_type3A_28 : vector<1x64xf32> to vector<1024x64xf32>
        %eq3A_893 = vector.broadcast %broadcast_in_dim3A_871 : vector<1024x1xf32> to vector<1024x64xf32>
        %eq3A_894 = arith.cmpf oeq, %eq3A_892, %eq3A_893 : vector<1024x64xf32>
        %lt3A_895 = vector.broadcast %convert_element_type3A_28 : vector<1x64xf32> to vector<1024x64xf32>
        %lt3A_896 = vector.broadcast %add3A_881 : vector<1024x1xf32> to vector<1024x64xf32>
        %lt3A_897 = arith.cmpf olt, %lt3A_895, %lt3A_896 : vector<1024x64xf32>
        %eq3A_898 = vector.broadcast %convert_element_type3A_28 : vector<1x64xf32> to vector<1024x64xf32>
        %eq3A_899 = vector.broadcast %add3A_881 : vector<1024x1xf32> to vector<1024x64xf32>
        %eq3A_900 = arith.cmpf oeq, %eq3A_898, %eq3A_899 : vector<1024x64xf32>
        %broadcast_in_dim3A_901 = vector.shape_cast %broadcast_in_dim3A_838 : vector<1024x1xf32> to vector<1024x1xf32>
        %broadcast_in_dim3A_902 = vector.broadcast %broadcast_in_dim3A_901 : vector<1024x1xf32> to vector<1024x64xf32>
        %select_n3A_903 = arith.select %eq3A_900, %broadcast_in_dim3A_902, %roll3A_884 : vector<1024x64xi1>, vector<1024x64xf32>
        %select_n3A_904 = arith.select %lt3A_897, %roll3A_882, %select_n3A_903 : vector<1024x64xi1>, vector<1024x64xf32>
        %broadcast_in_dim3A_905 = vector.shape_cast %broadcast_in_dim3A_819 : vector<1024x1xf32> to vector<1024x1xf32>
        %broadcast_in_dim3A_906 = vector.broadcast %broadcast_in_dim3A_905 : vector<1024x1xf32> to vector<1024x64xf32>
        %select_n3A_907 = arith.select %eq3A_894, %broadcast_in_dim3A_906, %select_n3A_904 : vector<1024x64xi1>, vector<1024x64xf32>
        %select_n3A_908 = arith.select %lt3A_891, %get3A_814, %select_n3A_907 : vector<1024x64xi1>, vector<1024x64xf32>
        %lt3A_909 = vector.broadcast %convert_element_type3A_28 : vector<1x64xf32> to vector<1024x64xf32>
        %lt3A_910 = vector.broadcast %broadcast_in_dim3A_871 : vector<1024x1xf32> to vector<1024x64xf32>
        %lt3A_911 = arith.cmpf olt, %lt3A_909, %lt3A_910 : vector<1024x64xf32>
        %eq3A_912 = vector.broadcast %convert_element_type3A_28 : vector<1x64xf32> to vector<1024x64xf32>
        %eq3A_913 = vector.broadcast %broadcast_in_dim3A_871 : vector<1024x1xf32> to vector<1024x64xf32>
        %eq3A_914 = arith.cmpf oeq, %eq3A_912, %eq3A_913 : vector<1024x64xf32>
        %lt3A_915 = vector.broadcast %convert_element_type3A_28 : vector<1x64xf32> to vector<1024x64xf32>
        %lt3A_916 = vector.broadcast %add3A_881 : vector<1024x1xf32> to vector<1024x64xf32>
        %lt3A_917 = arith.cmpf olt, %lt3A_915, %lt3A_916 : vector<1024x64xf32>
        %eq3A_918 = vector.broadcast %convert_element_type3A_28 : vector<1x64xf32> to vector<1024x64xf32>
        %eq3A_919 = vector.broadcast %add3A_881 : vector<1024x1xf32> to vector<1024x64xf32>
        %eq3A_920 = arith.cmpf oeq, %eq3A_918, %eq3A_919 : vector<1024x64xf32>
        %broadcast_in_dim3A_921 = vector.shape_cast %add3A_865 : vector<1024x1xf32> to vector<1024x1xf32>
        %broadcast_in_dim3A_922 = vector.broadcast %broadcast_in_dim3A_921 : vector<1024x1xf32> to vector<1024x64xf32>
        %select_n3A_923 = arith.select %eq3A_920, %broadcast_in_dim3A_922, %roll3A_888 : vector<1024x64xi1>, vector<1024x64xf32>
        %select_n3A_924 = arith.select %lt3A_917, %roll3A_886, %select_n3A_923 : vector<1024x64xi1>, vector<1024x64xf32>
        %broadcast_in_dim3A_925 = vector.shape_cast %add3A_861 : vector<1024x1xf32> to vector<1024x1xf32>
        %broadcast_in_dim3A_926 = vector.broadcast %broadcast_in_dim3A_925 : vector<1024x1xf32> to vector<1024x64xf32>
        %select_n3A_927 = arith.select %eq3A_914, %broadcast_in_dim3A_926, %select_n3A_924 : vector<1024x64xi1>, vector<1024x64xf32>
        %select_n3A_928 = arith.select %lt3A_911, %get3A_817, %select_n3A_927 : vector<1024x64xi1>, vector<1024x64xf32>
        %swap3A_929 = arith.constant 0 : index
        %swap3A_930 = arith.constant 0 : index
        %swap3A_931 = vector.load %arg7[%swap3A_929, %swap3A_930] : memref<1024x64xf32, #tpu.memory_space<vmem>>, vector<1024x64xf32>
        tpu.vector_store %arg7[%swap3A_929, %swap3A_930], %select_n3A_908 {strides = array<i32>} : memref<1024x64xf32, #tpu.memory_space<vmem>>, vector<1024x64xf32>,
        %swap3A_932 = arith.constant 0 : index
        %swap3A_933 = arith.constant 0 : index
        %swap3A_934 = vector.load %arg8[%swap3A_932, %swap3A_933] : memref<1024x64xf32, #tpu.memory_space<vmem>>, vector<1024x64xf32>
        tpu.vector_store %arg8[%swap3A_932, %swap3A_933], %select_n3A_928 {strides = array<i32>} : memref<1024x64xf32, #tpu.memory_space<vmem>>, vector<1024x64xf32>,
      } else {
      }
      %get3A_332 = arith.constant 0 : index
      %get3A_333 = arith.constant 1536 : index
      %get3A_334 = vector.load %arg9[%get3A_332, %get3A_333] : memref<1024x4096xf32, #tpu.memory_space<vmem>>, vector<1024x128xf32>
      %get3A_335 = arith.constant 0 : index
      %get3A_336 = arith.constant 63 : index
      %get3A_337 = vector.load %arg7[%get3A_335, %get3A_336] : memref<1024x64xf32, #tpu.memory_space<vmem>>, vector<1024x1xf32>
      %lt3A_338 = vector.broadcast %get3A_337 : vector<1024x1xf32> to vector<1024x128xf32>
      %lt3A_339 = arith.cmpf olt, %get3A_334, %lt3A_338 : vector<1024x128xf32>
      %reduce_or3A_340 = arith.constant 1.000000e+00 : f32
      %reduce_or3A_341 = arith.constant 0.000000e+00 : f32
      %reduce_or3A_342 = vector.broadcast %reduce_or3A_340 : f32 to vector<1024x128xf32>
      %reduce_or3A_343 = vector.broadcast %reduce_or3A_341 : f32 to vector<1024x128xf32>
      %reduce_or3A_344 = arith.select %lt3A_339, %reduce_or3A_342, %reduce_or3A_343 : vector<1024x128xi1>, vector<1024x128xf32>
      %reduce_or3A_345 = vector.shape_cast %reduce_or3A_344 : vector<1024x128xf32> to vector<1x1024x128xf32>
      %reduce_or3A_346 = arith.constant dense<0xFF800000> : vector<1xf32>
      %reduce_or3A_347 = vector.multi_reduction <maximumf>, %reduce_or3A_345, %reduce_or3A_346 [1, 2] : vector<1x1024x128xf32> to vector<1xf32>
      %reduce_or3A_348 = vector.shape_cast %reduce_or3A_347 : vector<1xf32> to vector<1x1x1xf32>
      %reduce_or3A_349 = vector.extract %reduce_or3A_348[0, 0, 0] : f32 from vector<1x1x1xf32>
      %reduce_or3A_350 = arith.constant 0.000000e+00 : f32
      %reduce_or3A_351 = arith.cmpf ogt, %reduce_or3A_349, %reduce_or3A_350 : f32
      %convert_element_type3A_352 = arith.extui %reduce_or3A_351 : i1 to i32
      %cond3A_353 = arith.constant 0 : i32
      %cond3A_354 = arith.cmpi ne, %convert_element_type3A_352, %cond3A_353 : i32
      scf.if %cond3A_354 {
        %get3A_812 = arith.constant 0 : index
        %get3A_813 = arith.constant 0 : index
        %get3A_814 = vector.load %arg7[%get3A_812, %get3A_813] : memref<1024x64xf32, #tpu.memory_space<vmem>>, vector<1024x64xf32>
        %get3A_815 = arith.constant 0 : index
        %get3A_816 = arith.constant 0 : index
        %get3A_817 = vector.load %arg8[%get3A_815, %get3A_816] : memref<1024x64xf32, #tpu.memory_space<vmem>>, vector<1024x64xf32>
        %reduce_min3A = arith.constant dense<0x7F800000> : vector<1024xf32>
        %reduce_min3A_818 = vector.multi_reduction <minimumf>, %get3A_334, %reduce_min3A [1] : vector<1024x128xf32> to vector<1024xf32>
        %broadcast_in_dim3A_819 = vector.shape_cast %reduce_min3A_818 : vector<1024xf32> to vector<1024x1xf32>
        %eq3A_820 = vector.broadcast %broadcast_in_dim3A_819 : vector<1024x1xf32> to vector<1024x128xf32>
        %eq3A_821 = arith.cmpf oeq, %get3A_334, %eq3A_820 : vector<1024x128xf32>
        %jit3A_822 = arith.constant 1.000000e+04 : f32
        %broadcast_in_dim3A_823 = vector.shape_cast %convert_element_type3A_30 : vector<1x128xf32> to vector<1x128xf32>
        %broadcast_in_dim3A_824 = vector.broadcast %broadcast_in_dim3A_823 : vector<1x128xf32> to vector<1024x128xf32>
        %broadcast_in_dim3A_825 = vector.broadcast %jit3A_822 : f32 to vector<1024x128xf32>
        %select_n3A_826 = arith.select %eq3A_821, %broadcast_in_dim3A_824, %broadcast_in_dim3A_825 : vector<1024x128xi1>, vector<1024x128xf32>
        %reduce_min3A_827 = arith.constant dense<0x7F800000> : vector<1024xf32>
        %reduce_min3A_828 = vector.multi_reduction <minimumf>, %select_n3A_826, %reduce_min3A_827 [1] : vector<1024x128xf32> to vector<1024xf32>
        %broadcast_in_dim3A_829 = vector.shape_cast %reduce_min3A_828 : vector<1024xf32> to vector<1024x1xf32>
        %eq3A_830 = vector.broadcast %convert_element_type3A_30 : vector<1x128xf32> to vector<1024x128xf32>
        %eq3A_831 = vector.broadcast %broadcast_in_dim3A_829 : vector<1024x1xf32> to vector<1024x128xf32>
        %eq3A_832 = arith.cmpf oeq, %eq3A_830, %eq3A_831 : vector<1024x128xf32>
        %jit3A_833 = arith.constant 3.000000e+38 : f32
        %broadcast_in_dim3A_834 = vector.broadcast %jit3A_833 : f32 to vector<1024x128xf32>
        %select_n3A_835 = arith.select %eq3A_832, %broadcast_in_dim3A_834, %get3A_334 : vector<1024x128xi1>, vector<1024x128xf32>
        %reduce_min3A_836 = arith.constant dense<0x7F800000> : vector<1024xf32>
        %reduce_min3A_837 = vector.multi_reduction <minimumf>, %select_n3A_835, %reduce_min3A_836 [1] : vector<1024x128xf32> to vector<1024xf32>
        %broadcast_in_dim3A_838 = vector.shape_cast %reduce_min3A_837 : vector<1024xf32> to vector<1024x1xf32>
        %eq3A_839 = vector.broadcast %broadcast_in_dim3A_838 : vector<1024x1xf32> to vector<1024x128xf32>
        %eq3A_840 = arith.cmpf oeq, %select_n3A_835, %eq3A_839 : vector<1024x128xf32>
        %jit3A_841 = arith.constant 1.000000e+04 : f32
        %broadcast_in_dim3A_842 = vector.shape_cast %convert_element_type3A_30 : vector<1x128xf32> to vector<1x128xf32>
        %broadcast_in_dim3A_843 = vector.broadcast %broadcast_in_dim3A_842 : vector<1x128xf32> to vector<1024x128xf32>
        %broadcast_in_dim3A_844 = vector.broadcast %jit3A_841 : f32 to vector<1024x128xf32>
        %select_n3A_845 = arith.select %eq3A_840, %broadcast_in_dim3A_843, %broadcast_in_dim3A_844 : vector<1024x128xi1>, vector<1024x128xf32>
        %reduce_min3A_846 = arith.constant dense<0x7F800000> : vector<1024xf32>
        %reduce_min3A_847 = vector.multi_reduction <minimumf>, %select_n3A_845, %reduce_min3A_846 [1] : vector<1024x128xf32> to vector<1024xf32>
        %broadcast_in_dim3A_848 = vector.shape_cast %reduce_min3A_847 : vector<1024xf32> to vector<1024x1xf32>
        %eq3A_849 = vector.broadcast %convert_element_type3A_30 : vector<1x128xf32> to vector<1024x128xf32>
        %eq3A_850 = vector.broadcast %broadcast_in_dim3A_848 : vector<1024x1xf32> to vector<1024x128xf32>
        %eq3A_851 = arith.cmpf oeq, %eq3A_849, %eq3A_850 : vector<1024x128xf32>
        %jit3A_852 = arith.constant 3.000000e+38 : f32
        %broadcast_in_dim3A_853 = vector.broadcast %jit3A_852 : f32 to vector<1024x128xf32>
        %select_n3A_854 = arith.select %eq3A_851, %broadcast_in_dim3A_853, %select_n3A_835 : vector<1024x128xi1>, vector<1024x128xf32>
        %swap3A_855 = arith.constant 0 : index
        %swap3A_856 = arith.constant 1536 : index
        %swap3A_857 = vector.load %arg9[%swap3A_855, %swap3A_856] : memref<1024x4096xf32, #tpu.memory_space<vmem>>, vector<1024x128xf32>
        tpu.vector_store %arg9[%swap3A_855, %swap3A_856], %select_n3A_854 {strides = array<i32>} : memref<1024x4096xf32, #tpu.memory_space<vmem>>, vector<1024x128xf32>,
        %add3A_858 = arith.constant 1.536000e+03 : f32
        %add3A_859 = arith.addf %convert_element_type3A_33, %add3A_858 : f32
        %add3A_860 = vector.broadcast %add3A_859 : f32 to vector<1024x1xf32>
        %add3A_861 = arith.addf %add3A_860, %broadcast_in_dim3A_829 : vector<1024x1xf32>
        %add3A_862 = arith.constant 1.536000e+03 : f32
        %add3A_863 = arith.addf %convert_element_type3A_33, %add3A_862 : f32
        %add3A_864 = vector.broadcast %add3A_863 : f32 to vector<1024x1xf32>
        %add3A_865 = arith.addf %add3A_864, %broadcast_in_dim3A_848 : vector<1024x1xf32>
        %le3A = vector.broadcast %broadcast_in_dim3A_819 : vector<1024x1xf32> to vector<1024x64xf32>
        %le3A_866 = arith.cmpf ole, %get3A_814, %le3A : vector<1024x64xf32>
        %convert_element_type3A_867 = arith.extui %le3A_866 : vector<1024x64xi1> to vector<1024x64xi32>
        %convert_element_type3A_868 = arith.sitofp %convert_element_type3A_867 : vector<1024x64xi32> to vector<1024x64xf32>
        %reduce_sum3A_869 = arith.constant dense<0.000000e+00> : vector<1024xf32>
        %reduce_sum3A_870 = vector.multi_reduction <add>, %convert_element_type3A_868, %reduce_sum3A_869 [1] : vector<1024x64xf32> to vector<1024xf32>
        %broadcast_in_dim3A_871 = vector.shape_cast %reduce_sum3A_870 : vector<1024xf32> to vector<1024x1xf32>
        %le3A_872 = vector.broadcast %broadcast_in_dim3A_838 : vector<1024x1xf32> to vector<1024x64xf32>
        %le3A_873 = arith.cmpf ole, %get3A_814, %le3A_872 : vector<1024x64xf32>
        %convert_element_type3A_874 = arith.extui %le3A_873 : vector<1024x64xi1> to vector<1024x64xi32>
        %convert_element_type3A_875 = arith.sitofp %convert_element_type3A_874 : vector<1024x64xi32> to vector<1024x64xf32>
        %reduce_sum3A_876 = arith.constant dense<0.000000e+00> : vector<1024xf32>
        %reduce_sum3A_877 = vector.multi_reduction <add>, %convert_element_type3A_875, %reduce_sum3A_876 [1] : vector<1024x64xf32> to vector<1024xf32>
        %broadcast_in_dim3A_878 = vector.shape_cast %reduce_sum3A_877 : vector<1024xf32> to vector<1024x1xf32>
        %add3A_879 = arith.constant 1.000000e+00 : f32
        %add3A_880 = vector.broadcast %add3A_879 : f32 to vector<1024x1xf32>
        %add3A_881 = arith.addf %broadcast_in_dim3A_878, %add3A_880 : vector<1024x1xf32>
        %roll3A = arith.constant 1 : i32
        %roll3A_882 = tpu.dynamic_rotate %get3A_814 by %roll3A dim 1 : vector<1024x64xf32>, i32 -> vector<1024x64xf32>
        %roll3A_883 = arith.constant 2 : i32
        %roll3A_884 = tpu.dynamic_rotate %get3A_814 by %roll3A_883 dim 1 : vector<1024x64xf32>, i32 -> vector<1024x64xf32>
        %roll3A_885 = arith.constant 1 : i32
        %roll3A_886 = tpu.dynamic_rotate %get3A_817 by %roll3A_885 dim 1 : vector<1024x64xf32>, i32 -> vector<1024x64xf32>
        %roll3A_887 = arith.constant 2 : i32
        %roll3A_888 = tpu.dynamic_rotate %get3A_817 by %roll3A_887 dim 1 : vector<1024x64xf32>, i32 -> vector<1024x64xf32>
        %lt3A_889 = vector.broadcast %convert_element_type3A_28 : vector<1x64xf32> to vector<1024x64xf32>
        %lt3A_890 = vector.broadcast %broadcast_in_dim3A_871 : vector<1024x1xf32> to vector<1024x64xf32>
        %lt3A_891 = arith.cmpf olt, %lt3A_889, %lt3A_890 : vector<1024x64xf32>
        %eq3A_892 = vector.broadcast %convert_element_type3A_28 : vector<1x64xf32> to vector<1024x64xf32>
        %eq3A_893 = vector.broadcast %broadcast_in_dim3A_871 : vector<1024x1xf32> to vector<1024x64xf32>
        %eq3A_894 = arith.cmpf oeq, %eq3A_892, %eq3A_893 : vector<1024x64xf32>
        %lt3A_895 = vector.broadcast %convert_element_type3A_28 : vector<1x64xf32> to vector<1024x64xf32>
        %lt3A_896 = vector.broadcast %add3A_881 : vector<1024x1xf32> to vector<1024x64xf32>
        %lt3A_897 = arith.cmpf olt, %lt3A_895, %lt3A_896 : vector<1024x64xf32>
        %eq3A_898 = vector.broadcast %convert_element_type3A_28 : vector<1x64xf32> to vector<1024x64xf32>
        %eq3A_899 = vector.broadcast %add3A_881 : vector<1024x1xf32> to vector<1024x64xf32>
        %eq3A_900 = arith.cmpf oeq, %eq3A_898, %eq3A_899 : vector<1024x64xf32>
        %broadcast_in_dim3A_901 = vector.shape_cast %broadcast_in_dim3A_838 : vector<1024x1xf32> to vector<1024x1xf32>
        %broadcast_in_dim3A_902 = vector.broadcast %broadcast_in_dim3A_901 : vector<1024x1xf32> to vector<1024x64xf32>
        %select_n3A_903 = arith.select %eq3A_900, %broadcast_in_dim3A_902, %roll3A_884 : vector<1024x64xi1>, vector<1024x64xf32>
        %select_n3A_904 = arith.select %lt3A_897, %roll3A_882, %select_n3A_903 : vector<1024x64xi1>, vector<1024x64xf32>
        %broadcast_in_dim3A_905 = vector.shape_cast %broadcast_in_dim3A_819 : vector<1024x1xf32> to vector<1024x1xf32>
        %broadcast_in_dim3A_906 = vector.broadcast %broadcast_in_dim3A_905 : vector<1024x1xf32> to vector<1024x64xf32>
        %select_n3A_907 = arith.select %eq3A_894, %broadcast_in_dim3A_906, %select_n3A_904 : vector<1024x64xi1>, vector<1024x64xf32>
        %select_n3A_908 = arith.select %lt3A_891, %get3A_814, %select_n3A_907 : vector<1024x64xi1>, vector<1024x64xf32>
        %lt3A_909 = vector.broadcast %convert_element_type3A_28 : vector<1x64xf32> to vector<1024x64xf32>
        %lt3A_910 = vector.broadcast %broadcast_in_dim3A_871 : vector<1024x1xf32> to vector<1024x64xf32>
        %lt3A_911 = arith.cmpf olt, %lt3A_909, %lt3A_910 : vector<1024x64xf32>
        %eq3A_912 = vector.broadcast %convert_element_type3A_28 : vector<1x64xf32> to vector<1024x64xf32>
        %eq3A_913 = vector.broadcast %broadcast_in_dim3A_871 : vector<1024x1xf32> to vector<1024x64xf32>
        %eq3A_914 = arith.cmpf oeq, %eq3A_912, %eq3A_913 : vector<1024x64xf32>
        %lt3A_915 = vector.broadcast %convert_element_type3A_28 : vector<1x64xf32> to vector<1024x64xf32>
        %lt3A_916 = vector.broadcast %add3A_881 : vector<1024x1xf32> to vector<1024x64xf32>
        %lt3A_917 = arith.cmpf olt, %lt3A_915, %lt3A_916 : vector<1024x64xf32>
        %eq3A_918 = vector.broadcast %convert_element_type3A_28 : vector<1x64xf32> to vector<1024x64xf32>
        %eq3A_919 = vector.broadcast %add3A_881 : vector<1024x1xf32> to vector<1024x64xf32>
        %eq3A_920 = arith.cmpf oeq, %eq3A_918, %eq3A_919 : vector<1024x64xf32>
        %broadcast_in_dim3A_921 = vector.shape_cast %add3A_865 : vector<1024x1xf32> to vector<1024x1xf32>
        %broadcast_in_dim3A_922 = vector.broadcast %broadcast_in_dim3A_921 : vector<1024x1xf32> to vector<1024x64xf32>
        %select_n3A_923 = arith.select %eq3A_920, %broadcast_in_dim3A_922, %roll3A_888 : vector<1024x64xi1>, vector<1024x64xf32>
        %select_n3A_924 = arith.select %lt3A_917, %roll3A_886, %select_n3A_923 : vector<1024x64xi1>, vector<1024x64xf32>
        %broadcast_in_dim3A_925 = vector.shape_cast %add3A_861 : vector<1024x1xf32> to vector<1024x1xf32>
        %broadcast_in_dim3A_926 = vector.broadcast %broadcast_in_dim3A_925 : vector<1024x1xf32> to vector<1024x64xf32>
        %select_n3A_927 = arith.select %eq3A_914, %broadcast_in_dim3A_926, %select_n3A_924 : vector<1024x64xi1>, vector<1024x64xf32>
        %select_n3A_928 = arith.select %lt3A_911, %get3A_817, %select_n3A_927 : vector<1024x64xi1>, vector<1024x64xf32>
        %swap3A_929 = arith.constant 0 : index
        %swap3A_930 = arith.constant 0 : index
        %swap3A_931 = vector.load %arg7[%swap3A_929, %swap3A_930] : memref<1024x64xf32, #tpu.memory_space<vmem>>, vector<1024x64xf32>
        tpu.vector_store %arg7[%swap3A_929, %swap3A_930], %select_n3A_908 {strides = array<i32>} : memref<1024x64xf32, #tpu.memory_space<vmem>>, vector<1024x64xf32>,
        %swap3A_932 = arith.constant 0 : index
        %swap3A_933 = arith.constant 0 : index
        %swap3A_934 = vector.load %arg8[%swap3A_932, %swap3A_933] : memref<1024x64xf32, #tpu.memory_space<vmem>>, vector<1024x64xf32>
        tpu.vector_store %arg8[%swap3A_932, %swap3A_933], %select_n3A_928 {strides = array<i32>} : memref<1024x64xf32, #tpu.memory_space<vmem>>, vector<1024x64xf32>,
      } else {
      }
      %get3A_355 = arith.constant 0 : index
      %get3A_356 = arith.constant 1664 : index
      %get3A_357 = vector.load %arg9[%get3A_355, %get3A_356] : memref<1024x4096xf32, #tpu.memory_space<vmem>>, vector<1024x128xf32>
      %get3A_358 = arith.constant 0 : index
      %get3A_359 = arith.constant 63 : index
      %get3A_360 = vector.load %arg7[%get3A_358, %get3A_359] : memref<1024x64xf32, #tpu.memory_space<vmem>>, vector<1024x1xf32>
      %lt3A_361 = vector.broadcast %get3A_360 : vector<1024x1xf32> to vector<1024x128xf32>
      %lt3A_362 = arith.cmpf olt, %get3A_357, %lt3A_361 : vector<1024x128xf32>
      %reduce_or3A_363 = arith.constant 1.000000e+00 : f32
      %reduce_or3A_364 = arith.constant 0.000000e+00 : f32
      %reduce_or3A_365 = vector.broadcast %reduce_or3A_363 : f32 to vector<1024x128xf32>
      %reduce_or3A_366 = vector.broadcast %reduce_or3A_364 : f32 to vector<1024x128xf32>
      %reduce_or3A_367 = arith.select %lt3A_362, %reduce_or3A_365, %reduce_or3A_366 : vector<1024x128xi1>, vector<1024x128xf32>
      %reduce_or3A_368 = vector.shape_cast %reduce_or3A_367 : vector<1024x128xf32> to vector<1x1024x128xf32>
      %reduce_or3A_369 = arith.constant dense<0xFF800000> : vector<1xf32>
      %reduce_or3A_370 = vector.multi_reduction <maximumf>, %reduce_or3A_368, %reduce_or3A_369 [1, 2] : vector<1x1024x128xf32> to vector<1xf32>
      %reduce_or3A_371 = vector.shape_cast %reduce_or3A_370 : vector<1xf32> to vector<1x1x1xf32>
      %reduce_or3A_372 = vector.extract %reduce_or3A_371[0, 0, 0] : f32 from vector<1x1x1xf32>
      %reduce_or3A_373 = arith.constant 0.000000e+00 : f32
      %reduce_or3A_374 = arith.cmpf ogt, %reduce_or3A_372, %reduce_or3A_373 : f32
      %convert_element_type3A_375 = arith.extui %reduce_or3A_374 : i1 to i32
      %cond3A_376 = arith.constant 0 : i32
      %cond3A_377 = arith.cmpi ne, %convert_element_type3A_375, %cond3A_376 : i32
      scf.if %cond3A_377 {
        %get3A_812 = arith.constant 0 : index
        %get3A_813 = arith.constant 0 : index
        %get3A_814 = vector.load %arg7[%get3A_812, %get3A_813] : memref<1024x64xf32, #tpu.memory_space<vmem>>, vector<1024x64xf32>
        %get3A_815 = arith.constant 0 : index
        %get3A_816 = arith.constant 0 : index
        %get3A_817 = vector.load %arg8[%get3A_815, %get3A_816] : memref<1024x64xf32, #tpu.memory_space<vmem>>, vector<1024x64xf32>
        %reduce_min3A = arith.constant dense<0x7F800000> : vector<1024xf32>
        %reduce_min3A_818 = vector.multi_reduction <minimumf>, %get3A_357, %reduce_min3A [1] : vector<1024x128xf32> to vector<1024xf32>
        %broadcast_in_dim3A_819 = vector.shape_cast %reduce_min3A_818 : vector<1024xf32> to vector<1024x1xf32>
        %eq3A_820 = vector.broadcast %broadcast_in_dim3A_819 : vector<1024x1xf32> to vector<1024x128xf32>
        %eq3A_821 = arith.cmpf oeq, %get3A_357, %eq3A_820 : vector<1024x128xf32>
        %jit3A_822 = arith.constant 1.000000e+04 : f32
        %broadcast_in_dim3A_823 = vector.shape_cast %convert_element_type3A_30 : vector<1x128xf32> to vector<1x128xf32>
        %broadcast_in_dim3A_824 = vector.broadcast %broadcast_in_dim3A_823 : vector<1x128xf32> to vector<1024x128xf32>
        %broadcast_in_dim3A_825 = vector.broadcast %jit3A_822 : f32 to vector<1024x128xf32>
        %select_n3A_826 = arith.select %eq3A_821, %broadcast_in_dim3A_824, %broadcast_in_dim3A_825 : vector<1024x128xi1>, vector<1024x128xf32>
        %reduce_min3A_827 = arith.constant dense<0x7F800000> : vector<1024xf32>
        %reduce_min3A_828 = vector.multi_reduction <minimumf>, %select_n3A_826, %reduce_min3A_827 [1] : vector<1024x128xf32> to vector<1024xf32>
        %broadcast_in_dim3A_829 = vector.shape_cast %reduce_min3A_828 : vector<1024xf32> to vector<1024x1xf32>
        %eq3A_830 = vector.broadcast %convert_element_type3A_30 : vector<1x128xf32> to vector<1024x128xf32>
        %eq3A_831 = vector.broadcast %broadcast_in_dim3A_829 : vector<1024x1xf32> to vector<1024x128xf32>
        %eq3A_832 = arith.cmpf oeq, %eq3A_830, %eq3A_831 : vector<1024x128xf32>
        %jit3A_833 = arith.constant 3.000000e+38 : f32
        %broadcast_in_dim3A_834 = vector.broadcast %jit3A_833 : f32 to vector<1024x128xf32>
        %select_n3A_835 = arith.select %eq3A_832, %broadcast_in_dim3A_834, %get3A_357 : vector<1024x128xi1>, vector<1024x128xf32>
        %reduce_min3A_836 = arith.constant dense<0x7F800000> : vector<1024xf32>
        %reduce_min3A_837 = vector.multi_reduction <minimumf>, %select_n3A_835, %reduce_min3A_836 [1] : vector<1024x128xf32> to vector<1024xf32>
        %broadcast_in_dim3A_838 = vector.shape_cast %reduce_min3A_837 : vector<1024xf32> to vector<1024x1xf32>
        %eq3A_839 = vector.broadcast %broadcast_in_dim3A_838 : vector<1024x1xf32> to vector<1024x128xf32>
        %eq3A_840 = arith.cmpf oeq, %select_n3A_835, %eq3A_839 : vector<1024x128xf32>
        %jit3A_841 = arith.constant 1.000000e+04 : f32
        %broadcast_in_dim3A_842 = vector.shape_cast %convert_element_type3A_30 : vector<1x128xf32> to vector<1x128xf32>
        %broadcast_in_dim3A_843 = vector.broadcast %broadcast_in_dim3A_842 : vector<1x128xf32> to vector<1024x128xf32>
        %broadcast_in_dim3A_844 = vector.broadcast %jit3A_841 : f32 to vector<1024x128xf32>
        %select_n3A_845 = arith.select %eq3A_840, %broadcast_in_dim3A_843, %broadcast_in_dim3A_844 : vector<1024x128xi1>, vector<1024x128xf32>
        %reduce_min3A_846 = arith.constant dense<0x7F800000> : vector<1024xf32>
        %reduce_min3A_847 = vector.multi_reduction <minimumf>, %select_n3A_845, %reduce_min3A_846 [1] : vector<1024x128xf32> to vector<1024xf32>
        %broadcast_in_dim3A_848 = vector.shape_cast %reduce_min3A_847 : vector<1024xf32> to vector<1024x1xf32>
        %eq3A_849 = vector.broadcast %convert_element_type3A_30 : vector<1x128xf32> to vector<1024x128xf32>
        %eq3A_850 = vector.broadcast %broadcast_in_dim3A_848 : vector<1024x1xf32> to vector<1024x128xf32>
        %eq3A_851 = arith.cmpf oeq, %eq3A_849, %eq3A_850 : vector<1024x128xf32>
        %jit3A_852 = arith.constant 3.000000e+38 : f32
        %broadcast_in_dim3A_853 = vector.broadcast %jit3A_852 : f32 to vector<1024x128xf32>
        %select_n3A_854 = arith.select %eq3A_851, %broadcast_in_dim3A_853, %select_n3A_835 : vector<1024x128xi1>, vector<1024x128xf32>
        %swap3A_855 = arith.constant 0 : index
        %swap3A_856 = arith.constant 1664 : index
        %swap3A_857 = vector.load %arg9[%swap3A_855, %swap3A_856] : memref<1024x4096xf32, #tpu.memory_space<vmem>>, vector<1024x128xf32>
        tpu.vector_store %arg9[%swap3A_855, %swap3A_856], %select_n3A_854 {strides = array<i32>} : memref<1024x4096xf32, #tpu.memory_space<vmem>>, vector<1024x128xf32>,
        %add3A_858 = arith.constant 1.664000e+03 : f32
        %add3A_859 = arith.addf %convert_element_type3A_33, %add3A_858 : f32
        %add3A_860 = vector.broadcast %add3A_859 : f32 to vector<1024x1xf32>
        %add3A_861 = arith.addf %add3A_860, %broadcast_in_dim3A_829 : vector<1024x1xf32>
        %add3A_862 = arith.constant 1.664000e+03 : f32
        %add3A_863 = arith.addf %convert_element_type3A_33, %add3A_862 : f32
        %add3A_864 = vector.broadcast %add3A_863 : f32 to vector<1024x1xf32>
        %add3A_865 = arith.addf %add3A_864, %broadcast_in_dim3A_848 : vector<1024x1xf32>
        %le3A = vector.broadcast %broadcast_in_dim3A_819 : vector<1024x1xf32> to vector<1024x64xf32>
        %le3A_866 = arith.cmpf ole, %get3A_814, %le3A : vector<1024x64xf32>
        %convert_element_type3A_867 = arith.extui %le3A_866 : vector<1024x64xi1> to vector<1024x64xi32>
        %convert_element_type3A_868 = arith.sitofp %convert_element_type3A_867 : vector<1024x64xi32> to vector<1024x64xf32>
        %reduce_sum3A_869 = arith.constant dense<0.000000e+00> : vector<1024xf32>
        %reduce_sum3A_870 = vector.multi_reduction <add>, %convert_element_type3A_868, %reduce_sum3A_869 [1] : vector<1024x64xf32> to vector<1024xf32>
        %broadcast_in_dim3A_871 = vector.shape_cast %reduce_sum3A_870 : vector<1024xf32> to vector<1024x1xf32>
        %le3A_872 = vector.broadcast %broadcast_in_dim3A_838 : vector<1024x1xf32> to vector<1024x64xf32>
        %le3A_873 = arith.cmpf ole, %get3A_814, %le3A_872 : vector<1024x64xf32>
        %convert_element_type3A_874 = arith.extui %le3A_873 : vector<1024x64xi1> to vector<1024x64xi32>
        %convert_element_type3A_875 = arith.sitofp %convert_element_type3A_874 : vector<1024x64xi32> to vector<1024x64xf32>
        %reduce_sum3A_876 = arith.constant dense<0.000000e+00> : vector<1024xf32>
        %reduce_sum3A_877 = vector.multi_reduction <add>, %convert_element_type3A_875, %reduce_sum3A_876 [1] : vector<1024x64xf32> to vector<1024xf32>
        %broadcast_in_dim3A_878 = vector.shape_cast %reduce_sum3A_877 : vector<1024xf32> to vector<1024x1xf32>
        %add3A_879 = arith.constant 1.000000e+00 : f32
        %add3A_880 = vector.broadcast %add3A_879 : f32 to vector<1024x1xf32>
        %add3A_881 = arith.addf %broadcast_in_dim3A_878, %add3A_880 : vector<1024x1xf32>
        %roll3A = arith.constant 1 : i32
        %roll3A_882 = tpu.dynamic_rotate %get3A_814 by %roll3A dim 1 : vector<1024x64xf32>, i32 -> vector<1024x64xf32>
        %roll3A_883 = arith.constant 2 : i32
        %roll3A_884 = tpu.dynamic_rotate %get3A_814 by %roll3A_883 dim 1 : vector<1024x64xf32>, i32 -> vector<1024x64xf32>
        %roll3A_885 = arith.constant 1 : i32
        %roll3A_886 = tpu.dynamic_rotate %get3A_817 by %roll3A_885 dim 1 : vector<1024x64xf32>, i32 -> vector<1024x64xf32>
        %roll3A_887 = arith.constant 2 : i32
        %roll3A_888 = tpu.dynamic_rotate %get3A_817 by %roll3A_887 dim 1 : vector<1024x64xf32>, i32 -> vector<1024x64xf32>
        %lt3A_889 = vector.broadcast %convert_element_type3A_28 : vector<1x64xf32> to vector<1024x64xf32>
        %lt3A_890 = vector.broadcast %broadcast_in_dim3A_871 : vector<1024x1xf32> to vector<1024x64xf32>
        %lt3A_891 = arith.cmpf olt, %lt3A_889, %lt3A_890 : vector<1024x64xf32>
        %eq3A_892 = vector.broadcast %convert_element_type3A_28 : vector<1x64xf32> to vector<1024x64xf32>
        %eq3A_893 = vector.broadcast %broadcast_in_dim3A_871 : vector<1024x1xf32> to vector<1024x64xf32>
        %eq3A_894 = arith.cmpf oeq, %eq3A_892, %eq3A_893 : vector<1024x64xf32>
        %lt3A_895 = vector.broadcast %convert_element_type3A_28 : vector<1x64xf32> to vector<1024x64xf32>
        %lt3A_896 = vector.broadcast %add3A_881 : vector<1024x1xf32> to vector<1024x64xf32>
        %lt3A_897 = arith.cmpf olt, %lt3A_895, %lt3A_896 : vector<1024x64xf32>
        %eq3A_898 = vector.broadcast %convert_element_type3A_28 : vector<1x64xf32> to vector<1024x64xf32>
        %eq3A_899 = vector.broadcast %add3A_881 : vector<1024x1xf32> to vector<1024x64xf32>
        %eq3A_900 = arith.cmpf oeq, %eq3A_898, %eq3A_899 : vector<1024x64xf32>
        %broadcast_in_dim3A_901 = vector.shape_cast %broadcast_in_dim3A_838 : vector<1024x1xf32> to vector<1024x1xf32>
        %broadcast_in_dim3A_902 = vector.broadcast %broadcast_in_dim3A_901 : vector<1024x1xf32> to vector<1024x64xf32>
        %select_n3A_903 = arith.select %eq3A_900, %broadcast_in_dim3A_902, %roll3A_884 : vector<1024x64xi1>, vector<1024x64xf32>
        %select_n3A_904 = arith.select %lt3A_897, %roll3A_882, %select_n3A_903 : vector<1024x64xi1>, vector<1024x64xf32>
        %broadcast_in_dim3A_905 = vector.shape_cast %broadcast_in_dim3A_819 : vector<1024x1xf32> to vector<1024x1xf32>
        %broadcast_in_dim3A_906 = vector.broadcast %broadcast_in_dim3A_905 : vector<1024x1xf32> to vector<1024x64xf32>
        %select_n3A_907 = arith.select %eq3A_894, %broadcast_in_dim3A_906, %select_n3A_904 : vector<1024x64xi1>, vector<1024x64xf32>
        %select_n3A_908 = arith.select %lt3A_891, %get3A_814, %select_n3A_907 : vector<1024x64xi1>, vector<1024x64xf32>
        %lt3A_909 = vector.broadcast %convert_element_type3A_28 : vector<1x64xf32> to vector<1024x64xf32>
        %lt3A_910 = vector.broadcast %broadcast_in_dim3A_871 : vector<1024x1xf32> to vector<1024x64xf32>
        %lt3A_911 = arith.cmpf olt, %lt3A_909, %lt3A_910 : vector<1024x64xf32>
        %eq3A_912 = vector.broadcast %convert_element_type3A_28 : vector<1x64xf32> to vector<1024x64xf32>
        %eq3A_913 = vector.broadcast %broadcast_in_dim3A_871 : vector<1024x1xf32> to vector<1024x64xf32>
        %eq3A_914 = arith.cmpf oeq, %eq3A_912, %eq3A_913 : vector<1024x64xf32>
        %lt3A_915 = vector.broadcast %convert_element_type3A_28 : vector<1x64xf32> to vector<1024x64xf32>
        %lt3A_916 = vector.broadcast %add3A_881 : vector<1024x1xf32> to vector<1024x64xf32>
        %lt3A_917 = arith.cmpf olt, %lt3A_915, %lt3A_916 : vector<1024x64xf32>
        %eq3A_918 = vector.broadcast %convert_element_type3A_28 : vector<1x64xf32> to vector<1024x64xf32>
        %eq3A_919 = vector.broadcast %add3A_881 : vector<1024x1xf32> to vector<1024x64xf32>
        %eq3A_920 = arith.cmpf oeq, %eq3A_918, %eq3A_919 : vector<1024x64xf32>
        %broadcast_in_dim3A_921 = vector.shape_cast %add3A_865 : vector<1024x1xf32> to vector<1024x1xf32>
        %broadcast_in_dim3A_922 = vector.broadcast %broadcast_in_dim3A_921 : vector<1024x1xf32> to vector<1024x64xf32>
        %select_n3A_923 = arith.select %eq3A_920, %broadcast_in_dim3A_922, %roll3A_888 : vector<1024x64xi1>, vector<1024x64xf32>
        %select_n3A_924 = arith.select %lt3A_917, %roll3A_886, %select_n3A_923 : vector<1024x64xi1>, vector<1024x64xf32>
        %broadcast_in_dim3A_925 = vector.shape_cast %add3A_861 : vector<1024x1xf32> to vector<1024x1xf32>
        %broadcast_in_dim3A_926 = vector.broadcast %broadcast_in_dim3A_925 : vector<1024x1xf32> to vector<1024x64xf32>
        %select_n3A_927 = arith.select %eq3A_914, %broadcast_in_dim3A_926, %select_n3A_924 : vector<1024x64xi1>, vector<1024x64xf32>
        %select_n3A_928 = arith.select %lt3A_911, %get3A_817, %select_n3A_927 : vector<1024x64xi1>, vector<1024x64xf32>
        %swap3A_929 = arith.constant 0 : index
        %swap3A_930 = arith.constant 0 : index
        %swap3A_931 = vector.load %arg7[%swap3A_929, %swap3A_930] : memref<1024x64xf32, #tpu.memory_space<vmem>>, vector<1024x64xf32>
        tpu.vector_store %arg7[%swap3A_929, %swap3A_930], %select_n3A_908 {strides = array<i32>} : memref<1024x64xf32, #tpu.memory_space<vmem>>, vector<1024x64xf32>,
        %swap3A_932 = arith.constant 0 : index
        %swap3A_933 = arith.constant 0 : index
        %swap3A_934 = vector.load %arg8[%swap3A_932, %swap3A_933] : memref<1024x64xf32, #tpu.memory_space<vmem>>, vector<1024x64xf32>
        tpu.vector_store %arg8[%swap3A_932, %swap3A_933], %select_n3A_928 {strides = array<i32>} : memref<1024x64xf32, #tpu.memory_space<vmem>>, vector<1024x64xf32>,
      } else {
      }
      %get3A_378 = arith.constant 0 : index
      %get3A_379 = arith.constant 1792 : index
      %get3A_380 = vector.load %arg9[%get3A_378, %get3A_379] : memref<1024x4096xf32, #tpu.memory_space<vmem>>, vector<1024x128xf32>
      %get3A_381 = arith.constant 0 : index
      %get3A_382 = arith.constant 63 : index
      %get3A_383 = vector.load %arg7[%get3A_381, %get3A_382] : memref<1024x64xf32, #tpu.memory_space<vmem>>, vector<1024x1xf32>
      %lt3A_384 = vector.broadcast %get3A_383 : vector<1024x1xf32> to vector<1024x128xf32>
      %lt3A_385 = arith.cmpf olt, %get3A_380, %lt3A_384 : vector<1024x128xf32>
      %reduce_or3A_386 = arith.constant 1.000000e+00 : f32
      %reduce_or3A_387 = arith.constant 0.000000e+00 : f32
      %reduce_or3A_388 = vector.broadcast %reduce_or3A_386 : f32 to vector<1024x128xf32>
      %reduce_or3A_389 = vector.broadcast %reduce_or3A_387 : f32 to vector<1024x128xf32>
      %reduce_or3A_390 = arith.select %lt3A_385, %reduce_or3A_388, %reduce_or3A_389 : vector<1024x128xi1>, vector<1024x128xf32>
      %reduce_or3A_391 = vector.shape_cast %reduce_or3A_390 : vector<1024x128xf32> to vector<1x1024x128xf32>
      %reduce_or3A_392 = arith.constant dense<0xFF800000> : vector<1xf32>
      %reduce_or3A_393 = vector.multi_reduction <maximumf>, %reduce_or3A_391, %reduce_or3A_392 [1, 2] : vector<1x1024x128xf32> to vector<1xf32>
      %reduce_or3A_394 = vector.shape_cast %reduce_or3A_393 : vector<1xf32> to vector<1x1x1xf32>
      %reduce_or3A_395 = vector.extract %reduce_or3A_394[0, 0, 0] : f32 from vector<1x1x1xf32>
      %reduce_or3A_396 = arith.constant 0.000000e+00 : f32
      %reduce_or3A_397 = arith.cmpf ogt, %reduce_or3A_395, %reduce_or3A_396 : f32
      %convert_element_type3A_398 = arith.extui %reduce_or3A_397 : i1 to i32
      %cond3A_399 = arith.constant 0 : i32
      %cond3A_400 = arith.cmpi ne, %convert_element_type3A_398, %cond3A_399 : i32
      scf.if %cond3A_400 {
        %get3A_812 = arith.constant 0 : index
        %get3A_813 = arith.constant 0 : index
        %get3A_814 = vector.load %arg7[%get3A_812, %get3A_813] : memref<1024x64xf32, #tpu.memory_space<vmem>>, vector<1024x64xf32>
        %get3A_815 = arith.constant 0 : index
        %get3A_816 = arith.constant 0 : index
        %get3A_817 = vector.load %arg8[%get3A_815, %get3A_816] : memref<1024x64xf32, #tpu.memory_space<vmem>>, vector<1024x64xf32>
        %reduce_min3A = arith.constant dense<0x7F800000> : vector<1024xf32>
        %reduce_min3A_818 = vector.multi_reduction <minimumf>, %get3A_380, %reduce_min3A [1] : vector<1024x128xf32> to vector<1024xf32>
        %broadcast_in_dim3A_819 = vector.shape_cast %reduce_min3A_818 : vector<1024xf32> to vector<1024x1xf32>
        %eq3A_820 = vector.broadcast %broadcast_in_dim3A_819 : vector<1024x1xf32> to vector<1024x128xf32>
        %eq3A_821 = arith.cmpf oeq, %get3A_380, %eq3A_820 : vector<1024x128xf32>
        %jit3A_822 = arith.constant 1.000000e+04 : f32
        %broadcast_in_dim3A_823 = vector.shape_cast %convert_element_type3A_30 : vector<1x128xf32> to vector<1x128xf32>
        %broadcast_in_dim3A_824 = vector.broadcast %broadcast_in_dim3A_823 : vector<1x128xf32> to vector<1024x128xf32>
        %broadcast_in_dim3A_825 = vector.broadcast %jit3A_822 : f32 to vector<1024x128xf32>
        %select_n3A_826 = arith.select %eq3A_821, %broadcast_in_dim3A_824, %broadcast_in_dim3A_825 : vector<1024x128xi1>, vector<1024x128xf32>
        %reduce_min3A_827 = arith.constant dense<0x7F800000> : vector<1024xf32>
        %reduce_min3A_828 = vector.multi_reduction <minimumf>, %select_n3A_826, %reduce_min3A_827 [1] : vector<1024x128xf32> to vector<1024xf32>
        %broadcast_in_dim3A_829 = vector.shape_cast %reduce_min3A_828 : vector<1024xf32> to vector<1024x1xf32>
        %eq3A_830 = vector.broadcast %convert_element_type3A_30 : vector<1x128xf32> to vector<1024x128xf32>
        %eq3A_831 = vector.broadcast %broadcast_in_dim3A_829 : vector<1024x1xf32> to vector<1024x128xf32>
        %eq3A_832 = arith.cmpf oeq, %eq3A_830, %eq3A_831 : vector<1024x128xf32>
        %jit3A_833 = arith.constant 3.000000e+38 : f32
        %broadcast_in_dim3A_834 = vector.broadcast %jit3A_833 : f32 to vector<1024x128xf32>
        %select_n3A_835 = arith.select %eq3A_832, %broadcast_in_dim3A_834, %get3A_380 : vector<1024x128xi1>, vector<1024x128xf32>
        %reduce_min3A_836 = arith.constant dense<0x7F800000> : vector<1024xf32>
        %reduce_min3A_837 = vector.multi_reduction <minimumf>, %select_n3A_835, %reduce_min3A_836 [1] : vector<1024x128xf32> to vector<1024xf32>
        %broadcast_in_dim3A_838 = vector.shape_cast %reduce_min3A_837 : vector<1024xf32> to vector<1024x1xf32>
        %eq3A_839 = vector.broadcast %broadcast_in_dim3A_838 : vector<1024x1xf32> to vector<1024x128xf32>
        %eq3A_840 = arith.cmpf oeq, %select_n3A_835, %eq3A_839 : vector<1024x128xf32>
        %jit3A_841 = arith.constant 1.000000e+04 : f32
        %broadcast_in_dim3A_842 = vector.shape_cast %convert_element_type3A_30 : vector<1x128xf32> to vector<1x128xf32>
        %broadcast_in_dim3A_843 = vector.broadcast %broadcast_in_dim3A_842 : vector<1x128xf32> to vector<1024x128xf32>
        %broadcast_in_dim3A_844 = vector.broadcast %jit3A_841 : f32 to vector<1024x128xf32>
        %select_n3A_845 = arith.select %eq3A_840, %broadcast_in_dim3A_843, %broadcast_in_dim3A_844 : vector<1024x128xi1>, vector<1024x128xf32>
        %reduce_min3A_846 = arith.constant dense<0x7F800000> : vector<1024xf32>
        %reduce_min3A_847 = vector.multi_reduction <minimumf>, %select_n3A_845, %reduce_min3A_846 [1] : vector<1024x128xf32> to vector<1024xf32>
        %broadcast_in_dim3A_848 = vector.shape_cast %reduce_min3A_847 : vector<1024xf32> to vector<1024x1xf32>
        %eq3A_849 = vector.broadcast %convert_element_type3A_30 : vector<1x128xf32> to vector<1024x128xf32>
        %eq3A_850 = vector.broadcast %broadcast_in_dim3A_848 : vector<1024x1xf32> to vector<1024x128xf32>
        %eq3A_851 = arith.cmpf oeq, %eq3A_849, %eq3A_850 : vector<1024x128xf32>
        %jit3A_852 = arith.constant 3.000000e+38 : f32
        %broadcast_in_dim3A_853 = vector.broadcast %jit3A_852 : f32 to vector<1024x128xf32>
        %select_n3A_854 = arith.select %eq3A_851, %broadcast_in_dim3A_853, %select_n3A_835 : vector<1024x128xi1>, vector<1024x128xf32>
        %swap3A_855 = arith.constant 0 : index
        %swap3A_856 = arith.constant 1792 : index
        %swap3A_857 = vector.load %arg9[%swap3A_855, %swap3A_856] : memref<1024x4096xf32, #tpu.memory_space<vmem>>, vector<1024x128xf32>
        tpu.vector_store %arg9[%swap3A_855, %swap3A_856], %select_n3A_854 {strides = array<i32>} : memref<1024x4096xf32, #tpu.memory_space<vmem>>, vector<1024x128xf32>,
        %add3A_858 = arith.constant 1.792000e+03 : f32
        %add3A_859 = arith.addf %convert_element_type3A_33, %add3A_858 : f32
        %add3A_860 = vector.broadcast %add3A_859 : f32 to vector<1024x1xf32>
        %add3A_861 = arith.addf %add3A_860, %broadcast_in_dim3A_829 : vector<1024x1xf32>
        %add3A_862 = arith.constant 1.792000e+03 : f32
        %add3A_863 = arith.addf %convert_element_type3A_33, %add3A_862 : f32
        %add3A_864 = vector.broadcast %add3A_863 : f32 to vector<1024x1xf32>
        %add3A_865 = arith.addf %add3A_864, %broadcast_in_dim3A_848 : vector<1024x1xf32>
        %le3A = vector.broadcast %broadcast_in_dim3A_819 : vector<1024x1xf32> to vector<1024x64xf32>
        %le3A_866 = arith.cmpf ole, %get3A_814, %le3A : vector<1024x64xf32>
        %convert_element_type3A_867 = arith.extui %le3A_866 : vector<1024x64xi1> to vector<1024x64xi32>
        %convert_element_type3A_868 = arith.sitofp %convert_element_type3A_867 : vector<1024x64xi32> to vector<1024x64xf32>
        %reduce_sum3A_869 = arith.constant dense<0.000000e+00> : vector<1024xf32>
        %reduce_sum3A_870 = vector.multi_reduction <add>, %convert_element_type3A_868, %reduce_sum3A_869 [1] : vector<1024x64xf32> to vector<1024xf32>
        %broadcast_in_dim3A_871 = vector.shape_cast %reduce_sum3A_870 : vector<1024xf32> to vector<1024x1xf32>
        %le3A_872 = vector.broadcast %broadcast_in_dim3A_838 : vector<1024x1xf32> to vector<1024x64xf32>
        %le3A_873 = arith.cmpf ole, %get3A_814, %le3A_872 : vector<1024x64xf32>
        %convert_element_type3A_874 = arith.extui %le3A_873 : vector<1024x64xi1> to vector<1024x64xi32>
        %convert_element_type3A_875 = arith.sitofp %convert_element_type3A_874 : vector<1024x64xi32> to vector<1024x64xf32>
        %reduce_sum3A_876 = arith.constant dense<0.000000e+00> : vector<1024xf32>
        %reduce_sum3A_877 = vector.multi_reduction <add>, %convert_element_type3A_875, %reduce_sum3A_876 [1] : vector<1024x64xf32> to vector<1024xf32>
        %broadcast_in_dim3A_878 = vector.shape_cast %reduce_sum3A_877 : vector<1024xf32> to vector<1024x1xf32>
        %add3A_879 = arith.constant 1.000000e+00 : f32
        %add3A_880 = vector.broadcast %add3A_879 : f32 to vector<1024x1xf32>
        %add3A_881 = arith.addf %broadcast_in_dim3A_878, %add3A_880 : vector<1024x1xf32>
        %roll3A = arith.constant 1 : i32
        %roll3A_882 = tpu.dynamic_rotate %get3A_814 by %roll3A dim 1 : vector<1024x64xf32>, i32 -> vector<1024x64xf32>
        %roll3A_883 = arith.constant 2 : i32
        %roll3A_884 = tpu.dynamic_rotate %get3A_814 by %roll3A_883 dim 1 : vector<1024x64xf32>, i32 -> vector<1024x64xf32>
        %roll3A_885 = arith.constant 1 : i32
        %roll3A_886 = tpu.dynamic_rotate %get3A_817 by %roll3A_885 dim 1 : vector<1024x64xf32>, i32 -> vector<1024x64xf32>
        %roll3A_887 = arith.constant 2 : i32
        %roll3A_888 = tpu.dynamic_rotate %get3A_817 by %roll3A_887 dim 1 : vector<1024x64xf32>, i32 -> vector<1024x64xf32>
        %lt3A_889 = vector.broadcast %convert_element_type3A_28 : vector<1x64xf32> to vector<1024x64xf32>
        %lt3A_890 = vector.broadcast %broadcast_in_dim3A_871 : vector<1024x1xf32> to vector<1024x64xf32>
        %lt3A_891 = arith.cmpf olt, %lt3A_889, %lt3A_890 : vector<1024x64xf32>
        %eq3A_892 = vector.broadcast %convert_element_type3A_28 : vector<1x64xf32> to vector<1024x64xf32>
        %eq3A_893 = vector.broadcast %broadcast_in_dim3A_871 : vector<1024x1xf32> to vector<1024x64xf32>
        %eq3A_894 = arith.cmpf oeq, %eq3A_892, %eq3A_893 : vector<1024x64xf32>
        %lt3A_895 = vector.broadcast %convert_element_type3A_28 : vector<1x64xf32> to vector<1024x64xf32>
        %lt3A_896 = vector.broadcast %add3A_881 : vector<1024x1xf32> to vector<1024x64xf32>
        %lt3A_897 = arith.cmpf olt, %lt3A_895, %lt3A_896 : vector<1024x64xf32>
        %eq3A_898 = vector.broadcast %convert_element_type3A_28 : vector<1x64xf32> to vector<1024x64xf32>
        %eq3A_899 = vector.broadcast %add3A_881 : vector<1024x1xf32> to vector<1024x64xf32>
        %eq3A_900 = arith.cmpf oeq, %eq3A_898, %eq3A_899 : vector<1024x64xf32>
        %broadcast_in_dim3A_901 = vector.shape_cast %broadcast_in_dim3A_838 : vector<1024x1xf32> to vector<1024x1xf32>
        %broadcast_in_dim3A_902 = vector.broadcast %broadcast_in_dim3A_901 : vector<1024x1xf32> to vector<1024x64xf32>
        %select_n3A_903 = arith.select %eq3A_900, %broadcast_in_dim3A_902, %roll3A_884 : vector<1024x64xi1>, vector<1024x64xf32>
        %select_n3A_904 = arith.select %lt3A_897, %roll3A_882, %select_n3A_903 : vector<1024x64xi1>, vector<1024x64xf32>
        %broadcast_in_dim3A_905 = vector.shape_cast %broadcast_in_dim3A_819 : vector<1024x1xf32> to vector<1024x1xf32>
        %broadcast_in_dim3A_906 = vector.broadcast %broadcast_in_dim3A_905 : vector<1024x1xf32> to vector<1024x64xf32>
        %select_n3A_907 = arith.select %eq3A_894, %broadcast_in_dim3A_906, %select_n3A_904 : vector<1024x64xi1>, vector<1024x64xf32>
        %select_n3A_908 = arith.select %lt3A_891, %get3A_814, %select_n3A_907 : vector<1024x64xi1>, vector<1024x64xf32>
        %lt3A_909 = vector.broadcast %convert_element_type3A_28 : vector<1x64xf32> to vector<1024x64xf32>
        %lt3A_910 = vector.broadcast %broadcast_in_dim3A_871 : vector<1024x1xf32> to vector<1024x64xf32>
        %lt3A_911 = arith.cmpf olt, %lt3A_909, %lt3A_910 : vector<1024x64xf32>
        %eq3A_912 = vector.broadcast %convert_element_type3A_28 : vector<1x64xf32> to vector<1024x64xf32>
        %eq3A_913 = vector.broadcast %broadcast_in_dim3A_871 : vector<1024x1xf32> to vector<1024x64xf32>
        %eq3A_914 = arith.cmpf oeq, %eq3A_912, %eq3A_913 : vector<1024x64xf32>
        %lt3A_915 = vector.broadcast %convert_element_type3A_28 : vector<1x64xf32> to vector<1024x64xf32>
        %lt3A_916 = vector.broadcast %add3A_881 : vector<1024x1xf32> to vector<1024x64xf32>
        %lt3A_917 = arith.cmpf olt, %lt3A_915, %lt3A_916 : vector<1024x64xf32>
        %eq3A_918 = vector.broadcast %convert_element_type3A_28 : vector<1x64xf32> to vector<1024x64xf32>
        %eq3A_919 = vector.broadcast %add3A_881 : vector<1024x1xf32> to vector<1024x64xf32>
        %eq3A_920 = arith.cmpf oeq, %eq3A_918, %eq3A_919 : vector<1024x64xf32>
        %broadcast_in_dim3A_921 = vector.shape_cast %add3A_865 : vector<1024x1xf32> to vector<1024x1xf32>
        %broadcast_in_dim3A_922 = vector.broadcast %broadcast_in_dim3A_921 : vector<1024x1xf32> to vector<1024x64xf32>
        %select_n3A_923 = arith.select %eq3A_920, %broadcast_in_dim3A_922, %roll3A_888 : vector<1024x64xi1>, vector<1024x64xf32>
        %select_n3A_924 = arith.select %lt3A_917, %roll3A_886, %select_n3A_923 : vector<1024x64xi1>, vector<1024x64xf32>
        %broadcast_in_dim3A_925 = vector.shape_cast %add3A_861 : vector<1024x1xf32> to vector<1024x1xf32>
        %broadcast_in_dim3A_926 = vector.broadcast %broadcast_in_dim3A_925 : vector<1024x1xf32> to vector<1024x64xf32>
        %select_n3A_927 = arith.select %eq3A_914, %broadcast_in_dim3A_926, %select_n3A_924 : vector<1024x64xi1>, vector<1024x64xf32>
        %select_n3A_928 = arith.select %lt3A_911, %get3A_817, %select_n3A_927 : vector<1024x64xi1>, vector<1024x64xf32>
        %swap3A_929 = arith.constant 0 : index
        %swap3A_930 = arith.constant 0 : index
        %swap3A_931 = vector.load %arg7[%swap3A_929, %swap3A_930] : memref<1024x64xf32, #tpu.memory_space<vmem>>, vector<1024x64xf32>
        tpu.vector_store %arg7[%swap3A_929, %swap3A_930], %select_n3A_908 {strides = array<i32>} : memref<1024x64xf32, #tpu.memory_space<vmem>>, vector<1024x64xf32>,
        %swap3A_932 = arith.constant 0 : index
        %swap3A_933 = arith.constant 0 : index
        %swap3A_934 = vector.load %arg8[%swap3A_932, %swap3A_933] : memref<1024x64xf32, #tpu.memory_space<vmem>>, vector<1024x64xf32>
        tpu.vector_store %arg8[%swap3A_932, %swap3A_933], %select_n3A_928 {strides = array<i32>} : memref<1024x64xf32, #tpu.memory_space<vmem>>, vector<1024x64xf32>,
      } else {
      }
      %get3A_401 = arith.constant 0 : index
      %get3A_402 = arith.constant 1920 : index
      %get3A_403 = vector.load %arg9[%get3A_401, %get3A_402] : memref<1024x4096xf32, #tpu.memory_space<vmem>>, vector<1024x128xf32>
      %get3A_404 = arith.constant 0 : index
      %get3A_405 = arith.constant 63 : index
      %get3A_406 = vector.load %arg7[%get3A_404, %get3A_405] : memref<1024x64xf32, #tpu.memory_space<vmem>>, vector<1024x1xf32>
      %lt3A_407 = vector.broadcast %get3A_406 : vector<1024x1xf32> to vector<1024x128xf32>
      %lt3A_408 = arith.cmpf olt, %get3A_403, %lt3A_407 : vector<1024x128xf32>
      %reduce_or3A_409 = arith.constant 1.000000e+00 : f32
      %reduce_or3A_410 = arith.constant 0.000000e+00 : f32
      %reduce_or3A_411 = vector.broadcast %reduce_or3A_409 : f32 to vector<1024x128xf32>
      %reduce_or3A_412 = vector.broadcast %reduce_or3A_410 : f32 to vector<1024x128xf32>
      %reduce_or3A_413 = arith.select %lt3A_408, %reduce_or3A_411, %reduce_or3A_412 : vector<1024x128xi1>, vector<1024x128xf32>
      %reduce_or3A_414 = vector.shape_cast %reduce_or3A_413 : vector<1024x128xf32> to vector<1x1024x128xf32>
      %reduce_or3A_415 = arith.constant dense<0xFF800000> : vector<1xf32>
      %reduce_or3A_416 = vector.multi_reduction <maximumf>, %reduce_or3A_414, %reduce_or3A_415 [1, 2] : vector<1x1024x128xf32> to vector<1xf32>
      %reduce_or3A_417 = vector.shape_cast %reduce_or3A_416 : vector<1xf32> to vector<1x1x1xf32>
      %reduce_or3A_418 = vector.extract %reduce_or3A_417[0, 0, 0] : f32 from vector<1x1x1xf32>
      %reduce_or3A_419 = arith.constant 0.000000e+00 : f32
      %reduce_or3A_420 = arith.cmpf ogt, %reduce_or3A_418, %reduce_or3A_419 : f32
      %convert_element_type3A_421 = arith.extui %reduce_or3A_420 : i1 to i32
      %cond3A_422 = arith.constant 0 : i32
      %cond3A_423 = arith.cmpi ne, %convert_element_type3A_421, %cond3A_422 : i32
      scf.if %cond3A_423 {
        %get3A_812 = arith.constant 0 : index
        %get3A_813 = arith.constant 0 : index
        %get3A_814 = vector.load %arg7[%get3A_812, %get3A_813] : memref<1024x64xf32, #tpu.memory_space<vmem>>, vector<1024x64xf32>
        %get3A_815 = arith.constant 0 : index
        %get3A_816 = arith.constant 0 : index
        %get3A_817 = vector.load %arg8[%get3A_815, %get3A_816] : memref<1024x64xf32, #tpu.memory_space<vmem>>, vector<1024x64xf32>
        %reduce_min3A = arith.constant dense<0x7F800000> : vector<1024xf32>
        %reduce_min3A_818 = vector.multi_reduction <minimumf>, %get3A_403, %reduce_min3A [1] : vector<1024x128xf32> to vector<1024xf32>
        %broadcast_in_dim3A_819 = vector.shape_cast %reduce_min3A_818 : vector<1024xf32> to vector<1024x1xf32>
        %eq3A_820 = vector.broadcast %broadcast_in_dim3A_819 : vector<1024x1xf32> to vector<1024x128xf32>
        %eq3A_821 = arith.cmpf oeq, %get3A_403, %eq3A_820 : vector<1024x128xf32>
        %jit3A_822 = arith.constant 1.000000e+04 : f32
        %broadcast_in_dim3A_823 = vector.shape_cast %convert_element_type3A_30 : vector<1x128xf32> to vector<1x128xf32>
        %broadcast_in_dim3A_824 = vector.broadcast %broadcast_in_dim3A_823 : vector<1x128xf32> to vector<1024x128xf32>
        %broadcast_in_dim3A_825 = vector.broadcast %jit3A_822 : f32 to vector<1024x128xf32>
        %select_n3A_826 = arith.select %eq3A_821, %broadcast_in_dim3A_824, %broadcast_in_dim3A_825 : vector<1024x128xi1>, vector<1024x128xf32>
        %reduce_min3A_827 = arith.constant dense<0x7F800000> : vector<1024xf32>
        %reduce_min3A_828 = vector.multi_reduction <minimumf>, %select_n3A_826, %reduce_min3A_827 [1] : vector<1024x128xf32> to vector<1024xf32>
        %broadcast_in_dim3A_829 = vector.shape_cast %reduce_min3A_828 : vector<1024xf32> to vector<1024x1xf32>
        %eq3A_830 = vector.broadcast %convert_element_type3A_30 : vector<1x128xf32> to vector<1024x128xf32>
        %eq3A_831 = vector.broadcast %broadcast_in_dim3A_829 : vector<1024x1xf32> to vector<1024x128xf32>
        %eq3A_832 = arith.cmpf oeq, %eq3A_830, %eq3A_831 : vector<1024x128xf32>
        %jit3A_833 = arith.constant 3.000000e+38 : f32
        %broadcast_in_dim3A_834 = vector.broadcast %jit3A_833 : f32 to vector<1024x128xf32>
        %select_n3A_835 = arith.select %eq3A_832, %broadcast_in_dim3A_834, %get3A_403 : vector<1024x128xi1>, vector<1024x128xf32>
        %reduce_min3A_836 = arith.constant dense<0x7F800000> : vector<1024xf32>
        %reduce_min3A_837 = vector.multi_reduction <minimumf>, %select_n3A_835, %reduce_min3A_836 [1] : vector<1024x128xf32> to vector<1024xf32>
        %broadcast_in_dim3A_838 = vector.shape_cast %reduce_min3A_837 : vector<1024xf32> to vector<1024x1xf32>
        %eq3A_839 = vector.broadcast %broadcast_in_dim3A_838 : vector<1024x1xf32> to vector<1024x128xf32>
        %eq3A_840 = arith.cmpf oeq, %select_n3A_835, %eq3A_839 : vector<1024x128xf32>
        %jit3A_841 = arith.constant 1.000000e+04 : f32
        %broadcast_in_dim3A_842 = vector.shape_cast %convert_element_type3A_30 : vector<1x128xf32> to vector<1x128xf32>
        %broadcast_in_dim3A_843 = vector.broadcast %broadcast_in_dim3A_842 : vector<1x128xf32> to vector<1024x128xf32>
        %broadcast_in_dim3A_844 = vector.broadcast %jit3A_841 : f32 to vector<1024x128xf32>
        %select_n3A_845 = arith.select %eq3A_840, %broadcast_in_dim3A_843, %broadcast_in_dim3A_844 : vector<1024x128xi1>, vector<1024x128xf32>
        %reduce_min3A_846 = arith.constant dense<0x7F800000> : vector<1024xf32>
        %reduce_min3A_847 = vector.multi_reduction <minimumf>, %select_n3A_845, %reduce_min3A_846 [1] : vector<1024x128xf32> to vector<1024xf32>
        %broadcast_in_dim3A_848 = vector.shape_cast %reduce_min3A_847 : vector<1024xf32> to vector<1024x1xf32>
        %eq3A_849 = vector.broadcast %convert_element_type3A_30 : vector<1x128xf32> to vector<1024x128xf32>
        %eq3A_850 = vector.broadcast %broadcast_in_dim3A_848 : vector<1024x1xf32> to vector<1024x128xf32>
        %eq3A_851 = arith.cmpf oeq, %eq3A_849, %eq3A_850 : vector<1024x128xf32>
        %jit3A_852 = arith.constant 3.000000e+38 : f32
        %broadcast_in_dim3A_853 = vector.broadcast %jit3A_852 : f32 to vector<1024x128xf32>
        %select_n3A_854 = arith.select %eq3A_851, %broadcast_in_dim3A_853, %select_n3A_835 : vector<1024x128xi1>, vector<1024x128xf32>
        %swap3A_855 = arith.constant 0 : index
        %swap3A_856 = arith.constant 1920 : index
        %swap3A_857 = vector.load %arg9[%swap3A_855, %swap3A_856] : memref<1024x4096xf32, #tpu.memory_space<vmem>>, vector<1024x128xf32>
        tpu.vector_store %arg9[%swap3A_855, %swap3A_856], %select_n3A_854 {strides = array<i32>} : memref<1024x4096xf32, #tpu.memory_space<vmem>>, vector<1024x128xf32>,
        %add3A_858 = arith.constant 1.920000e+03 : f32
        %add3A_859 = arith.addf %convert_element_type3A_33, %add3A_858 : f32
        %add3A_860 = vector.broadcast %add3A_859 : f32 to vector<1024x1xf32>
        %add3A_861 = arith.addf %add3A_860, %broadcast_in_dim3A_829 : vector<1024x1xf32>
        %add3A_862 = arith.constant 1.920000e+03 : f32
        %add3A_863 = arith.addf %convert_element_type3A_33, %add3A_862 : f32
        %add3A_864 = vector.broadcast %add3A_863 : f32 to vector<1024x1xf32>
        %add3A_865 = arith.addf %add3A_864, %broadcast_in_dim3A_848 : vector<1024x1xf32>
        %le3A = vector.broadcast %broadcast_in_dim3A_819 : vector<1024x1xf32> to vector<1024x64xf32>
        %le3A_866 = arith.cmpf ole, %get3A_814, %le3A : vector<1024x64xf32>
        %convert_element_type3A_867 = arith.extui %le3A_866 : vector<1024x64xi1> to vector<1024x64xi32>
        %convert_element_type3A_868 = arith.sitofp %convert_element_type3A_867 : vector<1024x64xi32> to vector<1024x64xf32>
        %reduce_sum3A_869 = arith.constant dense<0.000000e+00> : vector<1024xf32>
        %reduce_sum3A_870 = vector.multi_reduction <add>, %convert_element_type3A_868, %reduce_sum3A_869 [1] : vector<1024x64xf32> to vector<1024xf32>
        %broadcast_in_dim3A_871 = vector.shape_cast %reduce_sum3A_870 : vector<1024xf32> to vector<1024x1xf32>
        %le3A_872 = vector.broadcast %broadcast_in_dim3A_838 : vector<1024x1xf32> to vector<1024x64xf32>
        %le3A_873 = arith.cmpf ole, %get3A_814, %le3A_872 : vector<1024x64xf32>
        %convert_element_type3A_874 = arith.extui %le3A_873 : vector<1024x64xi1> to vector<1024x64xi32>
        %convert_element_type3A_875 = arith.sitofp %convert_element_type3A_874 : vector<1024x64xi32> to vector<1024x64xf32>
        %reduce_sum3A_876 = arith.constant dense<0.000000e+00> : vector<1024xf32>
        %reduce_sum3A_877 = vector.multi_reduction <add>, %convert_element_type3A_875, %reduce_sum3A_876 [1] : vector<1024x64xf32> to vector<1024xf32>
        %broadcast_in_dim3A_878 = vector.shape_cast %reduce_sum3A_877 : vector<1024xf32> to vector<1024x1xf32>
        %add3A_879 = arith.constant 1.000000e+00 : f32
        %add3A_880 = vector.broadcast %add3A_879 : f32 to vector<1024x1xf32>
        %add3A_881 = arith.addf %broadcast_in_dim3A_878, %add3A_880 : vector<1024x1xf32>
        %roll3A = arith.constant 1 : i32
        %roll3A_882 = tpu.dynamic_rotate %get3A_814 by %roll3A dim 1 : vector<1024x64xf32>, i32 -> vector<1024x64xf32>
        %roll3A_883 = arith.constant 2 : i32
        %roll3A_884 = tpu.dynamic_rotate %get3A_814 by %roll3A_883 dim 1 : vector<1024x64xf32>, i32 -> vector<1024x64xf32>
        %roll3A_885 = arith.constant 1 : i32
        %roll3A_886 = tpu.dynamic_rotate %get3A_817 by %roll3A_885 dim 1 : vector<1024x64xf32>, i32 -> vector<1024x64xf32>
        %roll3A_887 = arith.constant 2 : i32
        %roll3A_888 = tpu.dynamic_rotate %get3A_817 by %roll3A_887 dim 1 : vector<1024x64xf32>, i32 -> vector<1024x64xf32>
        %lt3A_889 = vector.broadcast %convert_element_type3A_28 : vector<1x64xf32> to vector<1024x64xf32>
        %lt3A_890 = vector.broadcast %broadcast_in_dim3A_871 : vector<1024x1xf32> to vector<1024x64xf32>
        %lt3A_891 = arith.cmpf olt, %lt3A_889, %lt3A_890 : vector<1024x64xf32>
        %eq3A_892 = vector.broadcast %convert_element_type3A_28 : vector<1x64xf32> to vector<1024x64xf32>
        %eq3A_893 = vector.broadcast %broadcast_in_dim3A_871 : vector<1024x1xf32> to vector<1024x64xf32>
        %eq3A_894 = arith.cmpf oeq, %eq3A_892, %eq3A_893 : vector<1024x64xf32>
        %lt3A_895 = vector.broadcast %convert_element_type3A_28 : vector<1x64xf32> to vector<1024x64xf32>
        %lt3A_896 = vector.broadcast %add3A_881 : vector<1024x1xf32> to vector<1024x64xf32>
        %lt3A_897 = arith.cmpf olt, %lt3A_895, %lt3A_896 : vector<1024x64xf32>
        %eq3A_898 = vector.broadcast %convert_element_type3A_28 : vector<1x64xf32> to vector<1024x64xf32>
        %eq3A_899 = vector.broadcast %add3A_881 : vector<1024x1xf32> to vector<1024x64xf32>
        %eq3A_900 = arith.cmpf oeq, %eq3A_898, %eq3A_899 : vector<1024x64xf32>
        %broadcast_in_dim3A_901 = vector.shape_cast %broadcast_in_dim3A_838 : vector<1024x1xf32> to vector<1024x1xf32>
        %broadcast_in_dim3A_902 = vector.broadcast %broadcast_in_dim3A_901 : vector<1024x1xf32> to vector<1024x64xf32>
        %select_n3A_903 = arith.select %eq3A_900, %broadcast_in_dim3A_902, %roll3A_884 : vector<1024x64xi1>, vector<1024x64xf32>
        %select_n3A_904 = arith.select %lt3A_897, %roll3A_882, %select_n3A_903 : vector<1024x64xi1>, vector<1024x64xf32>
        %broadcast_in_dim3A_905 = vector.shape_cast %broadcast_in_dim3A_819 : vector<1024x1xf32> to vector<1024x1xf32>
        %broadcast_in_dim3A_906 = vector.broadcast %broadcast_in_dim3A_905 : vector<1024x1xf32> to vector<1024x64xf32>
        %select_n3A_907 = arith.select %eq3A_894, %broadcast_in_dim3A_906, %select_n3A_904 : vector<1024x64xi1>, vector<1024x64xf32>
        %select_n3A_908 = arith.select %lt3A_891, %get3A_814, %select_n3A_907 : vector<1024x64xi1>, vector<1024x64xf32>
        %lt3A_909 = vector.broadcast %convert_element_type3A_28 : vector<1x64xf32> to vector<1024x64xf32>
        %lt3A_910 = vector.broadcast %broadcast_in_dim3A_871 : vector<1024x1xf32> to vector<1024x64xf32>
        %lt3A_911 = arith.cmpf olt, %lt3A_909, %lt3A_910 : vector<1024x64xf32>
        %eq3A_912 = vector.broadcast %convert_element_type3A_28 : vector<1x64xf32> to vector<1024x64xf32>
        %eq3A_913 = vector.broadcast %broadcast_in_dim3A_871 : vector<1024x1xf32> to vector<1024x64xf32>
        %eq3A_914 = arith.cmpf oeq, %eq3A_912, %eq3A_913 : vector<1024x64xf32>
        %lt3A_915 = vector.broadcast %convert_element_type3A_28 : vector<1x64xf32> to vector<1024x64xf32>
        %lt3A_916 = vector.broadcast %add3A_881 : vector<1024x1xf32> to vector<1024x64xf32>
        %lt3A_917 = arith.cmpf olt, %lt3A_915, %lt3A_916 : vector<1024x64xf32>
        %eq3A_918 = vector.broadcast %convert_element_type3A_28 : vector<1x64xf32> to vector<1024x64xf32>
        %eq3A_919 = vector.broadcast %add3A_881 : vector<1024x1xf32> to vector<1024x64xf32>
        %eq3A_920 = arith.cmpf oeq, %eq3A_918, %eq3A_919 : vector<1024x64xf32>
        %broadcast_in_dim3A_921 = vector.shape_cast %add3A_865 : vector<1024x1xf32> to vector<1024x1xf32>
        %broadcast_in_dim3A_922 = vector.broadcast %broadcast_in_dim3A_921 : vector<1024x1xf32> to vector<1024x64xf32>
        %select_n3A_923 = arith.select %eq3A_920, %broadcast_in_dim3A_922, %roll3A_888 : vector<1024x64xi1>, vector<1024x64xf32>
        %select_n3A_924 = arith.select %lt3A_917, %roll3A_886, %select_n3A_923 : vector<1024x64xi1>, vector<1024x64xf32>
        %broadcast_in_dim3A_925 = vector.shape_cast %add3A_861 : vector<1024x1xf32> to vector<1024x1xf32>
        %broadcast_in_dim3A_926 = vector.broadcast %broadcast_in_dim3A_925 : vector<1024x1xf32> to vector<1024x64xf32>
        %select_n3A_927 = arith.select %eq3A_914, %broadcast_in_dim3A_926, %select_n3A_924 : vector<1024x64xi1>, vector<1024x64xf32>
        %select_n3A_928 = arith.select %lt3A_911, %get3A_817, %select_n3A_927 : vector<1024x64xi1>, vector<1024x64xf32>
        %swap3A_929 = arith.constant 0 : index
        %swap3A_930 = arith.constant 0 : index
        %swap3A_931 = vector.load %arg7[%swap3A_929, %swap3A_930] : memref<1024x64xf32, #tpu.memory_space<vmem>>, vector<1024x64xf32>
        tpu.vector_store %arg7[%swap3A_929, %swap3A_930], %select_n3A_908 {strides = array<i32>} : memref<1024x64xf32, #tpu.memory_space<vmem>>, vector<1024x64xf32>,
        %swap3A_932 = arith.constant 0 : index
        %swap3A_933 = arith.constant 0 : index
        %swap3A_934 = vector.load %arg8[%swap3A_932, %swap3A_933] : memref<1024x64xf32, #tpu.memory_space<vmem>>, vector<1024x64xf32>
        tpu.vector_store %arg8[%swap3A_932, %swap3A_933], %select_n3A_928 {strides = array<i32>} : memref<1024x64xf32, #tpu.memory_space<vmem>>, vector<1024x64xf32>,
      } else {
      }
      %get3A_424 = arith.constant 0 : index
      %get3A_425 = arith.constant 2048 : index
      %get3A_426 = vector.load %arg9[%get3A_424, %get3A_425] : memref<1024x4096xf32, #tpu.memory_space<vmem>>, vector<1024x128xf32>
      %get3A_427 = arith.constant 0 : index
      %get3A_428 = arith.constant 63 : index
      %get3A_429 = vector.load %arg7[%get3A_427, %get3A_428] : memref<1024x64xf32, #tpu.memory_space<vmem>>, vector<1024x1xf32>
      %lt3A_430 = vector.broadcast %get3A_429 : vector<1024x1xf32> to vector<1024x128xf32>
      %lt3A_431 = arith.cmpf olt, %get3A_426, %lt3A_430 : vector<1024x128xf32>
      %reduce_or3A_432 = arith.constant 1.000000e+00 : f32
      %reduce_or3A_433 = arith.constant 0.000000e+00 : f32
      %reduce_or3A_434 = vector.broadcast %reduce_or3A_432 : f32 to vector<1024x128xf32>
      %reduce_or3A_435 = vector.broadcast %reduce_or3A_433 : f32 to vector<1024x128xf32>
      %reduce_or3A_436 = arith.select %lt3A_431, %reduce_or3A_434, %reduce_or3A_435 : vector<1024x128xi1>, vector<1024x128xf32>
      %reduce_or3A_437 = vector.shape_cast %reduce_or3A_436 : vector<1024x128xf32> to vector<1x1024x128xf32>
      %reduce_or3A_438 = arith.constant dense<0xFF800000> : vector<1xf32>
      %reduce_or3A_439 = vector.multi_reduction <maximumf>, %reduce_or3A_437, %reduce_or3A_438 [1, 2] : vector<1x1024x128xf32> to vector<1xf32>
      %reduce_or3A_440 = vector.shape_cast %reduce_or3A_439 : vector<1xf32> to vector<1x1x1xf32>
      %reduce_or3A_441 = vector.extract %reduce_or3A_440[0, 0, 0] : f32 from vector<1x1x1xf32>
      %reduce_or3A_442 = arith.constant 0.000000e+00 : f32
      %reduce_or3A_443 = arith.cmpf ogt, %reduce_or3A_441, %reduce_or3A_442 : f32
      %convert_element_type3A_444 = arith.extui %reduce_or3A_443 : i1 to i32
      %cond3A_445 = arith.constant 0 : i32
      %cond3A_446 = arith.cmpi ne, %convert_element_type3A_444, %cond3A_445 : i32
      scf.if %cond3A_446 {
        %get3A_812 = arith.constant 0 : index
        %get3A_813 = arith.constant 0 : index
        %get3A_814 = vector.load %arg7[%get3A_812, %get3A_813] : memref<1024x64xf32, #tpu.memory_space<vmem>>, vector<1024x64xf32>
        %get3A_815 = arith.constant 0 : index
        %get3A_816 = arith.constant 0 : index
        %get3A_817 = vector.load %arg8[%get3A_815, %get3A_816] : memref<1024x64xf32, #tpu.memory_space<vmem>>, vector<1024x64xf32>
        %reduce_min3A = arith.constant dense<0x7F800000> : vector<1024xf32>
        %reduce_min3A_818 = vector.multi_reduction <minimumf>, %get3A_426, %reduce_min3A [1] : vector<1024x128xf32> to vector<1024xf32>
        %broadcast_in_dim3A_819 = vector.shape_cast %reduce_min3A_818 : vector<1024xf32> to vector<1024x1xf32>
        %eq3A_820 = vector.broadcast %broadcast_in_dim3A_819 : vector<1024x1xf32> to vector<1024x128xf32>
        %eq3A_821 = arith.cmpf oeq, %get3A_426, %eq3A_820 : vector<1024x128xf32>
        %jit3A_822 = arith.constant 1.000000e+04 : f32
        %broadcast_in_dim3A_823 = vector.shape_cast %convert_element_type3A_30 : vector<1x128xf32> to vector<1x128xf32>
        %broadcast_in_dim3A_824 = vector.broadcast %broadcast_in_dim3A_823 : vector<1x128xf32> to vector<1024x128xf32>
        %broadcast_in_dim3A_825 = vector.broadcast %jit3A_822 : f32 to vector<1024x128xf32>
        %select_n3A_826 = arith.select %eq3A_821, %broadcast_in_dim3A_824, %broadcast_in_dim3A_825 : vector<1024x128xi1>, vector<1024x128xf32>
        %reduce_min3A_827 = arith.constant dense<0x7F800000> : vector<1024xf32>
        %reduce_min3A_828 = vector.multi_reduction <minimumf>, %select_n3A_826, %reduce_min3A_827 [1] : vector<1024x128xf32> to vector<1024xf32>
        %broadcast_in_dim3A_829 = vector.shape_cast %reduce_min3A_828 : vector<1024xf32> to vector<1024x1xf32>
        %eq3A_830 = vector.broadcast %convert_element_type3A_30 : vector<1x128xf32> to vector<1024x128xf32>
        %eq3A_831 = vector.broadcast %broadcast_in_dim3A_829 : vector<1024x1xf32> to vector<1024x128xf32>
        %eq3A_832 = arith.cmpf oeq, %eq3A_830, %eq3A_831 : vector<1024x128xf32>
        %jit3A_833 = arith.constant 3.000000e+38 : f32
        %broadcast_in_dim3A_834 = vector.broadcast %jit3A_833 : f32 to vector<1024x128xf32>
        %select_n3A_835 = arith.select %eq3A_832, %broadcast_in_dim3A_834, %get3A_426 : vector<1024x128xi1>, vector<1024x128xf32>
        %reduce_min3A_836 = arith.constant dense<0x7F800000> : vector<1024xf32>
        %reduce_min3A_837 = vector.multi_reduction <minimumf>, %select_n3A_835, %reduce_min3A_836 [1] : vector<1024x128xf32> to vector<1024xf32>
        %broadcast_in_dim3A_838 = vector.shape_cast %reduce_min3A_837 : vector<1024xf32> to vector<1024x1xf32>
        %eq3A_839 = vector.broadcast %broadcast_in_dim3A_838 : vector<1024x1xf32> to vector<1024x128xf32>
        %eq3A_840 = arith.cmpf oeq, %select_n3A_835, %eq3A_839 : vector<1024x128xf32>
        %jit3A_841 = arith.constant 1.000000e+04 : f32
        %broadcast_in_dim3A_842 = vector.shape_cast %convert_element_type3A_30 : vector<1x128xf32> to vector<1x128xf32>
        %broadcast_in_dim3A_843 = vector.broadcast %broadcast_in_dim3A_842 : vector<1x128xf32> to vector<1024x128xf32>
        %broadcast_in_dim3A_844 = vector.broadcast %jit3A_841 : f32 to vector<1024x128xf32>
        %select_n3A_845 = arith.select %eq3A_840, %broadcast_in_dim3A_843, %broadcast_in_dim3A_844 : vector<1024x128xi1>, vector<1024x128xf32>
        %reduce_min3A_846 = arith.constant dense<0x7F800000> : vector<1024xf32>
        %reduce_min3A_847 = vector.multi_reduction <minimumf>, %select_n3A_845, %reduce_min3A_846 [1] : vector<1024x128xf32> to vector<1024xf32>
        %broadcast_in_dim3A_848 = vector.shape_cast %reduce_min3A_847 : vector<1024xf32> to vector<1024x1xf32>
        %eq3A_849 = vector.broadcast %convert_element_type3A_30 : vector<1x128xf32> to vector<1024x128xf32>
        %eq3A_850 = vector.broadcast %broadcast_in_dim3A_848 : vector<1024x1xf32> to vector<1024x128xf32>
        %eq3A_851 = arith.cmpf oeq, %eq3A_849, %eq3A_850 : vector<1024x128xf32>
        %jit3A_852 = arith.constant 3.000000e+38 : f32
        %broadcast_in_dim3A_853 = vector.broadcast %jit3A_852 : f32 to vector<1024x128xf32>
        %select_n3A_854 = arith.select %eq3A_851, %broadcast_in_dim3A_853, %select_n3A_835 : vector<1024x128xi1>, vector<1024x128xf32>
        %swap3A_855 = arith.constant 0 : index
        %swap3A_856 = arith.constant 2048 : index
        %swap3A_857 = vector.load %arg9[%swap3A_855, %swap3A_856] : memref<1024x4096xf32, #tpu.memory_space<vmem>>, vector<1024x128xf32>
        tpu.vector_store %arg9[%swap3A_855, %swap3A_856], %select_n3A_854 {strides = array<i32>} : memref<1024x4096xf32, #tpu.memory_space<vmem>>, vector<1024x128xf32>,
        %add3A_858 = arith.constant 2.048000e+03 : f32
        %add3A_859 = arith.addf %convert_element_type3A_33, %add3A_858 : f32
        %add3A_860 = vector.broadcast %add3A_859 : f32 to vector<1024x1xf32>
        %add3A_861 = arith.addf %add3A_860, %broadcast_in_dim3A_829 : vector<1024x1xf32>
        %add3A_862 = arith.constant 2.048000e+03 : f32
        %add3A_863 = arith.addf %convert_element_type3A_33, %add3A_862 : f32
        %add3A_864 = vector.broadcast %add3A_863 : f32 to vector<1024x1xf32>
        %add3A_865 = arith.addf %add3A_864, %broadcast_in_dim3A_848 : vector<1024x1xf32>
        %le3A = vector.broadcast %broadcast_in_dim3A_819 : vector<1024x1xf32> to vector<1024x64xf32>
        %le3A_866 = arith.cmpf ole, %get3A_814, %le3A : vector<1024x64xf32>
        %convert_element_type3A_867 = arith.extui %le3A_866 : vector<1024x64xi1> to vector<1024x64xi32>
        %convert_element_type3A_868 = arith.sitofp %convert_element_type3A_867 : vector<1024x64xi32> to vector<1024x64xf32>
        %reduce_sum3A_869 = arith.constant dense<0.000000e+00> : vector<1024xf32>
        %reduce_sum3A_870 = vector.multi_reduction <add>, %convert_element_type3A_868, %reduce_sum3A_869 [1] : vector<1024x64xf32> to vector<1024xf32>
        %broadcast_in_dim3A_871 = vector.shape_cast %reduce_sum3A_870 : vector<1024xf32> to vector<1024x1xf32>
        %le3A_872 = vector.broadcast %broadcast_in_dim3A_838 : vector<1024x1xf32> to vector<1024x64xf32>
        %le3A_873 = arith.cmpf ole, %get3A_814, %le3A_872 : vector<1024x64xf32>
        %convert_element_type3A_874 = arith.extui %le3A_873 : vector<1024x64xi1> to vector<1024x64xi32>
        %convert_element_type3A_875 = arith.sitofp %convert_element_type3A_874 : vector<1024x64xi32> to vector<1024x64xf32>
        %reduce_sum3A_876 = arith.constant dense<0.000000e+00> : vector<1024xf32>
        %reduce_sum3A_877 = vector.multi_reduction <add>, %convert_element_type3A_875, %reduce_sum3A_876 [1] : vector<1024x64xf32> to vector<1024xf32>
        %broadcast_in_dim3A_878 = vector.shape_cast %reduce_sum3A_877 : vector<1024xf32> to vector<1024x1xf32>
        %add3A_879 = arith.constant 1.000000e+00 : f32
        %add3A_880 = vector.broadcast %add3A_879 : f32 to vector<1024x1xf32>
        %add3A_881 = arith.addf %broadcast_in_dim3A_878, %add3A_880 : vector<1024x1xf32>
        %roll3A = arith.constant 1 : i32
        %roll3A_882 = tpu.dynamic_rotate %get3A_814 by %roll3A dim 1 : vector<1024x64xf32>, i32 -> vector<1024x64xf32>
        %roll3A_883 = arith.constant 2 : i32
        %roll3A_884 = tpu.dynamic_rotate %get3A_814 by %roll3A_883 dim 1 : vector<1024x64xf32>, i32 -> vector<1024x64xf32>
        %roll3A_885 = arith.constant 1 : i32
        %roll3A_886 = tpu.dynamic_rotate %get3A_817 by %roll3A_885 dim 1 : vector<1024x64xf32>, i32 -> vector<1024x64xf32>
        %roll3A_887 = arith.constant 2 : i32
        %roll3A_888 = tpu.dynamic_rotate %get3A_817 by %roll3A_887 dim 1 : vector<1024x64xf32>, i32 -> vector<1024x64xf32>
        %lt3A_889 = vector.broadcast %convert_element_type3A_28 : vector<1x64xf32> to vector<1024x64xf32>
        %lt3A_890 = vector.broadcast %broadcast_in_dim3A_871 : vector<1024x1xf32> to vector<1024x64xf32>
        %lt3A_891 = arith.cmpf olt, %lt3A_889, %lt3A_890 : vector<1024x64xf32>
        %eq3A_892 = vector.broadcast %convert_element_type3A_28 : vector<1x64xf32> to vector<1024x64xf32>
        %eq3A_893 = vector.broadcast %broadcast_in_dim3A_871 : vector<1024x1xf32> to vector<1024x64xf32>
        %eq3A_894 = arith.cmpf oeq, %eq3A_892, %eq3A_893 : vector<1024x64xf32>
        %lt3A_895 = vector.broadcast %convert_element_type3A_28 : vector<1x64xf32> to vector<1024x64xf32>
        %lt3A_896 = vector.broadcast %add3A_881 : vector<1024x1xf32> to vector<1024x64xf32>
        %lt3A_897 = arith.cmpf olt, %lt3A_895, %lt3A_896 : vector<1024x64xf32>
        %eq3A_898 = vector.broadcast %convert_element_type3A_28 : vector<1x64xf32> to vector<1024x64xf32>
        %eq3A_899 = vector.broadcast %add3A_881 : vector<1024x1xf32> to vector<1024x64xf32>
        %eq3A_900 = arith.cmpf oeq, %eq3A_898, %eq3A_899 : vector<1024x64xf32>
        %broadcast_in_dim3A_901 = vector.shape_cast %broadcast_in_dim3A_838 : vector<1024x1xf32> to vector<1024x1xf32>
        %broadcast_in_dim3A_902 = vector.broadcast %broadcast_in_dim3A_901 : vector<1024x1xf32> to vector<1024x64xf32>
        %select_n3A_903 = arith.select %eq3A_900, %broadcast_in_dim3A_902, %roll3A_884 : vector<1024x64xi1>, vector<1024x64xf32>
        %select_n3A_904 = arith.select %lt3A_897, %roll3A_882, %select_n3A_903 : vector<1024x64xi1>, vector<1024x64xf32>
        %broadcast_in_dim3A_905 = vector.shape_cast %broadcast_in_dim3A_819 : vector<1024x1xf32> to vector<1024x1xf32>
        %broadcast_in_dim3A_906 = vector.broadcast %broadcast_in_dim3A_905 : vector<1024x1xf32> to vector<1024x64xf32>
        %select_n3A_907 = arith.select %eq3A_894, %broadcast_in_dim3A_906, %select_n3A_904 : vector<1024x64xi1>, vector<1024x64xf32>
        %select_n3A_908 = arith.select %lt3A_891, %get3A_814, %select_n3A_907 : vector<1024x64xi1>, vector<1024x64xf32>
        %lt3A_909 = vector.broadcast %convert_element_type3A_28 : vector<1x64xf32> to vector<1024x64xf32>
        %lt3A_910 = vector.broadcast %broadcast_in_dim3A_871 : vector<1024x1xf32> to vector<1024x64xf32>
        %lt3A_911 = arith.cmpf olt, %lt3A_909, %lt3A_910 : vector<1024x64xf32>
        %eq3A_912 = vector.broadcast %convert_element_type3A_28 : vector<1x64xf32> to vector<1024x64xf32>
        %eq3A_913 = vector.broadcast %broadcast_in_dim3A_871 : vector<1024x1xf32> to vector<1024x64xf32>
        %eq3A_914 = arith.cmpf oeq, %eq3A_912, %eq3A_913 : vector<1024x64xf32>
        %lt3A_915 = vector.broadcast %convert_element_type3A_28 : vector<1x64xf32> to vector<1024x64xf32>
        %lt3A_916 = vector.broadcast %add3A_881 : vector<1024x1xf32> to vector<1024x64xf32>
        %lt3A_917 = arith.cmpf olt, %lt3A_915, %lt3A_916 : vector<1024x64xf32>
        %eq3A_918 = vector.broadcast %convert_element_type3A_28 : vector<1x64xf32> to vector<1024x64xf32>
        %eq3A_919 = vector.broadcast %add3A_881 : vector<1024x1xf32> to vector<1024x64xf32>
        %eq3A_920 = arith.cmpf oeq, %eq3A_918, %eq3A_919 : vector<1024x64xf32>
        %broadcast_in_dim3A_921 = vector.shape_cast %add3A_865 : vector<1024x1xf32> to vector<1024x1xf32>
        %broadcast_in_dim3A_922 = vector.broadcast %broadcast_in_dim3A_921 : vector<1024x1xf32> to vector<1024x64xf32>
        %select_n3A_923 = arith.select %eq3A_920, %broadcast_in_dim3A_922, %roll3A_888 : vector<1024x64xi1>, vector<1024x64xf32>
        %select_n3A_924 = arith.select %lt3A_917, %roll3A_886, %select_n3A_923 : vector<1024x64xi1>, vector<1024x64xf32>
        %broadcast_in_dim3A_925 = vector.shape_cast %add3A_861 : vector<1024x1xf32> to vector<1024x1xf32>
        %broadcast_in_dim3A_926 = vector.broadcast %broadcast_in_dim3A_925 : vector<1024x1xf32> to vector<1024x64xf32>
        %select_n3A_927 = arith.select %eq3A_914, %broadcast_in_dim3A_926, %select_n3A_924 : vector<1024x64xi1>, vector<1024x64xf32>
        %select_n3A_928 = arith.select %lt3A_911, %get3A_817, %select_n3A_927 : vector<1024x64xi1>, vector<1024x64xf32>
        %swap3A_929 = arith.constant 0 : index
        %swap3A_930 = arith.constant 0 : index
        %swap3A_931 = vector.load %arg7[%swap3A_929, %swap3A_930] : memref<1024x64xf32, #tpu.memory_space<vmem>>, vector<1024x64xf32>
        tpu.vector_store %arg7[%swap3A_929, %swap3A_930], %select_n3A_908 {strides = array<i32>} : memref<1024x64xf32, #tpu.memory_space<vmem>>, vector<1024x64xf32>,
        %swap3A_932 = arith.constant 0 : index
        %swap3A_933 = arith.constant 0 : index
        %swap3A_934 = vector.load %arg8[%swap3A_932, %swap3A_933] : memref<1024x64xf32, #tpu.memory_space<vmem>>, vector<1024x64xf32>
        tpu.vector_store %arg8[%swap3A_932, %swap3A_933], %select_n3A_928 {strides = array<i32>} : memref<1024x64xf32, #tpu.memory_space<vmem>>, vector<1024x64xf32>,
      } else {
      }
      %get3A_447 = arith.constant 0 : index
      %get3A_448 = arith.constant 2176 : index
      %get3A_449 = vector.load %arg9[%get3A_447, %get3A_448] : memref<1024x4096xf32, #tpu.memory_space<vmem>>, vector<1024x128xf32>
      %get3A_450 = arith.constant 0 : index
      %get3A_451 = arith.constant 63 : index
      %get3A_452 = vector.load %arg7[%get3A_450, %get3A_451] : memref<1024x64xf32, #tpu.memory_space<vmem>>, vector<1024x1xf32>
      %lt3A_453 = vector.broadcast %get3A_452 : vector<1024x1xf32> to vector<1024x128xf32>
      %lt3A_454 = arith.cmpf olt, %get3A_449, %lt3A_453 : vector<1024x128xf32>
      %reduce_or3A_455 = arith.constant 1.000000e+00 : f32
      %reduce_or3A_456 = arith.constant 0.000000e+00 : f32
      %reduce_or3A_457 = vector.broadcast %reduce_or3A_455 : f32 to vector<1024x128xf32>
      %reduce_or3A_458 = vector.broadcast %reduce_or3A_456 : f32 to vector<1024x128xf32>
      %reduce_or3A_459 = arith.select %lt3A_454, %reduce_or3A_457, %reduce_or3A_458 : vector<1024x128xi1>, vector<1024x128xf32>
      %reduce_or3A_460 = vector.shape_cast %reduce_or3A_459 : vector<1024x128xf32> to vector<1x1024x128xf32>
      %reduce_or3A_461 = arith.constant dense<0xFF800000> : vector<1xf32>
      %reduce_or3A_462 = vector.multi_reduction <maximumf>, %reduce_or3A_460, %reduce_or3A_461 [1, 2] : vector<1x1024x128xf32> to vector<1xf32>
      %reduce_or3A_463 = vector.shape_cast %reduce_or3A_462 : vector<1xf32> to vector<1x1x1xf32>
      %reduce_or3A_464 = vector.extract %reduce_or3A_463[0, 0, 0] : f32 from vector<1x1x1xf32>
      %reduce_or3A_465 = arith.constant 0.000000e+00 : f32
      %reduce_or3A_466 = arith.cmpf ogt, %reduce_or3A_464, %reduce_or3A_465 : f32
      %convert_element_type3A_467 = arith.extui %reduce_or3A_466 : i1 to i32
      %cond3A_468 = arith.constant 0 : i32
      %cond3A_469 = arith.cmpi ne, %convert_element_type3A_467, %cond3A_468 : i32
      scf.if %cond3A_469 {
        %get3A_812 = arith.constant 0 : index
        %get3A_813 = arith.constant 0 : index
        %get3A_814 = vector.load %arg7[%get3A_812, %get3A_813] : memref<1024x64xf32, #tpu.memory_space<vmem>>, vector<1024x64xf32>
        %get3A_815 = arith.constant 0 : index
        %get3A_816 = arith.constant 0 : index
        %get3A_817 = vector.load %arg8[%get3A_815, %get3A_816] : memref<1024x64xf32, #tpu.memory_space<vmem>>, vector<1024x64xf32>
        %reduce_min3A = arith.constant dense<0x7F800000> : vector<1024xf32>
        %reduce_min3A_818 = vector.multi_reduction <minimumf>, %get3A_449, %reduce_min3A [1] : vector<1024x128xf32> to vector<1024xf32>
        %broadcast_in_dim3A_819 = vector.shape_cast %reduce_min3A_818 : vector<1024xf32> to vector<1024x1xf32>
        %eq3A_820 = vector.broadcast %broadcast_in_dim3A_819 : vector<1024x1xf32> to vector<1024x128xf32>
        %eq3A_821 = arith.cmpf oeq, %get3A_449, %eq3A_820 : vector<1024x128xf32>
        %jit3A_822 = arith.constant 1.000000e+04 : f32
        %broadcast_in_dim3A_823 = vector.shape_cast %convert_element_type3A_30 : vector<1x128xf32> to vector<1x128xf32>
        %broadcast_in_dim3A_824 = vector.broadcast %broadcast_in_dim3A_823 : vector<1x128xf32> to vector<1024x128xf32>
        %broadcast_in_dim3A_825 = vector.broadcast %jit3A_822 : f32 to vector<1024x128xf32>
        %select_n3A_826 = arith.select %eq3A_821, %broadcast_in_dim3A_824, %broadcast_in_dim3A_825 : vector<1024x128xi1>, vector<1024x128xf32>
        %reduce_min3A_827 = arith.constant dense<0x7F800000> : vector<1024xf32>
        %reduce_min3A_828 = vector.multi_reduction <minimumf>, %select_n3A_826, %reduce_min3A_827 [1] : vector<1024x128xf32> to vector<1024xf32>
        %broadcast_in_dim3A_829 = vector.shape_cast %reduce_min3A_828 : vector<1024xf32> to vector<1024x1xf32>
        %eq3A_830 = vector.broadcast %convert_element_type3A_30 : vector<1x128xf32> to vector<1024x128xf32>
        %eq3A_831 = vector.broadcast %broadcast_in_dim3A_829 : vector<1024x1xf32> to vector<1024x128xf32>
        %eq3A_832 = arith.cmpf oeq, %eq3A_830, %eq3A_831 : vector<1024x128xf32>
        %jit3A_833 = arith.constant 3.000000e+38 : f32
        %broadcast_in_dim3A_834 = vector.broadcast %jit3A_833 : f32 to vector<1024x128xf32>
        %select_n3A_835 = arith.select %eq3A_832, %broadcast_in_dim3A_834, %get3A_449 : vector<1024x128xi1>, vector<1024x128xf32>
        %reduce_min3A_836 = arith.constant dense<0x7F800000> : vector<1024xf32>
        %reduce_min3A_837 = vector.multi_reduction <minimumf>, %select_n3A_835, %reduce_min3A_836 [1] : vector<1024x128xf32> to vector<1024xf32>
        %broadcast_in_dim3A_838 = vector.shape_cast %reduce_min3A_837 : vector<1024xf32> to vector<1024x1xf32>
        %eq3A_839 = vector.broadcast %broadcast_in_dim3A_838 : vector<1024x1xf32> to vector<1024x128xf32>
        %eq3A_840 = arith.cmpf oeq, %select_n3A_835, %eq3A_839 : vector<1024x128xf32>
        %jit3A_841 = arith.constant 1.000000e+04 : f32
        %broadcast_in_dim3A_842 = vector.shape_cast %convert_element_type3A_30 : vector<1x128xf32> to vector<1x128xf32>
        %broadcast_in_dim3A_843 = vector.broadcast %broadcast_in_dim3A_842 : vector<1x128xf32> to vector<1024x128xf32>
        %broadcast_in_dim3A_844 = vector.broadcast %jit3A_841 : f32 to vector<1024x128xf32>
        %select_n3A_845 = arith.select %eq3A_840, %broadcast_in_dim3A_843, %broadcast_in_dim3A_844 : vector<1024x128xi1>, vector<1024x128xf32>
        %reduce_min3A_846 = arith.constant dense<0x7F800000> : vector<1024xf32>
        %reduce_min3A_847 = vector.multi_reduction <minimumf>, %select_n3A_845, %reduce_min3A_846 [1] : vector<1024x128xf32> to vector<1024xf32>
        %broadcast_in_dim3A_848 = vector.shape_cast %reduce_min3A_847 : vector<1024xf32> to vector<1024x1xf32>
        %eq3A_849 = vector.broadcast %convert_element_type3A_30 : vector<1x128xf32> to vector<1024x128xf32>
        %eq3A_850 = vector.broadcast %broadcast_in_dim3A_848 : vector<1024x1xf32> to vector<1024x128xf32>
        %eq3A_851 = arith.cmpf oeq, %eq3A_849, %eq3A_850 : vector<1024x128xf32>
        %jit3A_852 = arith.constant 3.000000e+38 : f32
        %broadcast_in_dim3A_853 = vector.broadcast %jit3A_852 : f32 to vector<1024x128xf32>
        %select_n3A_854 = arith.select %eq3A_851, %broadcast_in_dim3A_853, %select_n3A_835 : vector<1024x128xi1>, vector<1024x128xf32>
        %swap3A_855 = arith.constant 0 : index
        %swap3A_856 = arith.constant 2176 : index
        %swap3A_857 = vector.load %arg9[%swap3A_855, %swap3A_856] : memref<1024x4096xf32, #tpu.memory_space<vmem>>, vector<1024x128xf32>
        tpu.vector_store %arg9[%swap3A_855, %swap3A_856], %select_n3A_854 {strides = array<i32>} : memref<1024x4096xf32, #tpu.memory_space<vmem>>, vector<1024x128xf32>,
        %add3A_858 = arith.constant 2.176000e+03 : f32
        %add3A_859 = arith.addf %convert_element_type3A_33, %add3A_858 : f32
        %add3A_860 = vector.broadcast %add3A_859 : f32 to vector<1024x1xf32>
        %add3A_861 = arith.addf %add3A_860, %broadcast_in_dim3A_829 : vector<1024x1xf32>
        %add3A_862 = arith.constant 2.176000e+03 : f32
        %add3A_863 = arith.addf %convert_element_type3A_33, %add3A_862 : f32
        %add3A_864 = vector.broadcast %add3A_863 : f32 to vector<1024x1xf32>
        %add3A_865 = arith.addf %add3A_864, %broadcast_in_dim3A_848 : vector<1024x1xf32>
        %le3A = vector.broadcast %broadcast_in_dim3A_819 : vector<1024x1xf32> to vector<1024x64xf32>
        %le3A_866 = arith.cmpf ole, %get3A_814, %le3A : vector<1024x64xf32>
        %convert_element_type3A_867 = arith.extui %le3A_866 : vector<1024x64xi1> to vector<1024x64xi32>
        %convert_element_type3A_868 = arith.sitofp %convert_element_type3A_867 : vector<1024x64xi32> to vector<1024x64xf32>
        %reduce_sum3A_869 = arith.constant dense<0.000000e+00> : vector<1024xf32>
        %reduce_sum3A_870 = vector.multi_reduction <add>, %convert_element_type3A_868, %reduce_sum3A_869 [1] : vector<1024x64xf32> to vector<1024xf32>
        %broadcast_in_dim3A_871 = vector.shape_cast %reduce_sum3A_870 : vector<1024xf32> to vector<1024x1xf32>
        %le3A_872 = vector.broadcast %broadcast_in_dim3A_838 : vector<1024x1xf32> to vector<1024x64xf32>
        %le3A_873 = arith.cmpf ole, %get3A_814, %le3A_872 : vector<1024x64xf32>
        %convert_element_type3A_874 = arith.extui %le3A_873 : vector<1024x64xi1> to vector<1024x64xi32>
        %convert_element_type3A_875 = arith.sitofp %convert_element_type3A_874 : vector<1024x64xi32> to vector<1024x64xf32>
        %reduce_sum3A_876 = arith.constant dense<0.000000e+00> : vector<1024xf32>
        %reduce_sum3A_877 = vector.multi_reduction <add>, %convert_element_type3A_875, %reduce_sum3A_876 [1] : vector<1024x64xf32> to vector<1024xf32>
        %broadcast_in_dim3A_878 = vector.shape_cast %reduce_sum3A_877 : vector<1024xf32> to vector<1024x1xf32>
        %add3A_879 = arith.constant 1.000000e+00 : f32
        %add3A_880 = vector.broadcast %add3A_879 : f32 to vector<1024x1xf32>
        %add3A_881 = arith.addf %broadcast_in_dim3A_878, %add3A_880 : vector<1024x1xf32>
        %roll3A = arith.constant 1 : i32
        %roll3A_882 = tpu.dynamic_rotate %get3A_814 by %roll3A dim 1 : vector<1024x64xf32>, i32 -> vector<1024x64xf32>
        %roll3A_883 = arith.constant 2 : i32
        %roll3A_884 = tpu.dynamic_rotate %get3A_814 by %roll3A_883 dim 1 : vector<1024x64xf32>, i32 -> vector<1024x64xf32>
        %roll3A_885 = arith.constant 1 : i32
        %roll3A_886 = tpu.dynamic_rotate %get3A_817 by %roll3A_885 dim 1 : vector<1024x64xf32>, i32 -> vector<1024x64xf32>
        %roll3A_887 = arith.constant 2 : i32
        %roll3A_888 = tpu.dynamic_rotate %get3A_817 by %roll3A_887 dim 1 : vector<1024x64xf32>, i32 -> vector<1024x64xf32>
        %lt3A_889 = vector.broadcast %convert_element_type3A_28 : vector<1x64xf32> to vector<1024x64xf32>
        %lt3A_890 = vector.broadcast %broadcast_in_dim3A_871 : vector<1024x1xf32> to vector<1024x64xf32>
        %lt3A_891 = arith.cmpf olt, %lt3A_889, %lt3A_890 : vector<1024x64xf32>
        %eq3A_892 = vector.broadcast %convert_element_type3A_28 : vector<1x64xf32> to vector<1024x64xf32>
        %eq3A_893 = vector.broadcast %broadcast_in_dim3A_871 : vector<1024x1xf32> to vector<1024x64xf32>
        %eq3A_894 = arith.cmpf oeq, %eq3A_892, %eq3A_893 : vector<1024x64xf32>
        %lt3A_895 = vector.broadcast %convert_element_type3A_28 : vector<1x64xf32> to vector<1024x64xf32>
        %lt3A_896 = vector.broadcast %add3A_881 : vector<1024x1xf32> to vector<1024x64xf32>
        %lt3A_897 = arith.cmpf olt, %lt3A_895, %lt3A_896 : vector<1024x64xf32>
        %eq3A_898 = vector.broadcast %convert_element_type3A_28 : vector<1x64xf32> to vector<1024x64xf32>
        %eq3A_899 = vector.broadcast %add3A_881 : vector<1024x1xf32> to vector<1024x64xf32>
        %eq3A_900 = arith.cmpf oeq, %eq3A_898, %eq3A_899 : vector<1024x64xf32>
        %broadcast_in_dim3A_901 = vector.shape_cast %broadcast_in_dim3A_838 : vector<1024x1xf32> to vector<1024x1xf32>
        %broadcast_in_dim3A_902 = vector.broadcast %broadcast_in_dim3A_901 : vector<1024x1xf32> to vector<1024x64xf32>
        %select_n3A_903 = arith.select %eq3A_900, %broadcast_in_dim3A_902, %roll3A_884 : vector<1024x64xi1>, vector<1024x64xf32>
        %select_n3A_904 = arith.select %lt3A_897, %roll3A_882, %select_n3A_903 : vector<1024x64xi1>, vector<1024x64xf32>
        %broadcast_in_dim3A_905 = vector.shape_cast %broadcast_in_dim3A_819 : vector<1024x1xf32> to vector<1024x1xf32>
        %broadcast_in_dim3A_906 = vector.broadcast %broadcast_in_dim3A_905 : vector<1024x1xf32> to vector<1024x64xf32>
        %select_n3A_907 = arith.select %eq3A_894, %broadcast_in_dim3A_906, %select_n3A_904 : vector<1024x64xi1>, vector<1024x64xf32>
        %select_n3A_908 = arith.select %lt3A_891, %get3A_814, %select_n3A_907 : vector<1024x64xi1>, vector<1024x64xf32>
        %lt3A_909 = vector.broadcast %convert_element_type3A_28 : vector<1x64xf32> to vector<1024x64xf32>
        %lt3A_910 = vector.broadcast %broadcast_in_dim3A_871 : vector<1024x1xf32> to vector<1024x64xf32>
        %lt3A_911 = arith.cmpf olt, %lt3A_909, %lt3A_910 : vector<1024x64xf32>
        %eq3A_912 = vector.broadcast %convert_element_type3A_28 : vector<1x64xf32> to vector<1024x64xf32>
        %eq3A_913 = vector.broadcast %broadcast_in_dim3A_871 : vector<1024x1xf32> to vector<1024x64xf32>
        %eq3A_914 = arith.cmpf oeq, %eq3A_912, %eq3A_913 : vector<1024x64xf32>
        %lt3A_915 = vector.broadcast %convert_element_type3A_28 : vector<1x64xf32> to vector<1024x64xf32>
        %lt3A_916 = vector.broadcast %add3A_881 : vector<1024x1xf32> to vector<1024x64xf32>
        %lt3A_917 = arith.cmpf olt, %lt3A_915, %lt3A_916 : vector<1024x64xf32>
        %eq3A_918 = vector.broadcast %convert_element_type3A_28 : vector<1x64xf32> to vector<1024x64xf32>
        %eq3A_919 = vector.broadcast %add3A_881 : vector<1024x1xf32> to vector<1024x64xf32>
        %eq3A_920 = arith.cmpf oeq, %eq3A_918, %eq3A_919 : vector<1024x64xf32>
        %broadcast_in_dim3A_921 = vector.shape_cast %add3A_865 : vector<1024x1xf32> to vector<1024x1xf32>
        %broadcast_in_dim3A_922 = vector.broadcast %broadcast_in_dim3A_921 : vector<1024x1xf32> to vector<1024x64xf32>
        %select_n3A_923 = arith.select %eq3A_920, %broadcast_in_dim3A_922, %roll3A_888 : vector<1024x64xi1>, vector<1024x64xf32>
        %select_n3A_924 = arith.select %lt3A_917, %roll3A_886, %select_n3A_923 : vector<1024x64xi1>, vector<1024x64xf32>
        %broadcast_in_dim3A_925 = vector.shape_cast %add3A_861 : vector<1024x1xf32> to vector<1024x1xf32>
        %broadcast_in_dim3A_926 = vector.broadcast %broadcast_in_dim3A_925 : vector<1024x1xf32> to vector<1024x64xf32>
        %select_n3A_927 = arith.select %eq3A_914, %broadcast_in_dim3A_926, %select_n3A_924 : vector<1024x64xi1>, vector<1024x64xf32>
        %select_n3A_928 = arith.select %lt3A_911, %get3A_817, %select_n3A_927 : vector<1024x64xi1>, vector<1024x64xf32>
        %swap3A_929 = arith.constant 0 : index
        %swap3A_930 = arith.constant 0 : index
        %swap3A_931 = vector.load %arg7[%swap3A_929, %swap3A_930] : memref<1024x64xf32, #tpu.memory_space<vmem>>, vector<1024x64xf32>
        tpu.vector_store %arg7[%swap3A_929, %swap3A_930], %select_n3A_908 {strides = array<i32>} : memref<1024x64xf32, #tpu.memory_space<vmem>>, vector<1024x64xf32>,
        %swap3A_932 = arith.constant 0 : index
        %swap3A_933 = arith.constant 0 : index
        %swap3A_934 = vector.load %arg8[%swap3A_932, %swap3A_933] : memref<1024x64xf32, #tpu.memory_space<vmem>>, vector<1024x64xf32>
        tpu.vector_store %arg8[%swap3A_932, %swap3A_933], %select_n3A_928 {strides = array<i32>} : memref<1024x64xf32, #tpu.memory_space<vmem>>, vector<1024x64xf32>,
      } else {
      }
      %get3A_470 = arith.constant 0 : index
      %get3A_471 = arith.constant 2304 : index
      %get3A_472 = vector.load %arg9[%get3A_470, %get3A_471] : memref<1024x4096xf32, #tpu.memory_space<vmem>>, vector<1024x128xf32>
      %get3A_473 = arith.constant 0 : index
      %get3A_474 = arith.constant 63 : index
      %get3A_475 = vector.load %arg7[%get3A_473, %get3A_474] : memref<1024x64xf32, #tpu.memory_space<vmem>>, vector<1024x1xf32>
      %lt3A_476 = vector.broadcast %get3A_475 : vector<1024x1xf32> to vector<1024x128xf32>
      %lt3A_477 = arith.cmpf olt, %get3A_472, %lt3A_476 : vector<1024x128xf32>
      %reduce_or3A_478 = arith.constant 1.000000e+00 : f32
      %reduce_or3A_479 = arith.constant 0.000000e+00 : f32
      %reduce_or3A_480 = vector.broadcast %reduce_or3A_478 : f32 to vector<1024x128xf32>
      %reduce_or3A_481 = vector.broadcast %reduce_or3A_479 : f32 to vector<1024x128xf32>
      %reduce_or3A_482 = arith.select %lt3A_477, %reduce_or3A_480, %reduce_or3A_481 : vector<1024x128xi1>, vector<1024x128xf32>
      %reduce_or3A_483 = vector.shape_cast %reduce_or3A_482 : vector<1024x128xf32> to vector<1x1024x128xf32>
      %reduce_or3A_484 = arith.constant dense<0xFF800000> : vector<1xf32>
      %reduce_or3A_485 = vector.multi_reduction <maximumf>, %reduce_or3A_483, %reduce_or3A_484 [1, 2] : vector<1x1024x128xf32> to vector<1xf32>
      %reduce_or3A_486 = vector.shape_cast %reduce_or3A_485 : vector<1xf32> to vector<1x1x1xf32>
      %reduce_or3A_487 = vector.extract %reduce_or3A_486[0, 0, 0] : f32 from vector<1x1x1xf32>
      %reduce_or3A_488 = arith.constant 0.000000e+00 : f32
      %reduce_or3A_489 = arith.cmpf ogt, %reduce_or3A_487, %reduce_or3A_488 : f32
      %convert_element_type3A_490 = arith.extui %reduce_or3A_489 : i1 to i32
      %cond3A_491 = arith.constant 0 : i32
      %cond3A_492 = arith.cmpi ne, %convert_element_type3A_490, %cond3A_491 : i32
      scf.if %cond3A_492 {
        %get3A_812 = arith.constant 0 : index
        %get3A_813 = arith.constant 0 : index
        %get3A_814 = vector.load %arg7[%get3A_812, %get3A_813] : memref<1024x64xf32, #tpu.memory_space<vmem>>, vector<1024x64xf32>
        %get3A_815 = arith.constant 0 : index
        %get3A_816 = arith.constant 0 : index
        %get3A_817 = vector.load %arg8[%get3A_815, %get3A_816] : memref<1024x64xf32, #tpu.memory_space<vmem>>, vector<1024x64xf32>
        %reduce_min3A = arith.constant dense<0x7F800000> : vector<1024xf32>
        %reduce_min3A_818 = vector.multi_reduction <minimumf>, %get3A_472, %reduce_min3A [1] : vector<1024x128xf32> to vector<1024xf32>
        %broadcast_in_dim3A_819 = vector.shape_cast %reduce_min3A_818 : vector<1024xf32> to vector<1024x1xf32>
        %eq3A_820 = vector.broadcast %broadcast_in_dim3A_819 : vector<1024x1xf32> to vector<1024x128xf32>
        %eq3A_821 = arith.cmpf oeq, %get3A_472, %eq3A_820 : vector<1024x128xf32>
        %jit3A_822 = arith.constant 1.000000e+04 : f32
        %broadcast_in_dim3A_823 = vector.shape_cast %convert_element_type3A_30 : vector<1x128xf32> to vector<1x128xf32>
        %broadcast_in_dim3A_824 = vector.broadcast %broadcast_in_dim3A_823 : vector<1x128xf32> to vector<1024x128xf32>
        %broadcast_in_dim3A_825 = vector.broadcast %jit3A_822 : f32 to vector<1024x128xf32>
        %select_n3A_826 = arith.select %eq3A_821, %broadcast_in_dim3A_824, %broadcast_in_dim3A_825 : vector<1024x128xi1>, vector<1024x128xf32>
        %reduce_min3A_827 = arith.constant dense<0x7F800000> : vector<1024xf32>
        %reduce_min3A_828 = vector.multi_reduction <minimumf>, %select_n3A_826, %reduce_min3A_827 [1] : vector<1024x128xf32> to vector<1024xf32>
        %broadcast_in_dim3A_829 = vector.shape_cast %reduce_min3A_828 : vector<1024xf32> to vector<1024x1xf32>
        %eq3A_830 = vector.broadcast %convert_element_type3A_30 : vector<1x128xf32> to vector<1024x128xf32>
        %eq3A_831 = vector.broadcast %broadcast_in_dim3A_829 : vector<1024x1xf32> to vector<1024x128xf32>
        %eq3A_832 = arith.cmpf oeq, %eq3A_830, %eq3A_831 : vector<1024x128xf32>
        %jit3A_833 = arith.constant 3.000000e+38 : f32
        %broadcast_in_dim3A_834 = vector.broadcast %jit3A_833 : f32 to vector<1024x128xf32>
        %select_n3A_835 = arith.select %eq3A_832, %broadcast_in_dim3A_834, %get3A_472 : vector<1024x128xi1>, vector<1024x128xf32>
        %reduce_min3A_836 = arith.constant dense<0x7F800000> : vector<1024xf32>
        %reduce_min3A_837 = vector.multi_reduction <minimumf>, %select_n3A_835, %reduce_min3A_836 [1] : vector<1024x128xf32> to vector<1024xf32>
        %broadcast_in_dim3A_838 = vector.shape_cast %reduce_min3A_837 : vector<1024xf32> to vector<1024x1xf32>
        %eq3A_839 = vector.broadcast %broadcast_in_dim3A_838 : vector<1024x1xf32> to vector<1024x128xf32>
        %eq3A_840 = arith.cmpf oeq, %select_n3A_835, %eq3A_839 : vector<1024x128xf32>
        %jit3A_841 = arith.constant 1.000000e+04 : f32
        %broadcast_in_dim3A_842 = vector.shape_cast %convert_element_type3A_30 : vector<1x128xf32> to vector<1x128xf32>
        %broadcast_in_dim3A_843 = vector.broadcast %broadcast_in_dim3A_842 : vector<1x128xf32> to vector<1024x128xf32>
        %broadcast_in_dim3A_844 = vector.broadcast %jit3A_841 : f32 to vector<1024x128xf32>
        %select_n3A_845 = arith.select %eq3A_840, %broadcast_in_dim3A_843, %broadcast_in_dim3A_844 : vector<1024x128xi1>, vector<1024x128xf32>
        %reduce_min3A_846 = arith.constant dense<0x7F800000> : vector<1024xf32>
        %reduce_min3A_847 = vector.multi_reduction <minimumf>, %select_n3A_845, %reduce_min3A_846 [1] : vector<1024x128xf32> to vector<1024xf32>
        %broadcast_in_dim3A_848 = vector.shape_cast %reduce_min3A_847 : vector<1024xf32> to vector<1024x1xf32>
        %eq3A_849 = vector.broadcast %convert_element_type3A_30 : vector<1x128xf32> to vector<1024x128xf32>
        %eq3A_850 = vector.broadcast %broadcast_in_dim3A_848 : vector<1024x1xf32> to vector<1024x128xf32>
        %eq3A_851 = arith.cmpf oeq, %eq3A_849, %eq3A_850 : vector<1024x128xf32>
        %jit3A_852 = arith.constant 3.000000e+38 : f32
        %broadcast_in_dim3A_853 = vector.broadcast %jit3A_852 : f32 to vector<1024x128xf32>
        %select_n3A_854 = arith.select %eq3A_851, %broadcast_in_dim3A_853, %select_n3A_835 : vector<1024x128xi1>, vector<1024x128xf32>
        %swap3A_855 = arith.constant 0 : index
        %swap3A_856 = arith.constant 2304 : index
        %swap3A_857 = vector.load %arg9[%swap3A_855, %swap3A_856] : memref<1024x4096xf32, #tpu.memory_space<vmem>>, vector<1024x128xf32>
        tpu.vector_store %arg9[%swap3A_855, %swap3A_856], %select_n3A_854 {strides = array<i32>} : memref<1024x4096xf32, #tpu.memory_space<vmem>>, vector<1024x128xf32>,
        %add3A_858 = arith.constant 2.304000e+03 : f32
        %add3A_859 = arith.addf %convert_element_type3A_33, %add3A_858 : f32
        %add3A_860 = vector.broadcast %add3A_859 : f32 to vector<1024x1xf32>
        %add3A_861 = arith.addf %add3A_860, %broadcast_in_dim3A_829 : vector<1024x1xf32>
        %add3A_862 = arith.constant 2.304000e+03 : f32
        %add3A_863 = arith.addf %convert_element_type3A_33, %add3A_862 : f32
        %add3A_864 = vector.broadcast %add3A_863 : f32 to vector<1024x1xf32>
        %add3A_865 = arith.addf %add3A_864, %broadcast_in_dim3A_848 : vector<1024x1xf32>
        %le3A = vector.broadcast %broadcast_in_dim3A_819 : vector<1024x1xf32> to vector<1024x64xf32>
        %le3A_866 = arith.cmpf ole, %get3A_814, %le3A : vector<1024x64xf32>
        %convert_element_type3A_867 = arith.extui %le3A_866 : vector<1024x64xi1> to vector<1024x64xi32>
        %convert_element_type3A_868 = arith.sitofp %convert_element_type3A_867 : vector<1024x64xi32> to vector<1024x64xf32>
        %reduce_sum3A_869 = arith.constant dense<0.000000e+00> : vector<1024xf32>
        %reduce_sum3A_870 = vector.multi_reduction <add>, %convert_element_type3A_868, %reduce_sum3A_869 [1] : vector<1024x64xf32> to vector<1024xf32>
        %broadcast_in_dim3A_871 = vector.shape_cast %reduce_sum3A_870 : vector<1024xf32> to vector<1024x1xf32>
        %le3A_872 = vector.broadcast %broadcast_in_dim3A_838 : vector<1024x1xf32> to vector<1024x64xf32>
        %le3A_873 = arith.cmpf ole, %get3A_814, %le3A_872 : vector<1024x64xf32>
        %convert_element_type3A_874 = arith.extui %le3A_873 : vector<1024x64xi1> to vector<1024x64xi32>
        %convert_element_type3A_875 = arith.sitofp %convert_element_type3A_874 : vector<1024x64xi32> to vector<1024x64xf32>
        %reduce_sum3A_876 = arith.constant dense<0.000000e+00> : vector<1024xf32>
        %reduce_sum3A_877 = vector.multi_reduction <add>, %convert_element_type3A_875, %reduce_sum3A_876 [1] : vector<1024x64xf32> to vector<1024xf32>
        %broadcast_in_dim3A_878 = vector.shape_cast %reduce_sum3A_877 : vector<1024xf32> to vector<1024x1xf32>
        %add3A_879 = arith.constant 1.000000e+00 : f32
        %add3A_880 = vector.broadcast %add3A_879 : f32 to vector<1024x1xf32>
        %add3A_881 = arith.addf %broadcast_in_dim3A_878, %add3A_880 : vector<1024x1xf32>
        %roll3A = arith.constant 1 : i32
        %roll3A_882 = tpu.dynamic_rotate %get3A_814 by %roll3A dim 1 : vector<1024x64xf32>, i32 -> vector<1024x64xf32>
        %roll3A_883 = arith.constant 2 : i32
        %roll3A_884 = tpu.dynamic_rotate %get3A_814 by %roll3A_883 dim 1 : vector<1024x64xf32>, i32 -> vector<1024x64xf32>
        %roll3A_885 = arith.constant 1 : i32
        %roll3A_886 = tpu.dynamic_rotate %get3A_817 by %roll3A_885 dim 1 : vector<1024x64xf32>, i32 -> vector<1024x64xf32>
        %roll3A_887 = arith.constant 2 : i32
        %roll3A_888 = tpu.dynamic_rotate %get3A_817 by %roll3A_887 dim 1 : vector<1024x64xf32>, i32 -> vector<1024x64xf32>
        %lt3A_889 = vector.broadcast %convert_element_type3A_28 : vector<1x64xf32> to vector<1024x64xf32>
        %lt3A_890 = vector.broadcast %broadcast_in_dim3A_871 : vector<1024x1xf32> to vector<1024x64xf32>
        %lt3A_891 = arith.cmpf olt, %lt3A_889, %lt3A_890 : vector<1024x64xf32>
        %eq3A_892 = vector.broadcast %convert_element_type3A_28 : vector<1x64xf32> to vector<1024x64xf32>
        %eq3A_893 = vector.broadcast %broadcast_in_dim3A_871 : vector<1024x1xf32> to vector<1024x64xf32>
        %eq3A_894 = arith.cmpf oeq, %eq3A_892, %eq3A_893 : vector<1024x64xf32>
        %lt3A_895 = vector.broadcast %convert_element_type3A_28 : vector<1x64xf32> to vector<1024x64xf32>
        %lt3A_896 = vector.broadcast %add3A_881 : vector<1024x1xf32> to vector<1024x64xf32>
        %lt3A_897 = arith.cmpf olt, %lt3A_895, %lt3A_896 : vector<1024x64xf32>
        %eq3A_898 = vector.broadcast %convert_element_type3A_28 : vector<1x64xf32> to vector<1024x64xf32>
        %eq3A_899 = vector.broadcast %add3A_881 : vector<1024x1xf32> to vector<1024x64xf32>
        %eq3A_900 = arith.cmpf oeq, %eq3A_898, %eq3A_899 : vector<1024x64xf32>
        %broadcast_in_dim3A_901 = vector.shape_cast %broadcast_in_dim3A_838 : vector<1024x1xf32> to vector<1024x1xf32>
        %broadcast_in_dim3A_902 = vector.broadcast %broadcast_in_dim3A_901 : vector<1024x1xf32> to vector<1024x64xf32>
        %select_n3A_903 = arith.select %eq3A_900, %broadcast_in_dim3A_902, %roll3A_884 : vector<1024x64xi1>, vector<1024x64xf32>
        %select_n3A_904 = arith.select %lt3A_897, %roll3A_882, %select_n3A_903 : vector<1024x64xi1>, vector<1024x64xf32>
        %broadcast_in_dim3A_905 = vector.shape_cast %broadcast_in_dim3A_819 : vector<1024x1xf32> to vector<1024x1xf32>
        %broadcast_in_dim3A_906 = vector.broadcast %broadcast_in_dim3A_905 : vector<1024x1xf32> to vector<1024x64xf32>
        %select_n3A_907 = arith.select %eq3A_894, %broadcast_in_dim3A_906, %select_n3A_904 : vector<1024x64xi1>, vector<1024x64xf32>
        %select_n3A_908 = arith.select %lt3A_891, %get3A_814, %select_n3A_907 : vector<1024x64xi1>, vector<1024x64xf32>
        %lt3A_909 = vector.broadcast %convert_element_type3A_28 : vector<1x64xf32> to vector<1024x64xf32>
        %lt3A_910 = vector.broadcast %broadcast_in_dim3A_871 : vector<1024x1xf32> to vector<1024x64xf32>
        %lt3A_911 = arith.cmpf olt, %lt3A_909, %lt3A_910 : vector<1024x64xf32>
        %eq3A_912 = vector.broadcast %convert_element_type3A_28 : vector<1x64xf32> to vector<1024x64xf32>
        %eq3A_913 = vector.broadcast %broadcast_in_dim3A_871 : vector<1024x1xf32> to vector<1024x64xf32>
        %eq3A_914 = arith.cmpf oeq, %eq3A_912, %eq3A_913 : vector<1024x64xf32>
        %lt3A_915 = vector.broadcast %convert_element_type3A_28 : vector<1x64xf32> to vector<1024x64xf32>
        %lt3A_916 = vector.broadcast %add3A_881 : vector<1024x1xf32> to vector<1024x64xf32>
        %lt3A_917 = arith.cmpf olt, %lt3A_915, %lt3A_916 : vector<1024x64xf32>
        %eq3A_918 = vector.broadcast %convert_element_type3A_28 : vector<1x64xf32> to vector<1024x64xf32>
        %eq3A_919 = vector.broadcast %add3A_881 : vector<1024x1xf32> to vector<1024x64xf32>
        %eq3A_920 = arith.cmpf oeq, %eq3A_918, %eq3A_919 : vector<1024x64xf32>
        %broadcast_in_dim3A_921 = vector.shape_cast %add3A_865 : vector<1024x1xf32> to vector<1024x1xf32>
        %broadcast_in_dim3A_922 = vector.broadcast %broadcast_in_dim3A_921 : vector<1024x1xf32> to vector<1024x64xf32>
        %select_n3A_923 = arith.select %eq3A_920, %broadcast_in_dim3A_922, %roll3A_888 : vector<1024x64xi1>, vector<1024x64xf32>
        %select_n3A_924 = arith.select %lt3A_917, %roll3A_886, %select_n3A_923 : vector<1024x64xi1>, vector<1024x64xf32>
        %broadcast_in_dim3A_925 = vector.shape_cast %add3A_861 : vector<1024x1xf32> to vector<1024x1xf32>
        %broadcast_in_dim3A_926 = vector.broadcast %broadcast_in_dim3A_925 : vector<1024x1xf32> to vector<1024x64xf32>
        %select_n3A_927 = arith.select %eq3A_914, %broadcast_in_dim3A_926, %select_n3A_924 : vector<1024x64xi1>, vector<1024x64xf32>
        %select_n3A_928 = arith.select %lt3A_911, %get3A_817, %select_n3A_927 : vector<1024x64xi1>, vector<1024x64xf32>
        %swap3A_929 = arith.constant 0 : index
        %swap3A_930 = arith.constant 0 : index
        %swap3A_931 = vector.load %arg7[%swap3A_929, %swap3A_930] : memref<1024x64xf32, #tpu.memory_space<vmem>>, vector<1024x64xf32>
        tpu.vector_store %arg7[%swap3A_929, %swap3A_930], %select_n3A_908 {strides = array<i32>} : memref<1024x64xf32, #tpu.memory_space<vmem>>, vector<1024x64xf32>,
        %swap3A_932 = arith.constant 0 : index
        %swap3A_933 = arith.constant 0 : index
        %swap3A_934 = vector.load %arg8[%swap3A_932, %swap3A_933] : memref<1024x64xf32, #tpu.memory_space<vmem>>, vector<1024x64xf32>
        tpu.vector_store %arg8[%swap3A_932, %swap3A_933], %select_n3A_928 {strides = array<i32>} : memref<1024x64xf32, #tpu.memory_space<vmem>>, vector<1024x64xf32>,
      } else {
      }
      %get3A_493 = arith.constant 0 : index
      %get3A_494 = arith.constant 2432 : index
      %get3A_495 = vector.load %arg9[%get3A_493, %get3A_494] : memref<1024x4096xf32, #tpu.memory_space<vmem>>, vector<1024x128xf32>
      %get3A_496 = arith.constant 0 : index
      %get3A_497 = arith.constant 63 : index
      %get3A_498 = vector.load %arg7[%get3A_496, %get3A_497] : memref<1024x64xf32, #tpu.memory_space<vmem>>, vector<1024x1xf32>
      %lt3A_499 = vector.broadcast %get3A_498 : vector<1024x1xf32> to vector<1024x128xf32>
      %lt3A_500 = arith.cmpf olt, %get3A_495, %lt3A_499 : vector<1024x128xf32>
      %reduce_or3A_501 = arith.constant 1.000000e+00 : f32
      %reduce_or3A_502 = arith.constant 0.000000e+00 : f32
      %reduce_or3A_503 = vector.broadcast %reduce_or3A_501 : f32 to vector<1024x128xf32>
      %reduce_or3A_504 = vector.broadcast %reduce_or3A_502 : f32 to vector<1024x128xf32>
      %reduce_or3A_505 = arith.select %lt3A_500, %reduce_or3A_503, %reduce_or3A_504 : vector<1024x128xi1>, vector<1024x128xf32>
      %reduce_or3A_506 = vector.shape_cast %reduce_or3A_505 : vector<1024x128xf32> to vector<1x1024x128xf32>
      %reduce_or3A_507 = arith.constant dense<0xFF800000> : vector<1xf32>
      %reduce_or3A_508 = vector.multi_reduction <maximumf>, %reduce_or3A_506, %reduce_or3A_507 [1, 2] : vector<1x1024x128xf32> to vector<1xf32>
      %reduce_or3A_509 = vector.shape_cast %reduce_or3A_508 : vector<1xf32> to vector<1x1x1xf32>
      %reduce_or3A_510 = vector.extract %reduce_or3A_509[0, 0, 0] : f32 from vector<1x1x1xf32>
      %reduce_or3A_511 = arith.constant 0.000000e+00 : f32
      %reduce_or3A_512 = arith.cmpf ogt, %reduce_or3A_510, %reduce_or3A_511 : f32
      %convert_element_type3A_513 = arith.extui %reduce_or3A_512 : i1 to i32
      %cond3A_514 = arith.constant 0 : i32
      %cond3A_515 = arith.cmpi ne, %convert_element_type3A_513, %cond3A_514 : i32
      scf.if %cond3A_515 {
        %get3A_812 = arith.constant 0 : index
        %get3A_813 = arith.constant 0 : index
        %get3A_814 = vector.load %arg7[%get3A_812, %get3A_813] : memref<1024x64xf32, #tpu.memory_space<vmem>>, vector<1024x64xf32>
        %get3A_815 = arith.constant 0 : index
        %get3A_816 = arith.constant 0 : index
        %get3A_817 = vector.load %arg8[%get3A_815, %get3A_816] : memref<1024x64xf32, #tpu.memory_space<vmem>>, vector<1024x64xf32>
        %reduce_min3A = arith.constant dense<0x7F800000> : vector<1024xf32>
        %reduce_min3A_818 = vector.multi_reduction <minimumf>, %get3A_495, %reduce_min3A [1] : vector<1024x128xf32> to vector<1024xf32>
        %broadcast_in_dim3A_819 = vector.shape_cast %reduce_min3A_818 : vector<1024xf32> to vector<1024x1xf32>
        %eq3A_820 = vector.broadcast %broadcast_in_dim3A_819 : vector<1024x1xf32> to vector<1024x128xf32>
        %eq3A_821 = arith.cmpf oeq, %get3A_495, %eq3A_820 : vector<1024x128xf32>
        %jit3A_822 = arith.constant 1.000000e+04 : f32
        %broadcast_in_dim3A_823 = vector.shape_cast %convert_element_type3A_30 : vector<1x128xf32> to vector<1x128xf32>
        %broadcast_in_dim3A_824 = vector.broadcast %broadcast_in_dim3A_823 : vector<1x128xf32> to vector<1024x128xf32>
        %broadcast_in_dim3A_825 = vector.broadcast %jit3A_822 : f32 to vector<1024x128xf32>
        %select_n3A_826 = arith.select %eq3A_821, %broadcast_in_dim3A_824, %broadcast_in_dim3A_825 : vector<1024x128xi1>, vector<1024x128xf32>
        %reduce_min3A_827 = arith.constant dense<0x7F800000> : vector<1024xf32>
        %reduce_min3A_828 = vector.multi_reduction <minimumf>, %select_n3A_826, %reduce_min3A_827 [1] : vector<1024x128xf32> to vector<1024xf32>
        %broadcast_in_dim3A_829 = vector.shape_cast %reduce_min3A_828 : vector<1024xf32> to vector<1024x1xf32>
        %eq3A_830 = vector.broadcast %convert_element_type3A_30 : vector<1x128xf32> to vector<1024x128xf32>
        %eq3A_831 = vector.broadcast %broadcast_in_dim3A_829 : vector<1024x1xf32> to vector<1024x128xf32>
        %eq3A_832 = arith.cmpf oeq, %eq3A_830, %eq3A_831 : vector<1024x128xf32>
        %jit3A_833 = arith.constant 3.000000e+38 : f32
        %broadcast_in_dim3A_834 = vector.broadcast %jit3A_833 : f32 to vector<1024x128xf32>
        %select_n3A_835 = arith.select %eq3A_832, %broadcast_in_dim3A_834, %get3A_495 : vector<1024x128xi1>, vector<1024x128xf32>
        %reduce_min3A_836 = arith.constant dense<0x7F800000> : vector<1024xf32>
        %reduce_min3A_837 = vector.multi_reduction <minimumf>, %select_n3A_835, %reduce_min3A_836 [1] : vector<1024x128xf32> to vector<1024xf32>
        %broadcast_in_dim3A_838 = vector.shape_cast %reduce_min3A_837 : vector<1024xf32> to vector<1024x1xf32>
        %eq3A_839 = vector.broadcast %broadcast_in_dim3A_838 : vector<1024x1xf32> to vector<1024x128xf32>
        %eq3A_840 = arith.cmpf oeq, %select_n3A_835, %eq3A_839 : vector<1024x128xf32>
        %jit3A_841 = arith.constant 1.000000e+04 : f32
        %broadcast_in_dim3A_842 = vector.shape_cast %convert_element_type3A_30 : vector<1x128xf32> to vector<1x128xf32>
        %broadcast_in_dim3A_843 = vector.broadcast %broadcast_in_dim3A_842 : vector<1x128xf32> to vector<1024x128xf32>
        %broadcast_in_dim3A_844 = vector.broadcast %jit3A_841 : f32 to vector<1024x128xf32>
        %select_n3A_845 = arith.select %eq3A_840, %broadcast_in_dim3A_843, %broadcast_in_dim3A_844 : vector<1024x128xi1>, vector<1024x128xf32>
        %reduce_min3A_846 = arith.constant dense<0x7F800000> : vector<1024xf32>
        %reduce_min3A_847 = vector.multi_reduction <minimumf>, %select_n3A_845, %reduce_min3A_846 [1] : vector<1024x128xf32> to vector<1024xf32>
        %broadcast_in_dim3A_848 = vector.shape_cast %reduce_min3A_847 : vector<1024xf32> to vector<1024x1xf32>
        %eq3A_849 = vector.broadcast %convert_element_type3A_30 : vector<1x128xf32> to vector<1024x128xf32>
        %eq3A_850 = vector.broadcast %broadcast_in_dim3A_848 : vector<1024x1xf32> to vector<1024x128xf32>
        %eq3A_851 = arith.cmpf oeq, %eq3A_849, %eq3A_850 : vector<1024x128xf32>
        %jit3A_852 = arith.constant 3.000000e+38 : f32
        %broadcast_in_dim3A_853 = vector.broadcast %jit3A_852 : f32 to vector<1024x128xf32>
        %select_n3A_854 = arith.select %eq3A_851, %broadcast_in_dim3A_853, %select_n3A_835 : vector<1024x128xi1>, vector<1024x128xf32>
        %swap3A_855 = arith.constant 0 : index
        %swap3A_856 = arith.constant 2432 : index
        %swap3A_857 = vector.load %arg9[%swap3A_855, %swap3A_856] : memref<1024x4096xf32, #tpu.memory_space<vmem>>, vector<1024x128xf32>
        tpu.vector_store %arg9[%swap3A_855, %swap3A_856], %select_n3A_854 {strides = array<i32>} : memref<1024x4096xf32, #tpu.memory_space<vmem>>, vector<1024x128xf32>,
        %add3A_858 = arith.constant 2.432000e+03 : f32
        %add3A_859 = arith.addf %convert_element_type3A_33, %add3A_858 : f32
        %add3A_860 = vector.broadcast %add3A_859 : f32 to vector<1024x1xf32>
        %add3A_861 = arith.addf %add3A_860, %broadcast_in_dim3A_829 : vector<1024x1xf32>
        %add3A_862 = arith.constant 2.432000e+03 : f32
        %add3A_863 = arith.addf %convert_element_type3A_33, %add3A_862 : f32
        %add3A_864 = vector.broadcast %add3A_863 : f32 to vector<1024x1xf32>
        %add3A_865 = arith.addf %add3A_864, %broadcast_in_dim3A_848 : vector<1024x1xf32>
        %le3A = vector.broadcast %broadcast_in_dim3A_819 : vector<1024x1xf32> to vector<1024x64xf32>
        %le3A_866 = arith.cmpf ole, %get3A_814, %le3A : vector<1024x64xf32>
        %convert_element_type3A_867 = arith.extui %le3A_866 : vector<1024x64xi1> to vector<1024x64xi32>
        %convert_element_type3A_868 = arith.sitofp %convert_element_type3A_867 : vector<1024x64xi32> to vector<1024x64xf32>
        %reduce_sum3A_869 = arith.constant dense<0.000000e+00> : vector<1024xf32>
        %reduce_sum3A_870 = vector.multi_reduction <add>, %convert_element_type3A_868, %reduce_sum3A_869 [1] : vector<1024x64xf32> to vector<1024xf32>
        %broadcast_in_dim3A_871 = vector.shape_cast %reduce_sum3A_870 : vector<1024xf32> to vector<1024x1xf32>
        %le3A_872 = vector.broadcast %broadcast_in_dim3A_838 : vector<1024x1xf32> to vector<1024x64xf32>
        %le3A_873 = arith.cmpf ole, %get3A_814, %le3A_872 : vector<1024x64xf32>
        %convert_element_type3A_874 = arith.extui %le3A_873 : vector<1024x64xi1> to vector<1024x64xi32>
        %convert_element_type3A_875 = arith.sitofp %convert_element_type3A_874 : vector<1024x64xi32> to vector<1024x64xf32>
        %reduce_sum3A_876 = arith.constant dense<0.000000e+00> : vector<1024xf32>
        %reduce_sum3A_877 = vector.multi_reduction <add>, %convert_element_type3A_875, %reduce_sum3A_876 [1] : vector<1024x64xf32> to vector<1024xf32>
        %broadcast_in_dim3A_878 = vector.shape_cast %reduce_sum3A_877 : vector<1024xf32> to vector<1024x1xf32>
        %add3A_879 = arith.constant 1.000000e+00 : f32
        %add3A_880 = vector.broadcast %add3A_879 : f32 to vector<1024x1xf32>
        %add3A_881 = arith.addf %broadcast_in_dim3A_878, %add3A_880 : vector<1024x1xf32>
        %roll3A = arith.constant 1 : i32
        %roll3A_882 = tpu.dynamic_rotate %get3A_814 by %roll3A dim 1 : vector<1024x64xf32>, i32 -> vector<1024x64xf32>
        %roll3A_883 = arith.constant 2 : i32
        %roll3A_884 = tpu.dynamic_rotate %get3A_814 by %roll3A_883 dim 1 : vector<1024x64xf32>, i32 -> vector<1024x64xf32>
        %roll3A_885 = arith.constant 1 : i32
        %roll3A_886 = tpu.dynamic_rotate %get3A_817 by %roll3A_885 dim 1 : vector<1024x64xf32>, i32 -> vector<1024x64xf32>
        %roll3A_887 = arith.constant 2 : i32
        %roll3A_888 = tpu.dynamic_rotate %get3A_817 by %roll3A_887 dim 1 : vector<1024x64xf32>, i32 -> vector<1024x64xf32>
        %lt3A_889 = vector.broadcast %convert_element_type3A_28 : vector<1x64xf32> to vector<1024x64xf32>
        %lt3A_890 = vector.broadcast %broadcast_in_dim3A_871 : vector<1024x1xf32> to vector<1024x64xf32>
        %lt3A_891 = arith.cmpf olt, %lt3A_889, %lt3A_890 : vector<1024x64xf32>
        %eq3A_892 = vector.broadcast %convert_element_type3A_28 : vector<1x64xf32> to vector<1024x64xf32>
        %eq3A_893 = vector.broadcast %broadcast_in_dim3A_871 : vector<1024x1xf32> to vector<1024x64xf32>
        %eq3A_894 = arith.cmpf oeq, %eq3A_892, %eq3A_893 : vector<1024x64xf32>
        %lt3A_895 = vector.broadcast %convert_element_type3A_28 : vector<1x64xf32> to vector<1024x64xf32>
        %lt3A_896 = vector.broadcast %add3A_881 : vector<1024x1xf32> to vector<1024x64xf32>
        %lt3A_897 = arith.cmpf olt, %lt3A_895, %lt3A_896 : vector<1024x64xf32>
        %eq3A_898 = vector.broadcast %convert_element_type3A_28 : vector<1x64xf32> to vector<1024x64xf32>
        %eq3A_899 = vector.broadcast %add3A_881 : vector<1024x1xf32> to vector<1024x64xf32>
        %eq3A_900 = arith.cmpf oeq, %eq3A_898, %eq3A_899 : vector<1024x64xf32>
        %broadcast_in_dim3A_901 = vector.shape_cast %broadcast_in_dim3A_838 : vector<1024x1xf32> to vector<1024x1xf32>
        %broadcast_in_dim3A_902 = vector.broadcast %broadcast_in_dim3A_901 : vector<1024x1xf32> to vector<1024x64xf32>
        %select_n3A_903 = arith.select %eq3A_900, %broadcast_in_dim3A_902, %roll3A_884 : vector<1024x64xi1>, vector<1024x64xf32>
        %select_n3A_904 = arith.select %lt3A_897, %roll3A_882, %select_n3A_903 : vector<1024x64xi1>, vector<1024x64xf32>
        %broadcast_in_dim3A_905 = vector.shape_cast %broadcast_in_dim3A_819 : vector<1024x1xf32> to vector<1024x1xf32>
        %broadcast_in_dim3A_906 = vector.broadcast %broadcast_in_dim3A_905 : vector<1024x1xf32> to vector<1024x64xf32>
        %select_n3A_907 = arith.select %eq3A_894, %broadcast_in_dim3A_906, %select_n3A_904 : vector<1024x64xi1>, vector<1024x64xf32>
        %select_n3A_908 = arith.select %lt3A_891, %get3A_814, %select_n3A_907 : vector<1024x64xi1>, vector<1024x64xf32>
        %lt3A_909 = vector.broadcast %convert_element_type3A_28 : vector<1x64xf32> to vector<1024x64xf32>
        %lt3A_910 = vector.broadcast %broadcast_in_dim3A_871 : vector<1024x1xf32> to vector<1024x64xf32>
        %lt3A_911 = arith.cmpf olt, %lt3A_909, %lt3A_910 : vector<1024x64xf32>
        %eq3A_912 = vector.broadcast %convert_element_type3A_28 : vector<1x64xf32> to vector<1024x64xf32>
        %eq3A_913 = vector.broadcast %broadcast_in_dim3A_871 : vector<1024x1xf32> to vector<1024x64xf32>
        %eq3A_914 = arith.cmpf oeq, %eq3A_912, %eq3A_913 : vector<1024x64xf32>
        %lt3A_915 = vector.broadcast %convert_element_type3A_28 : vector<1x64xf32> to vector<1024x64xf32>
        %lt3A_916 = vector.broadcast %add3A_881 : vector<1024x1xf32> to vector<1024x64xf32>
        %lt3A_917 = arith.cmpf olt, %lt3A_915, %lt3A_916 : vector<1024x64xf32>
        %eq3A_918 = vector.broadcast %convert_element_type3A_28 : vector<1x64xf32> to vector<1024x64xf32>
        %eq3A_919 = vector.broadcast %add3A_881 : vector<1024x1xf32> to vector<1024x64xf32>
        %eq3A_920 = arith.cmpf oeq, %eq3A_918, %eq3A_919 : vector<1024x64xf32>
        %broadcast_in_dim3A_921 = vector.shape_cast %add3A_865 : vector<1024x1xf32> to vector<1024x1xf32>
        %broadcast_in_dim3A_922 = vector.broadcast %broadcast_in_dim3A_921 : vector<1024x1xf32> to vector<1024x64xf32>
        %select_n3A_923 = arith.select %eq3A_920, %broadcast_in_dim3A_922, %roll3A_888 : vector<1024x64xi1>, vector<1024x64xf32>
        %select_n3A_924 = arith.select %lt3A_917, %roll3A_886, %select_n3A_923 : vector<1024x64xi1>, vector<1024x64xf32>
        %broadcast_in_dim3A_925 = vector.shape_cast %add3A_861 : vector<1024x1xf32> to vector<1024x1xf32>
        %broadcast_in_dim3A_926 = vector.broadcast %broadcast_in_dim3A_925 : vector<1024x1xf32> to vector<1024x64xf32>
        %select_n3A_927 = arith.select %eq3A_914, %broadcast_in_dim3A_926, %select_n3A_924 : vector<1024x64xi1>, vector<1024x64xf32>
        %select_n3A_928 = arith.select %lt3A_911, %get3A_817, %select_n3A_927 : vector<1024x64xi1>, vector<1024x64xf32>
        %swap3A_929 = arith.constant 0 : index
        %swap3A_930 = arith.constant 0 : index
        %swap3A_931 = vector.load %arg7[%swap3A_929, %swap3A_930] : memref<1024x64xf32, #tpu.memory_space<vmem>>, vector<1024x64xf32>
        tpu.vector_store %arg7[%swap3A_929, %swap3A_930], %select_n3A_908 {strides = array<i32>} : memref<1024x64xf32, #tpu.memory_space<vmem>>, vector<1024x64xf32>,
        %swap3A_932 = arith.constant 0 : index
        %swap3A_933 = arith.constant 0 : index
        %swap3A_934 = vector.load %arg8[%swap3A_932, %swap3A_933] : memref<1024x64xf32, #tpu.memory_space<vmem>>, vector<1024x64xf32>
        tpu.vector_store %arg8[%swap3A_932, %swap3A_933], %select_n3A_928 {strides = array<i32>} : memref<1024x64xf32, #tpu.memory_space<vmem>>, vector<1024x64xf32>,
      } else {
      }
      %get3A_516 = arith.constant 0 : index
      %get3A_517 = arith.constant 2560 : index
      %get3A_518 = vector.load %arg9[%get3A_516, %get3A_517] : memref<1024x4096xf32, #tpu.memory_space<vmem>>, vector<1024x128xf32>
      %get3A_519 = arith.constant 0 : index
      %get3A_520 = arith.constant 63 : index
      %get3A_521 = vector.load %arg7[%get3A_519, %get3A_520] : memref<1024x64xf32, #tpu.memory_space<vmem>>, vector<1024x1xf32>
      %lt3A_522 = vector.broadcast %get3A_521 : vector<1024x1xf32> to vector<1024x128xf32>
      %lt3A_523 = arith.cmpf olt, %get3A_518, %lt3A_522 : vector<1024x128xf32>
      %reduce_or3A_524 = arith.constant 1.000000e+00 : f32
      %reduce_or3A_525 = arith.constant 0.000000e+00 : f32
      %reduce_or3A_526 = vector.broadcast %reduce_or3A_524 : f32 to vector<1024x128xf32>
      %reduce_or3A_527 = vector.broadcast %reduce_or3A_525 : f32 to vector<1024x128xf32>
      %reduce_or3A_528 = arith.select %lt3A_523, %reduce_or3A_526, %reduce_or3A_527 : vector<1024x128xi1>, vector<1024x128xf32>
      %reduce_or3A_529 = vector.shape_cast %reduce_or3A_528 : vector<1024x128xf32> to vector<1x1024x128xf32>
      %reduce_or3A_530 = arith.constant dense<0xFF800000> : vector<1xf32>
      %reduce_or3A_531 = vector.multi_reduction <maximumf>, %reduce_or3A_529, %reduce_or3A_530 [1, 2] : vector<1x1024x128xf32> to vector<1xf32>
      %reduce_or3A_532 = vector.shape_cast %reduce_or3A_531 : vector<1xf32> to vector<1x1x1xf32>
      %reduce_or3A_533 = vector.extract %reduce_or3A_532[0, 0, 0] : f32 from vector<1x1x1xf32>
      %reduce_or3A_534 = arith.constant 0.000000e+00 : f32
      %reduce_or3A_535 = arith.cmpf ogt, %reduce_or3A_533, %reduce_or3A_534 : f32
      %convert_element_type3A_536 = arith.extui %reduce_or3A_535 : i1 to i32
      %cond3A_537 = arith.constant 0 : i32
      %cond3A_538 = arith.cmpi ne, %convert_element_type3A_536, %cond3A_537 : i32
      scf.if %cond3A_538 {
        %get3A_812 = arith.constant 0 : index
        %get3A_813 = arith.constant 0 : index
        %get3A_814 = vector.load %arg7[%get3A_812, %get3A_813] : memref<1024x64xf32, #tpu.memory_space<vmem>>, vector<1024x64xf32>
        %get3A_815 = arith.constant 0 : index
        %get3A_816 = arith.constant 0 : index
        %get3A_817 = vector.load %arg8[%get3A_815, %get3A_816] : memref<1024x64xf32, #tpu.memory_space<vmem>>, vector<1024x64xf32>
        %reduce_min3A = arith.constant dense<0x7F800000> : vector<1024xf32>
        %reduce_min3A_818 = vector.multi_reduction <minimumf>, %get3A_518, %reduce_min3A [1] : vector<1024x128xf32> to vector<1024xf32>
        %broadcast_in_dim3A_819 = vector.shape_cast %reduce_min3A_818 : vector<1024xf32> to vector<1024x1xf32>
        %eq3A_820 = vector.broadcast %broadcast_in_dim3A_819 : vector<1024x1xf32> to vector<1024x128xf32>
        %eq3A_821 = arith.cmpf oeq, %get3A_518, %eq3A_820 : vector<1024x128xf32>
        %jit3A_822 = arith.constant 1.000000e+04 : f32
        %broadcast_in_dim3A_823 = vector.shape_cast %convert_element_type3A_30 : vector<1x128xf32> to vector<1x128xf32>
        %broadcast_in_dim3A_824 = vector.broadcast %broadcast_in_dim3A_823 : vector<1x128xf32> to vector<1024x128xf32>
        %broadcast_in_dim3A_825 = vector.broadcast %jit3A_822 : f32 to vector<1024x128xf32>
        %select_n3A_826 = arith.select %eq3A_821, %broadcast_in_dim3A_824, %broadcast_in_dim3A_825 : vector<1024x128xi1>, vector<1024x128xf32>
        %reduce_min3A_827 = arith.constant dense<0x7F800000> : vector<1024xf32>
        %reduce_min3A_828 = vector.multi_reduction <minimumf>, %select_n3A_826, %reduce_min3A_827 [1] : vector<1024x128xf32> to vector<1024xf32>
        %broadcast_in_dim3A_829 = vector.shape_cast %reduce_min3A_828 : vector<1024xf32> to vector<1024x1xf32>
        %eq3A_830 = vector.broadcast %convert_element_type3A_30 : vector<1x128xf32> to vector<1024x128xf32>
        %eq3A_831 = vector.broadcast %broadcast_in_dim3A_829 : vector<1024x1xf32> to vector<1024x128xf32>
        %eq3A_832 = arith.cmpf oeq, %eq3A_830, %eq3A_831 : vector<1024x128xf32>
        %jit3A_833 = arith.constant 3.000000e+38 : f32
        %broadcast_in_dim3A_834 = vector.broadcast %jit3A_833 : f32 to vector<1024x128xf32>
        %select_n3A_835 = arith.select %eq3A_832, %broadcast_in_dim3A_834, %get3A_518 : vector<1024x128xi1>, vector<1024x128xf32>
        %reduce_min3A_836 = arith.constant dense<0x7F800000> : vector<1024xf32>
        %reduce_min3A_837 = vector.multi_reduction <minimumf>, %select_n3A_835, %reduce_min3A_836 [1] : vector<1024x128xf32> to vector<1024xf32>
        %broadcast_in_dim3A_838 = vector.shape_cast %reduce_min3A_837 : vector<1024xf32> to vector<1024x1xf32>
        %eq3A_839 = vector.broadcast %broadcast_in_dim3A_838 : vector<1024x1xf32> to vector<1024x128xf32>
        %eq3A_840 = arith.cmpf oeq, %select_n3A_835, %eq3A_839 : vector<1024x128xf32>
        %jit3A_841 = arith.constant 1.000000e+04 : f32
        %broadcast_in_dim3A_842 = vector.shape_cast %convert_element_type3A_30 : vector<1x128xf32> to vector<1x128xf32>
        %broadcast_in_dim3A_843 = vector.broadcast %broadcast_in_dim3A_842 : vector<1x128xf32> to vector<1024x128xf32>
        %broadcast_in_dim3A_844 = vector.broadcast %jit3A_841 : f32 to vector<1024x128xf32>
        %select_n3A_845 = arith.select %eq3A_840, %broadcast_in_dim3A_843, %broadcast_in_dim3A_844 : vector<1024x128xi1>, vector<1024x128xf32>
        %reduce_min3A_846 = arith.constant dense<0x7F800000> : vector<1024xf32>
        %reduce_min3A_847 = vector.multi_reduction <minimumf>, %select_n3A_845, %reduce_min3A_846 [1] : vector<1024x128xf32> to vector<1024xf32>
        %broadcast_in_dim3A_848 = vector.shape_cast %reduce_min3A_847 : vector<1024xf32> to vector<1024x1xf32>
        %eq3A_849 = vector.broadcast %convert_element_type3A_30 : vector<1x128xf32> to vector<1024x128xf32>
        %eq3A_850 = vector.broadcast %broadcast_in_dim3A_848 : vector<1024x1xf32> to vector<1024x128xf32>
        %eq3A_851 = arith.cmpf oeq, %eq3A_849, %eq3A_850 : vector<1024x128xf32>
        %jit3A_852 = arith.constant 3.000000e+38 : f32
        %broadcast_in_dim3A_853 = vector.broadcast %jit3A_852 : f32 to vector<1024x128xf32>
        %select_n3A_854 = arith.select %eq3A_851, %broadcast_in_dim3A_853, %select_n3A_835 : vector<1024x128xi1>, vector<1024x128xf32>
        %swap3A_855 = arith.constant 0 : index
        %swap3A_856 = arith.constant 2560 : index
        %swap3A_857 = vector.load %arg9[%swap3A_855, %swap3A_856] : memref<1024x4096xf32, #tpu.memory_space<vmem>>, vector<1024x128xf32>
        tpu.vector_store %arg9[%swap3A_855, %swap3A_856], %select_n3A_854 {strides = array<i32>} : memref<1024x4096xf32, #tpu.memory_space<vmem>>, vector<1024x128xf32>,
        %add3A_858 = arith.constant 2.560000e+03 : f32
        %add3A_859 = arith.addf %convert_element_type3A_33, %add3A_858 : f32
        %add3A_860 = vector.broadcast %add3A_859 : f32 to vector<1024x1xf32>
        %add3A_861 = arith.addf %add3A_860, %broadcast_in_dim3A_829 : vector<1024x1xf32>
        %add3A_862 = arith.constant 2.560000e+03 : f32
        %add3A_863 = arith.addf %convert_element_type3A_33, %add3A_862 : f32
        %add3A_864 = vector.broadcast %add3A_863 : f32 to vector<1024x1xf32>
        %add3A_865 = arith.addf %add3A_864, %broadcast_in_dim3A_848 : vector<1024x1xf32>
        %le3A = vector.broadcast %broadcast_in_dim3A_819 : vector<1024x1xf32> to vector<1024x64xf32>
        %le3A_866 = arith.cmpf ole, %get3A_814, %le3A : vector<1024x64xf32>
        %convert_element_type3A_867 = arith.extui %le3A_866 : vector<1024x64xi1> to vector<1024x64xi32>
        %convert_element_type3A_868 = arith.sitofp %convert_element_type3A_867 : vector<1024x64xi32> to vector<1024x64xf32>
        %reduce_sum3A_869 = arith.constant dense<0.000000e+00> : vector<1024xf32>
        %reduce_sum3A_870 = vector.multi_reduction <add>, %convert_element_type3A_868, %reduce_sum3A_869 [1] : vector<1024x64xf32> to vector<1024xf32>
        %broadcast_in_dim3A_871 = vector.shape_cast %reduce_sum3A_870 : vector<1024xf32> to vector<1024x1xf32>
        %le3A_872 = vector.broadcast %broadcast_in_dim3A_838 : vector<1024x1xf32> to vector<1024x64xf32>
        %le3A_873 = arith.cmpf ole, %get3A_814, %le3A_872 : vector<1024x64xf32>
        %convert_element_type3A_874 = arith.extui %le3A_873 : vector<1024x64xi1> to vector<1024x64xi32>
        %convert_element_type3A_875 = arith.sitofp %convert_element_type3A_874 : vector<1024x64xi32> to vector<1024x64xf32>
        %reduce_sum3A_876 = arith.constant dense<0.000000e+00> : vector<1024xf32>
        %reduce_sum3A_877 = vector.multi_reduction <add>, %convert_element_type3A_875, %reduce_sum3A_876 [1] : vector<1024x64xf32> to vector<1024xf32>
        %broadcast_in_dim3A_878 = vector.shape_cast %reduce_sum3A_877 : vector<1024xf32> to vector<1024x1xf32>
        %add3A_879 = arith.constant 1.000000e+00 : f32
        %add3A_880 = vector.broadcast %add3A_879 : f32 to vector<1024x1xf32>
        %add3A_881 = arith.addf %broadcast_in_dim3A_878, %add3A_880 : vector<1024x1xf32>
        %roll3A = arith.constant 1 : i32
        %roll3A_882 = tpu.dynamic_rotate %get3A_814 by %roll3A dim 1 : vector<1024x64xf32>, i32 -> vector<1024x64xf32>
        %roll3A_883 = arith.constant 2 : i32
        %roll3A_884 = tpu.dynamic_rotate %get3A_814 by %roll3A_883 dim 1 : vector<1024x64xf32>, i32 -> vector<1024x64xf32>
        %roll3A_885 = arith.constant 1 : i32
        %roll3A_886 = tpu.dynamic_rotate %get3A_817 by %roll3A_885 dim 1 : vector<1024x64xf32>, i32 -> vector<1024x64xf32>
        %roll3A_887 = arith.constant 2 : i32
        %roll3A_888 = tpu.dynamic_rotate %get3A_817 by %roll3A_887 dim 1 : vector<1024x64xf32>, i32 -> vector<1024x64xf32>
        %lt3A_889 = vector.broadcast %convert_element_type3A_28 : vector<1x64xf32> to vector<1024x64xf32>
        %lt3A_890 = vector.broadcast %broadcast_in_dim3A_871 : vector<1024x1xf32> to vector<1024x64xf32>
        %lt3A_891 = arith.cmpf olt, %lt3A_889, %lt3A_890 : vector<1024x64xf32>
        %eq3A_892 = vector.broadcast %convert_element_type3A_28 : vector<1x64xf32> to vector<1024x64xf32>
        %eq3A_893 = vector.broadcast %broadcast_in_dim3A_871 : vector<1024x1xf32> to vector<1024x64xf32>
        %eq3A_894 = arith.cmpf oeq, %eq3A_892, %eq3A_893 : vector<1024x64xf32>
        %lt3A_895 = vector.broadcast %convert_element_type3A_28 : vector<1x64xf32> to vector<1024x64xf32>
        %lt3A_896 = vector.broadcast %add3A_881 : vector<1024x1xf32> to vector<1024x64xf32>
        %lt3A_897 = arith.cmpf olt, %lt3A_895, %lt3A_896 : vector<1024x64xf32>
        %eq3A_898 = vector.broadcast %convert_element_type3A_28 : vector<1x64xf32> to vector<1024x64xf32>
        %eq3A_899 = vector.broadcast %add3A_881 : vector<1024x1xf32> to vector<1024x64xf32>
        %eq3A_900 = arith.cmpf oeq, %eq3A_898, %eq3A_899 : vector<1024x64xf32>
        %broadcast_in_dim3A_901 = vector.shape_cast %broadcast_in_dim3A_838 : vector<1024x1xf32> to vector<1024x1xf32>
        %broadcast_in_dim3A_902 = vector.broadcast %broadcast_in_dim3A_901 : vector<1024x1xf32> to vector<1024x64xf32>
        %select_n3A_903 = arith.select %eq3A_900, %broadcast_in_dim3A_902, %roll3A_884 : vector<1024x64xi1>, vector<1024x64xf32>
        %select_n3A_904 = arith.select %lt3A_897, %roll3A_882, %select_n3A_903 : vector<1024x64xi1>, vector<1024x64xf32>
        %broadcast_in_dim3A_905 = vector.shape_cast %broadcast_in_dim3A_819 : vector<1024x1xf32> to vector<1024x1xf32>
        %broadcast_in_dim3A_906 = vector.broadcast %broadcast_in_dim3A_905 : vector<1024x1xf32> to vector<1024x64xf32>
        %select_n3A_907 = arith.select %eq3A_894, %broadcast_in_dim3A_906, %select_n3A_904 : vector<1024x64xi1>, vector<1024x64xf32>
        %select_n3A_908 = arith.select %lt3A_891, %get3A_814, %select_n3A_907 : vector<1024x64xi1>, vector<1024x64xf32>
        %lt3A_909 = vector.broadcast %convert_element_type3A_28 : vector<1x64xf32> to vector<1024x64xf32>
        %lt3A_910 = vector.broadcast %broadcast_in_dim3A_871 : vector<1024x1xf32> to vector<1024x64xf32>
        %lt3A_911 = arith.cmpf olt, %lt3A_909, %lt3A_910 : vector<1024x64xf32>
        %eq3A_912 = vector.broadcast %convert_element_type3A_28 : vector<1x64xf32> to vector<1024x64xf32>
        %eq3A_913 = vector.broadcast %broadcast_in_dim3A_871 : vector<1024x1xf32> to vector<1024x64xf32>
        %eq3A_914 = arith.cmpf oeq, %eq3A_912, %eq3A_913 : vector<1024x64xf32>
        %lt3A_915 = vector.broadcast %convert_element_type3A_28 : vector<1x64xf32> to vector<1024x64xf32>
        %lt3A_916 = vector.broadcast %add3A_881 : vector<1024x1xf32> to vector<1024x64xf32>
        %lt3A_917 = arith.cmpf olt, %lt3A_915, %lt3A_916 : vector<1024x64xf32>
        %eq3A_918 = vector.broadcast %convert_element_type3A_28 : vector<1x64xf32> to vector<1024x64xf32>
        %eq3A_919 = vector.broadcast %add3A_881 : vector<1024x1xf32> to vector<1024x64xf32>
        %eq3A_920 = arith.cmpf oeq, %eq3A_918, %eq3A_919 : vector<1024x64xf32>
        %broadcast_in_dim3A_921 = vector.shape_cast %add3A_865 : vector<1024x1xf32> to vector<1024x1xf32>
        %broadcast_in_dim3A_922 = vector.broadcast %broadcast_in_dim3A_921 : vector<1024x1xf32> to vector<1024x64xf32>
        %select_n3A_923 = arith.select %eq3A_920, %broadcast_in_dim3A_922, %roll3A_888 : vector<1024x64xi1>, vector<1024x64xf32>
        %select_n3A_924 = arith.select %lt3A_917, %roll3A_886, %select_n3A_923 : vector<1024x64xi1>, vector<1024x64xf32>
        %broadcast_in_dim3A_925 = vector.shape_cast %add3A_861 : vector<1024x1xf32> to vector<1024x1xf32>
        %broadcast_in_dim3A_926 = vector.broadcast %broadcast_in_dim3A_925 : vector<1024x1xf32> to vector<1024x64xf32>
        %select_n3A_927 = arith.select %eq3A_914, %broadcast_in_dim3A_926, %select_n3A_924 : vector<1024x64xi1>, vector<1024x64xf32>
        %select_n3A_928 = arith.select %lt3A_911, %get3A_817, %select_n3A_927 : vector<1024x64xi1>, vector<1024x64xf32>
        %swap3A_929 = arith.constant 0 : index
        %swap3A_930 = arith.constant 0 : index
        %swap3A_931 = vector.load %arg7[%swap3A_929, %swap3A_930] : memref<1024x64xf32, #tpu.memory_space<vmem>>, vector<1024x64xf32>
        tpu.vector_store %arg7[%swap3A_929, %swap3A_930], %select_n3A_908 {strides = array<i32>} : memref<1024x64xf32, #tpu.memory_space<vmem>>, vector<1024x64xf32>,
        %swap3A_932 = arith.constant 0 : index
        %swap3A_933 = arith.constant 0 : index
        %swap3A_934 = vector.load %arg8[%swap3A_932, %swap3A_933] : memref<1024x64xf32, #tpu.memory_space<vmem>>, vector<1024x64xf32>
        tpu.vector_store %arg8[%swap3A_932, %swap3A_933], %select_n3A_928 {strides = array<i32>} : memref<1024x64xf32, #tpu.memory_space<vmem>>, vector<1024x64xf32>,
      } else {
      }
      %get3A_539 = arith.constant 0 : index
      %get3A_540 = arith.constant 2688 : index
      %get3A_541 = vector.load %arg9[%get3A_539, %get3A_540] : memref<1024x4096xf32, #tpu.memory_space<vmem>>, vector<1024x128xf32>
      %get3A_542 = arith.constant 0 : index
      %get3A_543 = arith.constant 63 : index
      %get3A_544 = vector.load %arg7[%get3A_542, %get3A_543] : memref<1024x64xf32, #tpu.memory_space<vmem>>, vector<1024x1xf32>
      %lt3A_545 = vector.broadcast %get3A_544 : vector<1024x1xf32> to vector<1024x128xf32>
      %lt3A_546 = arith.cmpf olt, %get3A_541, %lt3A_545 : vector<1024x128xf32>
      %reduce_or3A_547 = arith.constant 1.000000e+00 : f32
      %reduce_or3A_548 = arith.constant 0.000000e+00 : f32
      %reduce_or3A_549 = vector.broadcast %reduce_or3A_547 : f32 to vector<1024x128xf32>
      %reduce_or3A_550 = vector.broadcast %reduce_or3A_548 : f32 to vector<1024x128xf32>
      %reduce_or3A_551 = arith.select %lt3A_546, %reduce_or3A_549, %reduce_or3A_550 : vector<1024x128xi1>, vector<1024x128xf32>
      %reduce_or3A_552 = vector.shape_cast %reduce_or3A_551 : vector<1024x128xf32> to vector<1x1024x128xf32>
      %reduce_or3A_553 = arith.constant dense<0xFF800000> : vector<1xf32>
      %reduce_or3A_554 = vector.multi_reduction <maximumf>, %reduce_or3A_552, %reduce_or3A_553 [1, 2] : vector<1x1024x128xf32> to vector<1xf32>
      %reduce_or3A_555 = vector.shape_cast %reduce_or3A_554 : vector<1xf32> to vector<1x1x1xf32>
      %reduce_or3A_556 = vector.extract %reduce_or3A_555[0, 0, 0] : f32 from vector<1x1x1xf32>
      %reduce_or3A_557 = arith.constant 0.000000e+00 : f32
      %reduce_or3A_558 = arith.cmpf ogt, %reduce_or3A_556, %reduce_or3A_557 : f32
      %convert_element_type3A_559 = arith.extui %reduce_or3A_558 : i1 to i32
      %cond3A_560 = arith.constant 0 : i32
      %cond3A_561 = arith.cmpi ne, %convert_element_type3A_559, %cond3A_560 : i32
      scf.if %cond3A_561 {
        %get3A_812 = arith.constant 0 : index
        %get3A_813 = arith.constant 0 : index
        %get3A_814 = vector.load %arg7[%get3A_812, %get3A_813] : memref<1024x64xf32, #tpu.memory_space<vmem>>, vector<1024x64xf32>
        %get3A_815 = arith.constant 0 : index
        %get3A_816 = arith.constant 0 : index
        %get3A_817 = vector.load %arg8[%get3A_815, %get3A_816] : memref<1024x64xf32, #tpu.memory_space<vmem>>, vector<1024x64xf32>
        %reduce_min3A = arith.constant dense<0x7F800000> : vector<1024xf32>
        %reduce_min3A_818 = vector.multi_reduction <minimumf>, %get3A_541, %reduce_min3A [1] : vector<1024x128xf32> to vector<1024xf32>
        %broadcast_in_dim3A_819 = vector.shape_cast %reduce_min3A_818 : vector<1024xf32> to vector<1024x1xf32>
        %eq3A_820 = vector.broadcast %broadcast_in_dim3A_819 : vector<1024x1xf32> to vector<1024x128xf32>
        %eq3A_821 = arith.cmpf oeq, %get3A_541, %eq3A_820 : vector<1024x128xf32>
        %jit3A_822 = arith.constant 1.000000e+04 : f32
        %broadcast_in_dim3A_823 = vector.shape_cast %convert_element_type3A_30 : vector<1x128xf32> to vector<1x128xf32>
        %broadcast_in_dim3A_824 = vector.broadcast %broadcast_in_dim3A_823 : vector<1x128xf32> to vector<1024x128xf32>
        %broadcast_in_dim3A_825 = vector.broadcast %jit3A_822 : f32 to vector<1024x128xf32>
        %select_n3A_826 = arith.select %eq3A_821, %broadcast_in_dim3A_824, %broadcast_in_dim3A_825 : vector<1024x128xi1>, vector<1024x128xf32>
        %reduce_min3A_827 = arith.constant dense<0x7F800000> : vector<1024xf32>
        %reduce_min3A_828 = vector.multi_reduction <minimumf>, %select_n3A_826, %reduce_min3A_827 [1] : vector<1024x128xf32> to vector<1024xf32>
        %broadcast_in_dim3A_829 = vector.shape_cast %reduce_min3A_828 : vector<1024xf32> to vector<1024x1xf32>
        %eq3A_830 = vector.broadcast %convert_element_type3A_30 : vector<1x128xf32> to vector<1024x128xf32>
        %eq3A_831 = vector.broadcast %broadcast_in_dim3A_829 : vector<1024x1xf32> to vector<1024x128xf32>
        %eq3A_832 = arith.cmpf oeq, %eq3A_830, %eq3A_831 : vector<1024x128xf32>
        %jit3A_833 = arith.constant 3.000000e+38 : f32
        %broadcast_in_dim3A_834 = vector.broadcast %jit3A_833 : f32 to vector<1024x128xf32>
        %select_n3A_835 = arith.select %eq3A_832, %broadcast_in_dim3A_834, %get3A_541 : vector<1024x128xi1>, vector<1024x128xf32>
        %reduce_min3A_836 = arith.constant dense<0x7F800000> : vector<1024xf32>
        %reduce_min3A_837 = vector.multi_reduction <minimumf>, %select_n3A_835, %reduce_min3A_836 [1] : vector<1024x128xf32> to vector<1024xf32>
        %broadcast_in_dim3A_838 = vector.shape_cast %reduce_min3A_837 : vector<1024xf32> to vector<1024x1xf32>
        %eq3A_839 = vector.broadcast %broadcast_in_dim3A_838 : vector<1024x1xf32> to vector<1024x128xf32>
        %eq3A_840 = arith.cmpf oeq, %select_n3A_835, %eq3A_839 : vector<1024x128xf32>
        %jit3A_841 = arith.constant 1.000000e+04 : f32
        %broadcast_in_dim3A_842 = vector.shape_cast %convert_element_type3A_30 : vector<1x128xf32> to vector<1x128xf32>
        %broadcast_in_dim3A_843 = vector.broadcast %broadcast_in_dim3A_842 : vector<1x128xf32> to vector<1024x128xf32>
        %broadcast_in_dim3A_844 = vector.broadcast %jit3A_841 : f32 to vector<1024x128xf32>
        %select_n3A_845 = arith.select %eq3A_840, %broadcast_in_dim3A_843, %broadcast_in_dim3A_844 : vector<1024x128xi1>, vector<1024x128xf32>
        %reduce_min3A_846 = arith.constant dense<0x7F800000> : vector<1024xf32>
        %reduce_min3A_847 = vector.multi_reduction <minimumf>, %select_n3A_845, %reduce_min3A_846 [1] : vector<1024x128xf32> to vector<1024xf32>
        %broadcast_in_dim3A_848 = vector.shape_cast %reduce_min3A_847 : vector<1024xf32> to vector<1024x1xf32>
        %eq3A_849 = vector.broadcast %convert_element_type3A_30 : vector<1x128xf32> to vector<1024x128xf32>
        %eq3A_850 = vector.broadcast %broadcast_in_dim3A_848 : vector<1024x1xf32> to vector<1024x128xf32>
        %eq3A_851 = arith.cmpf oeq, %eq3A_849, %eq3A_850 : vector<1024x128xf32>
        %jit3A_852 = arith.constant 3.000000e+38 : f32
        %broadcast_in_dim3A_853 = vector.broadcast %jit3A_852 : f32 to vector<1024x128xf32>
        %select_n3A_854 = arith.select %eq3A_851, %broadcast_in_dim3A_853, %select_n3A_835 : vector<1024x128xi1>, vector<1024x128xf32>
        %swap3A_855 = arith.constant 0 : index
        %swap3A_856 = arith.constant 2688 : index
        %swap3A_857 = vector.load %arg9[%swap3A_855, %swap3A_856] : memref<1024x4096xf32, #tpu.memory_space<vmem>>, vector<1024x128xf32>
        tpu.vector_store %arg9[%swap3A_855, %swap3A_856], %select_n3A_854 {strides = array<i32>} : memref<1024x4096xf32, #tpu.memory_space<vmem>>, vector<1024x128xf32>,
        %add3A_858 = arith.constant 2.688000e+03 : f32
        %add3A_859 = arith.addf %convert_element_type3A_33, %add3A_858 : f32
        %add3A_860 = vector.broadcast %add3A_859 : f32 to vector<1024x1xf32>
        %add3A_861 = arith.addf %add3A_860, %broadcast_in_dim3A_829 : vector<1024x1xf32>
        %add3A_862 = arith.constant 2.688000e+03 : f32
        %add3A_863 = arith.addf %convert_element_type3A_33, %add3A_862 : f32
        %add3A_864 = vector.broadcast %add3A_863 : f32 to vector<1024x1xf32>
        %add3A_865 = arith.addf %add3A_864, %broadcast_in_dim3A_848 : vector<1024x1xf32>
        %le3A = vector.broadcast %broadcast_in_dim3A_819 : vector<1024x1xf32> to vector<1024x64xf32>
        %le3A_866 = arith.cmpf ole, %get3A_814, %le3A : vector<1024x64xf32>
        %convert_element_type3A_867 = arith.extui %le3A_866 : vector<1024x64xi1> to vector<1024x64xi32>
        %convert_element_type3A_868 = arith.sitofp %convert_element_type3A_867 : vector<1024x64xi32> to vector<1024x64xf32>
        %reduce_sum3A_869 = arith.constant dense<0.000000e+00> : vector<1024xf32>
        %reduce_sum3A_870 = vector.multi_reduction <add>, %convert_element_type3A_868, %reduce_sum3A_869 [1] : vector<1024x64xf32> to vector<1024xf32>
        %broadcast_in_dim3A_871 = vector.shape_cast %reduce_sum3A_870 : vector<1024xf32> to vector<1024x1xf32>
        %le3A_872 = vector.broadcast %broadcast_in_dim3A_838 : vector<1024x1xf32> to vector<1024x64xf32>
        %le3A_873 = arith.cmpf ole, %get3A_814, %le3A_872 : vector<1024x64xf32>
        %convert_element_type3A_874 = arith.extui %le3A_873 : vector<1024x64xi1> to vector<1024x64xi32>
        %convert_element_type3A_875 = arith.sitofp %convert_element_type3A_874 : vector<1024x64xi32> to vector<1024x64xf32>
        %reduce_sum3A_876 = arith.constant dense<0.000000e+00> : vector<1024xf32>
        %reduce_sum3A_877 = vector.multi_reduction <add>, %convert_element_type3A_875, %reduce_sum3A_876 [1] : vector<1024x64xf32> to vector<1024xf32>
        %broadcast_in_dim3A_878 = vector.shape_cast %reduce_sum3A_877 : vector<1024xf32> to vector<1024x1xf32>
        %add3A_879 = arith.constant 1.000000e+00 : f32
        %add3A_880 = vector.broadcast %add3A_879 : f32 to vector<1024x1xf32>
        %add3A_881 = arith.addf %broadcast_in_dim3A_878, %add3A_880 : vector<1024x1xf32>
        %roll3A = arith.constant 1 : i32
        %roll3A_882 = tpu.dynamic_rotate %get3A_814 by %roll3A dim 1 : vector<1024x64xf32>, i32 -> vector<1024x64xf32>
        %roll3A_883 = arith.constant 2 : i32
        %roll3A_884 = tpu.dynamic_rotate %get3A_814 by %roll3A_883 dim 1 : vector<1024x64xf32>, i32 -> vector<1024x64xf32>
        %roll3A_885 = arith.constant 1 : i32
        %roll3A_886 = tpu.dynamic_rotate %get3A_817 by %roll3A_885 dim 1 : vector<1024x64xf32>, i32 -> vector<1024x64xf32>
        %roll3A_887 = arith.constant 2 : i32
        %roll3A_888 = tpu.dynamic_rotate %get3A_817 by %roll3A_887 dim 1 : vector<1024x64xf32>, i32 -> vector<1024x64xf32>
        %lt3A_889 = vector.broadcast %convert_element_type3A_28 : vector<1x64xf32> to vector<1024x64xf32>
        %lt3A_890 = vector.broadcast %broadcast_in_dim3A_871 : vector<1024x1xf32> to vector<1024x64xf32>
        %lt3A_891 = arith.cmpf olt, %lt3A_889, %lt3A_890 : vector<1024x64xf32>
        %eq3A_892 = vector.broadcast %convert_element_type3A_28 : vector<1x64xf32> to vector<1024x64xf32>
        %eq3A_893 = vector.broadcast %broadcast_in_dim3A_871 : vector<1024x1xf32> to vector<1024x64xf32>
        %eq3A_894 = arith.cmpf oeq, %eq3A_892, %eq3A_893 : vector<1024x64xf32>
        %lt3A_895 = vector.broadcast %convert_element_type3A_28 : vector<1x64xf32> to vector<1024x64xf32>
        %lt3A_896 = vector.broadcast %add3A_881 : vector<1024x1xf32> to vector<1024x64xf32>
        %lt3A_897 = arith.cmpf olt, %lt3A_895, %lt3A_896 : vector<1024x64xf32>
        %eq3A_898 = vector.broadcast %convert_element_type3A_28 : vector<1x64xf32> to vector<1024x64xf32>
        %eq3A_899 = vector.broadcast %add3A_881 : vector<1024x1xf32> to vector<1024x64xf32>
        %eq3A_900 = arith.cmpf oeq, %eq3A_898, %eq3A_899 : vector<1024x64xf32>
        %broadcast_in_dim3A_901 = vector.shape_cast %broadcast_in_dim3A_838 : vector<1024x1xf32> to vector<1024x1xf32>
        %broadcast_in_dim3A_902 = vector.broadcast %broadcast_in_dim3A_901 : vector<1024x1xf32> to vector<1024x64xf32>
        %select_n3A_903 = arith.select %eq3A_900, %broadcast_in_dim3A_902, %roll3A_884 : vector<1024x64xi1>, vector<1024x64xf32>
        %select_n3A_904 = arith.select %lt3A_897, %roll3A_882, %select_n3A_903 : vector<1024x64xi1>, vector<1024x64xf32>
        %broadcast_in_dim3A_905 = vector.shape_cast %broadcast_in_dim3A_819 : vector<1024x1xf32> to vector<1024x1xf32>
        %broadcast_in_dim3A_906 = vector.broadcast %broadcast_in_dim3A_905 : vector<1024x1xf32> to vector<1024x64xf32>
        %select_n3A_907 = arith.select %eq3A_894, %broadcast_in_dim3A_906, %select_n3A_904 : vector<1024x64xi1>, vector<1024x64xf32>
        %select_n3A_908 = arith.select %lt3A_891, %get3A_814, %select_n3A_907 : vector<1024x64xi1>, vector<1024x64xf32>
        %lt3A_909 = vector.broadcast %convert_element_type3A_28 : vector<1x64xf32> to vector<1024x64xf32>
        %lt3A_910 = vector.broadcast %broadcast_in_dim3A_871 : vector<1024x1xf32> to vector<1024x64xf32>
        %lt3A_911 = arith.cmpf olt, %lt3A_909, %lt3A_910 : vector<1024x64xf32>
        %eq3A_912 = vector.broadcast %convert_element_type3A_28 : vector<1x64xf32> to vector<1024x64xf32>
        %eq3A_913 = vector.broadcast %broadcast_in_dim3A_871 : vector<1024x1xf32> to vector<1024x64xf32>
        %eq3A_914 = arith.cmpf oeq, %eq3A_912, %eq3A_913 : vector<1024x64xf32>
        %lt3A_915 = vector.broadcast %convert_element_type3A_28 : vector<1x64xf32> to vector<1024x64xf32>
        %lt3A_916 = vector.broadcast %add3A_881 : vector<1024x1xf32> to vector<1024x64xf32>
        %lt3A_917 = arith.cmpf olt, %lt3A_915, %lt3A_916 : vector<1024x64xf32>
        %eq3A_918 = vector.broadcast %convert_element_type3A_28 : vector<1x64xf32> to vector<1024x64xf32>
        %eq3A_919 = vector.broadcast %add3A_881 : vector<1024x1xf32> to vector<1024x64xf32>
        %eq3A_920 = arith.cmpf oeq, %eq3A_918, %eq3A_919 : vector<1024x64xf32>
        %broadcast_in_dim3A_921 = vector.shape_cast %add3A_865 : vector<1024x1xf32> to vector<1024x1xf32>
        %broadcast_in_dim3A_922 = vector.broadcast %broadcast_in_dim3A_921 : vector<1024x1xf32> to vector<1024x64xf32>
        %select_n3A_923 = arith.select %eq3A_920, %broadcast_in_dim3A_922, %roll3A_888 : vector<1024x64xi1>, vector<1024x64xf32>
        %select_n3A_924 = arith.select %lt3A_917, %roll3A_886, %select_n3A_923 : vector<1024x64xi1>, vector<1024x64xf32>
        %broadcast_in_dim3A_925 = vector.shape_cast %add3A_861 : vector<1024x1xf32> to vector<1024x1xf32>
        %broadcast_in_dim3A_926 = vector.broadcast %broadcast_in_dim3A_925 : vector<1024x1xf32> to vector<1024x64xf32>
        %select_n3A_927 = arith.select %eq3A_914, %broadcast_in_dim3A_926, %select_n3A_924 : vector<1024x64xi1>, vector<1024x64xf32>
        %select_n3A_928 = arith.select %lt3A_911, %get3A_817, %select_n3A_927 : vector<1024x64xi1>, vector<1024x64xf32>
        %swap3A_929 = arith.constant 0 : index
        %swap3A_930 = arith.constant 0 : index
        %swap3A_931 = vector.load %arg7[%swap3A_929, %swap3A_930] : memref<1024x64xf32, #tpu.memory_space<vmem>>, vector<1024x64xf32>
        tpu.vector_store %arg7[%swap3A_929, %swap3A_930], %select_n3A_908 {strides = array<i32>} : memref<1024x64xf32, #tpu.memory_space<vmem>>, vector<1024x64xf32>,
        %swap3A_932 = arith.constant 0 : index
        %swap3A_933 = arith.constant 0 : index
        %swap3A_934 = vector.load %arg8[%swap3A_932, %swap3A_933] : memref<1024x64xf32, #tpu.memory_space<vmem>>, vector<1024x64xf32>
        tpu.vector_store %arg8[%swap3A_932, %swap3A_933], %select_n3A_928 {strides = array<i32>} : memref<1024x64xf32, #tpu.memory_space<vmem>>, vector<1024x64xf32>,
      } else {
      }
      %get3A_562 = arith.constant 0 : index
      %get3A_563 = arith.constant 2816 : index
      %get3A_564 = vector.load %arg9[%get3A_562, %get3A_563] : memref<1024x4096xf32, #tpu.memory_space<vmem>>, vector<1024x128xf32>
      %get3A_565 = arith.constant 0 : index
      %get3A_566 = arith.constant 63 : index
      %get3A_567 = vector.load %arg7[%get3A_565, %get3A_566] : memref<1024x64xf32, #tpu.memory_space<vmem>>, vector<1024x1xf32>
      %lt3A_568 = vector.broadcast %get3A_567 : vector<1024x1xf32> to vector<1024x128xf32>
      %lt3A_569 = arith.cmpf olt, %get3A_564, %lt3A_568 : vector<1024x128xf32>
      %reduce_or3A_570 = arith.constant 1.000000e+00 : f32
      %reduce_or3A_571 = arith.constant 0.000000e+00 : f32
      %reduce_or3A_572 = vector.broadcast %reduce_or3A_570 : f32 to vector<1024x128xf32>
      %reduce_or3A_573 = vector.broadcast %reduce_or3A_571 : f32 to vector<1024x128xf32>
      %reduce_or3A_574 = arith.select %lt3A_569, %reduce_or3A_572, %reduce_or3A_573 : vector<1024x128xi1>, vector<1024x128xf32>
      %reduce_or3A_575 = vector.shape_cast %reduce_or3A_574 : vector<1024x128xf32> to vector<1x1024x128xf32>
      %reduce_or3A_576 = arith.constant dense<0xFF800000> : vector<1xf32>
      %reduce_or3A_577 = vector.multi_reduction <maximumf>, %reduce_or3A_575, %reduce_or3A_576 [1, 2] : vector<1x1024x128xf32> to vector<1xf32>
      %reduce_or3A_578 = vector.shape_cast %reduce_or3A_577 : vector<1xf32> to vector<1x1x1xf32>
      %reduce_or3A_579 = vector.extract %reduce_or3A_578[0, 0, 0] : f32 from vector<1x1x1xf32>
      %reduce_or3A_580 = arith.constant 0.000000e+00 : f32
      %reduce_or3A_581 = arith.cmpf ogt, %reduce_or3A_579, %reduce_or3A_580 : f32
      %convert_element_type3A_582 = arith.extui %reduce_or3A_581 : i1 to i32
      %cond3A_583 = arith.constant 0 : i32
      %cond3A_584 = arith.cmpi ne, %convert_element_type3A_582, %cond3A_583 : i32
      scf.if %cond3A_584 {
        %get3A_812 = arith.constant 0 : index
        %get3A_813 = arith.constant 0 : index
        %get3A_814 = vector.load %arg7[%get3A_812, %get3A_813] : memref<1024x64xf32, #tpu.memory_space<vmem>>, vector<1024x64xf32>
        %get3A_815 = arith.constant 0 : index
        %get3A_816 = arith.constant 0 : index
        %get3A_817 = vector.load %arg8[%get3A_815, %get3A_816] : memref<1024x64xf32, #tpu.memory_space<vmem>>, vector<1024x64xf32>
        %reduce_min3A = arith.constant dense<0x7F800000> : vector<1024xf32>
        %reduce_min3A_818 = vector.multi_reduction <minimumf>, %get3A_564, %reduce_min3A [1] : vector<1024x128xf32> to vector<1024xf32>
        %broadcast_in_dim3A_819 = vector.shape_cast %reduce_min3A_818 : vector<1024xf32> to vector<1024x1xf32>
        %eq3A_820 = vector.broadcast %broadcast_in_dim3A_819 : vector<1024x1xf32> to vector<1024x128xf32>
        %eq3A_821 = arith.cmpf oeq, %get3A_564, %eq3A_820 : vector<1024x128xf32>
        %jit3A_822 = arith.constant 1.000000e+04 : f32
        %broadcast_in_dim3A_823 = vector.shape_cast %convert_element_type3A_30 : vector<1x128xf32> to vector<1x128xf32>
        %broadcast_in_dim3A_824 = vector.broadcast %broadcast_in_dim3A_823 : vector<1x128xf32> to vector<1024x128xf32>
        %broadcast_in_dim3A_825 = vector.broadcast %jit3A_822 : f32 to vector<1024x128xf32>
        %select_n3A_826 = arith.select %eq3A_821, %broadcast_in_dim3A_824, %broadcast_in_dim3A_825 : vector<1024x128xi1>, vector<1024x128xf32>
        %reduce_min3A_827 = arith.constant dense<0x7F800000> : vector<1024xf32>
        %reduce_min3A_828 = vector.multi_reduction <minimumf>, %select_n3A_826, %reduce_min3A_827 [1] : vector<1024x128xf32> to vector<1024xf32>
        %broadcast_in_dim3A_829 = vector.shape_cast %reduce_min3A_828 : vector<1024xf32> to vector<1024x1xf32>
        %eq3A_830 = vector.broadcast %convert_element_type3A_30 : vector<1x128xf32> to vector<1024x128xf32>
        %eq3A_831 = vector.broadcast %broadcast_in_dim3A_829 : vector<1024x1xf32> to vector<1024x128xf32>
        %eq3A_832 = arith.cmpf oeq, %eq3A_830, %eq3A_831 : vector<1024x128xf32>
        %jit3A_833 = arith.constant 3.000000e+38 : f32
        %broadcast_in_dim3A_834 = vector.broadcast %jit3A_833 : f32 to vector<1024x128xf32>
        %select_n3A_835 = arith.select %eq3A_832, %broadcast_in_dim3A_834, %get3A_564 : vector<1024x128xi1>, vector<1024x128xf32>
        %reduce_min3A_836 = arith.constant dense<0x7F800000> : vector<1024xf32>
        %reduce_min3A_837 = vector.multi_reduction <minimumf>, %select_n3A_835, %reduce_min3A_836 [1] : vector<1024x128xf32> to vector<1024xf32>
        %broadcast_in_dim3A_838 = vector.shape_cast %reduce_min3A_837 : vector<1024xf32> to vector<1024x1xf32>
        %eq3A_839 = vector.broadcast %broadcast_in_dim3A_838 : vector<1024x1xf32> to vector<1024x128xf32>
        %eq3A_840 = arith.cmpf oeq, %select_n3A_835, %eq3A_839 : vector<1024x128xf32>
        %jit3A_841 = arith.constant 1.000000e+04 : f32
        %broadcast_in_dim3A_842 = vector.shape_cast %convert_element_type3A_30 : vector<1x128xf32> to vector<1x128xf32>
        %broadcast_in_dim3A_843 = vector.broadcast %broadcast_in_dim3A_842 : vector<1x128xf32> to vector<1024x128xf32>
        %broadcast_in_dim3A_844 = vector.broadcast %jit3A_841 : f32 to vector<1024x128xf32>
        %select_n3A_845 = arith.select %eq3A_840, %broadcast_in_dim3A_843, %broadcast_in_dim3A_844 : vector<1024x128xi1>, vector<1024x128xf32>
        %reduce_min3A_846 = arith.constant dense<0x7F800000> : vector<1024xf32>
        %reduce_min3A_847 = vector.multi_reduction <minimumf>, %select_n3A_845, %reduce_min3A_846 [1] : vector<1024x128xf32> to vector<1024xf32>
        %broadcast_in_dim3A_848 = vector.shape_cast %reduce_min3A_847 : vector<1024xf32> to vector<1024x1xf32>
        %eq3A_849 = vector.broadcast %convert_element_type3A_30 : vector<1x128xf32> to vector<1024x128xf32>
        %eq3A_850 = vector.broadcast %broadcast_in_dim3A_848 : vector<1024x1xf32> to vector<1024x128xf32>
        %eq3A_851 = arith.cmpf oeq, %eq3A_849, %eq3A_850 : vector<1024x128xf32>
        %jit3A_852 = arith.constant 3.000000e+38 : f32
        %broadcast_in_dim3A_853 = vector.broadcast %jit3A_852 : f32 to vector<1024x128xf32>
        %select_n3A_854 = arith.select %eq3A_851, %broadcast_in_dim3A_853, %select_n3A_835 : vector<1024x128xi1>, vector<1024x128xf32>
        %swap3A_855 = arith.constant 0 : index
        %swap3A_856 = arith.constant 2816 : index
        %swap3A_857 = vector.load %arg9[%swap3A_855, %swap3A_856] : memref<1024x4096xf32, #tpu.memory_space<vmem>>, vector<1024x128xf32>
        tpu.vector_store %arg9[%swap3A_855, %swap3A_856], %select_n3A_854 {strides = array<i32>} : memref<1024x4096xf32, #tpu.memory_space<vmem>>, vector<1024x128xf32>,
        %add3A_858 = arith.constant 2.816000e+03 : f32
        %add3A_859 = arith.addf %convert_element_type3A_33, %add3A_858 : f32
        %add3A_860 = vector.broadcast %add3A_859 : f32 to vector<1024x1xf32>
        %add3A_861 = arith.addf %add3A_860, %broadcast_in_dim3A_829 : vector<1024x1xf32>
        %add3A_862 = arith.constant 2.816000e+03 : f32
        %add3A_863 = arith.addf %convert_element_type3A_33, %add3A_862 : f32
        %add3A_864 = vector.broadcast %add3A_863 : f32 to vector<1024x1xf32>
        %add3A_865 = arith.addf %add3A_864, %broadcast_in_dim3A_848 : vector<1024x1xf32>
        %le3A = vector.broadcast %broadcast_in_dim3A_819 : vector<1024x1xf32> to vector<1024x64xf32>
        %le3A_866 = arith.cmpf ole, %get3A_814, %le3A : vector<1024x64xf32>
        %convert_element_type3A_867 = arith.extui %le3A_866 : vector<1024x64xi1> to vector<1024x64xi32>
        %convert_element_type3A_868 = arith.sitofp %convert_element_type3A_867 : vector<1024x64xi32> to vector<1024x64xf32>
        %reduce_sum3A_869 = arith.constant dense<0.000000e+00> : vector<1024xf32>
        %reduce_sum3A_870 = vector.multi_reduction <add>, %convert_element_type3A_868, %reduce_sum3A_869 [1] : vector<1024x64xf32> to vector<1024xf32>
        %broadcast_in_dim3A_871 = vector.shape_cast %reduce_sum3A_870 : vector<1024xf32> to vector<1024x1xf32>
        %le3A_872 = vector.broadcast %broadcast_in_dim3A_838 : vector<1024x1xf32> to vector<1024x64xf32>
        %le3A_873 = arith.cmpf ole, %get3A_814, %le3A_872 : vector<1024x64xf32>
        %convert_element_type3A_874 = arith.extui %le3A_873 : vector<1024x64xi1> to vector<1024x64xi32>
        %convert_element_type3A_875 = arith.sitofp %convert_element_type3A_874 : vector<1024x64xi32> to vector<1024x64xf32>
        %reduce_sum3A_876 = arith.constant dense<0.000000e+00> : vector<1024xf32>
        %reduce_sum3A_877 = vector.multi_reduction <add>, %convert_element_type3A_875, %reduce_sum3A_876 [1] : vector<1024x64xf32> to vector<1024xf32>
        %broadcast_in_dim3A_878 = vector.shape_cast %reduce_sum3A_877 : vector<1024xf32> to vector<1024x1xf32>
        %add3A_879 = arith.constant 1.000000e+00 : f32
        %add3A_880 = vector.broadcast %add3A_879 : f32 to vector<1024x1xf32>
        %add3A_881 = arith.addf %broadcast_in_dim3A_878, %add3A_880 : vector<1024x1xf32>
        %roll3A = arith.constant 1 : i32
        %roll3A_882 = tpu.dynamic_rotate %get3A_814 by %roll3A dim 1 : vector<1024x64xf32>, i32 -> vector<1024x64xf32>
        %roll3A_883 = arith.constant 2 : i32
        %roll3A_884 = tpu.dynamic_rotate %get3A_814 by %roll3A_883 dim 1 : vector<1024x64xf32>, i32 -> vector<1024x64xf32>
        %roll3A_885 = arith.constant 1 : i32
        %roll3A_886 = tpu.dynamic_rotate %get3A_817 by %roll3A_885 dim 1 : vector<1024x64xf32>, i32 -> vector<1024x64xf32>
        %roll3A_887 = arith.constant 2 : i32
        %roll3A_888 = tpu.dynamic_rotate %get3A_817 by %roll3A_887 dim 1 : vector<1024x64xf32>, i32 -> vector<1024x64xf32>
        %lt3A_889 = vector.broadcast %convert_element_type3A_28 : vector<1x64xf32> to vector<1024x64xf32>
        %lt3A_890 = vector.broadcast %broadcast_in_dim3A_871 : vector<1024x1xf32> to vector<1024x64xf32>
        %lt3A_891 = arith.cmpf olt, %lt3A_889, %lt3A_890 : vector<1024x64xf32>
        %eq3A_892 = vector.broadcast %convert_element_type3A_28 : vector<1x64xf32> to vector<1024x64xf32>
        %eq3A_893 = vector.broadcast %broadcast_in_dim3A_871 : vector<1024x1xf32> to vector<1024x64xf32>
        %eq3A_894 = arith.cmpf oeq, %eq3A_892, %eq3A_893 : vector<1024x64xf32>
        %lt3A_895 = vector.broadcast %convert_element_type3A_28 : vector<1x64xf32> to vector<1024x64xf32>
        %lt3A_896 = vector.broadcast %add3A_881 : vector<1024x1xf32> to vector<1024x64xf32>
        %lt3A_897 = arith.cmpf olt, %lt3A_895, %lt3A_896 : vector<1024x64xf32>
        %eq3A_898 = vector.broadcast %convert_element_type3A_28 : vector<1x64xf32> to vector<1024x64xf32>
        %eq3A_899 = vector.broadcast %add3A_881 : vector<1024x1xf32> to vector<1024x64xf32>
        %eq3A_900 = arith.cmpf oeq, %eq3A_898, %eq3A_899 : vector<1024x64xf32>
        %broadcast_in_dim3A_901 = vector.shape_cast %broadcast_in_dim3A_838 : vector<1024x1xf32> to vector<1024x1xf32>
        %broadcast_in_dim3A_902 = vector.broadcast %broadcast_in_dim3A_901 : vector<1024x1xf32> to vector<1024x64xf32>
        %select_n3A_903 = arith.select %eq3A_900, %broadcast_in_dim3A_902, %roll3A_884 : vector<1024x64xi1>, vector<1024x64xf32>
        %select_n3A_904 = arith.select %lt3A_897, %roll3A_882, %select_n3A_903 : vector<1024x64xi1>, vector<1024x64xf32>
        %broadcast_in_dim3A_905 = vector.shape_cast %broadcast_in_dim3A_819 : vector<1024x1xf32> to vector<1024x1xf32>
        %broadcast_in_dim3A_906 = vector.broadcast %broadcast_in_dim3A_905 : vector<1024x1xf32> to vector<1024x64xf32>
        %select_n3A_907 = arith.select %eq3A_894, %broadcast_in_dim3A_906, %select_n3A_904 : vector<1024x64xi1>, vector<1024x64xf32>
        %select_n3A_908 = arith.select %lt3A_891, %get3A_814, %select_n3A_907 : vector<1024x64xi1>, vector<1024x64xf32>
        %lt3A_909 = vector.broadcast %convert_element_type3A_28 : vector<1x64xf32> to vector<1024x64xf32>
        %lt3A_910 = vector.broadcast %broadcast_in_dim3A_871 : vector<1024x1xf32> to vector<1024x64xf32>
        %lt3A_911 = arith.cmpf olt, %lt3A_909, %lt3A_910 : vector<1024x64xf32>
        %eq3A_912 = vector.broadcast %convert_element_type3A_28 : vector<1x64xf32> to vector<1024x64xf32>
        %eq3A_913 = vector.broadcast %broadcast_in_dim3A_871 : vector<1024x1xf32> to vector<1024x64xf32>
        %eq3A_914 = arith.cmpf oeq, %eq3A_912, %eq3A_913 : vector<1024x64xf32>
        %lt3A_915 = vector.broadcast %convert_element_type3A_28 : vector<1x64xf32> to vector<1024x64xf32>
        %lt3A_916 = vector.broadcast %add3A_881 : vector<1024x1xf32> to vector<1024x64xf32>
        %lt3A_917 = arith.cmpf olt, %lt3A_915, %lt3A_916 : vector<1024x64xf32>
        %eq3A_918 = vector.broadcast %convert_element_type3A_28 : vector<1x64xf32> to vector<1024x64xf32>
        %eq3A_919 = vector.broadcast %add3A_881 : vector<1024x1xf32> to vector<1024x64xf32>
        %eq3A_920 = arith.cmpf oeq, %eq3A_918, %eq3A_919 : vector<1024x64xf32>
        %broadcast_in_dim3A_921 = vector.shape_cast %add3A_865 : vector<1024x1xf32> to vector<1024x1xf32>
        %broadcast_in_dim3A_922 = vector.broadcast %broadcast_in_dim3A_921 : vector<1024x1xf32> to vector<1024x64xf32>
        %select_n3A_923 = arith.select %eq3A_920, %broadcast_in_dim3A_922, %roll3A_888 : vector<1024x64xi1>, vector<1024x64xf32>
        %select_n3A_924 = arith.select %lt3A_917, %roll3A_886, %select_n3A_923 : vector<1024x64xi1>, vector<1024x64xf32>
        %broadcast_in_dim3A_925 = vector.shape_cast %add3A_861 : vector<1024x1xf32> to vector<1024x1xf32>
        %broadcast_in_dim3A_926 = vector.broadcast %broadcast_in_dim3A_925 : vector<1024x1xf32> to vector<1024x64xf32>
        %select_n3A_927 = arith.select %eq3A_914, %broadcast_in_dim3A_926, %select_n3A_924 : vector<1024x64xi1>, vector<1024x64xf32>
        %select_n3A_928 = arith.select %lt3A_911, %get3A_817, %select_n3A_927 : vector<1024x64xi1>, vector<1024x64xf32>
        %swap3A_929 = arith.constant 0 : index
        %swap3A_930 = arith.constant 0 : index
        %swap3A_931 = vector.load %arg7[%swap3A_929, %swap3A_930] : memref<1024x64xf32, #tpu.memory_space<vmem>>, vector<1024x64xf32>
        tpu.vector_store %arg7[%swap3A_929, %swap3A_930], %select_n3A_908 {strides = array<i32>} : memref<1024x64xf32, #tpu.memory_space<vmem>>, vector<1024x64xf32>,
        %swap3A_932 = arith.constant 0 : index
        %swap3A_933 = arith.constant 0 : index
        %swap3A_934 = vector.load %arg8[%swap3A_932, %swap3A_933] : memref<1024x64xf32, #tpu.memory_space<vmem>>, vector<1024x64xf32>
        tpu.vector_store %arg8[%swap3A_932, %swap3A_933], %select_n3A_928 {strides = array<i32>} : memref<1024x64xf32, #tpu.memory_space<vmem>>, vector<1024x64xf32>,
      } else {
      }
      %get3A_585 = arith.constant 0 : index
      %get3A_586 = arith.constant 2944 : index
      %get3A_587 = vector.load %arg9[%get3A_585, %get3A_586] : memref<1024x4096xf32, #tpu.memory_space<vmem>>, vector<1024x128xf32>
      %get3A_588 = arith.constant 0 : index
      %get3A_589 = arith.constant 63 : index
      %get3A_590 = vector.load %arg7[%get3A_588, %get3A_589] : memref<1024x64xf32, #tpu.memory_space<vmem>>, vector<1024x1xf32>
      %lt3A_591 = vector.broadcast %get3A_590 : vector<1024x1xf32> to vector<1024x128xf32>
      %lt3A_592 = arith.cmpf olt, %get3A_587, %lt3A_591 : vector<1024x128xf32>
      %reduce_or3A_593 = arith.constant 1.000000e+00 : f32
      %reduce_or3A_594 = arith.constant 0.000000e+00 : f32
      %reduce_or3A_595 = vector.broadcast %reduce_or3A_593 : f32 to vector<1024x128xf32>
      %reduce_or3A_596 = vector.broadcast %reduce_or3A_594 : f32 to vector<1024x128xf32>
      %reduce_or3A_597 = arith.select %lt3A_592, %reduce_or3A_595, %reduce_or3A_596 : vector<1024x128xi1>, vector<1024x128xf32>
      %reduce_or3A_598 = vector.shape_cast %reduce_or3A_597 : vector<1024x128xf32> to vector<1x1024x128xf32>
      %reduce_or3A_599 = arith.constant dense<0xFF800000> : vector<1xf32>
      %reduce_or3A_600 = vector.multi_reduction <maximumf>, %reduce_or3A_598, %reduce_or3A_599 [1, 2] : vector<1x1024x128xf32> to vector<1xf32>
      %reduce_or3A_601 = vector.shape_cast %reduce_or3A_600 : vector<1xf32> to vector<1x1x1xf32>
      %reduce_or3A_602 = vector.extract %reduce_or3A_601[0, 0, 0] : f32 from vector<1x1x1xf32>
      %reduce_or3A_603 = arith.constant 0.000000e+00 : f32
      %reduce_or3A_604 = arith.cmpf ogt, %reduce_or3A_602, %reduce_or3A_603 : f32
      %convert_element_type3A_605 = arith.extui %reduce_or3A_604 : i1 to i32
      %cond3A_606 = arith.constant 0 : i32
      %cond3A_607 = arith.cmpi ne, %convert_element_type3A_605, %cond3A_606 : i32
      scf.if %cond3A_607 {
        %get3A_812 = arith.constant 0 : index
        %get3A_813 = arith.constant 0 : index
        %get3A_814 = vector.load %arg7[%get3A_812, %get3A_813] : memref<1024x64xf32, #tpu.memory_space<vmem>>, vector<1024x64xf32>
        %get3A_815 = arith.constant 0 : index
        %get3A_816 = arith.constant 0 : index
        %get3A_817 = vector.load %arg8[%get3A_815, %get3A_816] : memref<1024x64xf32, #tpu.memory_space<vmem>>, vector<1024x64xf32>
        %reduce_min3A = arith.constant dense<0x7F800000> : vector<1024xf32>
        %reduce_min3A_818 = vector.multi_reduction <minimumf>, %get3A_587, %reduce_min3A [1] : vector<1024x128xf32> to vector<1024xf32>
        %broadcast_in_dim3A_819 = vector.shape_cast %reduce_min3A_818 : vector<1024xf32> to vector<1024x1xf32>
        %eq3A_820 = vector.broadcast %broadcast_in_dim3A_819 : vector<1024x1xf32> to vector<1024x128xf32>
        %eq3A_821 = arith.cmpf oeq, %get3A_587, %eq3A_820 : vector<1024x128xf32>
        %jit3A_822 = arith.constant 1.000000e+04 : f32
        %broadcast_in_dim3A_823 = vector.shape_cast %convert_element_type3A_30 : vector<1x128xf32> to vector<1x128xf32>
        %broadcast_in_dim3A_824 = vector.broadcast %broadcast_in_dim3A_823 : vector<1x128xf32> to vector<1024x128xf32>
        %broadcast_in_dim3A_825 = vector.broadcast %jit3A_822 : f32 to vector<1024x128xf32>
        %select_n3A_826 = arith.select %eq3A_821, %broadcast_in_dim3A_824, %broadcast_in_dim3A_825 : vector<1024x128xi1>, vector<1024x128xf32>
        %reduce_min3A_827 = arith.constant dense<0x7F800000> : vector<1024xf32>
        %reduce_min3A_828 = vector.multi_reduction <minimumf>, %select_n3A_826, %reduce_min3A_827 [1] : vector<1024x128xf32> to vector<1024xf32>
        %broadcast_in_dim3A_829 = vector.shape_cast %reduce_min3A_828 : vector<1024xf32> to vector<1024x1xf32>
        %eq3A_830 = vector.broadcast %convert_element_type3A_30 : vector<1x128xf32> to vector<1024x128xf32>
        %eq3A_831 = vector.broadcast %broadcast_in_dim3A_829 : vector<1024x1xf32> to vector<1024x128xf32>
        %eq3A_832 = arith.cmpf oeq, %eq3A_830, %eq3A_831 : vector<1024x128xf32>
        %jit3A_833 = arith.constant 3.000000e+38 : f32
        %broadcast_in_dim3A_834 = vector.broadcast %jit3A_833 : f32 to vector<1024x128xf32>
        %select_n3A_835 = arith.select %eq3A_832, %broadcast_in_dim3A_834, %get3A_587 : vector<1024x128xi1>, vector<1024x128xf32>
        %reduce_min3A_836 = arith.constant dense<0x7F800000> : vector<1024xf32>
        %reduce_min3A_837 = vector.multi_reduction <minimumf>, %select_n3A_835, %reduce_min3A_836 [1] : vector<1024x128xf32> to vector<1024xf32>
        %broadcast_in_dim3A_838 = vector.shape_cast %reduce_min3A_837 : vector<1024xf32> to vector<1024x1xf32>
        %eq3A_839 = vector.broadcast %broadcast_in_dim3A_838 : vector<1024x1xf32> to vector<1024x128xf32>
        %eq3A_840 = arith.cmpf oeq, %select_n3A_835, %eq3A_839 : vector<1024x128xf32>
        %jit3A_841 = arith.constant 1.000000e+04 : f32
        %broadcast_in_dim3A_842 = vector.shape_cast %convert_element_type3A_30 : vector<1x128xf32> to vector<1x128xf32>
        %broadcast_in_dim3A_843 = vector.broadcast %broadcast_in_dim3A_842 : vector<1x128xf32> to vector<1024x128xf32>
        %broadcast_in_dim3A_844 = vector.broadcast %jit3A_841 : f32 to vector<1024x128xf32>
        %select_n3A_845 = arith.select %eq3A_840, %broadcast_in_dim3A_843, %broadcast_in_dim3A_844 : vector<1024x128xi1>, vector<1024x128xf32>
        %reduce_min3A_846 = arith.constant dense<0x7F800000> : vector<1024xf32>
        %reduce_min3A_847 = vector.multi_reduction <minimumf>, %select_n3A_845, %reduce_min3A_846 [1] : vector<1024x128xf32> to vector<1024xf32>
        %broadcast_in_dim3A_848 = vector.shape_cast %reduce_min3A_847 : vector<1024xf32> to vector<1024x1xf32>
        %eq3A_849 = vector.broadcast %convert_element_type3A_30 : vector<1x128xf32> to vector<1024x128xf32>
        %eq3A_850 = vector.broadcast %broadcast_in_dim3A_848 : vector<1024x1xf32> to vector<1024x128xf32>
        %eq3A_851 = arith.cmpf oeq, %eq3A_849, %eq3A_850 : vector<1024x128xf32>
        %jit3A_852 = arith.constant 3.000000e+38 : f32
        %broadcast_in_dim3A_853 = vector.broadcast %jit3A_852 : f32 to vector<1024x128xf32>
        %select_n3A_854 = arith.select %eq3A_851, %broadcast_in_dim3A_853, %select_n3A_835 : vector<1024x128xi1>, vector<1024x128xf32>
        %swap3A_855 = arith.constant 0 : index
        %swap3A_856 = arith.constant 2944 : index
        %swap3A_857 = vector.load %arg9[%swap3A_855, %swap3A_856] : memref<1024x4096xf32, #tpu.memory_space<vmem>>, vector<1024x128xf32>
        tpu.vector_store %arg9[%swap3A_855, %swap3A_856], %select_n3A_854 {strides = array<i32>} : memref<1024x4096xf32, #tpu.memory_space<vmem>>, vector<1024x128xf32>,
        %add3A_858 = arith.constant 2.944000e+03 : f32
        %add3A_859 = arith.addf %convert_element_type3A_33, %add3A_858 : f32
        %add3A_860 = vector.broadcast %add3A_859 : f32 to vector<1024x1xf32>
        %add3A_861 = arith.addf %add3A_860, %broadcast_in_dim3A_829 : vector<1024x1xf32>
        %add3A_862 = arith.constant 2.944000e+03 : f32
        %add3A_863 = arith.addf %convert_element_type3A_33, %add3A_862 : f32
        %add3A_864 = vector.broadcast %add3A_863 : f32 to vector<1024x1xf32>
        %add3A_865 = arith.addf %add3A_864, %broadcast_in_dim3A_848 : vector<1024x1xf32>
        %le3A = vector.broadcast %broadcast_in_dim3A_819 : vector<1024x1xf32> to vector<1024x64xf32>
        %le3A_866 = arith.cmpf ole, %get3A_814, %le3A : vector<1024x64xf32>
        %convert_element_type3A_867 = arith.extui %le3A_866 : vector<1024x64xi1> to vector<1024x64xi32>
        %convert_element_type3A_868 = arith.sitofp %convert_element_type3A_867 : vector<1024x64xi32> to vector<1024x64xf32>
        %reduce_sum3A_869 = arith.constant dense<0.000000e+00> : vector<1024xf32>
        %reduce_sum3A_870 = vector.multi_reduction <add>, %convert_element_type3A_868, %reduce_sum3A_869 [1] : vector<1024x64xf32> to vector<1024xf32>
        %broadcast_in_dim3A_871 = vector.shape_cast %reduce_sum3A_870 : vector<1024xf32> to vector<1024x1xf32>
        %le3A_872 = vector.broadcast %broadcast_in_dim3A_838 : vector<1024x1xf32> to vector<1024x64xf32>
        %le3A_873 = arith.cmpf ole, %get3A_814, %le3A_872 : vector<1024x64xf32>
        %convert_element_type3A_874 = arith.extui %le3A_873 : vector<1024x64xi1> to vector<1024x64xi32>
        %convert_element_type3A_875 = arith.sitofp %convert_element_type3A_874 : vector<1024x64xi32> to vector<1024x64xf32>
        %reduce_sum3A_876 = arith.constant dense<0.000000e+00> : vector<1024xf32>
        %reduce_sum3A_877 = vector.multi_reduction <add>, %convert_element_type3A_875, %reduce_sum3A_876 [1] : vector<1024x64xf32> to vector<1024xf32>
        %broadcast_in_dim3A_878 = vector.shape_cast %reduce_sum3A_877 : vector<1024xf32> to vector<1024x1xf32>
        %add3A_879 = arith.constant 1.000000e+00 : f32
        %add3A_880 = vector.broadcast %add3A_879 : f32 to vector<1024x1xf32>
        %add3A_881 = arith.addf %broadcast_in_dim3A_878, %add3A_880 : vector<1024x1xf32>
        %roll3A = arith.constant 1 : i32
        %roll3A_882 = tpu.dynamic_rotate %get3A_814 by %roll3A dim 1 : vector<1024x64xf32>, i32 -> vector<1024x64xf32>
        %roll3A_883 = arith.constant 2 : i32
        %roll3A_884 = tpu.dynamic_rotate %get3A_814 by %roll3A_883 dim 1 : vector<1024x64xf32>, i32 -> vector<1024x64xf32>
        %roll3A_885 = arith.constant 1 : i32
        %roll3A_886 = tpu.dynamic_rotate %get3A_817 by %roll3A_885 dim 1 : vector<1024x64xf32>, i32 -> vector<1024x64xf32>
        %roll3A_887 = arith.constant 2 : i32
        %roll3A_888 = tpu.dynamic_rotate %get3A_817 by %roll3A_887 dim 1 : vector<1024x64xf32>, i32 -> vector<1024x64xf32>
        %lt3A_889 = vector.broadcast %convert_element_type3A_28 : vector<1x64xf32> to vector<1024x64xf32>
        %lt3A_890 = vector.broadcast %broadcast_in_dim3A_871 : vector<1024x1xf32> to vector<1024x64xf32>
        %lt3A_891 = arith.cmpf olt, %lt3A_889, %lt3A_890 : vector<1024x64xf32>
        %eq3A_892 = vector.broadcast %convert_element_type3A_28 : vector<1x64xf32> to vector<1024x64xf32>
        %eq3A_893 = vector.broadcast %broadcast_in_dim3A_871 : vector<1024x1xf32> to vector<1024x64xf32>
        %eq3A_894 = arith.cmpf oeq, %eq3A_892, %eq3A_893 : vector<1024x64xf32>
        %lt3A_895 = vector.broadcast %convert_element_type3A_28 : vector<1x64xf32> to vector<1024x64xf32>
        %lt3A_896 = vector.broadcast %add3A_881 : vector<1024x1xf32> to vector<1024x64xf32>
        %lt3A_897 = arith.cmpf olt, %lt3A_895, %lt3A_896 : vector<1024x64xf32>
        %eq3A_898 = vector.broadcast %convert_element_type3A_28 : vector<1x64xf32> to vector<1024x64xf32>
        %eq3A_899 = vector.broadcast %add3A_881 : vector<1024x1xf32> to vector<1024x64xf32>
        %eq3A_900 = arith.cmpf oeq, %eq3A_898, %eq3A_899 : vector<1024x64xf32>
        %broadcast_in_dim3A_901 = vector.shape_cast %broadcast_in_dim3A_838 : vector<1024x1xf32> to vector<1024x1xf32>
        %broadcast_in_dim3A_902 = vector.broadcast %broadcast_in_dim3A_901 : vector<1024x1xf32> to vector<1024x64xf32>
        %select_n3A_903 = arith.select %eq3A_900, %broadcast_in_dim3A_902, %roll3A_884 : vector<1024x64xi1>, vector<1024x64xf32>
        %select_n3A_904 = arith.select %lt3A_897, %roll3A_882, %select_n3A_903 : vector<1024x64xi1>, vector<1024x64xf32>
        %broadcast_in_dim3A_905 = vector.shape_cast %broadcast_in_dim3A_819 : vector<1024x1xf32> to vector<1024x1xf32>
        %broadcast_in_dim3A_906 = vector.broadcast %broadcast_in_dim3A_905 : vector<1024x1xf32> to vector<1024x64xf32>
        %select_n3A_907 = arith.select %eq3A_894, %broadcast_in_dim3A_906, %select_n3A_904 : vector<1024x64xi1>, vector<1024x64xf32>
        %select_n3A_908 = arith.select %lt3A_891, %get3A_814, %select_n3A_907 : vector<1024x64xi1>, vector<1024x64xf32>
        %lt3A_909 = vector.broadcast %convert_element_type3A_28 : vector<1x64xf32> to vector<1024x64xf32>
        %lt3A_910 = vector.broadcast %broadcast_in_dim3A_871 : vector<1024x1xf32> to vector<1024x64xf32>
        %lt3A_911 = arith.cmpf olt, %lt3A_909, %lt3A_910 : vector<1024x64xf32>
        %eq3A_912 = vector.broadcast %convert_element_type3A_28 : vector<1x64xf32> to vector<1024x64xf32>
        %eq3A_913 = vector.broadcast %broadcast_in_dim3A_871 : vector<1024x1xf32> to vector<1024x64xf32>
        %eq3A_914 = arith.cmpf oeq, %eq3A_912, %eq3A_913 : vector<1024x64xf32>
        %lt3A_915 = vector.broadcast %convert_element_type3A_28 : vector<1x64xf32> to vector<1024x64xf32>
        %lt3A_916 = vector.broadcast %add3A_881 : vector<1024x1xf32> to vector<1024x64xf32>
        %lt3A_917 = arith.cmpf olt, %lt3A_915, %lt3A_916 : vector<1024x64xf32>
        %eq3A_918 = vector.broadcast %convert_element_type3A_28 : vector<1x64xf32> to vector<1024x64xf32>
        %eq3A_919 = vector.broadcast %add3A_881 : vector<1024x1xf32> to vector<1024x64xf32>
        %eq3A_920 = arith.cmpf oeq, %eq3A_918, %eq3A_919 : vector<1024x64xf32>
        %broadcast_in_dim3A_921 = vector.shape_cast %add3A_865 : vector<1024x1xf32> to vector<1024x1xf32>
        %broadcast_in_dim3A_922 = vector.broadcast %broadcast_in_dim3A_921 : vector<1024x1xf32> to vector<1024x64xf32>
        %select_n3A_923 = arith.select %eq3A_920, %broadcast_in_dim3A_922, %roll3A_888 : vector<1024x64xi1>, vector<1024x64xf32>
        %select_n3A_924 = arith.select %lt3A_917, %roll3A_886, %select_n3A_923 : vector<1024x64xi1>, vector<1024x64xf32>
        %broadcast_in_dim3A_925 = vector.shape_cast %add3A_861 : vector<1024x1xf32> to vector<1024x1xf32>
        %broadcast_in_dim3A_926 = vector.broadcast %broadcast_in_dim3A_925 : vector<1024x1xf32> to vector<1024x64xf32>
        %select_n3A_927 = arith.select %eq3A_914, %broadcast_in_dim3A_926, %select_n3A_924 : vector<1024x64xi1>, vector<1024x64xf32>
        %select_n3A_928 = arith.select %lt3A_911, %get3A_817, %select_n3A_927 : vector<1024x64xi1>, vector<1024x64xf32>
        %swap3A_929 = arith.constant 0 : index
        %swap3A_930 = arith.constant 0 : index
        %swap3A_931 = vector.load %arg7[%swap3A_929, %swap3A_930] : memref<1024x64xf32, #tpu.memory_space<vmem>>, vector<1024x64xf32>
        tpu.vector_store %arg7[%swap3A_929, %swap3A_930], %select_n3A_908 {strides = array<i32>} : memref<1024x64xf32, #tpu.memory_space<vmem>>, vector<1024x64xf32>,
        %swap3A_932 = arith.constant 0 : index
        %swap3A_933 = arith.constant 0 : index
        %swap3A_934 = vector.load %arg8[%swap3A_932, %swap3A_933] : memref<1024x64xf32, #tpu.memory_space<vmem>>, vector<1024x64xf32>
        tpu.vector_store %arg8[%swap3A_932, %swap3A_933], %select_n3A_928 {strides = array<i32>} : memref<1024x64xf32, #tpu.memory_space<vmem>>, vector<1024x64xf32>,
      } else {
      }
      %get3A_608 = arith.constant 0 : index
      %get3A_609 = arith.constant 3072 : index
      %get3A_610 = vector.load %arg9[%get3A_608, %get3A_609] : memref<1024x4096xf32, #tpu.memory_space<vmem>>, vector<1024x128xf32>
      %get3A_611 = arith.constant 0 : index
      %get3A_612 = arith.constant 63 : index
      %get3A_613 = vector.load %arg7[%get3A_611, %get3A_612] : memref<1024x64xf32, #tpu.memory_space<vmem>>, vector<1024x1xf32>
      %lt3A_614 = vector.broadcast %get3A_613 : vector<1024x1xf32> to vector<1024x128xf32>
      %lt3A_615 = arith.cmpf olt, %get3A_610, %lt3A_614 : vector<1024x128xf32>
      %reduce_or3A_616 = arith.constant 1.000000e+00 : f32
      %reduce_or3A_617 = arith.constant 0.000000e+00 : f32
      %reduce_or3A_618 = vector.broadcast %reduce_or3A_616 : f32 to vector<1024x128xf32>
      %reduce_or3A_619 = vector.broadcast %reduce_or3A_617 : f32 to vector<1024x128xf32>
      %reduce_or3A_620 = arith.select %lt3A_615, %reduce_or3A_618, %reduce_or3A_619 : vector<1024x128xi1>, vector<1024x128xf32>
      %reduce_or3A_621 = vector.shape_cast %reduce_or3A_620 : vector<1024x128xf32> to vector<1x1024x128xf32>
      %reduce_or3A_622 = arith.constant dense<0xFF800000> : vector<1xf32>
      %reduce_or3A_623 = vector.multi_reduction <maximumf>, %reduce_or3A_621, %reduce_or3A_622 [1, 2] : vector<1x1024x128xf32> to vector<1xf32>
      %reduce_or3A_624 = vector.shape_cast %reduce_or3A_623 : vector<1xf32> to vector<1x1x1xf32>
      %reduce_or3A_625 = vector.extract %reduce_or3A_624[0, 0, 0] : f32 from vector<1x1x1xf32>
      %reduce_or3A_626 = arith.constant 0.000000e+00 : f32
      %reduce_or3A_627 = arith.cmpf ogt, %reduce_or3A_625, %reduce_or3A_626 : f32
      %convert_element_type3A_628 = arith.extui %reduce_or3A_627 : i1 to i32
      %cond3A_629 = arith.constant 0 : i32
      %cond3A_630 = arith.cmpi ne, %convert_element_type3A_628, %cond3A_629 : i32
      scf.if %cond3A_630 {
        %get3A_812 = arith.constant 0 : index
        %get3A_813 = arith.constant 0 : index
        %get3A_814 = vector.load %arg7[%get3A_812, %get3A_813] : memref<1024x64xf32, #tpu.memory_space<vmem>>, vector<1024x64xf32>
        %get3A_815 = arith.constant 0 : index
        %get3A_816 = arith.constant 0 : index
        %get3A_817 = vector.load %arg8[%get3A_815, %get3A_816] : memref<1024x64xf32, #tpu.memory_space<vmem>>, vector<1024x64xf32>
        %reduce_min3A = arith.constant dense<0x7F800000> : vector<1024xf32>
        %reduce_min3A_818 = vector.multi_reduction <minimumf>, %get3A_610, %reduce_min3A [1] : vector<1024x128xf32> to vector<1024xf32>
        %broadcast_in_dim3A_819 = vector.shape_cast %reduce_min3A_818 : vector<1024xf32> to vector<1024x1xf32>
        %eq3A_820 = vector.broadcast %broadcast_in_dim3A_819 : vector<1024x1xf32> to vector<1024x128xf32>
        %eq3A_821 = arith.cmpf oeq, %get3A_610, %eq3A_820 : vector<1024x128xf32>
        %jit3A_822 = arith.constant 1.000000e+04 : f32
        %broadcast_in_dim3A_823 = vector.shape_cast %convert_element_type3A_30 : vector<1x128xf32> to vector<1x128xf32>
        %broadcast_in_dim3A_824 = vector.broadcast %broadcast_in_dim3A_823 : vector<1x128xf32> to vector<1024x128xf32>
        %broadcast_in_dim3A_825 = vector.broadcast %jit3A_822 : f32 to vector<1024x128xf32>
        %select_n3A_826 = arith.select %eq3A_821, %broadcast_in_dim3A_824, %broadcast_in_dim3A_825 : vector<1024x128xi1>, vector<1024x128xf32>
        %reduce_min3A_827 = arith.constant dense<0x7F800000> : vector<1024xf32>
        %reduce_min3A_828 = vector.multi_reduction <minimumf>, %select_n3A_826, %reduce_min3A_827 [1] : vector<1024x128xf32> to vector<1024xf32>
        %broadcast_in_dim3A_829 = vector.shape_cast %reduce_min3A_828 : vector<1024xf32> to vector<1024x1xf32>
        %eq3A_830 = vector.broadcast %convert_element_type3A_30 : vector<1x128xf32> to vector<1024x128xf32>
        %eq3A_831 = vector.broadcast %broadcast_in_dim3A_829 : vector<1024x1xf32> to vector<1024x128xf32>
        %eq3A_832 = arith.cmpf oeq, %eq3A_830, %eq3A_831 : vector<1024x128xf32>
        %jit3A_833 = arith.constant 3.000000e+38 : f32
        %broadcast_in_dim3A_834 = vector.broadcast %jit3A_833 : f32 to vector<1024x128xf32>
        %select_n3A_835 = arith.select %eq3A_832, %broadcast_in_dim3A_834, %get3A_610 : vector<1024x128xi1>, vector<1024x128xf32>
        %reduce_min3A_836 = arith.constant dense<0x7F800000> : vector<1024xf32>
        %reduce_min3A_837 = vector.multi_reduction <minimumf>, %select_n3A_835, %reduce_min3A_836 [1] : vector<1024x128xf32> to vector<1024xf32>
        %broadcast_in_dim3A_838 = vector.shape_cast %reduce_min3A_837 : vector<1024xf32> to vector<1024x1xf32>
        %eq3A_839 = vector.broadcast %broadcast_in_dim3A_838 : vector<1024x1xf32> to vector<1024x128xf32>
        %eq3A_840 = arith.cmpf oeq, %select_n3A_835, %eq3A_839 : vector<1024x128xf32>
        %jit3A_841 = arith.constant 1.000000e+04 : f32
        %broadcast_in_dim3A_842 = vector.shape_cast %convert_element_type3A_30 : vector<1x128xf32> to vector<1x128xf32>
        %broadcast_in_dim3A_843 = vector.broadcast %broadcast_in_dim3A_842 : vector<1x128xf32> to vector<1024x128xf32>
        %broadcast_in_dim3A_844 = vector.broadcast %jit3A_841 : f32 to vector<1024x128xf32>
        %select_n3A_845 = arith.select %eq3A_840, %broadcast_in_dim3A_843, %broadcast_in_dim3A_844 : vector<1024x128xi1>, vector<1024x128xf32>
        %reduce_min3A_846 = arith.constant dense<0x7F800000> : vector<1024xf32>
        %reduce_min3A_847 = vector.multi_reduction <minimumf>, %select_n3A_845, %reduce_min3A_846 [1] : vector<1024x128xf32> to vector<1024xf32>
        %broadcast_in_dim3A_848 = vector.shape_cast %reduce_min3A_847 : vector<1024xf32> to vector<1024x1xf32>
        %eq3A_849 = vector.broadcast %convert_element_type3A_30 : vector<1x128xf32> to vector<1024x128xf32>
        %eq3A_850 = vector.broadcast %broadcast_in_dim3A_848 : vector<1024x1xf32> to vector<1024x128xf32>
        %eq3A_851 = arith.cmpf oeq, %eq3A_849, %eq3A_850 : vector<1024x128xf32>
        %jit3A_852 = arith.constant 3.000000e+38 : f32
        %broadcast_in_dim3A_853 = vector.broadcast %jit3A_852 : f32 to vector<1024x128xf32>
        %select_n3A_854 = arith.select %eq3A_851, %broadcast_in_dim3A_853, %select_n3A_835 : vector<1024x128xi1>, vector<1024x128xf32>
        %swap3A_855 = arith.constant 0 : index
        %swap3A_856 = arith.constant 3072 : index
        %swap3A_857 = vector.load %arg9[%swap3A_855, %swap3A_856] : memref<1024x4096xf32, #tpu.memory_space<vmem>>, vector<1024x128xf32>
        tpu.vector_store %arg9[%swap3A_855, %swap3A_856], %select_n3A_854 {strides = array<i32>} : memref<1024x4096xf32, #tpu.memory_space<vmem>>, vector<1024x128xf32>,
        %add3A_858 = arith.constant 3.072000e+03 : f32
        %add3A_859 = arith.addf %convert_element_type3A_33, %add3A_858 : f32
        %add3A_860 = vector.broadcast %add3A_859 : f32 to vector<1024x1xf32>
        %add3A_861 = arith.addf %add3A_860, %broadcast_in_dim3A_829 : vector<1024x1xf32>
        %add3A_862 = arith.constant 3.072000e+03 : f32
        %add3A_863 = arith.addf %convert_element_type3A_33, %add3A_862 : f32
        %add3A_864 = vector.broadcast %add3A_863 : f32 to vector<1024x1xf32>
        %add3A_865 = arith.addf %add3A_864, %broadcast_in_dim3A_848 : vector<1024x1xf32>
        %le3A = vector.broadcast %broadcast_in_dim3A_819 : vector<1024x1xf32> to vector<1024x64xf32>
        %le3A_866 = arith.cmpf ole, %get3A_814, %le3A : vector<1024x64xf32>
        %convert_element_type3A_867 = arith.extui %le3A_866 : vector<1024x64xi1> to vector<1024x64xi32>
        %convert_element_type3A_868 = arith.sitofp %convert_element_type3A_867 : vector<1024x64xi32> to vector<1024x64xf32>
        %reduce_sum3A_869 = arith.constant dense<0.000000e+00> : vector<1024xf32>
        %reduce_sum3A_870 = vector.multi_reduction <add>, %convert_element_type3A_868, %reduce_sum3A_869 [1] : vector<1024x64xf32> to vector<1024xf32>
        %broadcast_in_dim3A_871 = vector.shape_cast %reduce_sum3A_870 : vector<1024xf32> to vector<1024x1xf32>
        %le3A_872 = vector.broadcast %broadcast_in_dim3A_838 : vector<1024x1xf32> to vector<1024x64xf32>
        %le3A_873 = arith.cmpf ole, %get3A_814, %le3A_872 : vector<1024x64xf32>
        %convert_element_type3A_874 = arith.extui %le3A_873 : vector<1024x64xi1> to vector<1024x64xi32>
        %convert_element_type3A_875 = arith.sitofp %convert_element_type3A_874 : vector<1024x64xi32> to vector<1024x64xf32>
        %reduce_sum3A_876 = arith.constant dense<0.000000e+00> : vector<1024xf32>
        %reduce_sum3A_877 = vector.multi_reduction <add>, %convert_element_type3A_875, %reduce_sum3A_876 [1] : vector<1024x64xf32> to vector<1024xf32>
        %broadcast_in_dim3A_878 = vector.shape_cast %reduce_sum3A_877 : vector<1024xf32> to vector<1024x1xf32>
        %add3A_879 = arith.constant 1.000000e+00 : f32
        %add3A_880 = vector.broadcast %add3A_879 : f32 to vector<1024x1xf32>
        %add3A_881 = arith.addf %broadcast_in_dim3A_878, %add3A_880 : vector<1024x1xf32>
        %roll3A = arith.constant 1 : i32
        %roll3A_882 = tpu.dynamic_rotate %get3A_814 by %roll3A dim 1 : vector<1024x64xf32>, i32 -> vector<1024x64xf32>
        %roll3A_883 = arith.constant 2 : i32
        %roll3A_884 = tpu.dynamic_rotate %get3A_814 by %roll3A_883 dim 1 : vector<1024x64xf32>, i32 -> vector<1024x64xf32>
        %roll3A_885 = arith.constant 1 : i32
        %roll3A_886 = tpu.dynamic_rotate %get3A_817 by %roll3A_885 dim 1 : vector<1024x64xf32>, i32 -> vector<1024x64xf32>
        %roll3A_887 = arith.constant 2 : i32
        %roll3A_888 = tpu.dynamic_rotate %get3A_817 by %roll3A_887 dim 1 : vector<1024x64xf32>, i32 -> vector<1024x64xf32>
        %lt3A_889 = vector.broadcast %convert_element_type3A_28 : vector<1x64xf32> to vector<1024x64xf32>
        %lt3A_890 = vector.broadcast %broadcast_in_dim3A_871 : vector<1024x1xf32> to vector<1024x64xf32>
        %lt3A_891 = arith.cmpf olt, %lt3A_889, %lt3A_890 : vector<1024x64xf32>
        %eq3A_892 = vector.broadcast %convert_element_type3A_28 : vector<1x64xf32> to vector<1024x64xf32>
        %eq3A_893 = vector.broadcast %broadcast_in_dim3A_871 : vector<1024x1xf32> to vector<1024x64xf32>
        %eq3A_894 = arith.cmpf oeq, %eq3A_892, %eq3A_893 : vector<1024x64xf32>
        %lt3A_895 = vector.broadcast %convert_element_type3A_28 : vector<1x64xf32> to vector<1024x64xf32>
        %lt3A_896 = vector.broadcast %add3A_881 : vector<1024x1xf32> to vector<1024x64xf32>
        %lt3A_897 = arith.cmpf olt, %lt3A_895, %lt3A_896 : vector<1024x64xf32>
        %eq3A_898 = vector.broadcast %convert_element_type3A_28 : vector<1x64xf32> to vector<1024x64xf32>
        %eq3A_899 = vector.broadcast %add3A_881 : vector<1024x1xf32> to vector<1024x64xf32>
        %eq3A_900 = arith.cmpf oeq, %eq3A_898, %eq3A_899 : vector<1024x64xf32>
        %broadcast_in_dim3A_901 = vector.shape_cast %broadcast_in_dim3A_838 : vector<1024x1xf32> to vector<1024x1xf32>
        %broadcast_in_dim3A_902 = vector.broadcast %broadcast_in_dim3A_901 : vector<1024x1xf32> to vector<1024x64xf32>
        %select_n3A_903 = arith.select %eq3A_900, %broadcast_in_dim3A_902, %roll3A_884 : vector<1024x64xi1>, vector<1024x64xf32>
        %select_n3A_904 = arith.select %lt3A_897, %roll3A_882, %select_n3A_903 : vector<1024x64xi1>, vector<1024x64xf32>
        %broadcast_in_dim3A_905 = vector.shape_cast %broadcast_in_dim3A_819 : vector<1024x1xf32> to vector<1024x1xf32>
        %broadcast_in_dim3A_906 = vector.broadcast %broadcast_in_dim3A_905 : vector<1024x1xf32> to vector<1024x64xf32>
        %select_n3A_907 = arith.select %eq3A_894, %broadcast_in_dim3A_906, %select_n3A_904 : vector<1024x64xi1>, vector<1024x64xf32>
        %select_n3A_908 = arith.select %lt3A_891, %get3A_814, %select_n3A_907 : vector<1024x64xi1>, vector<1024x64xf32>
        %lt3A_909 = vector.broadcast %convert_element_type3A_28 : vector<1x64xf32> to vector<1024x64xf32>
        %lt3A_910 = vector.broadcast %broadcast_in_dim3A_871 : vector<1024x1xf32> to vector<1024x64xf32>
        %lt3A_911 = arith.cmpf olt, %lt3A_909, %lt3A_910 : vector<1024x64xf32>
        %eq3A_912 = vector.broadcast %convert_element_type3A_28 : vector<1x64xf32> to vector<1024x64xf32>
        %eq3A_913 = vector.broadcast %broadcast_in_dim3A_871 : vector<1024x1xf32> to vector<1024x64xf32>
        %eq3A_914 = arith.cmpf oeq, %eq3A_912, %eq3A_913 : vector<1024x64xf32>
        %lt3A_915 = vector.broadcast %convert_element_type3A_28 : vector<1x64xf32> to vector<1024x64xf32>
        %lt3A_916 = vector.broadcast %add3A_881 : vector<1024x1xf32> to vector<1024x64xf32>
        %lt3A_917 = arith.cmpf olt, %lt3A_915, %lt3A_916 : vector<1024x64xf32>
        %eq3A_918 = vector.broadcast %convert_element_type3A_28 : vector<1x64xf32> to vector<1024x64xf32>
        %eq3A_919 = vector.broadcast %add3A_881 : vector<1024x1xf32> to vector<1024x64xf32>
        %eq3A_920 = arith.cmpf oeq, %eq3A_918, %eq3A_919 : vector<1024x64xf32>
        %broadcast_in_dim3A_921 = vector.shape_cast %add3A_865 : vector<1024x1xf32> to vector<1024x1xf32>
        %broadcast_in_dim3A_922 = vector.broadcast %broadcast_in_dim3A_921 : vector<1024x1xf32> to vector<1024x64xf32>
        %select_n3A_923 = arith.select %eq3A_920, %broadcast_in_dim3A_922, %roll3A_888 : vector<1024x64xi1>, vector<1024x64xf32>
        %select_n3A_924 = arith.select %lt3A_917, %roll3A_886, %select_n3A_923 : vector<1024x64xi1>, vector<1024x64xf32>
        %broadcast_in_dim3A_925 = vector.shape_cast %add3A_861 : vector<1024x1xf32> to vector<1024x1xf32>
        %broadcast_in_dim3A_926 = vector.broadcast %broadcast_in_dim3A_925 : vector<1024x1xf32> to vector<1024x64xf32>
        %select_n3A_927 = arith.select %eq3A_914, %broadcast_in_dim3A_926, %select_n3A_924 : vector<1024x64xi1>, vector<1024x64xf32>
        %select_n3A_928 = arith.select %lt3A_911, %get3A_817, %select_n3A_927 : vector<1024x64xi1>, vector<1024x64xf32>
        %swap3A_929 = arith.constant 0 : index
        %swap3A_930 = arith.constant 0 : index
        %swap3A_931 = vector.load %arg7[%swap3A_929, %swap3A_930] : memref<1024x64xf32, #tpu.memory_space<vmem>>, vector<1024x64xf32>
        tpu.vector_store %arg7[%swap3A_929, %swap3A_930], %select_n3A_908 {strides = array<i32>} : memref<1024x64xf32, #tpu.memory_space<vmem>>, vector<1024x64xf32>,
        %swap3A_932 = arith.constant 0 : index
        %swap3A_933 = arith.constant 0 : index
        %swap3A_934 = vector.load %arg8[%swap3A_932, %swap3A_933] : memref<1024x64xf32, #tpu.memory_space<vmem>>, vector<1024x64xf32>
        tpu.vector_store %arg8[%swap3A_932, %swap3A_933], %select_n3A_928 {strides = array<i32>} : memref<1024x64xf32, #tpu.memory_space<vmem>>, vector<1024x64xf32>,
      } else {
      }
      %get3A_631 = arith.constant 0 : index
      %get3A_632 = arith.constant 3200 : index
      %get3A_633 = vector.load %arg9[%get3A_631, %get3A_632] : memref<1024x4096xf32, #tpu.memory_space<vmem>>, vector<1024x128xf32>
      %get3A_634 = arith.constant 0 : index
      %get3A_635 = arith.constant 63 : index
      %get3A_636 = vector.load %arg7[%get3A_634, %get3A_635] : memref<1024x64xf32, #tpu.memory_space<vmem>>, vector<1024x1xf32>
      %lt3A_637 = vector.broadcast %get3A_636 : vector<1024x1xf32> to vector<1024x128xf32>
      %lt3A_638 = arith.cmpf olt, %get3A_633, %lt3A_637 : vector<1024x128xf32>
      %reduce_or3A_639 = arith.constant 1.000000e+00 : f32
      %reduce_or3A_640 = arith.constant 0.000000e+00 : f32
      %reduce_or3A_641 = vector.broadcast %reduce_or3A_639 : f32 to vector<1024x128xf32>
      %reduce_or3A_642 = vector.broadcast %reduce_or3A_640 : f32 to vector<1024x128xf32>
      %reduce_or3A_643 = arith.select %lt3A_638, %reduce_or3A_641, %reduce_or3A_642 : vector<1024x128xi1>, vector<1024x128xf32>
      %reduce_or3A_644 = vector.shape_cast %reduce_or3A_643 : vector<1024x128xf32> to vector<1x1024x128xf32>
      %reduce_or3A_645 = arith.constant dense<0xFF800000> : vector<1xf32>
      %reduce_or3A_646 = vector.multi_reduction <maximumf>, %reduce_or3A_644, %reduce_or3A_645 [1, 2] : vector<1x1024x128xf32> to vector<1xf32>
      %reduce_or3A_647 = vector.shape_cast %reduce_or3A_646 : vector<1xf32> to vector<1x1x1xf32>
      %reduce_or3A_648 = vector.extract %reduce_or3A_647[0, 0, 0] : f32 from vector<1x1x1xf32>
      %reduce_or3A_649 = arith.constant 0.000000e+00 : f32
      %reduce_or3A_650 = arith.cmpf ogt, %reduce_or3A_648, %reduce_or3A_649 : f32
      %convert_element_type3A_651 = arith.extui %reduce_or3A_650 : i1 to i32
      %cond3A_652 = arith.constant 0 : i32
      %cond3A_653 = arith.cmpi ne, %convert_element_type3A_651, %cond3A_652 : i32
      scf.if %cond3A_653 {
        %get3A_812 = arith.constant 0 : index
        %get3A_813 = arith.constant 0 : index
        %get3A_814 = vector.load %arg7[%get3A_812, %get3A_813] : memref<1024x64xf32, #tpu.memory_space<vmem>>, vector<1024x64xf32>
        %get3A_815 = arith.constant 0 : index
        %get3A_816 = arith.constant 0 : index
        %get3A_817 = vector.load %arg8[%get3A_815, %get3A_816] : memref<1024x64xf32, #tpu.memory_space<vmem>>, vector<1024x64xf32>
        %reduce_min3A = arith.constant dense<0x7F800000> : vector<1024xf32>
        %reduce_min3A_818 = vector.multi_reduction <minimumf>, %get3A_633, %reduce_min3A [1] : vector<1024x128xf32> to vector<1024xf32>
        %broadcast_in_dim3A_819 = vector.shape_cast %reduce_min3A_818 : vector<1024xf32> to vector<1024x1xf32>
        %eq3A_820 = vector.broadcast %broadcast_in_dim3A_819 : vector<1024x1xf32> to vector<1024x128xf32>
        %eq3A_821 = arith.cmpf oeq, %get3A_633, %eq3A_820 : vector<1024x128xf32>
        %jit3A_822 = arith.constant 1.000000e+04 : f32
        %broadcast_in_dim3A_823 = vector.shape_cast %convert_element_type3A_30 : vector<1x128xf32> to vector<1x128xf32>
        %broadcast_in_dim3A_824 = vector.broadcast %broadcast_in_dim3A_823 : vector<1x128xf32> to vector<1024x128xf32>
        %broadcast_in_dim3A_825 = vector.broadcast %jit3A_822 : f32 to vector<1024x128xf32>
        %select_n3A_826 = arith.select %eq3A_821, %broadcast_in_dim3A_824, %broadcast_in_dim3A_825 : vector<1024x128xi1>, vector<1024x128xf32>
        %reduce_min3A_827 = arith.constant dense<0x7F800000> : vector<1024xf32>
        %reduce_min3A_828 = vector.multi_reduction <minimumf>, %select_n3A_826, %reduce_min3A_827 [1] : vector<1024x128xf32> to vector<1024xf32>
        %broadcast_in_dim3A_829 = vector.shape_cast %reduce_min3A_828 : vector<1024xf32> to vector<1024x1xf32>
        %eq3A_830 = vector.broadcast %convert_element_type3A_30 : vector<1x128xf32> to vector<1024x128xf32>
        %eq3A_831 = vector.broadcast %broadcast_in_dim3A_829 : vector<1024x1xf32> to vector<1024x128xf32>
        %eq3A_832 = arith.cmpf oeq, %eq3A_830, %eq3A_831 : vector<1024x128xf32>
        %jit3A_833 = arith.constant 3.000000e+38 : f32
        %broadcast_in_dim3A_834 = vector.broadcast %jit3A_833 : f32 to vector<1024x128xf32>
        %select_n3A_835 = arith.select %eq3A_832, %broadcast_in_dim3A_834, %get3A_633 : vector<1024x128xi1>, vector<1024x128xf32>
        %reduce_min3A_836 = arith.constant dense<0x7F800000> : vector<1024xf32>
        %reduce_min3A_837 = vector.multi_reduction <minimumf>, %select_n3A_835, %reduce_min3A_836 [1] : vector<1024x128xf32> to vector<1024xf32>
        %broadcast_in_dim3A_838 = vector.shape_cast %reduce_min3A_837 : vector<1024xf32> to vector<1024x1xf32>
        %eq3A_839 = vector.broadcast %broadcast_in_dim3A_838 : vector<1024x1xf32> to vector<1024x128xf32>
        %eq3A_840 = arith.cmpf oeq, %select_n3A_835, %eq3A_839 : vector<1024x128xf32>
        %jit3A_841 = arith.constant 1.000000e+04 : f32
        %broadcast_in_dim3A_842 = vector.shape_cast %convert_element_type3A_30 : vector<1x128xf32> to vector<1x128xf32>
        %broadcast_in_dim3A_843 = vector.broadcast %broadcast_in_dim3A_842 : vector<1x128xf32> to vector<1024x128xf32>
        %broadcast_in_dim3A_844 = vector.broadcast %jit3A_841 : f32 to vector<1024x128xf32>
        %select_n3A_845 = arith.select %eq3A_840, %broadcast_in_dim3A_843, %broadcast_in_dim3A_844 : vector<1024x128xi1>, vector<1024x128xf32>
        %reduce_min3A_846 = arith.constant dense<0x7F800000> : vector<1024xf32>
        %reduce_min3A_847 = vector.multi_reduction <minimumf>, %select_n3A_845, %reduce_min3A_846 [1] : vector<1024x128xf32> to vector<1024xf32>
        %broadcast_in_dim3A_848 = vector.shape_cast %reduce_min3A_847 : vector<1024xf32> to vector<1024x1xf32>
        %eq3A_849 = vector.broadcast %convert_element_type3A_30 : vector<1x128xf32> to vector<1024x128xf32>
        %eq3A_850 = vector.broadcast %broadcast_in_dim3A_848 : vector<1024x1xf32> to vector<1024x128xf32>
        %eq3A_851 = arith.cmpf oeq, %eq3A_849, %eq3A_850 : vector<1024x128xf32>
        %jit3A_852 = arith.constant 3.000000e+38 : f32
        %broadcast_in_dim3A_853 = vector.broadcast %jit3A_852 : f32 to vector<1024x128xf32>
        %select_n3A_854 = arith.select %eq3A_851, %broadcast_in_dim3A_853, %select_n3A_835 : vector<1024x128xi1>, vector<1024x128xf32>
        %swap3A_855 = arith.constant 0 : index
        %swap3A_856 = arith.constant 3200 : index
        %swap3A_857 = vector.load %arg9[%swap3A_855, %swap3A_856] : memref<1024x4096xf32, #tpu.memory_space<vmem>>, vector<1024x128xf32>
        tpu.vector_store %arg9[%swap3A_855, %swap3A_856], %select_n3A_854 {strides = array<i32>} : memref<1024x4096xf32, #tpu.memory_space<vmem>>, vector<1024x128xf32>,
        %add3A_858 = arith.constant 3.200000e+03 : f32
        %add3A_859 = arith.addf %convert_element_type3A_33, %add3A_858 : f32
        %add3A_860 = vector.broadcast %add3A_859 : f32 to vector<1024x1xf32>
        %add3A_861 = arith.addf %add3A_860, %broadcast_in_dim3A_829 : vector<1024x1xf32>
        %add3A_862 = arith.constant 3.200000e+03 : f32
        %add3A_863 = arith.addf %convert_element_type3A_33, %add3A_862 : f32
        %add3A_864 = vector.broadcast %add3A_863 : f32 to vector<1024x1xf32>
        %add3A_865 = arith.addf %add3A_864, %broadcast_in_dim3A_848 : vector<1024x1xf32>
        %le3A = vector.broadcast %broadcast_in_dim3A_819 : vector<1024x1xf32> to vector<1024x64xf32>
        %le3A_866 = arith.cmpf ole, %get3A_814, %le3A : vector<1024x64xf32>
        %convert_element_type3A_867 = arith.extui %le3A_866 : vector<1024x64xi1> to vector<1024x64xi32>
        %convert_element_type3A_868 = arith.sitofp %convert_element_type3A_867 : vector<1024x64xi32> to vector<1024x64xf32>
        %reduce_sum3A_869 = arith.constant dense<0.000000e+00> : vector<1024xf32>
        %reduce_sum3A_870 = vector.multi_reduction <add>, %convert_element_type3A_868, %reduce_sum3A_869 [1] : vector<1024x64xf32> to vector<1024xf32>
        %broadcast_in_dim3A_871 = vector.shape_cast %reduce_sum3A_870 : vector<1024xf32> to vector<1024x1xf32>
        %le3A_872 = vector.broadcast %broadcast_in_dim3A_838 : vector<1024x1xf32> to vector<1024x64xf32>
        %le3A_873 = arith.cmpf ole, %get3A_814, %le3A_872 : vector<1024x64xf32>
        %convert_element_type3A_874 = arith.extui %le3A_873 : vector<1024x64xi1> to vector<1024x64xi32>
        %convert_element_type3A_875 = arith.sitofp %convert_element_type3A_874 : vector<1024x64xi32> to vector<1024x64xf32>
        %reduce_sum3A_876 = arith.constant dense<0.000000e+00> : vector<1024xf32>
        %reduce_sum3A_877 = vector.multi_reduction <add>, %convert_element_type3A_875, %reduce_sum3A_876 [1] : vector<1024x64xf32> to vector<1024xf32>
        %broadcast_in_dim3A_878 = vector.shape_cast %reduce_sum3A_877 : vector<1024xf32> to vector<1024x1xf32>
        %add3A_879 = arith.constant 1.000000e+00 : f32
        %add3A_880 = vector.broadcast %add3A_879 : f32 to vector<1024x1xf32>
        %add3A_881 = arith.addf %broadcast_in_dim3A_878, %add3A_880 : vector<1024x1xf32>
        %roll3A = arith.constant 1 : i32
        %roll3A_882 = tpu.dynamic_rotate %get3A_814 by %roll3A dim 1 : vector<1024x64xf32>, i32 -> vector<1024x64xf32>
        %roll3A_883 = arith.constant 2 : i32
        %roll3A_884 = tpu.dynamic_rotate %get3A_814 by %roll3A_883 dim 1 : vector<1024x64xf32>, i32 -> vector<1024x64xf32>
        %roll3A_885 = arith.constant 1 : i32
        %roll3A_886 = tpu.dynamic_rotate %get3A_817 by %roll3A_885 dim 1 : vector<1024x64xf32>, i32 -> vector<1024x64xf32>
        %roll3A_887 = arith.constant 2 : i32
        %roll3A_888 = tpu.dynamic_rotate %get3A_817 by %roll3A_887 dim 1 : vector<1024x64xf32>, i32 -> vector<1024x64xf32>
        %lt3A_889 = vector.broadcast %convert_element_type3A_28 : vector<1x64xf32> to vector<1024x64xf32>
        %lt3A_890 = vector.broadcast %broadcast_in_dim3A_871 : vector<1024x1xf32> to vector<1024x64xf32>
        %lt3A_891 = arith.cmpf olt, %lt3A_889, %lt3A_890 : vector<1024x64xf32>
        %eq3A_892 = vector.broadcast %convert_element_type3A_28 : vector<1x64xf32> to vector<1024x64xf32>
        %eq3A_893 = vector.broadcast %broadcast_in_dim3A_871 : vector<1024x1xf32> to vector<1024x64xf32>
        %eq3A_894 = arith.cmpf oeq, %eq3A_892, %eq3A_893 : vector<1024x64xf32>
        %lt3A_895 = vector.broadcast %convert_element_type3A_28 : vector<1x64xf32> to vector<1024x64xf32>
        %lt3A_896 = vector.broadcast %add3A_881 : vector<1024x1xf32> to vector<1024x64xf32>
        %lt3A_897 = arith.cmpf olt, %lt3A_895, %lt3A_896 : vector<1024x64xf32>
        %eq3A_898 = vector.broadcast %convert_element_type3A_28 : vector<1x64xf32> to vector<1024x64xf32>
        %eq3A_899 = vector.broadcast %add3A_881 : vector<1024x1xf32> to vector<1024x64xf32>
        %eq3A_900 = arith.cmpf oeq, %eq3A_898, %eq3A_899 : vector<1024x64xf32>
        %broadcast_in_dim3A_901 = vector.shape_cast %broadcast_in_dim3A_838 : vector<1024x1xf32> to vector<1024x1xf32>
        %broadcast_in_dim3A_902 = vector.broadcast %broadcast_in_dim3A_901 : vector<1024x1xf32> to vector<1024x64xf32>
        %select_n3A_903 = arith.select %eq3A_900, %broadcast_in_dim3A_902, %roll3A_884 : vector<1024x64xi1>, vector<1024x64xf32>
        %select_n3A_904 = arith.select %lt3A_897, %roll3A_882, %select_n3A_903 : vector<1024x64xi1>, vector<1024x64xf32>
        %broadcast_in_dim3A_905 = vector.shape_cast %broadcast_in_dim3A_819 : vector<1024x1xf32> to vector<1024x1xf32>
        %broadcast_in_dim3A_906 = vector.broadcast %broadcast_in_dim3A_905 : vector<1024x1xf32> to vector<1024x64xf32>
        %select_n3A_907 = arith.select %eq3A_894, %broadcast_in_dim3A_906, %select_n3A_904 : vector<1024x64xi1>, vector<1024x64xf32>
        %select_n3A_908 = arith.select %lt3A_891, %get3A_814, %select_n3A_907 : vector<1024x64xi1>, vector<1024x64xf32>
        %lt3A_909 = vector.broadcast %convert_element_type3A_28 : vector<1x64xf32> to vector<1024x64xf32>
        %lt3A_910 = vector.broadcast %broadcast_in_dim3A_871 : vector<1024x1xf32> to vector<1024x64xf32>
        %lt3A_911 = arith.cmpf olt, %lt3A_909, %lt3A_910 : vector<1024x64xf32>
        %eq3A_912 = vector.broadcast %convert_element_type3A_28 : vector<1x64xf32> to vector<1024x64xf32>
        %eq3A_913 = vector.broadcast %broadcast_in_dim3A_871 : vector<1024x1xf32> to vector<1024x64xf32>
        %eq3A_914 = arith.cmpf oeq, %eq3A_912, %eq3A_913 : vector<1024x64xf32>
        %lt3A_915 = vector.broadcast %convert_element_type3A_28 : vector<1x64xf32> to vector<1024x64xf32>
        %lt3A_916 = vector.broadcast %add3A_881 : vector<1024x1xf32> to vector<1024x64xf32>
        %lt3A_917 = arith.cmpf olt, %lt3A_915, %lt3A_916 : vector<1024x64xf32>
        %eq3A_918 = vector.broadcast %convert_element_type3A_28 : vector<1x64xf32> to vector<1024x64xf32>
        %eq3A_919 = vector.broadcast %add3A_881 : vector<1024x1xf32> to vector<1024x64xf32>
        %eq3A_920 = arith.cmpf oeq, %eq3A_918, %eq3A_919 : vector<1024x64xf32>
        %broadcast_in_dim3A_921 = vector.shape_cast %add3A_865 : vector<1024x1xf32> to vector<1024x1xf32>
        %broadcast_in_dim3A_922 = vector.broadcast %broadcast_in_dim3A_921 : vector<1024x1xf32> to vector<1024x64xf32>
        %select_n3A_923 = arith.select %eq3A_920, %broadcast_in_dim3A_922, %roll3A_888 : vector<1024x64xi1>, vector<1024x64xf32>
        %select_n3A_924 = arith.select %lt3A_917, %roll3A_886, %select_n3A_923 : vector<1024x64xi1>, vector<1024x64xf32>
        %broadcast_in_dim3A_925 = vector.shape_cast %add3A_861 : vector<1024x1xf32> to vector<1024x1xf32>
        %broadcast_in_dim3A_926 = vector.broadcast %broadcast_in_dim3A_925 : vector<1024x1xf32> to vector<1024x64xf32>
        %select_n3A_927 = arith.select %eq3A_914, %broadcast_in_dim3A_926, %select_n3A_924 : vector<1024x64xi1>, vector<1024x64xf32>
        %select_n3A_928 = arith.select %lt3A_911, %get3A_817, %select_n3A_927 : vector<1024x64xi1>, vector<1024x64xf32>
        %swap3A_929 = arith.constant 0 : index
        %swap3A_930 = arith.constant 0 : index
        %swap3A_931 = vector.load %arg7[%swap3A_929, %swap3A_930] : memref<1024x64xf32, #tpu.memory_space<vmem>>, vector<1024x64xf32>
        tpu.vector_store %arg7[%swap3A_929, %swap3A_930], %select_n3A_908 {strides = array<i32>} : memref<1024x64xf32, #tpu.memory_space<vmem>>, vector<1024x64xf32>,
        %swap3A_932 = arith.constant 0 : index
        %swap3A_933 = arith.constant 0 : index
        %swap3A_934 = vector.load %arg8[%swap3A_932, %swap3A_933] : memref<1024x64xf32, #tpu.memory_space<vmem>>, vector<1024x64xf32>
        tpu.vector_store %arg8[%swap3A_932, %swap3A_933], %select_n3A_928 {strides = array<i32>} : memref<1024x64xf32, #tpu.memory_space<vmem>>, vector<1024x64xf32>,
      } else {
      }
      %get3A_654 = arith.constant 0 : index
      %get3A_655 = arith.constant 3328 : index
      %get3A_656 = vector.load %arg9[%get3A_654, %get3A_655] : memref<1024x4096xf32, #tpu.memory_space<vmem>>, vector<1024x128xf32>
      %get3A_657 = arith.constant 0 : index
      %get3A_658 = arith.constant 63 : index
      %get3A_659 = vector.load %arg7[%get3A_657, %get3A_658] : memref<1024x64xf32, #tpu.memory_space<vmem>>, vector<1024x1xf32>
      %lt3A_660 = vector.broadcast %get3A_659 : vector<1024x1xf32> to vector<1024x128xf32>
      %lt3A_661 = arith.cmpf olt, %get3A_656, %lt3A_660 : vector<1024x128xf32>
      %reduce_or3A_662 = arith.constant 1.000000e+00 : f32
      %reduce_or3A_663 = arith.constant 0.000000e+00 : f32
      %reduce_or3A_664 = vector.broadcast %reduce_or3A_662 : f32 to vector<1024x128xf32>
      %reduce_or3A_665 = vector.broadcast %reduce_or3A_663 : f32 to vector<1024x128xf32>
      %reduce_or3A_666 = arith.select %lt3A_661, %reduce_or3A_664, %reduce_or3A_665 : vector<1024x128xi1>, vector<1024x128xf32>
      %reduce_or3A_667 = vector.shape_cast %reduce_or3A_666 : vector<1024x128xf32> to vector<1x1024x128xf32>
      %reduce_or3A_668 = arith.constant dense<0xFF800000> : vector<1xf32>
      %reduce_or3A_669 = vector.multi_reduction <maximumf>, %reduce_or3A_667, %reduce_or3A_668 [1, 2] : vector<1x1024x128xf32> to vector<1xf32>
      %reduce_or3A_670 = vector.shape_cast %reduce_or3A_669 : vector<1xf32> to vector<1x1x1xf32>
      %reduce_or3A_671 = vector.extract %reduce_or3A_670[0, 0, 0] : f32 from vector<1x1x1xf32>
      %reduce_or3A_672 = arith.constant 0.000000e+00 : f32
      %reduce_or3A_673 = arith.cmpf ogt, %reduce_or3A_671, %reduce_or3A_672 : f32
      %convert_element_type3A_674 = arith.extui %reduce_or3A_673 : i1 to i32
      %cond3A_675 = arith.constant 0 : i32
      %cond3A_676 = arith.cmpi ne, %convert_element_type3A_674, %cond3A_675 : i32
      scf.if %cond3A_676 {
        %get3A_812 = arith.constant 0 : index
        %get3A_813 = arith.constant 0 : index
        %get3A_814 = vector.load %arg7[%get3A_812, %get3A_813] : memref<1024x64xf32, #tpu.memory_space<vmem>>, vector<1024x64xf32>
        %get3A_815 = arith.constant 0 : index
        %get3A_816 = arith.constant 0 : index
        %get3A_817 = vector.load %arg8[%get3A_815, %get3A_816] : memref<1024x64xf32, #tpu.memory_space<vmem>>, vector<1024x64xf32>
        %reduce_min3A = arith.constant dense<0x7F800000> : vector<1024xf32>
        %reduce_min3A_818 = vector.multi_reduction <minimumf>, %get3A_656, %reduce_min3A [1] : vector<1024x128xf32> to vector<1024xf32>
        %broadcast_in_dim3A_819 = vector.shape_cast %reduce_min3A_818 : vector<1024xf32> to vector<1024x1xf32>
        %eq3A_820 = vector.broadcast %broadcast_in_dim3A_819 : vector<1024x1xf32> to vector<1024x128xf32>
        %eq3A_821 = arith.cmpf oeq, %get3A_656, %eq3A_820 : vector<1024x128xf32>
        %jit3A_822 = arith.constant 1.000000e+04 : f32
        %broadcast_in_dim3A_823 = vector.shape_cast %convert_element_type3A_30 : vector<1x128xf32> to vector<1x128xf32>
        %broadcast_in_dim3A_824 = vector.broadcast %broadcast_in_dim3A_823 : vector<1x128xf32> to vector<1024x128xf32>
        %broadcast_in_dim3A_825 = vector.broadcast %jit3A_822 : f32 to vector<1024x128xf32>
        %select_n3A_826 = arith.select %eq3A_821, %broadcast_in_dim3A_824, %broadcast_in_dim3A_825 : vector<1024x128xi1>, vector<1024x128xf32>
        %reduce_min3A_827 = arith.constant dense<0x7F800000> : vector<1024xf32>
        %reduce_min3A_828 = vector.multi_reduction <minimumf>, %select_n3A_826, %reduce_min3A_827 [1] : vector<1024x128xf32> to vector<1024xf32>
        %broadcast_in_dim3A_829 = vector.shape_cast %reduce_min3A_828 : vector<1024xf32> to vector<1024x1xf32>
        %eq3A_830 = vector.broadcast %convert_element_type3A_30 : vector<1x128xf32> to vector<1024x128xf32>
        %eq3A_831 = vector.broadcast %broadcast_in_dim3A_829 : vector<1024x1xf32> to vector<1024x128xf32>
        %eq3A_832 = arith.cmpf oeq, %eq3A_830, %eq3A_831 : vector<1024x128xf32>
        %jit3A_833 = arith.constant 3.000000e+38 : f32
        %broadcast_in_dim3A_834 = vector.broadcast %jit3A_833 : f32 to vector<1024x128xf32>
        %select_n3A_835 = arith.select %eq3A_832, %broadcast_in_dim3A_834, %get3A_656 : vector<1024x128xi1>, vector<1024x128xf32>
        %reduce_min3A_836 = arith.constant dense<0x7F800000> : vector<1024xf32>
        %reduce_min3A_837 = vector.multi_reduction <minimumf>, %select_n3A_835, %reduce_min3A_836 [1] : vector<1024x128xf32> to vector<1024xf32>
        %broadcast_in_dim3A_838 = vector.shape_cast %reduce_min3A_837 : vector<1024xf32> to vector<1024x1xf32>
        %eq3A_839 = vector.broadcast %broadcast_in_dim3A_838 : vector<1024x1xf32> to vector<1024x128xf32>
        %eq3A_840 = arith.cmpf oeq, %select_n3A_835, %eq3A_839 : vector<1024x128xf32>
        %jit3A_841 = arith.constant 1.000000e+04 : f32
        %broadcast_in_dim3A_842 = vector.shape_cast %convert_element_type3A_30 : vector<1x128xf32> to vector<1x128xf32>
        %broadcast_in_dim3A_843 = vector.broadcast %broadcast_in_dim3A_842 : vector<1x128xf32> to vector<1024x128xf32>
        %broadcast_in_dim3A_844 = vector.broadcast %jit3A_841 : f32 to vector<1024x128xf32>
        %select_n3A_845 = arith.select %eq3A_840, %broadcast_in_dim3A_843, %broadcast_in_dim3A_844 : vector<1024x128xi1>, vector<1024x128xf32>
        %reduce_min3A_846 = arith.constant dense<0x7F800000> : vector<1024xf32>
        %reduce_min3A_847 = vector.multi_reduction <minimumf>, %select_n3A_845, %reduce_min3A_846 [1] : vector<1024x128xf32> to vector<1024xf32>
        %broadcast_in_dim3A_848 = vector.shape_cast %reduce_min3A_847 : vector<1024xf32> to vector<1024x1xf32>
        %eq3A_849 = vector.broadcast %convert_element_type3A_30 : vector<1x128xf32> to vector<1024x128xf32>
        %eq3A_850 = vector.broadcast %broadcast_in_dim3A_848 : vector<1024x1xf32> to vector<1024x128xf32>
        %eq3A_851 = arith.cmpf oeq, %eq3A_849, %eq3A_850 : vector<1024x128xf32>
        %jit3A_852 = arith.constant 3.000000e+38 : f32
        %broadcast_in_dim3A_853 = vector.broadcast %jit3A_852 : f32 to vector<1024x128xf32>
        %select_n3A_854 = arith.select %eq3A_851, %broadcast_in_dim3A_853, %select_n3A_835 : vector<1024x128xi1>, vector<1024x128xf32>
        %swap3A_855 = arith.constant 0 : index
        %swap3A_856 = arith.constant 3328 : index
        %swap3A_857 = vector.load %arg9[%swap3A_855, %swap3A_856] : memref<1024x4096xf32, #tpu.memory_space<vmem>>, vector<1024x128xf32>
        tpu.vector_store %arg9[%swap3A_855, %swap3A_856], %select_n3A_854 {strides = array<i32>} : memref<1024x4096xf32, #tpu.memory_space<vmem>>, vector<1024x128xf32>,
        %add3A_858 = arith.constant 3.328000e+03 : f32
        %add3A_859 = arith.addf %convert_element_type3A_33, %add3A_858 : f32
        %add3A_860 = vector.broadcast %add3A_859 : f32 to vector<1024x1xf32>
        %add3A_861 = arith.addf %add3A_860, %broadcast_in_dim3A_829 : vector<1024x1xf32>
        %add3A_862 = arith.constant 3.328000e+03 : f32
        %add3A_863 = arith.addf %convert_element_type3A_33, %add3A_862 : f32
        %add3A_864 = vector.broadcast %add3A_863 : f32 to vector<1024x1xf32>
        %add3A_865 = arith.addf %add3A_864, %broadcast_in_dim3A_848 : vector<1024x1xf32>
        %le3A = vector.broadcast %broadcast_in_dim3A_819 : vector<1024x1xf32> to vector<1024x64xf32>
        %le3A_866 = arith.cmpf ole, %get3A_814, %le3A : vector<1024x64xf32>
        %convert_element_type3A_867 = arith.extui %le3A_866 : vector<1024x64xi1> to vector<1024x64xi32>
        %convert_element_type3A_868 = arith.sitofp %convert_element_type3A_867 : vector<1024x64xi32> to vector<1024x64xf32>
        %reduce_sum3A_869 = arith.constant dense<0.000000e+00> : vector<1024xf32>
        %reduce_sum3A_870 = vector.multi_reduction <add>, %convert_element_type3A_868, %reduce_sum3A_869 [1] : vector<1024x64xf32> to vector<1024xf32>
        %broadcast_in_dim3A_871 = vector.shape_cast %reduce_sum3A_870 : vector<1024xf32> to vector<1024x1xf32>
        %le3A_872 = vector.broadcast %broadcast_in_dim3A_838 : vector<1024x1xf32> to vector<1024x64xf32>
        %le3A_873 = arith.cmpf ole, %get3A_814, %le3A_872 : vector<1024x64xf32>
        %convert_element_type3A_874 = arith.extui %le3A_873 : vector<1024x64xi1> to vector<1024x64xi32>
        %convert_element_type3A_875 = arith.sitofp %convert_element_type3A_874 : vector<1024x64xi32> to vector<1024x64xf32>
        %reduce_sum3A_876 = arith.constant dense<0.000000e+00> : vector<1024xf32>
        %reduce_sum3A_877 = vector.multi_reduction <add>, %convert_element_type3A_875, %reduce_sum3A_876 [1] : vector<1024x64xf32> to vector<1024xf32>
        %broadcast_in_dim3A_878 = vector.shape_cast %reduce_sum3A_877 : vector<1024xf32> to vector<1024x1xf32>
        %add3A_879 = arith.constant 1.000000e+00 : f32
        %add3A_880 = vector.broadcast %add3A_879 : f32 to vector<1024x1xf32>
        %add3A_881 = arith.addf %broadcast_in_dim3A_878, %add3A_880 : vector<1024x1xf32>
        %roll3A = arith.constant 1 : i32
        %roll3A_882 = tpu.dynamic_rotate %get3A_814 by %roll3A dim 1 : vector<1024x64xf32>, i32 -> vector<1024x64xf32>
        %roll3A_883 = arith.constant 2 : i32
        %roll3A_884 = tpu.dynamic_rotate %get3A_814 by %roll3A_883 dim 1 : vector<1024x64xf32>, i32 -> vector<1024x64xf32>
        %roll3A_885 = arith.constant 1 : i32
        %roll3A_886 = tpu.dynamic_rotate %get3A_817 by %roll3A_885 dim 1 : vector<1024x64xf32>, i32 -> vector<1024x64xf32>
        %roll3A_887 = arith.constant 2 : i32
        %roll3A_888 = tpu.dynamic_rotate %get3A_817 by %roll3A_887 dim 1 : vector<1024x64xf32>, i32 -> vector<1024x64xf32>
        %lt3A_889 = vector.broadcast %convert_element_type3A_28 : vector<1x64xf32> to vector<1024x64xf32>
        %lt3A_890 = vector.broadcast %broadcast_in_dim3A_871 : vector<1024x1xf32> to vector<1024x64xf32>
        %lt3A_891 = arith.cmpf olt, %lt3A_889, %lt3A_890 : vector<1024x64xf32>
        %eq3A_892 = vector.broadcast %convert_element_type3A_28 : vector<1x64xf32> to vector<1024x64xf32>
        %eq3A_893 = vector.broadcast %broadcast_in_dim3A_871 : vector<1024x1xf32> to vector<1024x64xf32>
        %eq3A_894 = arith.cmpf oeq, %eq3A_892, %eq3A_893 : vector<1024x64xf32>
        %lt3A_895 = vector.broadcast %convert_element_type3A_28 : vector<1x64xf32> to vector<1024x64xf32>
        %lt3A_896 = vector.broadcast %add3A_881 : vector<1024x1xf32> to vector<1024x64xf32>
        %lt3A_897 = arith.cmpf olt, %lt3A_895, %lt3A_896 : vector<1024x64xf32>
        %eq3A_898 = vector.broadcast %convert_element_type3A_28 : vector<1x64xf32> to vector<1024x64xf32>
        %eq3A_899 = vector.broadcast %add3A_881 : vector<1024x1xf32> to vector<1024x64xf32>
        %eq3A_900 = arith.cmpf oeq, %eq3A_898, %eq3A_899 : vector<1024x64xf32>
        %broadcast_in_dim3A_901 = vector.shape_cast %broadcast_in_dim3A_838 : vector<1024x1xf32> to vector<1024x1xf32>
        %broadcast_in_dim3A_902 = vector.broadcast %broadcast_in_dim3A_901 : vector<1024x1xf32> to vector<1024x64xf32>
        %select_n3A_903 = arith.select %eq3A_900, %broadcast_in_dim3A_902, %roll3A_884 : vector<1024x64xi1>, vector<1024x64xf32>
        %select_n3A_904 = arith.select %lt3A_897, %roll3A_882, %select_n3A_903 : vector<1024x64xi1>, vector<1024x64xf32>
        %broadcast_in_dim3A_905 = vector.shape_cast %broadcast_in_dim3A_819 : vector<1024x1xf32> to vector<1024x1xf32>
        %broadcast_in_dim3A_906 = vector.broadcast %broadcast_in_dim3A_905 : vector<1024x1xf32> to vector<1024x64xf32>
        %select_n3A_907 = arith.select %eq3A_894, %broadcast_in_dim3A_906, %select_n3A_904 : vector<1024x64xi1>, vector<1024x64xf32>
        %select_n3A_908 = arith.select %lt3A_891, %get3A_814, %select_n3A_907 : vector<1024x64xi1>, vector<1024x64xf32>
        %lt3A_909 = vector.broadcast %convert_element_type3A_28 : vector<1x64xf32> to vector<1024x64xf32>
        %lt3A_910 = vector.broadcast %broadcast_in_dim3A_871 : vector<1024x1xf32> to vector<1024x64xf32>
        %lt3A_911 = arith.cmpf olt, %lt3A_909, %lt3A_910 : vector<1024x64xf32>
        %eq3A_912 = vector.broadcast %convert_element_type3A_28 : vector<1x64xf32> to vector<1024x64xf32>
        %eq3A_913 = vector.broadcast %broadcast_in_dim3A_871 : vector<1024x1xf32> to vector<1024x64xf32>
        %eq3A_914 = arith.cmpf oeq, %eq3A_912, %eq3A_913 : vector<1024x64xf32>
        %lt3A_915 = vector.broadcast %convert_element_type3A_28 : vector<1x64xf32> to vector<1024x64xf32>
        %lt3A_916 = vector.broadcast %add3A_881 : vector<1024x1xf32> to vector<1024x64xf32>
        %lt3A_917 = arith.cmpf olt, %lt3A_915, %lt3A_916 : vector<1024x64xf32>
        %eq3A_918 = vector.broadcast %convert_element_type3A_28 : vector<1x64xf32> to vector<1024x64xf32>
        %eq3A_919 = vector.broadcast %add3A_881 : vector<1024x1xf32> to vector<1024x64xf32>
        %eq3A_920 = arith.cmpf oeq, %eq3A_918, %eq3A_919 : vector<1024x64xf32>
        %broadcast_in_dim3A_921 = vector.shape_cast %add3A_865 : vector<1024x1xf32> to vector<1024x1xf32>
        %broadcast_in_dim3A_922 = vector.broadcast %broadcast_in_dim3A_921 : vector<1024x1xf32> to vector<1024x64xf32>
        %select_n3A_923 = arith.select %eq3A_920, %broadcast_in_dim3A_922, %roll3A_888 : vector<1024x64xi1>, vector<1024x64xf32>
        %select_n3A_924 = arith.select %lt3A_917, %roll3A_886, %select_n3A_923 : vector<1024x64xi1>, vector<1024x64xf32>
        %broadcast_in_dim3A_925 = vector.shape_cast %add3A_861 : vector<1024x1xf32> to vector<1024x1xf32>
        %broadcast_in_dim3A_926 = vector.broadcast %broadcast_in_dim3A_925 : vector<1024x1xf32> to vector<1024x64xf32>
        %select_n3A_927 = arith.select %eq3A_914, %broadcast_in_dim3A_926, %select_n3A_924 : vector<1024x64xi1>, vector<1024x64xf32>
        %select_n3A_928 = arith.select %lt3A_911, %get3A_817, %select_n3A_927 : vector<1024x64xi1>, vector<1024x64xf32>
        %swap3A_929 = arith.constant 0 : index
        %swap3A_930 = arith.constant 0 : index
        %swap3A_931 = vector.load %arg7[%swap3A_929, %swap3A_930] : memref<1024x64xf32, #tpu.memory_space<vmem>>, vector<1024x64xf32>
        tpu.vector_store %arg7[%swap3A_929, %swap3A_930], %select_n3A_908 {strides = array<i32>} : memref<1024x64xf32, #tpu.memory_space<vmem>>, vector<1024x64xf32>,
        %swap3A_932 = arith.constant 0 : index
        %swap3A_933 = arith.constant 0 : index
        %swap3A_934 = vector.load %arg8[%swap3A_932, %swap3A_933] : memref<1024x64xf32, #tpu.memory_space<vmem>>, vector<1024x64xf32>
        tpu.vector_store %arg8[%swap3A_932, %swap3A_933], %select_n3A_928 {strides = array<i32>} : memref<1024x64xf32, #tpu.memory_space<vmem>>, vector<1024x64xf32>,
      } else {
      }
      %get3A_677 = arith.constant 0 : index
      %get3A_678 = arith.constant 3456 : index
      %get3A_679 = vector.load %arg9[%get3A_677, %get3A_678] : memref<1024x4096xf32, #tpu.memory_space<vmem>>, vector<1024x128xf32>
      %get3A_680 = arith.constant 0 : index
      %get3A_681 = arith.constant 63 : index
      %get3A_682 = vector.load %arg7[%get3A_680, %get3A_681] : memref<1024x64xf32, #tpu.memory_space<vmem>>, vector<1024x1xf32>
      %lt3A_683 = vector.broadcast %get3A_682 : vector<1024x1xf32> to vector<1024x128xf32>
      %lt3A_684 = arith.cmpf olt, %get3A_679, %lt3A_683 : vector<1024x128xf32>
      %reduce_or3A_685 = arith.constant 1.000000e+00 : f32
      %reduce_or3A_686 = arith.constant 0.000000e+00 : f32
      %reduce_or3A_687 = vector.broadcast %reduce_or3A_685 : f32 to vector<1024x128xf32>
      %reduce_or3A_688 = vector.broadcast %reduce_or3A_686 : f32 to vector<1024x128xf32>
      %reduce_or3A_689 = arith.select %lt3A_684, %reduce_or3A_687, %reduce_or3A_688 : vector<1024x128xi1>, vector<1024x128xf32>
      %reduce_or3A_690 = vector.shape_cast %reduce_or3A_689 : vector<1024x128xf32> to vector<1x1024x128xf32>
      %reduce_or3A_691 = arith.constant dense<0xFF800000> : vector<1xf32>
      %reduce_or3A_692 = vector.multi_reduction <maximumf>, %reduce_or3A_690, %reduce_or3A_691 [1, 2] : vector<1x1024x128xf32> to vector<1xf32>
      %reduce_or3A_693 = vector.shape_cast %reduce_or3A_692 : vector<1xf32> to vector<1x1x1xf32>
      %reduce_or3A_694 = vector.extract %reduce_or3A_693[0, 0, 0] : f32 from vector<1x1x1xf32>
      %reduce_or3A_695 = arith.constant 0.000000e+00 : f32
      %reduce_or3A_696 = arith.cmpf ogt, %reduce_or3A_694, %reduce_or3A_695 : f32
      %convert_element_type3A_697 = arith.extui %reduce_or3A_696 : i1 to i32
      %cond3A_698 = arith.constant 0 : i32
      %cond3A_699 = arith.cmpi ne, %convert_element_type3A_697, %cond3A_698 : i32
      scf.if %cond3A_699 {
        %get3A_812 = arith.constant 0 : index
        %get3A_813 = arith.constant 0 : index
        %get3A_814 = vector.load %arg7[%get3A_812, %get3A_813] : memref<1024x64xf32, #tpu.memory_space<vmem>>, vector<1024x64xf32>
        %get3A_815 = arith.constant 0 : index
        %get3A_816 = arith.constant 0 : index
        %get3A_817 = vector.load %arg8[%get3A_815, %get3A_816] : memref<1024x64xf32, #tpu.memory_space<vmem>>, vector<1024x64xf32>
        %reduce_min3A = arith.constant dense<0x7F800000> : vector<1024xf32>
        %reduce_min3A_818 = vector.multi_reduction <minimumf>, %get3A_679, %reduce_min3A [1] : vector<1024x128xf32> to vector<1024xf32>
        %broadcast_in_dim3A_819 = vector.shape_cast %reduce_min3A_818 : vector<1024xf32> to vector<1024x1xf32>
        %eq3A_820 = vector.broadcast %broadcast_in_dim3A_819 : vector<1024x1xf32> to vector<1024x128xf32>
        %eq3A_821 = arith.cmpf oeq, %get3A_679, %eq3A_820 : vector<1024x128xf32>
        %jit3A_822 = arith.constant 1.000000e+04 : f32
        %broadcast_in_dim3A_823 = vector.shape_cast %convert_element_type3A_30 : vector<1x128xf32> to vector<1x128xf32>
        %broadcast_in_dim3A_824 = vector.broadcast %broadcast_in_dim3A_823 : vector<1x128xf32> to vector<1024x128xf32>
        %broadcast_in_dim3A_825 = vector.broadcast %jit3A_822 : f32 to vector<1024x128xf32>
        %select_n3A_826 = arith.select %eq3A_821, %broadcast_in_dim3A_824, %broadcast_in_dim3A_825 : vector<1024x128xi1>, vector<1024x128xf32>
        %reduce_min3A_827 = arith.constant dense<0x7F800000> : vector<1024xf32>
        %reduce_min3A_828 = vector.multi_reduction <minimumf>, %select_n3A_826, %reduce_min3A_827 [1] : vector<1024x128xf32> to vector<1024xf32>
        %broadcast_in_dim3A_829 = vector.shape_cast %reduce_min3A_828 : vector<1024xf32> to vector<1024x1xf32>
        %eq3A_830 = vector.broadcast %convert_element_type3A_30 : vector<1x128xf32> to vector<1024x128xf32>
        %eq3A_831 = vector.broadcast %broadcast_in_dim3A_829 : vector<1024x1xf32> to vector<1024x128xf32>
        %eq3A_832 = arith.cmpf oeq, %eq3A_830, %eq3A_831 : vector<1024x128xf32>
        %jit3A_833 = arith.constant 3.000000e+38 : f32
        %broadcast_in_dim3A_834 = vector.broadcast %jit3A_833 : f32 to vector<1024x128xf32>
        %select_n3A_835 = arith.select %eq3A_832, %broadcast_in_dim3A_834, %get3A_679 : vector<1024x128xi1>, vector<1024x128xf32>
        %reduce_min3A_836 = arith.constant dense<0x7F800000> : vector<1024xf32>
        %reduce_min3A_837 = vector.multi_reduction <minimumf>, %select_n3A_835, %reduce_min3A_836 [1] : vector<1024x128xf32> to vector<1024xf32>
        %broadcast_in_dim3A_838 = vector.shape_cast %reduce_min3A_837 : vector<1024xf32> to vector<1024x1xf32>
        %eq3A_839 = vector.broadcast %broadcast_in_dim3A_838 : vector<1024x1xf32> to vector<1024x128xf32>
        %eq3A_840 = arith.cmpf oeq, %select_n3A_835, %eq3A_839 : vector<1024x128xf32>
        %jit3A_841 = arith.constant 1.000000e+04 : f32
        %broadcast_in_dim3A_842 = vector.shape_cast %convert_element_type3A_30 : vector<1x128xf32> to vector<1x128xf32>
        %broadcast_in_dim3A_843 = vector.broadcast %broadcast_in_dim3A_842 : vector<1x128xf32> to vector<1024x128xf32>
        %broadcast_in_dim3A_844 = vector.broadcast %jit3A_841 : f32 to vector<1024x128xf32>
        %select_n3A_845 = arith.select %eq3A_840, %broadcast_in_dim3A_843, %broadcast_in_dim3A_844 : vector<1024x128xi1>, vector<1024x128xf32>
        %reduce_min3A_846 = arith.constant dense<0x7F800000> : vector<1024xf32>
        %reduce_min3A_847 = vector.multi_reduction <minimumf>, %select_n3A_845, %reduce_min3A_846 [1] : vector<1024x128xf32> to vector<1024xf32>
        %broadcast_in_dim3A_848 = vector.shape_cast %reduce_min3A_847 : vector<1024xf32> to vector<1024x1xf32>
        %eq3A_849 = vector.broadcast %convert_element_type3A_30 : vector<1x128xf32> to vector<1024x128xf32>
        %eq3A_850 = vector.broadcast %broadcast_in_dim3A_848 : vector<1024x1xf32> to vector<1024x128xf32>
        %eq3A_851 = arith.cmpf oeq, %eq3A_849, %eq3A_850 : vector<1024x128xf32>
        %jit3A_852 = arith.constant 3.000000e+38 : f32
        %broadcast_in_dim3A_853 = vector.broadcast %jit3A_852 : f32 to vector<1024x128xf32>
        %select_n3A_854 = arith.select %eq3A_851, %broadcast_in_dim3A_853, %select_n3A_835 : vector<1024x128xi1>, vector<1024x128xf32>
        %swap3A_855 = arith.constant 0 : index
        %swap3A_856 = arith.constant 3456 : index
        %swap3A_857 = vector.load %arg9[%swap3A_855, %swap3A_856] : memref<1024x4096xf32, #tpu.memory_space<vmem>>, vector<1024x128xf32>
        tpu.vector_store %arg9[%swap3A_855, %swap3A_856], %select_n3A_854 {strides = array<i32>} : memref<1024x4096xf32, #tpu.memory_space<vmem>>, vector<1024x128xf32>,
        %add3A_858 = arith.constant 3.456000e+03 : f32
        %add3A_859 = arith.addf %convert_element_type3A_33, %add3A_858 : f32
        %add3A_860 = vector.broadcast %add3A_859 : f32 to vector<1024x1xf32>
        %add3A_861 = arith.addf %add3A_860, %broadcast_in_dim3A_829 : vector<1024x1xf32>
        %add3A_862 = arith.constant 3.456000e+03 : f32
        %add3A_863 = arith.addf %convert_element_type3A_33, %add3A_862 : f32
        %add3A_864 = vector.broadcast %add3A_863 : f32 to vector<1024x1xf32>
        %add3A_865 = arith.addf %add3A_864, %broadcast_in_dim3A_848 : vector<1024x1xf32>
        %le3A = vector.broadcast %broadcast_in_dim3A_819 : vector<1024x1xf32> to vector<1024x64xf32>
        %le3A_866 = arith.cmpf ole, %get3A_814, %le3A : vector<1024x64xf32>
        %convert_element_type3A_867 = arith.extui %le3A_866 : vector<1024x64xi1> to vector<1024x64xi32>
        %convert_element_type3A_868 = arith.sitofp %convert_element_type3A_867 : vector<1024x64xi32> to vector<1024x64xf32>
        %reduce_sum3A_869 = arith.constant dense<0.000000e+00> : vector<1024xf32>
        %reduce_sum3A_870 = vector.multi_reduction <add>, %convert_element_type3A_868, %reduce_sum3A_869 [1] : vector<1024x64xf32> to vector<1024xf32>
        %broadcast_in_dim3A_871 = vector.shape_cast %reduce_sum3A_870 : vector<1024xf32> to vector<1024x1xf32>
        %le3A_872 = vector.broadcast %broadcast_in_dim3A_838 : vector<1024x1xf32> to vector<1024x64xf32>
        %le3A_873 = arith.cmpf ole, %get3A_814, %le3A_872 : vector<1024x64xf32>
        %convert_element_type3A_874 = arith.extui %le3A_873 : vector<1024x64xi1> to vector<1024x64xi32>
        %convert_element_type3A_875 = arith.sitofp %convert_element_type3A_874 : vector<1024x64xi32> to vector<1024x64xf32>
        %reduce_sum3A_876 = arith.constant dense<0.000000e+00> : vector<1024xf32>
        %reduce_sum3A_877 = vector.multi_reduction <add>, %convert_element_type3A_875, %reduce_sum3A_876 [1] : vector<1024x64xf32> to vector<1024xf32>
        %broadcast_in_dim3A_878 = vector.shape_cast %reduce_sum3A_877 : vector<1024xf32> to vector<1024x1xf32>
        %add3A_879 = arith.constant 1.000000e+00 : f32
        %add3A_880 = vector.broadcast %add3A_879 : f32 to vector<1024x1xf32>
        %add3A_881 = arith.addf %broadcast_in_dim3A_878, %add3A_880 : vector<1024x1xf32>
        %roll3A = arith.constant 1 : i32
        %roll3A_882 = tpu.dynamic_rotate %get3A_814 by %roll3A dim 1 : vector<1024x64xf32>, i32 -> vector<1024x64xf32>
        %roll3A_883 = arith.constant 2 : i32
        %roll3A_884 = tpu.dynamic_rotate %get3A_814 by %roll3A_883 dim 1 : vector<1024x64xf32>, i32 -> vector<1024x64xf32>
        %roll3A_885 = arith.constant 1 : i32
        %roll3A_886 = tpu.dynamic_rotate %get3A_817 by %roll3A_885 dim 1 : vector<1024x64xf32>, i32 -> vector<1024x64xf32>
        %roll3A_887 = arith.constant 2 : i32
        %roll3A_888 = tpu.dynamic_rotate %get3A_817 by %roll3A_887 dim 1 : vector<1024x64xf32>, i32 -> vector<1024x64xf32>
        %lt3A_889 = vector.broadcast %convert_element_type3A_28 : vector<1x64xf32> to vector<1024x64xf32>
        %lt3A_890 = vector.broadcast %broadcast_in_dim3A_871 : vector<1024x1xf32> to vector<1024x64xf32>
        %lt3A_891 = arith.cmpf olt, %lt3A_889, %lt3A_890 : vector<1024x64xf32>
        %eq3A_892 = vector.broadcast %convert_element_type3A_28 : vector<1x64xf32> to vector<1024x64xf32>
        %eq3A_893 = vector.broadcast %broadcast_in_dim3A_871 : vector<1024x1xf32> to vector<1024x64xf32>
        %eq3A_894 = arith.cmpf oeq, %eq3A_892, %eq3A_893 : vector<1024x64xf32>
        %lt3A_895 = vector.broadcast %convert_element_type3A_28 : vector<1x64xf32> to vector<1024x64xf32>
        %lt3A_896 = vector.broadcast %add3A_881 : vector<1024x1xf32> to vector<1024x64xf32>
        %lt3A_897 = arith.cmpf olt, %lt3A_895, %lt3A_896 : vector<1024x64xf32>
        %eq3A_898 = vector.broadcast %convert_element_type3A_28 : vector<1x64xf32> to vector<1024x64xf32>
        %eq3A_899 = vector.broadcast %add3A_881 : vector<1024x1xf32> to vector<1024x64xf32>
        %eq3A_900 = arith.cmpf oeq, %eq3A_898, %eq3A_899 : vector<1024x64xf32>
        %broadcast_in_dim3A_901 = vector.shape_cast %broadcast_in_dim3A_838 : vector<1024x1xf32> to vector<1024x1xf32>
        %broadcast_in_dim3A_902 = vector.broadcast %broadcast_in_dim3A_901 : vector<1024x1xf32> to vector<1024x64xf32>
        %select_n3A_903 = arith.select %eq3A_900, %broadcast_in_dim3A_902, %roll3A_884 : vector<1024x64xi1>, vector<1024x64xf32>
        %select_n3A_904 = arith.select %lt3A_897, %roll3A_882, %select_n3A_903 : vector<1024x64xi1>, vector<1024x64xf32>
        %broadcast_in_dim3A_905 = vector.shape_cast %broadcast_in_dim3A_819 : vector<1024x1xf32> to vector<1024x1xf32>
        %broadcast_in_dim3A_906 = vector.broadcast %broadcast_in_dim3A_905 : vector<1024x1xf32> to vector<1024x64xf32>
        %select_n3A_907 = arith.select %eq3A_894, %broadcast_in_dim3A_906, %select_n3A_904 : vector<1024x64xi1>, vector<1024x64xf32>
        %select_n3A_908 = arith.select %lt3A_891, %get3A_814, %select_n3A_907 : vector<1024x64xi1>, vector<1024x64xf32>
        %lt3A_909 = vector.broadcast %convert_element_type3A_28 : vector<1x64xf32> to vector<1024x64xf32>
        %lt3A_910 = vector.broadcast %broadcast_in_dim3A_871 : vector<1024x1xf32> to vector<1024x64xf32>
        %lt3A_911 = arith.cmpf olt, %lt3A_909, %lt3A_910 : vector<1024x64xf32>
        %eq3A_912 = vector.broadcast %convert_element_type3A_28 : vector<1x64xf32> to vector<1024x64xf32>
        %eq3A_913 = vector.broadcast %broadcast_in_dim3A_871 : vector<1024x1xf32> to vector<1024x64xf32>
        %eq3A_914 = arith.cmpf oeq, %eq3A_912, %eq3A_913 : vector<1024x64xf32>
        %lt3A_915 = vector.broadcast %convert_element_type3A_28 : vector<1x64xf32> to vector<1024x64xf32>
        %lt3A_916 = vector.broadcast %add3A_881 : vector<1024x1xf32> to vector<1024x64xf32>
        %lt3A_917 = arith.cmpf olt, %lt3A_915, %lt3A_916 : vector<1024x64xf32>
        %eq3A_918 = vector.broadcast %convert_element_type3A_28 : vector<1x64xf32> to vector<1024x64xf32>
        %eq3A_919 = vector.broadcast %add3A_881 : vector<1024x1xf32> to vector<1024x64xf32>
        %eq3A_920 = arith.cmpf oeq, %eq3A_918, %eq3A_919 : vector<1024x64xf32>
        %broadcast_in_dim3A_921 = vector.shape_cast %add3A_865 : vector<1024x1xf32> to vector<1024x1xf32>
        %broadcast_in_dim3A_922 = vector.broadcast %broadcast_in_dim3A_921 : vector<1024x1xf32> to vector<1024x64xf32>
        %select_n3A_923 = arith.select %eq3A_920, %broadcast_in_dim3A_922, %roll3A_888 : vector<1024x64xi1>, vector<1024x64xf32>
        %select_n3A_924 = arith.select %lt3A_917, %roll3A_886, %select_n3A_923 : vector<1024x64xi1>, vector<1024x64xf32>
        %broadcast_in_dim3A_925 = vector.shape_cast %add3A_861 : vector<1024x1xf32> to vector<1024x1xf32>
        %broadcast_in_dim3A_926 = vector.broadcast %broadcast_in_dim3A_925 : vector<1024x1xf32> to vector<1024x64xf32>
        %select_n3A_927 = arith.select %eq3A_914, %broadcast_in_dim3A_926, %select_n3A_924 : vector<1024x64xi1>, vector<1024x64xf32>
        %select_n3A_928 = arith.select %lt3A_911, %get3A_817, %select_n3A_927 : vector<1024x64xi1>, vector<1024x64xf32>
        %swap3A_929 = arith.constant 0 : index
        %swap3A_930 = arith.constant 0 : index
        %swap3A_931 = vector.load %arg7[%swap3A_929, %swap3A_930] : memref<1024x64xf32, #tpu.memory_space<vmem>>, vector<1024x64xf32>
        tpu.vector_store %arg7[%swap3A_929, %swap3A_930], %select_n3A_908 {strides = array<i32>} : memref<1024x64xf32, #tpu.memory_space<vmem>>, vector<1024x64xf32>,
        %swap3A_932 = arith.constant 0 : index
        %swap3A_933 = arith.constant 0 : index
        %swap3A_934 = vector.load %arg8[%swap3A_932, %swap3A_933] : memref<1024x64xf32, #tpu.memory_space<vmem>>, vector<1024x64xf32>
        tpu.vector_store %arg8[%swap3A_932, %swap3A_933], %select_n3A_928 {strides = array<i32>} : memref<1024x64xf32, #tpu.memory_space<vmem>>, vector<1024x64xf32>,
      } else {
      }
      %get3A_700 = arith.constant 0 : index
      %get3A_701 = arith.constant 3584 : index
      %get3A_702 = vector.load %arg9[%get3A_700, %get3A_701] : memref<1024x4096xf32, #tpu.memory_space<vmem>>, vector<1024x128xf32>
      %get3A_703 = arith.constant 0 : index
      %get3A_704 = arith.constant 63 : index
      %get3A_705 = vector.load %arg7[%get3A_703, %get3A_704] : memref<1024x64xf32, #tpu.memory_space<vmem>>, vector<1024x1xf32>
      %lt3A_706 = vector.broadcast %get3A_705 : vector<1024x1xf32> to vector<1024x128xf32>
      %lt3A_707 = arith.cmpf olt, %get3A_702, %lt3A_706 : vector<1024x128xf32>
      %reduce_or3A_708 = arith.constant 1.000000e+00 : f32
      %reduce_or3A_709 = arith.constant 0.000000e+00 : f32
      %reduce_or3A_710 = vector.broadcast %reduce_or3A_708 : f32 to vector<1024x128xf32>
      %reduce_or3A_711 = vector.broadcast %reduce_or3A_709 : f32 to vector<1024x128xf32>
      %reduce_or3A_712 = arith.select %lt3A_707, %reduce_or3A_710, %reduce_or3A_711 : vector<1024x128xi1>, vector<1024x128xf32>
      %reduce_or3A_713 = vector.shape_cast %reduce_or3A_712 : vector<1024x128xf32> to vector<1x1024x128xf32>
      %reduce_or3A_714 = arith.constant dense<0xFF800000> : vector<1xf32>
      %reduce_or3A_715 = vector.multi_reduction <maximumf>, %reduce_or3A_713, %reduce_or3A_714 [1, 2] : vector<1x1024x128xf32> to vector<1xf32>
      %reduce_or3A_716 = vector.shape_cast %reduce_or3A_715 : vector<1xf32> to vector<1x1x1xf32>
      %reduce_or3A_717 = vector.extract %reduce_or3A_716[0, 0, 0] : f32 from vector<1x1x1xf32>
      %reduce_or3A_718 = arith.constant 0.000000e+00 : f32
      %reduce_or3A_719 = arith.cmpf ogt, %reduce_or3A_717, %reduce_or3A_718 : f32
      %convert_element_type3A_720 = arith.extui %reduce_or3A_719 : i1 to i32
      %cond3A_721 = arith.constant 0 : i32
      %cond3A_722 = arith.cmpi ne, %convert_element_type3A_720, %cond3A_721 : i32
      scf.if %cond3A_722 {
        %get3A_812 = arith.constant 0 : index
        %get3A_813 = arith.constant 0 : index
        %get3A_814 = vector.load %arg7[%get3A_812, %get3A_813] : memref<1024x64xf32, #tpu.memory_space<vmem>>, vector<1024x64xf32>
        %get3A_815 = arith.constant 0 : index
        %get3A_816 = arith.constant 0 : index
        %get3A_817 = vector.load %arg8[%get3A_815, %get3A_816] : memref<1024x64xf32, #tpu.memory_space<vmem>>, vector<1024x64xf32>
        %reduce_min3A = arith.constant dense<0x7F800000> : vector<1024xf32>
        %reduce_min3A_818 = vector.multi_reduction <minimumf>, %get3A_702, %reduce_min3A [1] : vector<1024x128xf32> to vector<1024xf32>
        %broadcast_in_dim3A_819 = vector.shape_cast %reduce_min3A_818 : vector<1024xf32> to vector<1024x1xf32>
        %eq3A_820 = vector.broadcast %broadcast_in_dim3A_819 : vector<1024x1xf32> to vector<1024x128xf32>
        %eq3A_821 = arith.cmpf oeq, %get3A_702, %eq3A_820 : vector<1024x128xf32>
        %jit3A_822 = arith.constant 1.000000e+04 : f32
        %broadcast_in_dim3A_823 = vector.shape_cast %convert_element_type3A_30 : vector<1x128xf32> to vector<1x128xf32>
        %broadcast_in_dim3A_824 = vector.broadcast %broadcast_in_dim3A_823 : vector<1x128xf32> to vector<1024x128xf32>
        %broadcast_in_dim3A_825 = vector.broadcast %jit3A_822 : f32 to vector<1024x128xf32>
        %select_n3A_826 = arith.select %eq3A_821, %broadcast_in_dim3A_824, %broadcast_in_dim3A_825 : vector<1024x128xi1>, vector<1024x128xf32>
        %reduce_min3A_827 = arith.constant dense<0x7F800000> : vector<1024xf32>
        %reduce_min3A_828 = vector.multi_reduction <minimumf>, %select_n3A_826, %reduce_min3A_827 [1] : vector<1024x128xf32> to vector<1024xf32>
        %broadcast_in_dim3A_829 = vector.shape_cast %reduce_min3A_828 : vector<1024xf32> to vector<1024x1xf32>
        %eq3A_830 = vector.broadcast %convert_element_type3A_30 : vector<1x128xf32> to vector<1024x128xf32>
        %eq3A_831 = vector.broadcast %broadcast_in_dim3A_829 : vector<1024x1xf32> to vector<1024x128xf32>
        %eq3A_832 = arith.cmpf oeq, %eq3A_830, %eq3A_831 : vector<1024x128xf32>
        %jit3A_833 = arith.constant 3.000000e+38 : f32
        %broadcast_in_dim3A_834 = vector.broadcast %jit3A_833 : f32 to vector<1024x128xf32>
        %select_n3A_835 = arith.select %eq3A_832, %broadcast_in_dim3A_834, %get3A_702 : vector<1024x128xi1>, vector<1024x128xf32>
        %reduce_min3A_836 = arith.constant dense<0x7F800000> : vector<1024xf32>
        %reduce_min3A_837 = vector.multi_reduction <minimumf>, %select_n3A_835, %reduce_min3A_836 [1] : vector<1024x128xf32> to vector<1024xf32>
        %broadcast_in_dim3A_838 = vector.shape_cast %reduce_min3A_837 : vector<1024xf32> to vector<1024x1xf32>
        %eq3A_839 = vector.broadcast %broadcast_in_dim3A_838 : vector<1024x1xf32> to vector<1024x128xf32>
        %eq3A_840 = arith.cmpf oeq, %select_n3A_835, %eq3A_839 : vector<1024x128xf32>
        %jit3A_841 = arith.constant 1.000000e+04 : f32
        %broadcast_in_dim3A_842 = vector.shape_cast %convert_element_type3A_30 : vector<1x128xf32> to vector<1x128xf32>
        %broadcast_in_dim3A_843 = vector.broadcast %broadcast_in_dim3A_842 : vector<1x128xf32> to vector<1024x128xf32>
        %broadcast_in_dim3A_844 = vector.broadcast %jit3A_841 : f32 to vector<1024x128xf32>
        %select_n3A_845 = arith.select %eq3A_840, %broadcast_in_dim3A_843, %broadcast_in_dim3A_844 : vector<1024x128xi1>, vector<1024x128xf32>
        %reduce_min3A_846 = arith.constant dense<0x7F800000> : vector<1024xf32>
        %reduce_min3A_847 = vector.multi_reduction <minimumf>, %select_n3A_845, %reduce_min3A_846 [1] : vector<1024x128xf32> to vector<1024xf32>
        %broadcast_in_dim3A_848 = vector.shape_cast %reduce_min3A_847 : vector<1024xf32> to vector<1024x1xf32>
        %eq3A_849 = vector.broadcast %convert_element_type3A_30 : vector<1x128xf32> to vector<1024x128xf32>
        %eq3A_850 = vector.broadcast %broadcast_in_dim3A_848 : vector<1024x1xf32> to vector<1024x128xf32>
        %eq3A_851 = arith.cmpf oeq, %eq3A_849, %eq3A_850 : vector<1024x128xf32>
        %jit3A_852 = arith.constant 3.000000e+38 : f32
        %broadcast_in_dim3A_853 = vector.broadcast %jit3A_852 : f32 to vector<1024x128xf32>
        %select_n3A_854 = arith.select %eq3A_851, %broadcast_in_dim3A_853, %select_n3A_835 : vector<1024x128xi1>, vector<1024x128xf32>
        %swap3A_855 = arith.constant 0 : index
        %swap3A_856 = arith.constant 3584 : index
        %swap3A_857 = vector.load %arg9[%swap3A_855, %swap3A_856] : memref<1024x4096xf32, #tpu.memory_space<vmem>>, vector<1024x128xf32>
        tpu.vector_store %arg9[%swap3A_855, %swap3A_856], %select_n3A_854 {strides = array<i32>} : memref<1024x4096xf32, #tpu.memory_space<vmem>>, vector<1024x128xf32>,
        %add3A_858 = arith.constant 3.584000e+03 : f32
        %add3A_859 = arith.addf %convert_element_type3A_33, %add3A_858 : f32
        %add3A_860 = vector.broadcast %add3A_859 : f32 to vector<1024x1xf32>
        %add3A_861 = arith.addf %add3A_860, %broadcast_in_dim3A_829 : vector<1024x1xf32>
        %add3A_862 = arith.constant 3.584000e+03 : f32
        %add3A_863 = arith.addf %convert_element_type3A_33, %add3A_862 : f32
        %add3A_864 = vector.broadcast %add3A_863 : f32 to vector<1024x1xf32>
        %add3A_865 = arith.addf %add3A_864, %broadcast_in_dim3A_848 : vector<1024x1xf32>
        %le3A = vector.broadcast %broadcast_in_dim3A_819 : vector<1024x1xf32> to vector<1024x64xf32>
        %le3A_866 = arith.cmpf ole, %get3A_814, %le3A : vector<1024x64xf32>
        %convert_element_type3A_867 = arith.extui %le3A_866 : vector<1024x64xi1> to vector<1024x64xi32>
        %convert_element_type3A_868 = arith.sitofp %convert_element_type3A_867 : vector<1024x64xi32> to vector<1024x64xf32>
        %reduce_sum3A_869 = arith.constant dense<0.000000e+00> : vector<1024xf32>
        %reduce_sum3A_870 = vector.multi_reduction <add>, %convert_element_type3A_868, %reduce_sum3A_869 [1] : vector<1024x64xf32> to vector<1024xf32>
        %broadcast_in_dim3A_871 = vector.shape_cast %reduce_sum3A_870 : vector<1024xf32> to vector<1024x1xf32>
        %le3A_872 = vector.broadcast %broadcast_in_dim3A_838 : vector<1024x1xf32> to vector<1024x64xf32>
        %le3A_873 = arith.cmpf ole, %get3A_814, %le3A_872 : vector<1024x64xf32>
        %convert_element_type3A_874 = arith.extui %le3A_873 : vector<1024x64xi1> to vector<1024x64xi32>
        %convert_element_type3A_875 = arith.sitofp %convert_element_type3A_874 : vector<1024x64xi32> to vector<1024x64xf32>
        %reduce_sum3A_876 = arith.constant dense<0.000000e+00> : vector<1024xf32>
        %reduce_sum3A_877 = vector.multi_reduction <add>, %convert_element_type3A_875, %reduce_sum3A_876 [1] : vector<1024x64xf32> to vector<1024xf32>
        %broadcast_in_dim3A_878 = vector.shape_cast %reduce_sum3A_877 : vector<1024xf32> to vector<1024x1xf32>
        %add3A_879 = arith.constant 1.000000e+00 : f32
        %add3A_880 = vector.broadcast %add3A_879 : f32 to vector<1024x1xf32>
        %add3A_881 = arith.addf %broadcast_in_dim3A_878, %add3A_880 : vector<1024x1xf32>
        %roll3A = arith.constant 1 : i32
        %roll3A_882 = tpu.dynamic_rotate %get3A_814 by %roll3A dim 1 : vector<1024x64xf32>, i32 -> vector<1024x64xf32>
        %roll3A_883 = arith.constant 2 : i32
        %roll3A_884 = tpu.dynamic_rotate %get3A_814 by %roll3A_883 dim 1 : vector<1024x64xf32>, i32 -> vector<1024x64xf32>
        %roll3A_885 = arith.constant 1 : i32
        %roll3A_886 = tpu.dynamic_rotate %get3A_817 by %roll3A_885 dim 1 : vector<1024x64xf32>, i32 -> vector<1024x64xf32>
        %roll3A_887 = arith.constant 2 : i32
        %roll3A_888 = tpu.dynamic_rotate %get3A_817 by %roll3A_887 dim 1 : vector<1024x64xf32>, i32 -> vector<1024x64xf32>
        %lt3A_889 = vector.broadcast %convert_element_type3A_28 : vector<1x64xf32> to vector<1024x64xf32>
        %lt3A_890 = vector.broadcast %broadcast_in_dim3A_871 : vector<1024x1xf32> to vector<1024x64xf32>
        %lt3A_891 = arith.cmpf olt, %lt3A_889, %lt3A_890 : vector<1024x64xf32>
        %eq3A_892 = vector.broadcast %convert_element_type3A_28 : vector<1x64xf32> to vector<1024x64xf32>
        %eq3A_893 = vector.broadcast %broadcast_in_dim3A_871 : vector<1024x1xf32> to vector<1024x64xf32>
        %eq3A_894 = arith.cmpf oeq, %eq3A_892, %eq3A_893 : vector<1024x64xf32>
        %lt3A_895 = vector.broadcast %convert_element_type3A_28 : vector<1x64xf32> to vector<1024x64xf32>
        %lt3A_896 = vector.broadcast %add3A_881 : vector<1024x1xf32> to vector<1024x64xf32>
        %lt3A_897 = arith.cmpf olt, %lt3A_895, %lt3A_896 : vector<1024x64xf32>
        %eq3A_898 = vector.broadcast %convert_element_type3A_28 : vector<1x64xf32> to vector<1024x64xf32>
        %eq3A_899 = vector.broadcast %add3A_881 : vector<1024x1xf32> to vector<1024x64xf32>
        %eq3A_900 = arith.cmpf oeq, %eq3A_898, %eq3A_899 : vector<1024x64xf32>
        %broadcast_in_dim3A_901 = vector.shape_cast %broadcast_in_dim3A_838 : vector<1024x1xf32> to vector<1024x1xf32>
        %broadcast_in_dim3A_902 = vector.broadcast %broadcast_in_dim3A_901 : vector<1024x1xf32> to vector<1024x64xf32>
        %select_n3A_903 = arith.select %eq3A_900, %broadcast_in_dim3A_902, %roll3A_884 : vector<1024x64xi1>, vector<1024x64xf32>
        %select_n3A_904 = arith.select %lt3A_897, %roll3A_882, %select_n3A_903 : vector<1024x64xi1>, vector<1024x64xf32>
        %broadcast_in_dim3A_905 = vector.shape_cast %broadcast_in_dim3A_819 : vector<1024x1xf32> to vector<1024x1xf32>
        %broadcast_in_dim3A_906 = vector.broadcast %broadcast_in_dim3A_905 : vector<1024x1xf32> to vector<1024x64xf32>
        %select_n3A_907 = arith.select %eq3A_894, %broadcast_in_dim3A_906, %select_n3A_904 : vector<1024x64xi1>, vector<1024x64xf32>
        %select_n3A_908 = arith.select %lt3A_891, %get3A_814, %select_n3A_907 : vector<1024x64xi1>, vector<1024x64xf32>
        %lt3A_909 = vector.broadcast %convert_element_type3A_28 : vector<1x64xf32> to vector<1024x64xf32>
        %lt3A_910 = vector.broadcast %broadcast_in_dim3A_871 : vector<1024x1xf32> to vector<1024x64xf32>
        %lt3A_911 = arith.cmpf olt, %lt3A_909, %lt3A_910 : vector<1024x64xf32>
        %eq3A_912 = vector.broadcast %convert_element_type3A_28 : vector<1x64xf32> to vector<1024x64xf32>
        %eq3A_913 = vector.broadcast %broadcast_in_dim3A_871 : vector<1024x1xf32> to vector<1024x64xf32>
        %eq3A_914 = arith.cmpf oeq, %eq3A_912, %eq3A_913 : vector<1024x64xf32>
        %lt3A_915 = vector.broadcast %convert_element_type3A_28 : vector<1x64xf32> to vector<1024x64xf32>
        %lt3A_916 = vector.broadcast %add3A_881 : vector<1024x1xf32> to vector<1024x64xf32>
        %lt3A_917 = arith.cmpf olt, %lt3A_915, %lt3A_916 : vector<1024x64xf32>
        %eq3A_918 = vector.broadcast %convert_element_type3A_28 : vector<1x64xf32> to vector<1024x64xf32>
        %eq3A_919 = vector.broadcast %add3A_881 : vector<1024x1xf32> to vector<1024x64xf32>
        %eq3A_920 = arith.cmpf oeq, %eq3A_918, %eq3A_919 : vector<1024x64xf32>
        %broadcast_in_dim3A_921 = vector.shape_cast %add3A_865 : vector<1024x1xf32> to vector<1024x1xf32>
        %broadcast_in_dim3A_922 = vector.broadcast %broadcast_in_dim3A_921 : vector<1024x1xf32> to vector<1024x64xf32>
        %select_n3A_923 = arith.select %eq3A_920, %broadcast_in_dim3A_922, %roll3A_888 : vector<1024x64xi1>, vector<1024x64xf32>
        %select_n3A_924 = arith.select %lt3A_917, %roll3A_886, %select_n3A_923 : vector<1024x64xi1>, vector<1024x64xf32>
        %broadcast_in_dim3A_925 = vector.shape_cast %add3A_861 : vector<1024x1xf32> to vector<1024x1xf32>
        %broadcast_in_dim3A_926 = vector.broadcast %broadcast_in_dim3A_925 : vector<1024x1xf32> to vector<1024x64xf32>
        %select_n3A_927 = arith.select %eq3A_914, %broadcast_in_dim3A_926, %select_n3A_924 : vector<1024x64xi1>, vector<1024x64xf32>
        %select_n3A_928 = arith.select %lt3A_911, %get3A_817, %select_n3A_927 : vector<1024x64xi1>, vector<1024x64xf32>
        %swap3A_929 = arith.constant 0 : index
        %swap3A_930 = arith.constant 0 : index
        %swap3A_931 = vector.load %arg7[%swap3A_929, %swap3A_930] : memref<1024x64xf32, #tpu.memory_space<vmem>>, vector<1024x64xf32>
        tpu.vector_store %arg7[%swap3A_929, %swap3A_930], %select_n3A_908 {strides = array<i32>} : memref<1024x64xf32, #tpu.memory_space<vmem>>, vector<1024x64xf32>,
        %swap3A_932 = arith.constant 0 : index
        %swap3A_933 = arith.constant 0 : index
        %swap3A_934 = vector.load %arg8[%swap3A_932, %swap3A_933] : memref<1024x64xf32, #tpu.memory_space<vmem>>, vector<1024x64xf32>
        tpu.vector_store %arg8[%swap3A_932, %swap3A_933], %select_n3A_928 {strides = array<i32>} : memref<1024x64xf32, #tpu.memory_space<vmem>>, vector<1024x64xf32>,
      } else {
      }
      %get3A_723 = arith.constant 0 : index
      %get3A_724 = arith.constant 3712 : index
      %get3A_725 = vector.load %arg9[%get3A_723, %get3A_724] : memref<1024x4096xf32, #tpu.memory_space<vmem>>, vector<1024x128xf32>
      %get3A_726 = arith.constant 0 : index
      %get3A_727 = arith.constant 63 : index
      %get3A_728 = vector.load %arg7[%get3A_726, %get3A_727] : memref<1024x64xf32, #tpu.memory_space<vmem>>, vector<1024x1xf32>
      %lt3A_729 = vector.broadcast %get3A_728 : vector<1024x1xf32> to vector<1024x128xf32>
      %lt3A_730 = arith.cmpf olt, %get3A_725, %lt3A_729 : vector<1024x128xf32>
      %reduce_or3A_731 = arith.constant 1.000000e+00 : f32
      %reduce_or3A_732 = arith.constant 0.000000e+00 : f32
      %reduce_or3A_733 = vector.broadcast %reduce_or3A_731 : f32 to vector<1024x128xf32>
      %reduce_or3A_734 = vector.broadcast %reduce_or3A_732 : f32 to vector<1024x128xf32>
      %reduce_or3A_735 = arith.select %lt3A_730, %reduce_or3A_733, %reduce_or3A_734 : vector<1024x128xi1>, vector<1024x128xf32>
      %reduce_or3A_736 = vector.shape_cast %reduce_or3A_735 : vector<1024x128xf32> to vector<1x1024x128xf32>
      %reduce_or3A_737 = arith.constant dense<0xFF800000> : vector<1xf32>
      %reduce_or3A_738 = vector.multi_reduction <maximumf>, %reduce_or3A_736, %reduce_or3A_737 [1, 2] : vector<1x1024x128xf32> to vector<1xf32>
      %reduce_or3A_739 = vector.shape_cast %reduce_or3A_738 : vector<1xf32> to vector<1x1x1xf32>
      %reduce_or3A_740 = vector.extract %reduce_or3A_739[0, 0, 0] : f32 from vector<1x1x1xf32>
      %reduce_or3A_741 = arith.constant 0.000000e+00 : f32
      %reduce_or3A_742 = arith.cmpf ogt, %reduce_or3A_740, %reduce_or3A_741 : f32
      %convert_element_type3A_743 = arith.extui %reduce_or3A_742 : i1 to i32
      %cond3A_744 = arith.constant 0 : i32
      %cond3A_745 = arith.cmpi ne, %convert_element_type3A_743, %cond3A_744 : i32
      scf.if %cond3A_745 {
        %get3A_812 = arith.constant 0 : index
        %get3A_813 = arith.constant 0 : index
        %get3A_814 = vector.load %arg7[%get3A_812, %get3A_813] : memref<1024x64xf32, #tpu.memory_space<vmem>>, vector<1024x64xf32>
        %get3A_815 = arith.constant 0 : index
        %get3A_816 = arith.constant 0 : index
        %get3A_817 = vector.load %arg8[%get3A_815, %get3A_816] : memref<1024x64xf32, #tpu.memory_space<vmem>>, vector<1024x64xf32>
        %reduce_min3A = arith.constant dense<0x7F800000> : vector<1024xf32>
        %reduce_min3A_818 = vector.multi_reduction <minimumf>, %get3A_725, %reduce_min3A [1] : vector<1024x128xf32> to vector<1024xf32>
        %broadcast_in_dim3A_819 = vector.shape_cast %reduce_min3A_818 : vector<1024xf32> to vector<1024x1xf32>
        %eq3A_820 = vector.broadcast %broadcast_in_dim3A_819 : vector<1024x1xf32> to vector<1024x128xf32>
        %eq3A_821 = arith.cmpf oeq, %get3A_725, %eq3A_820 : vector<1024x128xf32>
        %jit3A_822 = arith.constant 1.000000e+04 : f32
        %broadcast_in_dim3A_823 = vector.shape_cast %convert_element_type3A_30 : vector<1x128xf32> to vector<1x128xf32>
        %broadcast_in_dim3A_824 = vector.broadcast %broadcast_in_dim3A_823 : vector<1x128xf32> to vector<1024x128xf32>
        %broadcast_in_dim3A_825 = vector.broadcast %jit3A_822 : f32 to vector<1024x128xf32>
        %select_n3A_826 = arith.select %eq3A_821, %broadcast_in_dim3A_824, %broadcast_in_dim3A_825 : vector<1024x128xi1>, vector<1024x128xf32>
        %reduce_min3A_827 = arith.constant dense<0x7F800000> : vector<1024xf32>
        %reduce_min3A_828 = vector.multi_reduction <minimumf>, %select_n3A_826, %reduce_min3A_827 [1] : vector<1024x128xf32> to vector<1024xf32>
        %broadcast_in_dim3A_829 = vector.shape_cast %reduce_min3A_828 : vector<1024xf32> to vector<1024x1xf32>
        %eq3A_830 = vector.broadcast %convert_element_type3A_30 : vector<1x128xf32> to vector<1024x128xf32>
        %eq3A_831 = vector.broadcast %broadcast_in_dim3A_829 : vector<1024x1xf32> to vector<1024x128xf32>
        %eq3A_832 = arith.cmpf oeq, %eq3A_830, %eq3A_831 : vector<1024x128xf32>
        %jit3A_833 = arith.constant 3.000000e+38 : f32
        %broadcast_in_dim3A_834 = vector.broadcast %jit3A_833 : f32 to vector<1024x128xf32>
        %select_n3A_835 = arith.select %eq3A_832, %broadcast_in_dim3A_834, %get3A_725 : vector<1024x128xi1>, vector<1024x128xf32>
        %reduce_min3A_836 = arith.constant dense<0x7F800000> : vector<1024xf32>
        %reduce_min3A_837 = vector.multi_reduction <minimumf>, %select_n3A_835, %reduce_min3A_836 [1] : vector<1024x128xf32> to vector<1024xf32>
        %broadcast_in_dim3A_838 = vector.shape_cast %reduce_min3A_837 : vector<1024xf32> to vector<1024x1xf32>
        %eq3A_839 = vector.broadcast %broadcast_in_dim3A_838 : vector<1024x1xf32> to vector<1024x128xf32>
        %eq3A_840 = arith.cmpf oeq, %select_n3A_835, %eq3A_839 : vector<1024x128xf32>
        %jit3A_841 = arith.constant 1.000000e+04 : f32
        %broadcast_in_dim3A_842 = vector.shape_cast %convert_element_type3A_30 : vector<1x128xf32> to vector<1x128xf32>
        %broadcast_in_dim3A_843 = vector.broadcast %broadcast_in_dim3A_842 : vector<1x128xf32> to vector<1024x128xf32>
        %broadcast_in_dim3A_844 = vector.broadcast %jit3A_841 : f32 to vector<1024x128xf32>
        %select_n3A_845 = arith.select %eq3A_840, %broadcast_in_dim3A_843, %broadcast_in_dim3A_844 : vector<1024x128xi1>, vector<1024x128xf32>
        %reduce_min3A_846 = arith.constant dense<0x7F800000> : vector<1024xf32>
        %reduce_min3A_847 = vector.multi_reduction <minimumf>, %select_n3A_845, %reduce_min3A_846 [1] : vector<1024x128xf32> to vector<1024xf32>
        %broadcast_in_dim3A_848 = vector.shape_cast %reduce_min3A_847 : vector<1024xf32> to vector<1024x1xf32>
        %eq3A_849 = vector.broadcast %convert_element_type3A_30 : vector<1x128xf32> to vector<1024x128xf32>
        %eq3A_850 = vector.broadcast %broadcast_in_dim3A_848 : vector<1024x1xf32> to vector<1024x128xf32>
        %eq3A_851 = arith.cmpf oeq, %eq3A_849, %eq3A_850 : vector<1024x128xf32>
        %jit3A_852 = arith.constant 3.000000e+38 : f32
        %broadcast_in_dim3A_853 = vector.broadcast %jit3A_852 : f32 to vector<1024x128xf32>
        %select_n3A_854 = arith.select %eq3A_851, %broadcast_in_dim3A_853, %select_n3A_835 : vector<1024x128xi1>, vector<1024x128xf32>
        %swap3A_855 = arith.constant 0 : index
        %swap3A_856 = arith.constant 3712 : index
        %swap3A_857 = vector.load %arg9[%swap3A_855, %swap3A_856] : memref<1024x4096xf32, #tpu.memory_space<vmem>>, vector<1024x128xf32>
        tpu.vector_store %arg9[%swap3A_855, %swap3A_856], %select_n3A_854 {strides = array<i32>} : memref<1024x4096xf32, #tpu.memory_space<vmem>>, vector<1024x128xf32>,
        %add3A_858 = arith.constant 3.712000e+03 : f32
        %add3A_859 = arith.addf %convert_element_type3A_33, %add3A_858 : f32
        %add3A_860 = vector.broadcast %add3A_859 : f32 to vector<1024x1xf32>
        %add3A_861 = arith.addf %add3A_860, %broadcast_in_dim3A_829 : vector<1024x1xf32>
        %add3A_862 = arith.constant 3.712000e+03 : f32
        %add3A_863 = arith.addf %convert_element_type3A_33, %add3A_862 : f32
        %add3A_864 = vector.broadcast %add3A_863 : f32 to vector<1024x1xf32>
        %add3A_865 = arith.addf %add3A_864, %broadcast_in_dim3A_848 : vector<1024x1xf32>
        %le3A = vector.broadcast %broadcast_in_dim3A_819 : vector<1024x1xf32> to vector<1024x64xf32>
        %le3A_866 = arith.cmpf ole, %get3A_814, %le3A : vector<1024x64xf32>
        %convert_element_type3A_867 = arith.extui %le3A_866 : vector<1024x64xi1> to vector<1024x64xi32>
        %convert_element_type3A_868 = arith.sitofp %convert_element_type3A_867 : vector<1024x64xi32> to vector<1024x64xf32>
        %reduce_sum3A_869 = arith.constant dense<0.000000e+00> : vector<1024xf32>
        %reduce_sum3A_870 = vector.multi_reduction <add>, %convert_element_type3A_868, %reduce_sum3A_869 [1] : vector<1024x64xf32> to vector<1024xf32>
        %broadcast_in_dim3A_871 = vector.shape_cast %reduce_sum3A_870 : vector<1024xf32> to vector<1024x1xf32>
        %le3A_872 = vector.broadcast %broadcast_in_dim3A_838 : vector<1024x1xf32> to vector<1024x64xf32>
        %le3A_873 = arith.cmpf ole, %get3A_814, %le3A_872 : vector<1024x64xf32>
        %convert_element_type3A_874 = arith.extui %le3A_873 : vector<1024x64xi1> to vector<1024x64xi32>
        %convert_element_type3A_875 = arith.sitofp %convert_element_type3A_874 : vector<1024x64xi32> to vector<1024x64xf32>
        %reduce_sum3A_876 = arith.constant dense<0.000000e+00> : vector<1024xf32>
        %reduce_sum3A_877 = vector.multi_reduction <add>, %convert_element_type3A_875, %reduce_sum3A_876 [1] : vector<1024x64xf32> to vector<1024xf32>
        %broadcast_in_dim3A_878 = vector.shape_cast %reduce_sum3A_877 : vector<1024xf32> to vector<1024x1xf32>
        %add3A_879 = arith.constant 1.000000e+00 : f32
        %add3A_880 = vector.broadcast %add3A_879 : f32 to vector<1024x1xf32>
        %add3A_881 = arith.addf %broadcast_in_dim3A_878, %add3A_880 : vector<1024x1xf32>
        %roll3A = arith.constant 1 : i32
        %roll3A_882 = tpu.dynamic_rotate %get3A_814 by %roll3A dim 1 : vector<1024x64xf32>, i32 -> vector<1024x64xf32>
        %roll3A_883 = arith.constant 2 : i32
        %roll3A_884 = tpu.dynamic_rotate %get3A_814 by %roll3A_883 dim 1 : vector<1024x64xf32>, i32 -> vector<1024x64xf32>
        %roll3A_885 = arith.constant 1 : i32
        %roll3A_886 = tpu.dynamic_rotate %get3A_817 by %roll3A_885 dim 1 : vector<1024x64xf32>, i32 -> vector<1024x64xf32>
        %roll3A_887 = arith.constant 2 : i32
        %roll3A_888 = tpu.dynamic_rotate %get3A_817 by %roll3A_887 dim 1 : vector<1024x64xf32>, i32 -> vector<1024x64xf32>
        %lt3A_889 = vector.broadcast %convert_element_type3A_28 : vector<1x64xf32> to vector<1024x64xf32>
        %lt3A_890 = vector.broadcast %broadcast_in_dim3A_871 : vector<1024x1xf32> to vector<1024x64xf32>
        %lt3A_891 = arith.cmpf olt, %lt3A_889, %lt3A_890 : vector<1024x64xf32>
        %eq3A_892 = vector.broadcast %convert_element_type3A_28 : vector<1x64xf32> to vector<1024x64xf32>
        %eq3A_893 = vector.broadcast %broadcast_in_dim3A_871 : vector<1024x1xf32> to vector<1024x64xf32>
        %eq3A_894 = arith.cmpf oeq, %eq3A_892, %eq3A_893 : vector<1024x64xf32>
        %lt3A_895 = vector.broadcast %convert_element_type3A_28 : vector<1x64xf32> to vector<1024x64xf32>
        %lt3A_896 = vector.broadcast %add3A_881 : vector<1024x1xf32> to vector<1024x64xf32>
        %lt3A_897 = arith.cmpf olt, %lt3A_895, %lt3A_896 : vector<1024x64xf32>
        %eq3A_898 = vector.broadcast %convert_element_type3A_28 : vector<1x64xf32> to vector<1024x64xf32>
        %eq3A_899 = vector.broadcast %add3A_881 : vector<1024x1xf32> to vector<1024x64xf32>
        %eq3A_900 = arith.cmpf oeq, %eq3A_898, %eq3A_899 : vector<1024x64xf32>
        %broadcast_in_dim3A_901 = vector.shape_cast %broadcast_in_dim3A_838 : vector<1024x1xf32> to vector<1024x1xf32>
        %broadcast_in_dim3A_902 = vector.broadcast %broadcast_in_dim3A_901 : vector<1024x1xf32> to vector<1024x64xf32>
        %select_n3A_903 = arith.select %eq3A_900, %broadcast_in_dim3A_902, %roll3A_884 : vector<1024x64xi1>, vector<1024x64xf32>
        %select_n3A_904 = arith.select %lt3A_897, %roll3A_882, %select_n3A_903 : vector<1024x64xi1>, vector<1024x64xf32>
        %broadcast_in_dim3A_905 = vector.shape_cast %broadcast_in_dim3A_819 : vector<1024x1xf32> to vector<1024x1xf32>
        %broadcast_in_dim3A_906 = vector.broadcast %broadcast_in_dim3A_905 : vector<1024x1xf32> to vector<1024x64xf32>
        %select_n3A_907 = arith.select %eq3A_894, %broadcast_in_dim3A_906, %select_n3A_904 : vector<1024x64xi1>, vector<1024x64xf32>
        %select_n3A_908 = arith.select %lt3A_891, %get3A_814, %select_n3A_907 : vector<1024x64xi1>, vector<1024x64xf32>
        %lt3A_909 = vector.broadcast %convert_element_type3A_28 : vector<1x64xf32> to vector<1024x64xf32>
        %lt3A_910 = vector.broadcast %broadcast_in_dim3A_871 : vector<1024x1xf32> to vector<1024x64xf32>
        %lt3A_911 = arith.cmpf olt, %lt3A_909, %lt3A_910 : vector<1024x64xf32>
        %eq3A_912 = vector.broadcast %convert_element_type3A_28 : vector<1x64xf32> to vector<1024x64xf32>
        %eq3A_913 = vector.broadcast %broadcast_in_dim3A_871 : vector<1024x1xf32> to vector<1024x64xf32>
        %eq3A_914 = arith.cmpf oeq, %eq3A_912, %eq3A_913 : vector<1024x64xf32>
        %lt3A_915 = vector.broadcast %convert_element_type3A_28 : vector<1x64xf32> to vector<1024x64xf32>
        %lt3A_916 = vector.broadcast %add3A_881 : vector<1024x1xf32> to vector<1024x64xf32>
        %lt3A_917 = arith.cmpf olt, %lt3A_915, %lt3A_916 : vector<1024x64xf32>
        %eq3A_918 = vector.broadcast %convert_element_type3A_28 : vector<1x64xf32> to vector<1024x64xf32>
        %eq3A_919 = vector.broadcast %add3A_881 : vector<1024x1xf32> to vector<1024x64xf32>
        %eq3A_920 = arith.cmpf oeq, %eq3A_918, %eq3A_919 : vector<1024x64xf32>
        %broadcast_in_dim3A_921 = vector.shape_cast %add3A_865 : vector<1024x1xf32> to vector<1024x1xf32>
        %broadcast_in_dim3A_922 = vector.broadcast %broadcast_in_dim3A_921 : vector<1024x1xf32> to vector<1024x64xf32>
        %select_n3A_923 = arith.select %eq3A_920, %broadcast_in_dim3A_922, %roll3A_888 : vector<1024x64xi1>, vector<1024x64xf32>
        %select_n3A_924 = arith.select %lt3A_917, %roll3A_886, %select_n3A_923 : vector<1024x64xi1>, vector<1024x64xf32>
        %broadcast_in_dim3A_925 = vector.shape_cast %add3A_861 : vector<1024x1xf32> to vector<1024x1xf32>
        %broadcast_in_dim3A_926 = vector.broadcast %broadcast_in_dim3A_925 : vector<1024x1xf32> to vector<1024x64xf32>
        %select_n3A_927 = arith.select %eq3A_914, %broadcast_in_dim3A_926, %select_n3A_924 : vector<1024x64xi1>, vector<1024x64xf32>
        %select_n3A_928 = arith.select %lt3A_911, %get3A_817, %select_n3A_927 : vector<1024x64xi1>, vector<1024x64xf32>
        %swap3A_929 = arith.constant 0 : index
        %swap3A_930 = arith.constant 0 : index
        %swap3A_931 = vector.load %arg7[%swap3A_929, %swap3A_930] : memref<1024x64xf32, #tpu.memory_space<vmem>>, vector<1024x64xf32>
        tpu.vector_store %arg7[%swap3A_929, %swap3A_930], %select_n3A_908 {strides = array<i32>} : memref<1024x64xf32, #tpu.memory_space<vmem>>, vector<1024x64xf32>,
        %swap3A_932 = arith.constant 0 : index
        %swap3A_933 = arith.constant 0 : index
        %swap3A_934 = vector.load %arg8[%swap3A_932, %swap3A_933] : memref<1024x64xf32, #tpu.memory_space<vmem>>, vector<1024x64xf32>
        tpu.vector_store %arg8[%swap3A_932, %swap3A_933], %select_n3A_928 {strides = array<i32>} : memref<1024x64xf32, #tpu.memory_space<vmem>>, vector<1024x64xf32>,
      } else {
      }
      %get3A_746 = arith.constant 0 : index
      %get3A_747 = arith.constant 3840 : index
      %get3A_748 = vector.load %arg9[%get3A_746, %get3A_747] : memref<1024x4096xf32, #tpu.memory_space<vmem>>, vector<1024x128xf32>
      %get3A_749 = arith.constant 0 : index
      %get3A_750 = arith.constant 63 : index
      %get3A_751 = vector.load %arg7[%get3A_749, %get3A_750] : memref<1024x64xf32, #tpu.memory_space<vmem>>, vector<1024x1xf32>
      %lt3A_752 = vector.broadcast %get3A_751 : vector<1024x1xf32> to vector<1024x128xf32>
      %lt3A_753 = arith.cmpf olt, %get3A_748, %lt3A_752 : vector<1024x128xf32>
      %reduce_or3A_754 = arith.constant 1.000000e+00 : f32
      %reduce_or3A_755 = arith.constant 0.000000e+00 : f32
      %reduce_or3A_756 = vector.broadcast %reduce_or3A_754 : f32 to vector<1024x128xf32>
      %reduce_or3A_757 = vector.broadcast %reduce_or3A_755 : f32 to vector<1024x128xf32>
      %reduce_or3A_758 = arith.select %lt3A_753, %reduce_or3A_756, %reduce_or3A_757 : vector<1024x128xi1>, vector<1024x128xf32>
      %reduce_or3A_759 = vector.shape_cast %reduce_or3A_758 : vector<1024x128xf32> to vector<1x1024x128xf32>
      %reduce_or3A_760 = arith.constant dense<0xFF800000> : vector<1xf32>
      %reduce_or3A_761 = vector.multi_reduction <maximumf>, %reduce_or3A_759, %reduce_or3A_760 [1, 2] : vector<1x1024x128xf32> to vector<1xf32>
      %reduce_or3A_762 = vector.shape_cast %reduce_or3A_761 : vector<1xf32> to vector<1x1x1xf32>
      %reduce_or3A_763 = vector.extract %reduce_or3A_762[0, 0, 0] : f32 from vector<1x1x1xf32>
      %reduce_or3A_764 = arith.constant 0.000000e+00 : f32
      %reduce_or3A_765 = arith.cmpf ogt, %reduce_or3A_763, %reduce_or3A_764 : f32
      %convert_element_type3A_766 = arith.extui %reduce_or3A_765 : i1 to i32
      %cond3A_767 = arith.constant 0 : i32
      %cond3A_768 = arith.cmpi ne, %convert_element_type3A_766, %cond3A_767 : i32
      scf.if %cond3A_768 {
        %get3A_812 = arith.constant 0 : index
        %get3A_813 = arith.constant 0 : index
        %get3A_814 = vector.load %arg7[%get3A_812, %get3A_813] : memref<1024x64xf32, #tpu.memory_space<vmem>>, vector<1024x64xf32>
        %get3A_815 = arith.constant 0 : index
        %get3A_816 = arith.constant 0 : index
        %get3A_817 = vector.load %arg8[%get3A_815, %get3A_816] : memref<1024x64xf32, #tpu.memory_space<vmem>>, vector<1024x64xf32>
        %reduce_min3A = arith.constant dense<0x7F800000> : vector<1024xf32>
        %reduce_min3A_818 = vector.multi_reduction <minimumf>, %get3A_748, %reduce_min3A [1] : vector<1024x128xf32> to vector<1024xf32>
        %broadcast_in_dim3A_819 = vector.shape_cast %reduce_min3A_818 : vector<1024xf32> to vector<1024x1xf32>
        %eq3A_820 = vector.broadcast %broadcast_in_dim3A_819 : vector<1024x1xf32> to vector<1024x128xf32>
        %eq3A_821 = arith.cmpf oeq, %get3A_748, %eq3A_820 : vector<1024x128xf32>
        %jit3A_822 = arith.constant 1.000000e+04 : f32
        %broadcast_in_dim3A_823 = vector.shape_cast %convert_element_type3A_30 : vector<1x128xf32> to vector<1x128xf32>
        %broadcast_in_dim3A_824 = vector.broadcast %broadcast_in_dim3A_823 : vector<1x128xf32> to vector<1024x128xf32>
        %broadcast_in_dim3A_825 = vector.broadcast %jit3A_822 : f32 to vector<1024x128xf32>
        %select_n3A_826 = arith.select %eq3A_821, %broadcast_in_dim3A_824, %broadcast_in_dim3A_825 : vector<1024x128xi1>, vector<1024x128xf32>
        %reduce_min3A_827 = arith.constant dense<0x7F800000> : vector<1024xf32>
        %reduce_min3A_828 = vector.multi_reduction <minimumf>, %select_n3A_826, %reduce_min3A_827 [1] : vector<1024x128xf32> to vector<1024xf32>
        %broadcast_in_dim3A_829 = vector.shape_cast %reduce_min3A_828 : vector<1024xf32> to vector<1024x1xf32>
        %eq3A_830 = vector.broadcast %convert_element_type3A_30 : vector<1x128xf32> to vector<1024x128xf32>
        %eq3A_831 = vector.broadcast %broadcast_in_dim3A_829 : vector<1024x1xf32> to vector<1024x128xf32>
        %eq3A_832 = arith.cmpf oeq, %eq3A_830, %eq3A_831 : vector<1024x128xf32>
        %jit3A_833 = arith.constant 3.000000e+38 : f32
        %broadcast_in_dim3A_834 = vector.broadcast %jit3A_833 : f32 to vector<1024x128xf32>
        %select_n3A_835 = arith.select %eq3A_832, %broadcast_in_dim3A_834, %get3A_748 : vector<1024x128xi1>, vector<1024x128xf32>
        %reduce_min3A_836 = arith.constant dense<0x7F800000> : vector<1024xf32>
        %reduce_min3A_837 = vector.multi_reduction <minimumf>, %select_n3A_835, %reduce_min3A_836 [1] : vector<1024x128xf32> to vector<1024xf32>
        %broadcast_in_dim3A_838 = vector.shape_cast %reduce_min3A_837 : vector<1024xf32> to vector<1024x1xf32>
        %eq3A_839 = vector.broadcast %broadcast_in_dim3A_838 : vector<1024x1xf32> to vector<1024x128xf32>
        %eq3A_840 = arith.cmpf oeq, %select_n3A_835, %eq3A_839 : vector<1024x128xf32>
        %jit3A_841 = arith.constant 1.000000e+04 : f32
        %broadcast_in_dim3A_842 = vector.shape_cast %convert_element_type3A_30 : vector<1x128xf32> to vector<1x128xf32>
        %broadcast_in_dim3A_843 = vector.broadcast %broadcast_in_dim3A_842 : vector<1x128xf32> to vector<1024x128xf32>
        %broadcast_in_dim3A_844 = vector.broadcast %jit3A_841 : f32 to vector<1024x128xf32>
        %select_n3A_845 = arith.select %eq3A_840, %broadcast_in_dim3A_843, %broadcast_in_dim3A_844 : vector<1024x128xi1>, vector<1024x128xf32>
        %reduce_min3A_846 = arith.constant dense<0x7F800000> : vector<1024xf32>
        %reduce_min3A_847 = vector.multi_reduction <minimumf>, %select_n3A_845, %reduce_min3A_846 [1] : vector<1024x128xf32> to vector<1024xf32>
        %broadcast_in_dim3A_848 = vector.shape_cast %reduce_min3A_847 : vector<1024xf32> to vector<1024x1xf32>
        %eq3A_849 = vector.broadcast %convert_element_type3A_30 : vector<1x128xf32> to vector<1024x128xf32>
        %eq3A_850 = vector.broadcast %broadcast_in_dim3A_848 : vector<1024x1xf32> to vector<1024x128xf32>
        %eq3A_851 = arith.cmpf oeq, %eq3A_849, %eq3A_850 : vector<1024x128xf32>
        %jit3A_852 = arith.constant 3.000000e+38 : f32
        %broadcast_in_dim3A_853 = vector.broadcast %jit3A_852 : f32 to vector<1024x128xf32>
        %select_n3A_854 = arith.select %eq3A_851, %broadcast_in_dim3A_853, %select_n3A_835 : vector<1024x128xi1>, vector<1024x128xf32>
        %swap3A_855 = arith.constant 0 : index
        %swap3A_856 = arith.constant 3840 : index
        %swap3A_857 = vector.load %arg9[%swap3A_855, %swap3A_856] : memref<1024x4096xf32, #tpu.memory_space<vmem>>, vector<1024x128xf32>
        tpu.vector_store %arg9[%swap3A_855, %swap3A_856], %select_n3A_854 {strides = array<i32>} : memref<1024x4096xf32, #tpu.memory_space<vmem>>, vector<1024x128xf32>,
        %add3A_858 = arith.constant 3.840000e+03 : f32
        %add3A_859 = arith.addf %convert_element_type3A_33, %add3A_858 : f32
        %add3A_860 = vector.broadcast %add3A_859 : f32 to vector<1024x1xf32>
        %add3A_861 = arith.addf %add3A_860, %broadcast_in_dim3A_829 : vector<1024x1xf32>
        %add3A_862 = arith.constant 3.840000e+03 : f32
        %add3A_863 = arith.addf %convert_element_type3A_33, %add3A_862 : f32
        %add3A_864 = vector.broadcast %add3A_863 : f32 to vector<1024x1xf32>
        %add3A_865 = arith.addf %add3A_864, %broadcast_in_dim3A_848 : vector<1024x1xf32>
        %le3A = vector.broadcast %broadcast_in_dim3A_819 : vector<1024x1xf32> to vector<1024x64xf32>
        %le3A_866 = arith.cmpf ole, %get3A_814, %le3A : vector<1024x64xf32>
        %convert_element_type3A_867 = arith.extui %le3A_866 : vector<1024x64xi1> to vector<1024x64xi32>
        %convert_element_type3A_868 = arith.sitofp %convert_element_type3A_867 : vector<1024x64xi32> to vector<1024x64xf32>
        %reduce_sum3A_869 = arith.constant dense<0.000000e+00> : vector<1024xf32>
        %reduce_sum3A_870 = vector.multi_reduction <add>, %convert_element_type3A_868, %reduce_sum3A_869 [1] : vector<1024x64xf32> to vector<1024xf32>
        %broadcast_in_dim3A_871 = vector.shape_cast %reduce_sum3A_870 : vector<1024xf32> to vector<1024x1xf32>
        %le3A_872 = vector.broadcast %broadcast_in_dim3A_838 : vector<1024x1xf32> to vector<1024x64xf32>
        %le3A_873 = arith.cmpf ole, %get3A_814, %le3A_872 : vector<1024x64xf32>
        %convert_element_type3A_874 = arith.extui %le3A_873 : vector<1024x64xi1> to vector<1024x64xi32>
        %convert_element_type3A_875 = arith.sitofp %convert_element_type3A_874 : vector<1024x64xi32> to vector<1024x64xf32>
        %reduce_sum3A_876 = arith.constant dense<0.000000e+00> : vector<1024xf32>
        %reduce_sum3A_877 = vector.multi_reduction <add>, %convert_element_type3A_875, %reduce_sum3A_876 [1] : vector<1024x64xf32> to vector<1024xf32>
        %broadcast_in_dim3A_878 = vector.shape_cast %reduce_sum3A_877 : vector<1024xf32> to vector<1024x1xf32>
        %add3A_879 = arith.constant 1.000000e+00 : f32
        %add3A_880 = vector.broadcast %add3A_879 : f32 to vector<1024x1xf32>
        %add3A_881 = arith.addf %broadcast_in_dim3A_878, %add3A_880 : vector<1024x1xf32>
        %roll3A = arith.constant 1 : i32
        %roll3A_882 = tpu.dynamic_rotate %get3A_814 by %roll3A dim 1 : vector<1024x64xf32>, i32 -> vector<1024x64xf32>
        %roll3A_883 = arith.constant 2 : i32
        %roll3A_884 = tpu.dynamic_rotate %get3A_814 by %roll3A_883 dim 1 : vector<1024x64xf32>, i32 -> vector<1024x64xf32>
        %roll3A_885 = arith.constant 1 : i32
        %roll3A_886 = tpu.dynamic_rotate %get3A_817 by %roll3A_885 dim 1 : vector<1024x64xf32>, i32 -> vector<1024x64xf32>
        %roll3A_887 = arith.constant 2 : i32
        %roll3A_888 = tpu.dynamic_rotate %get3A_817 by %roll3A_887 dim 1 : vector<1024x64xf32>, i32 -> vector<1024x64xf32>
        %lt3A_889 = vector.broadcast %convert_element_type3A_28 : vector<1x64xf32> to vector<1024x64xf32>
        %lt3A_890 = vector.broadcast %broadcast_in_dim3A_871 : vector<1024x1xf32> to vector<1024x64xf32>
        %lt3A_891 = arith.cmpf olt, %lt3A_889, %lt3A_890 : vector<1024x64xf32>
        %eq3A_892 = vector.broadcast %convert_element_type3A_28 : vector<1x64xf32> to vector<1024x64xf32>
        %eq3A_893 = vector.broadcast %broadcast_in_dim3A_871 : vector<1024x1xf32> to vector<1024x64xf32>
        %eq3A_894 = arith.cmpf oeq, %eq3A_892, %eq3A_893 : vector<1024x64xf32>
        %lt3A_895 = vector.broadcast %convert_element_type3A_28 : vector<1x64xf32> to vector<1024x64xf32>
        %lt3A_896 = vector.broadcast %add3A_881 : vector<1024x1xf32> to vector<1024x64xf32>
        %lt3A_897 = arith.cmpf olt, %lt3A_895, %lt3A_896 : vector<1024x64xf32>
        %eq3A_898 = vector.broadcast %convert_element_type3A_28 : vector<1x64xf32> to vector<1024x64xf32>
        %eq3A_899 = vector.broadcast %add3A_881 : vector<1024x1xf32> to vector<1024x64xf32>
        %eq3A_900 = arith.cmpf oeq, %eq3A_898, %eq3A_899 : vector<1024x64xf32>
        %broadcast_in_dim3A_901 = vector.shape_cast %broadcast_in_dim3A_838 : vector<1024x1xf32> to vector<1024x1xf32>
        %broadcast_in_dim3A_902 = vector.broadcast %broadcast_in_dim3A_901 : vector<1024x1xf32> to vector<1024x64xf32>
        %select_n3A_903 = arith.select %eq3A_900, %broadcast_in_dim3A_902, %roll3A_884 : vector<1024x64xi1>, vector<1024x64xf32>
        %select_n3A_904 = arith.select %lt3A_897, %roll3A_882, %select_n3A_903 : vector<1024x64xi1>, vector<1024x64xf32>
        %broadcast_in_dim3A_905 = vector.shape_cast %broadcast_in_dim3A_819 : vector<1024x1xf32> to vector<1024x1xf32>
        %broadcast_in_dim3A_906 = vector.broadcast %broadcast_in_dim3A_905 : vector<1024x1xf32> to vector<1024x64xf32>
        %select_n3A_907 = arith.select %eq3A_894, %broadcast_in_dim3A_906, %select_n3A_904 : vector<1024x64xi1>, vector<1024x64xf32>
        %select_n3A_908 = arith.select %lt3A_891, %get3A_814, %select_n3A_907 : vector<1024x64xi1>, vector<1024x64xf32>
        %lt3A_909 = vector.broadcast %convert_element_type3A_28 : vector<1x64xf32> to vector<1024x64xf32>
        %lt3A_910 = vector.broadcast %broadcast_in_dim3A_871 : vector<1024x1xf32> to vector<1024x64xf32>
        %lt3A_911 = arith.cmpf olt, %lt3A_909, %lt3A_910 : vector<1024x64xf32>
        %eq3A_912 = vector.broadcast %convert_element_type3A_28 : vector<1x64xf32> to vector<1024x64xf32>
        %eq3A_913 = vector.broadcast %broadcast_in_dim3A_871 : vector<1024x1xf32> to vector<1024x64xf32>
        %eq3A_914 = arith.cmpf oeq, %eq3A_912, %eq3A_913 : vector<1024x64xf32>
        %lt3A_915 = vector.broadcast %convert_element_type3A_28 : vector<1x64xf32> to vector<1024x64xf32>
        %lt3A_916 = vector.broadcast %add3A_881 : vector<1024x1xf32> to vector<1024x64xf32>
        %lt3A_917 = arith.cmpf olt, %lt3A_915, %lt3A_916 : vector<1024x64xf32>
        %eq3A_918 = vector.broadcast %convert_element_type3A_28 : vector<1x64xf32> to vector<1024x64xf32>
        %eq3A_919 = vector.broadcast %add3A_881 : vector<1024x1xf32> to vector<1024x64xf32>
        %eq3A_920 = arith.cmpf oeq, %eq3A_918, %eq3A_919 : vector<1024x64xf32>
        %broadcast_in_dim3A_921 = vector.shape_cast %add3A_865 : vector<1024x1xf32> to vector<1024x1xf32>
        %broadcast_in_dim3A_922 = vector.broadcast %broadcast_in_dim3A_921 : vector<1024x1xf32> to vector<1024x64xf32>
        %select_n3A_923 = arith.select %eq3A_920, %broadcast_in_dim3A_922, %roll3A_888 : vector<1024x64xi1>, vector<1024x64xf32>
        %select_n3A_924 = arith.select %lt3A_917, %roll3A_886, %select_n3A_923 : vector<1024x64xi1>, vector<1024x64xf32>
        %broadcast_in_dim3A_925 = vector.shape_cast %add3A_861 : vector<1024x1xf32> to vector<1024x1xf32>
        %broadcast_in_dim3A_926 = vector.broadcast %broadcast_in_dim3A_925 : vector<1024x1xf32> to vector<1024x64xf32>
        %select_n3A_927 = arith.select %eq3A_914, %broadcast_in_dim3A_926, %select_n3A_924 : vector<1024x64xi1>, vector<1024x64xf32>
        %select_n3A_928 = arith.select %lt3A_911, %get3A_817, %select_n3A_927 : vector<1024x64xi1>, vector<1024x64xf32>
        %swap3A_929 = arith.constant 0 : index
        %swap3A_930 = arith.constant 0 : index
        %swap3A_931 = vector.load %arg7[%swap3A_929, %swap3A_930] : memref<1024x64xf32, #tpu.memory_space<vmem>>, vector<1024x64xf32>
        tpu.vector_store %arg7[%swap3A_929, %swap3A_930], %select_n3A_908 {strides = array<i32>} : memref<1024x64xf32, #tpu.memory_space<vmem>>, vector<1024x64xf32>,
        %swap3A_932 = arith.constant 0 : index
        %swap3A_933 = arith.constant 0 : index
        %swap3A_934 = vector.load %arg8[%swap3A_932, %swap3A_933] : memref<1024x64xf32, #tpu.memory_space<vmem>>, vector<1024x64xf32>
        tpu.vector_store %arg8[%swap3A_932, %swap3A_933], %select_n3A_928 {strides = array<i32>} : memref<1024x64xf32, #tpu.memory_space<vmem>>, vector<1024x64xf32>,
      } else {
      }
      %get3A_769 = arith.constant 0 : index
      %get3A_770 = arith.constant 3968 : index
      %get3A_771 = vector.load %arg9[%get3A_769, %get3A_770] : memref<1024x4096xf32, #tpu.memory_space<vmem>>, vector<1024x128xf32>
      %get3A_772 = arith.constant 0 : index
      %get3A_773 = arith.constant 63 : index
      %get3A_774 = vector.load %arg7[%get3A_772, %get3A_773] : memref<1024x64xf32, #tpu.memory_space<vmem>>, vector<1024x1xf32>
      %lt3A_775 = vector.broadcast %get3A_774 : vector<1024x1xf32> to vector<1024x128xf32>
      %lt3A_776 = arith.cmpf olt, %get3A_771, %lt3A_775 : vector<1024x128xf32>
      %reduce_or3A_777 = arith.constant 1.000000e+00 : f32
      %reduce_or3A_778 = arith.constant 0.000000e+00 : f32
      %reduce_or3A_779 = vector.broadcast %reduce_or3A_777 : f32 to vector<1024x128xf32>
      %reduce_or3A_780 = vector.broadcast %reduce_or3A_778 : f32 to vector<1024x128xf32>
      %reduce_or3A_781 = arith.select %lt3A_776, %reduce_or3A_779, %reduce_or3A_780 : vector<1024x128xi1>, vector<1024x128xf32>
      %reduce_or3A_782 = vector.shape_cast %reduce_or3A_781 : vector<1024x128xf32> to vector<1x1024x128xf32>
      %reduce_or3A_783 = arith.constant dense<0xFF800000> : vector<1xf32>
      %reduce_or3A_784 = vector.multi_reduction <maximumf>, %reduce_or3A_782, %reduce_or3A_783 [1, 2] : vector<1x1024x128xf32> to vector<1xf32>
      %reduce_or3A_785 = vector.shape_cast %reduce_or3A_784 : vector<1xf32> to vector<1x1x1xf32>
      %reduce_or3A_786 = vector.extract %reduce_or3A_785[0, 0, 0] : f32 from vector<1x1x1xf32>
      %reduce_or3A_787 = arith.constant 0.000000e+00 : f32
      %reduce_or3A_788 = arith.cmpf ogt, %reduce_or3A_786, %reduce_or3A_787 : f32
      %convert_element_type3A_789 = arith.extui %reduce_or3A_788 : i1 to i32
      %cond3A_790 = arith.constant 0 : i32
      %cond3A_791 = arith.cmpi ne, %convert_element_type3A_789, %cond3A_790 : i32
      scf.if %cond3A_791 {
        %get3A_812 = arith.constant 0 : index
        %get3A_813 = arith.constant 0 : index
        %get3A_814 = vector.load %arg7[%get3A_812, %get3A_813] : memref<1024x64xf32, #tpu.memory_space<vmem>>, vector<1024x64xf32>
        %get3A_815 = arith.constant 0 : index
        %get3A_816 = arith.constant 0 : index
        %get3A_817 = vector.load %arg8[%get3A_815, %get3A_816] : memref<1024x64xf32, #tpu.memory_space<vmem>>, vector<1024x64xf32>
        %reduce_min3A = arith.constant dense<0x7F800000> : vector<1024xf32>
        %reduce_min3A_818 = vector.multi_reduction <minimumf>, %get3A_771, %reduce_min3A [1] : vector<1024x128xf32> to vector<1024xf32>
        %broadcast_in_dim3A_819 = vector.shape_cast %reduce_min3A_818 : vector<1024xf32> to vector<1024x1xf32>
        %eq3A_820 = vector.broadcast %broadcast_in_dim3A_819 : vector<1024x1xf32> to vector<1024x128xf32>
        %eq3A_821 = arith.cmpf oeq, %get3A_771, %eq3A_820 : vector<1024x128xf32>
        %jit3A_822 = arith.constant 1.000000e+04 : f32
        %broadcast_in_dim3A_823 = vector.shape_cast %convert_element_type3A_30 : vector<1x128xf32> to vector<1x128xf32>
        %broadcast_in_dim3A_824 = vector.broadcast %broadcast_in_dim3A_823 : vector<1x128xf32> to vector<1024x128xf32>
        %broadcast_in_dim3A_825 = vector.broadcast %jit3A_822 : f32 to vector<1024x128xf32>
        %select_n3A_826 = arith.select %eq3A_821, %broadcast_in_dim3A_824, %broadcast_in_dim3A_825 : vector<1024x128xi1>, vector<1024x128xf32>
        %reduce_min3A_827 = arith.constant dense<0x7F800000> : vector<1024xf32>
        %reduce_min3A_828 = vector.multi_reduction <minimumf>, %select_n3A_826, %reduce_min3A_827 [1] : vector<1024x128xf32> to vector<1024xf32>
        %broadcast_in_dim3A_829 = vector.shape_cast %reduce_min3A_828 : vector<1024xf32> to vector<1024x1xf32>
        %eq3A_830 = vector.broadcast %convert_element_type3A_30 : vector<1x128xf32> to vector<1024x128xf32>
        %eq3A_831 = vector.broadcast %broadcast_in_dim3A_829 : vector<1024x1xf32> to vector<1024x128xf32>
        %eq3A_832 = arith.cmpf oeq, %eq3A_830, %eq3A_831 : vector<1024x128xf32>
        %jit3A_833 = arith.constant 3.000000e+38 : f32
        %broadcast_in_dim3A_834 = vector.broadcast %jit3A_833 : f32 to vector<1024x128xf32>
        %select_n3A_835 = arith.select %eq3A_832, %broadcast_in_dim3A_834, %get3A_771 : vector<1024x128xi1>, vector<1024x128xf32>
        %reduce_min3A_836 = arith.constant dense<0x7F800000> : vector<1024xf32>
        %reduce_min3A_837 = vector.multi_reduction <minimumf>, %select_n3A_835, %reduce_min3A_836 [1] : vector<1024x128xf32> to vector<1024xf32>
        %broadcast_in_dim3A_838 = vector.shape_cast %reduce_min3A_837 : vector<1024xf32> to vector<1024x1xf32>
        %eq3A_839 = vector.broadcast %broadcast_in_dim3A_838 : vector<1024x1xf32> to vector<1024x128xf32>
        %eq3A_840 = arith.cmpf oeq, %select_n3A_835, %eq3A_839 : vector<1024x128xf32>
        %jit3A_841 = arith.constant 1.000000e+04 : f32
        %broadcast_in_dim3A_842 = vector.shape_cast %convert_element_type3A_30 : vector<1x128xf32> to vector<1x128xf32>
        %broadcast_in_dim3A_843 = vector.broadcast %broadcast_in_dim3A_842 : vector<1x128xf32> to vector<1024x128xf32>
        %broadcast_in_dim3A_844 = vector.broadcast %jit3A_841 : f32 to vector<1024x128xf32>
        %select_n3A_845 = arith.select %eq3A_840, %broadcast_in_dim3A_843, %broadcast_in_dim3A_844 : vector<1024x128xi1>, vector<1024x128xf32>
        %reduce_min3A_846 = arith.constant dense<0x7F800000> : vector<1024xf32>
        %reduce_min3A_847 = vector.multi_reduction <minimumf>, %select_n3A_845, %reduce_min3A_846 [1] : vector<1024x128xf32> to vector<1024xf32>
        %broadcast_in_dim3A_848 = vector.shape_cast %reduce_min3A_847 : vector<1024xf32> to vector<1024x1xf32>
        %eq3A_849 = vector.broadcast %convert_element_type3A_30 : vector<1x128xf32> to vector<1024x128xf32>
        %eq3A_850 = vector.broadcast %broadcast_in_dim3A_848 : vector<1024x1xf32> to vector<1024x128xf32>
        %eq3A_851 = arith.cmpf oeq, %eq3A_849, %eq3A_850 : vector<1024x128xf32>
        %jit3A_852 = arith.constant 3.000000e+38 : f32
        %broadcast_in_dim3A_853 = vector.broadcast %jit3A_852 : f32 to vector<1024x128xf32>
        %select_n3A_854 = arith.select %eq3A_851, %broadcast_in_dim3A_853, %select_n3A_835 : vector<1024x128xi1>, vector<1024x128xf32>
        %swap3A_855 = arith.constant 0 : index
        %swap3A_856 = arith.constant 3968 : index
        %swap3A_857 = vector.load %arg9[%swap3A_855, %swap3A_856] : memref<1024x4096xf32, #tpu.memory_space<vmem>>, vector<1024x128xf32>
        tpu.vector_store %arg9[%swap3A_855, %swap3A_856], %select_n3A_854 {strides = array<i32>} : memref<1024x4096xf32, #tpu.memory_space<vmem>>, vector<1024x128xf32>,
        %add3A_858 = arith.constant 3.968000e+03 : f32
        %add3A_859 = arith.addf %convert_element_type3A_33, %add3A_858 : f32
        %add3A_860 = vector.broadcast %add3A_859 : f32 to vector<1024x1xf32>
        %add3A_861 = arith.addf %add3A_860, %broadcast_in_dim3A_829 : vector<1024x1xf32>
        %add3A_862 = arith.constant 3.968000e+03 : f32
        %add3A_863 = arith.addf %convert_element_type3A_33, %add3A_862 : f32
        %add3A_864 = vector.broadcast %add3A_863 : f32 to vector<1024x1xf32>
        %add3A_865 = arith.addf %add3A_864, %broadcast_in_dim3A_848 : vector<1024x1xf32>
        %le3A = vector.broadcast %broadcast_in_dim3A_819 : vector<1024x1xf32> to vector<1024x64xf32>
        %le3A_866 = arith.cmpf ole, %get3A_814, %le3A : vector<1024x64xf32>
        %convert_element_type3A_867 = arith.extui %le3A_866 : vector<1024x64xi1> to vector<1024x64xi32>
        %convert_element_type3A_868 = arith.sitofp %convert_element_type3A_867 : vector<1024x64xi32> to vector<1024x64xf32>
        %reduce_sum3A_869 = arith.constant dense<0.000000e+00> : vector<1024xf32>
        %reduce_sum3A_870 = vector.multi_reduction <add>, %convert_element_type3A_868, %reduce_sum3A_869 [1] : vector<1024x64xf32> to vector<1024xf32>
        %broadcast_in_dim3A_871 = vector.shape_cast %reduce_sum3A_870 : vector<1024xf32> to vector<1024x1xf32>
        %le3A_872 = vector.broadcast %broadcast_in_dim3A_838 : vector<1024x1xf32> to vector<1024x64xf32>
        %le3A_873 = arith.cmpf ole, %get3A_814, %le3A_872 : vector<1024x64xf32>
        %convert_element_type3A_874 = arith.extui %le3A_873 : vector<1024x64xi1> to vector<1024x64xi32>
        %convert_element_type3A_875 = arith.sitofp %convert_element_type3A_874 : vector<1024x64xi32> to vector<1024x64xf32>
        %reduce_sum3A_876 = arith.constant dense<0.000000e+00> : vector<1024xf32>
        %reduce_sum3A_877 = vector.multi_reduction <add>, %convert_element_type3A_875, %reduce_sum3A_876 [1] : vector<1024x64xf32> to vector<1024xf32>
        %broadcast_in_dim3A_878 = vector.shape_cast %reduce_sum3A_877 : vector<1024xf32> to vector<1024x1xf32>
        %add3A_879 = arith.constant 1.000000e+00 : f32
        %add3A_880 = vector.broadcast %add3A_879 : f32 to vector<1024x1xf32>
        %add3A_881 = arith.addf %broadcast_in_dim3A_878, %add3A_880 : vector<1024x1xf32>
        %roll3A = arith.constant 1 : i32
        %roll3A_882 = tpu.dynamic_rotate %get3A_814 by %roll3A dim 1 : vector<1024x64xf32>, i32 -> vector<1024x64xf32>
        %roll3A_883 = arith.constant 2 : i32
        %roll3A_884 = tpu.dynamic_rotate %get3A_814 by %roll3A_883 dim 1 : vector<1024x64xf32>, i32 -> vector<1024x64xf32>
        %roll3A_885 = arith.constant 1 : i32
        %roll3A_886 = tpu.dynamic_rotate %get3A_817 by %roll3A_885 dim 1 : vector<1024x64xf32>, i32 -> vector<1024x64xf32>
        %roll3A_887 = arith.constant 2 : i32
        %roll3A_888 = tpu.dynamic_rotate %get3A_817 by %roll3A_887 dim 1 : vector<1024x64xf32>, i32 -> vector<1024x64xf32>
        %lt3A_889 = vector.broadcast %convert_element_type3A_28 : vector<1x64xf32> to vector<1024x64xf32>
        %lt3A_890 = vector.broadcast %broadcast_in_dim3A_871 : vector<1024x1xf32> to vector<1024x64xf32>
        %lt3A_891 = arith.cmpf olt, %lt3A_889, %lt3A_890 : vector<1024x64xf32>
        %eq3A_892 = vector.broadcast %convert_element_type3A_28 : vector<1x64xf32> to vector<1024x64xf32>
        %eq3A_893 = vector.broadcast %broadcast_in_dim3A_871 : vector<1024x1xf32> to vector<1024x64xf32>
        %eq3A_894 = arith.cmpf oeq, %eq3A_892, %eq3A_893 : vector<1024x64xf32>
        %lt3A_895 = vector.broadcast %convert_element_type3A_28 : vector<1x64xf32> to vector<1024x64xf32>
        %lt3A_896 = vector.broadcast %add3A_881 : vector<1024x1xf32> to vector<1024x64xf32>
        %lt3A_897 = arith.cmpf olt, %lt3A_895, %lt3A_896 : vector<1024x64xf32>
        %eq3A_898 = vector.broadcast %convert_element_type3A_28 : vector<1x64xf32> to vector<1024x64xf32>
        %eq3A_899 = vector.broadcast %add3A_881 : vector<1024x1xf32> to vector<1024x64xf32>
        %eq3A_900 = arith.cmpf oeq, %eq3A_898, %eq3A_899 : vector<1024x64xf32>
        %broadcast_in_dim3A_901 = vector.shape_cast %broadcast_in_dim3A_838 : vector<1024x1xf32> to vector<1024x1xf32>
        %broadcast_in_dim3A_902 = vector.broadcast %broadcast_in_dim3A_901 : vector<1024x1xf32> to vector<1024x64xf32>
        %select_n3A_903 = arith.select %eq3A_900, %broadcast_in_dim3A_902, %roll3A_884 : vector<1024x64xi1>, vector<1024x64xf32>
        %select_n3A_904 = arith.select %lt3A_897, %roll3A_882, %select_n3A_903 : vector<1024x64xi1>, vector<1024x64xf32>
        %broadcast_in_dim3A_905 = vector.shape_cast %broadcast_in_dim3A_819 : vector<1024x1xf32> to vector<1024x1xf32>
        %broadcast_in_dim3A_906 = vector.broadcast %broadcast_in_dim3A_905 : vector<1024x1xf32> to vector<1024x64xf32>
        %select_n3A_907 = arith.select %eq3A_894, %broadcast_in_dim3A_906, %select_n3A_904 : vector<1024x64xi1>, vector<1024x64xf32>
        %select_n3A_908 = arith.select %lt3A_891, %get3A_814, %select_n3A_907 : vector<1024x64xi1>, vector<1024x64xf32>
        %lt3A_909 = vector.broadcast %convert_element_type3A_28 : vector<1x64xf32> to vector<1024x64xf32>
        %lt3A_910 = vector.broadcast %broadcast_in_dim3A_871 : vector<1024x1xf32> to vector<1024x64xf32>
        %lt3A_911 = arith.cmpf olt, %lt3A_909, %lt3A_910 : vector<1024x64xf32>
        %eq3A_912 = vector.broadcast %convert_element_type3A_28 : vector<1x64xf32> to vector<1024x64xf32>
        %eq3A_913 = vector.broadcast %broadcast_in_dim3A_871 : vector<1024x1xf32> to vector<1024x64xf32>
        %eq3A_914 = arith.cmpf oeq, %eq3A_912, %eq3A_913 : vector<1024x64xf32>
        %lt3A_915 = vector.broadcast %convert_element_type3A_28 : vector<1x64xf32> to vector<1024x64xf32>
        %lt3A_916 = vector.broadcast %add3A_881 : vector<1024x1xf32> to vector<1024x64xf32>
        %lt3A_917 = arith.cmpf olt, %lt3A_915, %lt3A_916 : vector<1024x64xf32>
        %eq3A_918 = vector.broadcast %convert_element_type3A_28 : vector<1x64xf32> to vector<1024x64xf32>
        %eq3A_919 = vector.broadcast %add3A_881 : vector<1024x1xf32> to vector<1024x64xf32>
        %eq3A_920 = arith.cmpf oeq, %eq3A_918, %eq3A_919 : vector<1024x64xf32>
        %broadcast_in_dim3A_921 = vector.shape_cast %add3A_865 : vector<1024x1xf32> to vector<1024x1xf32>
        %broadcast_in_dim3A_922 = vector.broadcast %broadcast_in_dim3A_921 : vector<1024x1xf32> to vector<1024x64xf32>
        %select_n3A_923 = arith.select %eq3A_920, %broadcast_in_dim3A_922, %roll3A_888 : vector<1024x64xi1>, vector<1024x64xf32>
        %select_n3A_924 = arith.select %lt3A_917, %roll3A_886, %select_n3A_923 : vector<1024x64xi1>, vector<1024x64xf32>
        %broadcast_in_dim3A_925 = vector.shape_cast %add3A_861 : vector<1024x1xf32> to vector<1024x1xf32>
        %broadcast_in_dim3A_926 = vector.broadcast %broadcast_in_dim3A_925 : vector<1024x1xf32> to vector<1024x64xf32>
        %select_n3A_927 = arith.select %eq3A_914, %broadcast_in_dim3A_926, %select_n3A_924 : vector<1024x64xi1>, vector<1024x64xf32>
        %select_n3A_928 = arith.select %lt3A_911, %get3A_817, %select_n3A_927 : vector<1024x64xi1>, vector<1024x64xf32>
        %swap3A_929 = arith.constant 0 : index
        %swap3A_930 = arith.constant 0 : index
        %swap3A_931 = vector.load %arg7[%swap3A_929, %swap3A_930] : memref<1024x64xf32, #tpu.memory_space<vmem>>, vector<1024x64xf32>
        tpu.vector_store %arg7[%swap3A_929, %swap3A_930], %select_n3A_908 {strides = array<i32>} : memref<1024x64xf32, #tpu.memory_space<vmem>>, vector<1024x64xf32>,
        %swap3A_932 = arith.constant 0 : index
        %swap3A_933 = arith.constant 0 : index
        %swap3A_934 = vector.load %arg8[%swap3A_932, %swap3A_933] : memref<1024x64xf32, #tpu.memory_space<vmem>>, vector<1024x64xf32>
        tpu.vector_store %arg8[%swap3A_932, %swap3A_933], %select_n3A_928 {strides = array<i32>} : memref<1024x64xf32, #tpu.memory_space<vmem>>, vector<1024x64xf32>,
      } else {
      }
      %get3A_792 = arith.constant 0 : index
      %get3A_793 = arith.constant 63 : index
      %get3A_794 = vector.load %arg7[%get3A_792, %get3A_793] : memref<1024x64xf32, #tpu.memory_space<vmem>>, vector<1024x1xf32>
      %get3A_795 = arith.constant 0 : index
      %get3A_796 = arith.constant 0 : index
      %get3A_797 = vector.load %arg9[%get3A_795, %get3A_796] : memref<1024x4096xf32, #tpu.memory_space<vmem>>, vector<1024x4096xf32>
      %lt3A_798 = vector.broadcast %get3A_794 : vector<1024x1xf32> to vector<1024x4096xf32>
      %lt3A_799 = arith.cmpf olt, %get3A_797, %lt3A_798 : vector<1024x4096xf32>
      %reduce_or3A_800 = arith.constant 1.000000e+00 : f32
      %reduce_or3A_801 = arith.constant 0.000000e+00 : f32
      %reduce_or3A_802 = vector.broadcast %reduce_or3A_800 : f32 to vector<1024x4096xf32>
      %reduce_or3A_803 = vector.broadcast %reduce_or3A_801 : f32 to vector<1024x4096xf32>
      %reduce_or3A_804 = arith.select %lt3A_799, %reduce_or3A_802, %reduce_or3A_803 : vector<1024x4096xi1>, vector<1024x4096xf32>
      %reduce_or3A_805 = vector.shape_cast %reduce_or3A_804 : vector<1024x4096xf32> to vector<1x1024x4096xf32>
      %reduce_or3A_806 = arith.constant dense<0xFF800000> : vector<1xf32>
      %reduce_or3A_807 = vector.multi_reduction <maximumf>, %reduce_or3A_805, %reduce_or3A_806 [1, 2] : vector<1x1024x4096xf32> to vector<1xf32>
      %reduce_or3A_808 = vector.shape_cast %reduce_or3A_807 : vector<1xf32> to vector<1x1x1xf32>
      %reduce_or3A_809 = vector.extract %reduce_or3A_808[0, 0, 0] : f32 from vector<1x1x1xf32>
      %reduce_or3A_810 = arith.constant 0.000000e+00 : f32
      %reduce_or3A_811 = arith.cmpf ogt, %reduce_or3A_809, %reduce_or3A_810 : f32
      scf.yield %reduce_or3A_811 : i1
    }
    %eq3A_50 = arith.constant 24 : i32
    %eq3A_51 = arith.cmpi eq, %arg0, %eq3A_50 : i32
    %convert_element_type3A_52 = arith.extui %eq3A_51 : i1 to i32
    %cond3A_53 = arith.constant 0 : i32
    %cond3A_54 = arith.cmpi ne, %convert_element_type3A_52, %cond3A_53 : i32
    scf.if %cond3A_54 {
      %get3A_55 = arith.constant 0 : index
      %get3A_56 = arith.constant 0 : index
      %get3A_57 = vector.load %arg7[%get3A_55, %get3A_56] : memref<1024x64xf32, #tpu.memory_space<vmem>>, vector<1024x64xf32>
      %swap3A_58 = arith.constant 0 : index
      %swap3A_59 = arith.constant 0 : index
      %swap3A_60 = vector.load %arg3[%swap3A_58, %swap3A_59] : memref<1024x64xf32, #tpu.memory_space<vmem>>, vector<1024x64xf32>
      tpu.vector_store %arg3[%swap3A_58, %swap3A_59], %get3A_57 {strides = array<i32>} : memref<1024x64xf32, #tpu.memory_space<vmem>>, vector<1024x64xf32>,
      %get3A_61 = arith.constant 0 : index
      %get3A_62 = arith.constant 0 : index
      %get3A_63 = vector.load %arg8[%get3A_61, %get3A_62] : memref<1024x64xf32, #tpu.memory_space<vmem>>, vector<1024x64xf32>
      %convert_element_type3A_64 = arith.fptosi %get3A_63 : vector<1024x64xf32> to vector<1024x64xi32>
      %swap3A_65 = arith.constant 0 : index
      %swap3A_66 = arith.constant 0 : index
      %swap3A_67 = vector.load %arg4[%swap3A_65, %swap3A_66] : memref<1024x64xi32, #tpu.memory_space<vmem>>, vector<1024x64xi32>
      tpu.vector_store %arg4[%swap3A_65, %swap3A_66], %convert_element_type3A_64 {strides = array<i32>} : memref<1024x64xi32, #tpu.memory_space<vmem>>, vector<1024x64xi32>,
    } else {
    }
    return
  }
  func.func @transform_0(%arg0: i32) -> (i32, i32) {
    %c0_i32 = arith.constant 0 : i32
    %c0_i32_0 = arith.constant 0 : i32
    %c0_i32_1 = arith.constant 0 : i32
    return %c0_i32, %c0_i32_0 : i32, i32
  }
  func.func @transform_1(%arg0: i32) -> (i32, i32) {
    %c0_i32 = arith.constant 0 : i32
    %c0_i32_0 = arith.constant 0 : i32
    return %c0_i32, %arg0 : i32, i32
  }
  func.func @transform_2(%arg0: i32) -> (i32, i32) {
    %c0_i32 = arith.constant 0 : i32
    %c0_i32_0 = arith.constant 0 : i32
    %c0_i32_1 = arith.constant 0 : i32
    return %c0_i32, %c0_i32_0 : i32, i32
  }
  func.func @transform_3(%arg0: i32) -> (i32, i32) {
    %c0_i32 = arith.constant 0 : i32
    %c0_i32_0 = arith.constant 0 : i32
    %c0_i32_1 = arith.constant 0 : i32
    return %c0_i32, %c0_i32_0 : i32, i32
  }
}

module attributes {stable_mosaic.version = 14 : i64} {
  func.func @_head_kernel(%arg0: memref<1024x64xf32, #tpu.memory_space<vmem>>, %arg1: memref<1024x64xf32, #tpu.memory_space<vmem>>, %arg2: memref<1024x1xf32, #tpu.memory_space<vmem>>, %arg3: memref<1024x136xf32, #tpu.memory_space<vmem>>, %arg4: memref<64x32xf32, #tpu.memory_space<vmem>>, %arg5: memref<8x32xf32, #tpu.memory_space<vmem>>, %arg6: memref<32x64xf32, #tpu.memory_space<vmem>>, %arg7: memref<8x64xf32, #tpu.memory_space<vmem>>, %arg8: memref<64x32xf32, #tpu.memory_space<vmem>>, %arg9: memref<8x32xf32, #tpu.memory_space<vmem>>, %arg10: memref<8x32xf32, #tpu.memory_space<vmem>>, %arg11: memref<8x1xf32, #tpu.memory_space<vmem>>, %arg12: memref<64x32xf32, #tpu.memory_space<vmem>>, %arg13: memref<8x32xf32, #tpu.memory_space<vmem>>, %arg14: memref<8x32xf32, #tpu.memory_space<vmem>>, %arg15: memref<8x32xf32, #tpu.memory_space<vmem>>, %arg16: memref<8x32xf32, #tpu.memory_space<vmem>>, %arg17: memref<8x32xf32, #tpu.memory_space<vmem>>, %arg18: memref<8x1xf32, #tpu.memory_space<vmem>>, %arg19: memref<1024x1xf32, #tpu.memory_space<vmem>>, %arg20: memref<1024x1xf32, #tpu.memory_space<vmem>>, %arg21: memref<1024x1xf32, #tpu.memory_space<vmem>>, %arg22: memref<1024x1xf32, #tpu.memory_space<vmem>>) attributes {dimension_semantics = [], scalar_prefetch = 0 : i64, scratch_operands = 0 : i64, tpu.core_type = #tpu.core_type<tc>} {
    %get3A = arith.constant 0 : index
    %get3A_0 = arith.constant 0 : index
    %get3A_1 = vector.load %arg0[%get3A, %get3A_0] : memref<1024x64xf32, #tpu.memory_space<vmem>>, vector<1024x64xf32>
    %get3A_2 = arith.constant 0 : index
    %get3A_3 = arith.constant 0 : index
    %get3A_4 = vector.load %arg1[%get3A_2, %get3A_3] : memref<1024x64xf32, #tpu.memory_space<vmem>>, vector<1024x64xf32>
    %get3A_5 = arith.constant 0 : index
    %get3A_6 = arith.constant 0 : index
    %get3A_7 = vector.load %arg2[%get3A_5, %get3A_6] : memref<1024x1xf32, #tpu.memory_space<vmem>>, vector<1024x1xf32>
    %iota3A = tpu.iota {dimensions = array<i32: 1>} : vector<1x64xi32>
    %get3A_8 = arith.constant 0 : index
    %get3A_9 = arith.constant 0 : index
    %get3A_10 = vector.load %arg4[%get3A_8, %get3A_9] : memref<64x32xf32, #tpu.memory_space<vmem>>, vector<64x32xf32>
    %dot_general3A = arith.constant dense<0.000000e+00> : vector<1024x32xf32>
    %dot_general3A_11 = tpu.matmul %get3A_1, %get3A_10, %dot_general3A {dimension_numbers = #tpu.dot_dimension_numbers<[1], [0], [0], [1], [0, 0, 1, 1], [], []>, transpose_lhs_hint = false} : vector<1024x64xf32>, vector<64x32xf32>, vector<1024x32xf32> -> vector<1024x32xf32>
    %get3A_12 = arith.constant 0 : index
    %get3A_13 = arith.constant 0 : index
    %get3A_14 = vector.load %arg5[%get3A_12, %get3A_13] : memref<8x32xf32, #tpu.memory_space<vmem>>, vector<1x32xf32>
    %add3A = vector.broadcast %get3A_14 : vector<1x32xf32> to vector<1024x32xf32>
    %add3A_15 = arith.addf %dot_general3A_11, %add3A : vector<1024x32xf32>
    %tanh3A = math.tanh %add3A_15 : vector<1024x32xf32>
    %get3A_16 = arith.constant 0 : index
    %get3A_17 = arith.constant 0 : index
    %get3A_18 = vector.load %arg6[%get3A_16, %get3A_17] : memref<32x64xf32, #tpu.memory_space<vmem>>, vector<32x64xf32>
    %dot_general3A_19 = arith.constant dense<0.000000e+00> : vector<1024x64xf32>
    %dot_general3A_20 = tpu.matmul %tanh3A, %get3A_18, %dot_general3A_19 {dimension_numbers = #tpu.dot_dimension_numbers<[1], [0], [0], [1], [0, 0, 1, 1], [], []>, transpose_lhs_hint = false} : vector<1024x32xf32>, vector<32x64xf32>, vector<1024x64xf32> -> vector<1024x64xf32>
    %get3A_21 = arith.constant 0 : index
    %get3A_22 = arith.constant 0 : index
    %get3A_23 = vector.load %arg7[%get3A_21, %get3A_22] : memref<8x64xf32, #tpu.memory_space<vmem>>, vector<1x64xf32>
    %add3A_24 = vector.broadcast %get3A_23 : vector<1x64xf32> to vector<1024x64xf32>
    %add3A_25 = arith.addf %dot_general3A_20, %add3A_24 : vector<1024x64xf32>
    %lt3A = arith.constant 60 : i32
    %lt3A_26 = vector.broadcast %lt3A : i32 to vector<1x64xi32>
    %lt3A_27 = arith.cmpi slt, %iota3A, %lt3A_26 : vector<1x64xi32>
    %jit3A = arith.constant -3.000000e+38 : f32
    %broadcast_in_dim3A = vector.shape_cast %lt3A_27 : vector<1x64xi1> to vector<1x64xi1>
    %broadcast_in_dim3A_28 = vector.broadcast %broadcast_in_dim3A : vector<1x64xi1> to vector<1024x64xi1>
    %broadcast_in_dim3A_29 = vector.broadcast %jit3A : f32 to vector<1024x64xf32>
    %select_n3A = arith.select %broadcast_in_dim3A_28, %add3A_25, %broadcast_in_dim3A_29 : vector<1024x64xi1>, vector<1024x64xf32>
    %reduce_max3A = arith.constant dense<0xFF800000> : vector<1024xf32>
    %reduce_max3A_30 = vector.multi_reduction <maximumf>, %select_n3A, %reduce_max3A [1] : vector<1024x64xf32> to vector<1024xf32>
    %broadcast_in_dim3A_31 = vector.shape_cast %reduce_max3A_30 : vector<1024xf32> to vector<1024x1xf32>
    %sub3A = vector.broadcast %broadcast_in_dim3A_31 : vector<1024x1xf32> to vector<1024x64xf32>
    %sub3A_32 = arith.subf %select_n3A, %sub3A : vector<1024x64xf32>
    %exp3A = math.exp %sub3A_32 : vector<1024x64xf32>
    %reduce_sum3A = arith.constant dense<0.000000e+00> : vector<1024xf32>
    %reduce_sum3A_33 = vector.multi_reduction <add>, %exp3A, %reduce_sum3A [1] : vector<1024x64xf32> to vector<1024xf32>
    %broadcast_in_dim3A_34 = vector.shape_cast %reduce_sum3A_33 : vector<1024xf32> to vector<1024x1xf32>
    %div3A = vector.broadcast %broadcast_in_dim3A_34 : vector<1024x1xf32> to vector<1024x64xf32>
    %div3A_35 = arith.divf %exp3A, %div3A : vector<1024x64xf32>
    %mul3A = arith.mulf %div3A_35, %get3A_4 : vector<1024x64xf32>
    %reduce_sum3A_36 = arith.constant dense<0.000000e+00> : vector<1024xf32>
    %reduce_sum3A_37 = vector.multi_reduction <add>, %mul3A, %reduce_sum3A_36 [1] : vector<1024x64xf32> to vector<1024xf32>
    %broadcast_in_dim3A_38 = vector.shape_cast %reduce_sum3A_37 : vector<1024xf32> to vector<1024x1xf32>
    %get3A_39 = arith.constant 0 : index
    %get3A_40 = arith.constant 0 : index
    %get3A_41 = vector.load %arg8[%get3A_39, %get3A_40] : memref<64x32xf32, #tpu.memory_space<vmem>>, vector<64x32xf32>
    %dot_general3A_42 = arith.constant dense<0.000000e+00> : vector<1024x32xf32>
    %dot_general3A_43 = tpu.matmul %get3A_1, %get3A_41, %dot_general3A_42 {dimension_numbers = #tpu.dot_dimension_numbers<[1], [0], [0], [1], [0, 0, 1, 1], [], []>, transpose_lhs_hint = false} : vector<1024x64xf32>, vector<64x32xf32>, vector<1024x32xf32> -> vector<1024x32xf32>
    %get3A_44 = arith.constant 0 : index
    %get3A_45 = arith.constant 0 : index
    %get3A_46 = vector.load %arg9[%get3A_44, %get3A_45] : memref<8x32xf32, #tpu.memory_space<vmem>>, vector<1x32xf32>
    %add3A_47 = vector.broadcast %get3A_46 : vector<1x32xf32> to vector<1024x32xf32>
    %add3A_48 = arith.addf %dot_general3A_43, %add3A_47 : vector<1024x32xf32>
    %tanh3A_49 = math.tanh %add3A_48 : vector<1024x32xf32>
    %get3A_50 = arith.constant 0 : index
    %get3A_51 = arith.constant 0 : index
    %get3A_52 = vector.load %arg10[%get3A_50, %get3A_51] : memref<8x32xf32, #tpu.memory_space<vmem>>, vector<1x32xf32>
    %mul3A_53 = vector.broadcast %get3A_52 : vector<1x32xf32> to vector<1024x32xf32>
    %mul3A_54 = arith.mulf %tanh3A_49, %mul3A_53 : vector<1024x32xf32>
    %reduce_sum3A_55 = arith.constant dense<0.000000e+00> : vector<1024xf32>
    %reduce_sum3A_56 = vector.multi_reduction <add>, %mul3A_54, %reduce_sum3A_55 [1] : vector<1024x32xf32> to vector<1024xf32>
    %broadcast_in_dim3A_57 = vector.shape_cast %reduce_sum3A_56 : vector<1024xf32> to vector<1024x1xf32>
    %get3A_58 = arith.constant 0 : index
    %get3A_59 = arith.constant 0 : index
    %get3A_60 = vector.load %arg11[%get3A_58, %get3A_59] : memref<8x1xf32, #tpu.memory_space<vmem>>, vector<1x1xf32>
    %add3A_61 = vector.broadcast %get3A_60 : vector<1x1xf32> to vector<1024x1xf32>
    %add3A_62 = arith.addf %broadcast_in_dim3A_57, %add3A_61 : vector<1024x1xf32>
    %broadcast_in_dim3A_63 = arith.constant 0.000000e+00 : f32
    %broadcast_in_dim3A_64 = vector.broadcast %broadcast_in_dim3A_63 : f32 to vector<1024x17xf32>
    %get3A_65 = arith.constant 0 : index
    %get3A_66 = arith.constant 0 : index
    %get3A_67 = vector.load %arg3[%get3A_65, %get3A_66] : memref<1024x136xf32, #tpu.memory_space<vmem>>, vector<1024x17xf32>
    %add3A_68 = arith.addf %broadcast_in_dim3A_64, %get3A_67 : vector<1024x17xf32>
    %get3A_69 = arith.constant 0 : index
    %get3A_70 = arith.constant 17 : index
    %get3A_71 = vector.load %arg3[%get3A_69, %get3A_70] : memref<1024x136xf32, #tpu.memory_space<vmem>>, vector<1024x17xf32>
    %add3A_72 = arith.addf %add3A_68, %get3A_71 : vector<1024x17xf32>
    %get3A_73 = arith.constant 0 : index
    %get3A_74 = arith.constant 34 : index
    %get3A_75 = vector.load %arg3[%get3A_73, %get3A_74] : memref<1024x136xf32, #tpu.memory_space<vmem>>, vector<1024x17xf32>
    %add3A_76 = arith.addf %add3A_72, %get3A_75 : vector<1024x17xf32>
    %get3A_77 = arith.constant 0 : index
    %get3A_78 = arith.constant 51 : index
    %get3A_79 = vector.load %arg3[%get3A_77, %get3A_78] : memref<1024x136xf32, #tpu.memory_space<vmem>>, vector<1024x17xf32>
    %add3A_80 = arith.addf %add3A_76, %get3A_79 : vector<1024x17xf32>
    %get3A_81 = arith.constant 0 : index
    %get3A_82 = arith.constant 68 : index
    %get3A_83 = vector.load %arg3[%get3A_81, %get3A_82] : memref<1024x136xf32, #tpu.memory_space<vmem>>, vector<1024x17xf32>
    %add3A_84 = arith.addf %add3A_80, %get3A_83 : vector<1024x17xf32>
    %get3A_85 = arith.constant 0 : index
    %get3A_86 = arith.constant 85 : index
    %get3A_87 = vector.load %arg3[%get3A_85, %get3A_86] : memref<1024x136xf32, #tpu.memory_space<vmem>>, vector<1024x17xf32>
    %add3A_88 = arith.addf %add3A_84, %get3A_87 : vector<1024x17xf32>
    %get3A_89 = arith.constant 0 : index
    %get3A_90 = arith.constant 102 : index
    %get3A_91 = vector.load %arg3[%get3A_89, %get3A_90] : memref<1024x136xf32, #tpu.memory_space<vmem>>, vector<1024x17xf32>
    %add3A_92 = arith.addf %add3A_88, %get3A_91 : vector<1024x17xf32>
    %get3A_93 = arith.constant 0 : index
    %get3A_94 = arith.constant 119 : index
    %get3A_95 = vector.load %arg3[%get3A_93, %get3A_94] : memref<1024x136xf32, #tpu.memory_space<vmem>>, vector<1024x17xf32>
    %add3A_96 = arith.addf %add3A_92, %get3A_95 : vector<1024x17xf32>
    %mul3A_97 = arith.constant 1.250000e-01 : f32
    %mul3A_98 = vector.broadcast %mul3A_97 : f32 to vector<1024x17xf32>
    %mul3A_99 = arith.mulf %add3A_96, %mul3A_98 : vector<1024x17xf32>
    %iota3A_100 = tpu.iota {dimensions = array<i32: 1>} : vector<1x17xi32>
    %sub3A_101 = arith.constant 1.000000e+00 : f32
    %sub3A_102 = vector.broadcast %sub3A_101 : f32 to vector<1024x1xf32>
    %sub3A_103 = arith.subf %get3A_7, %sub3A_102 : vector<1024x1xf32>
    %mul3A_104 = arith.constant 4.000000e+00 : f32
    %mul3A_105 = vector.broadcast %mul3A_104 : f32 to vector<1024x1xf32>
    %mul3A_106 = arith.mulf %sub3A_103, %mul3A_105 : vector<1024x1xf32>
    %jit3A_107 = arith.constant 0.000000e+00 : f32
    %jit3A_108 = arith.constant 1.600000e+01 : f32
    %max3A = vector.broadcast %jit3A_107 : f32 to vector<1024x1xf32>
    %max3A_109 = arith.maximumf %max3A, %mul3A_106 : vector<1024x1xf32>
    %min3A = vector.broadcast %jit3A_108 : f32 to vector<1024x1xf32>
    %min3A_110 = arith.minimumf %min3A, %max3A_109 : vector<1024x1xf32>
    %convert_element_type3A = arith.fptosi %min3A_110 : vector<1024x1xf32> to vector<1024x1xi32>
    %sub3A_111 = arith.constant 1.000000e+00 : f32
    %sub3A_112 = vector.broadcast %sub3A_111 : f32 to vector<1024x1xf32>
    %sub3A_113 = arith.subf %broadcast_in_dim3A_38, %sub3A_112 : vector<1024x1xf32>
    %mul3A_114 = arith.constant 4.000000e+00 : f32
    %mul3A_115 = vector.broadcast %mul3A_114 : f32 to vector<1024x1xf32>
    %mul3A_116 = arith.mulf %sub3A_113, %mul3A_115 : vector<1024x1xf32>
    %jit3A_117 = arith.constant 0.000000e+00 : f32
    %jit3A_118 = arith.constant 1.600000e+01 : f32
    %max3A_119 = vector.broadcast %jit3A_117 : f32 to vector<1024x1xf32>
    %max3A_120 = arith.maximumf %max3A_119, %mul3A_116 : vector<1024x1xf32>
    %min3A_121 = vector.broadcast %jit3A_118 : f32 to vector<1024x1xf32>
    %min3A_122 = arith.minimumf %min3A_121, %max3A_120 : vector<1024x1xf32>
    %convert_element_type3A_123 = arith.fptosi %min3A_122 : vector<1024x1xf32> to vector<1024x1xi32>
    %eq3A = vector.broadcast %iota3A_100 : vector<1x17xi32> to vector<1024x17xi32>
    %eq3A_124 = vector.broadcast %convert_element_type3A : vector<1024x1xi32> to vector<1024x17xi32>
    %eq3A_125 = arith.cmpi eq, %eq3A, %eq3A_124 : vector<1024x17xi32>
    %jit3A_126 = arith.constant 0.000000e+00 : f32
    %broadcast_in_dim3A_127 = vector.broadcast %jit3A_126 : f32 to vector<1024x17xf32>
    %select_n3A_128 = arith.select %eq3A_125, %mul3A_99, %broadcast_in_dim3A_127 : vector<1024x17xi1>, vector<1024x17xf32>
    %reduce_sum3A_129 = arith.constant dense<0.000000e+00> : vector<1024xf32>
    %reduce_sum3A_130 = vector.multi_reduction <add>, %select_n3A_128, %reduce_sum3A_129 [1] : vector<1024x17xf32> to vector<1024xf32>
    %broadcast_in_dim3A_131 = vector.shape_cast %reduce_sum3A_130 : vector<1024xf32> to vector<1024x1xf32>
    %eq3A_132 = vector.broadcast %iota3A_100 : vector<1x17xi32> to vector<1024x17xi32>
    %eq3A_133 = vector.broadcast %convert_element_type3A_123 : vector<1024x1xi32> to vector<1024x17xi32>
    %eq3A_134 = arith.cmpi eq, %eq3A_132, %eq3A_133 : vector<1024x17xi32>
    %jit3A_135 = arith.constant 0.000000e+00 : f32
    %broadcast_in_dim3A_136 = vector.broadcast %jit3A_135 : f32 to vector<1024x17xf32>
    %select_n3A_137 = arith.select %eq3A_134, %mul3A_99, %broadcast_in_dim3A_136 : vector<1024x17xi1>, vector<1024x17xf32>
    %reduce_sum3A_138 = arith.constant dense<0.000000e+00> : vector<1024xf32>
    %reduce_sum3A_139 = vector.multi_reduction <add>, %select_n3A_137, %reduce_sum3A_138 [1] : vector<1024x17xf32> to vector<1024xf32>
    %broadcast_in_dim3A_140 = vector.shape_cast %reduce_sum3A_139 : vector<1024xf32> to vector<1024x1xf32>
    %get3A_141 = arith.constant 0 : index
    %get3A_142 = arith.constant 0 : index
    %get3A_143 = vector.load %arg12[%get3A_141, %get3A_142] : memref<64x32xf32, #tpu.memory_space<vmem>>, vector<64x32xf32>
    %dot_general3A_144 = arith.constant dense<0.000000e+00> : vector<1024x32xf32>
    %dot_general3A_145 = tpu.matmul %get3A_1, %get3A_143, %dot_general3A_144 {dimension_numbers = #tpu.dot_dimension_numbers<[1], [0], [0], [1], [0, 0, 1, 1], [], []>, transpose_lhs_hint = false} : vector<1024x64xf32>, vector<64x32xf32>, vector<1024x32xf32> -> vector<1024x32xf32>
    %get3A_146 = arith.constant 0 : index
    %get3A_147 = arith.constant 0 : index
    %get3A_148 = vector.load %arg13[%get3A_146, %get3A_147] : memref<8x32xf32, #tpu.memory_space<vmem>>, vector<1x32xf32>
    %mul3A_149 = vector.broadcast %broadcast_in_dim3A_131 : vector<1024x1xf32> to vector<1024x32xf32>
    %mul3A_150 = vector.broadcast %get3A_148 : vector<1x32xf32> to vector<1024x32xf32>
    %mul3A_151 = arith.mulf %mul3A_149, %mul3A_150 : vector<1024x32xf32>
    %add3A_152 = arith.addf %dot_general3A_145, %mul3A_151 : vector<1024x32xf32>
    %get3A_153 = arith.constant 0 : index
    %get3A_154 = arith.constant 0 : index
    %get3A_155 = vector.load %arg14[%get3A_153, %get3A_154] : memref<8x32xf32, #tpu.memory_space<vmem>>, vector<1x32xf32>
    %mul3A_156 = vector.broadcast %broadcast_in_dim3A_140 : vector<1024x1xf32> to vector<1024x32xf32>
    %mul3A_157 = vector.broadcast %get3A_155 : vector<1x32xf32> to vector<1024x32xf32>
    %mul3A_158 = arith.mulf %mul3A_156, %mul3A_157 : vector<1024x32xf32>
    %add3A_159 = arith.addf %add3A_152, %mul3A_158 : vector<1024x32xf32>
    %get3A_160 = arith.constant 0 : index
    %get3A_161 = arith.constant 0 : index
    %get3A_162 = vector.load %arg16[%get3A_160, %get3A_161] : memref<8x32xf32, #tpu.memory_space<vmem>>, vector<1x32xf32>
    %add3A_163 = vector.broadcast %get3A_162 : vector<1x32xf32> to vector<1024x32xf32>
    %add3A_164 = arith.addf %add3A_159, %add3A_163 : vector<1024x32xf32>
    %reduce_max3A_165 = arith.constant dense<0xFF800000> : vector<1024xf32>
    %reduce_max3A_166 = vector.multi_reduction <maximumf>, %mul3A_99, %reduce_max3A_165 [1] : vector<1024x17xf32> to vector<1024xf32>
    %broadcast_in_dim3A_167 = vector.shape_cast %reduce_max3A_166 : vector<1024xf32> to vector<1024x1xf32>
    %eq3A_168 = vector.broadcast %broadcast_in_dim3A_167 : vector<1024x1xf32> to vector<1024x17xf32>
    %eq3A_169 = arith.cmpf oeq, %mul3A_99, %eq3A_168 : vector<1024x17xf32>
    %jit3A_170 = arith.constant 99 : i32
    %broadcast_in_dim3A_171 = vector.shape_cast %iota3A_100 : vector<1x17xi32> to vector<1x17xi32>
    %broadcast_in_dim3A_172 = vector.broadcast %broadcast_in_dim3A_171 : vector<1x17xi32> to vector<1024x17xi32>
    %broadcast_in_dim3A_173 = vector.broadcast %jit3A_170 : i32 to vector<1024x17xi32>
    %select_n3A_174 = arith.select %eq3A_169, %broadcast_in_dim3A_172, %broadcast_in_dim3A_173 : vector<1024x17xi1>, vector<1024x17xi32>
    %reduce_min3A = arith.constant dense<2147483647> : vector<1024xi32>
    %reduce_min3A_175 = vector.multi_reduction <minsi>, %select_n3A_174, %reduce_min3A [1] : vector<1024x17xi32> to vector<1024xi32>
    %broadcast_in_dim3A_176 = vector.shape_cast %reduce_min3A_175 : vector<1024xi32> to vector<1024x1xi32>
    %get3A_177 = arith.constant 0 : index
    %get3A_178 = arith.constant 0 : index
    %get3A_179 = vector.load %arg15[%get3A_177, %get3A_178] : memref<8x32xf32, #tpu.memory_space<vmem>>, vector<1x32xf32>
    %mul3A_180 = vector.broadcast %broadcast_in_dim3A_167 : vector<1024x1xf32> to vector<1024x32xf32>
    %mul3A_181 = vector.broadcast %get3A_179 : vector<1x32xf32> to vector<1024x32xf32>
    %mul3A_182 = arith.mulf %mul3A_180, %mul3A_181 : vector<1024x32xf32>
    %add3A_183 = arith.addf %add3A_164, %mul3A_182 : vector<1024x32xf32>
    %eq3A_184 = vector.broadcast %iota3A_100 : vector<1x17xi32> to vector<1024x17xi32>
    %eq3A_185 = vector.broadcast %broadcast_in_dim3A_176 : vector<1024x1xi32> to vector<1024x17xi32>
    %eq3A_186 = arith.cmpi eq, %eq3A_184, %eq3A_185 : vector<1024x17xi32>
    %jit3A_187 = arith.constant -3.000000e+38 : f32
    %broadcast_in_dim3A_188 = vector.broadcast %jit3A_187 : f32 to vector<1024x17xf32>
    %select_n3A_189 = arith.select %eq3A_186, %broadcast_in_dim3A_188, %mul3A_99 : vector<1024x17xi1>, vector<1024x17xf32>
    %reduce_max3A_190 = arith.constant dense<0xFF800000> : vector<1024xf32>
    %reduce_max3A_191 = vector.multi_reduction <maximumf>, %select_n3A_189, %reduce_max3A_190 [1] : vector<1024x17xf32> to vector<1024xf32>
    %broadcast_in_dim3A_192 = vector.shape_cast %reduce_max3A_191 : vector<1024xf32> to vector<1024x1xf32>
    %eq3A_193 = vector.broadcast %broadcast_in_dim3A_192 : vector<1024x1xf32> to vector<1024x17xf32>
    %eq3A_194 = arith.cmpf oeq, %select_n3A_189, %eq3A_193 : vector<1024x17xf32>
    %jit3A_195 = arith.constant 99 : i32
    %broadcast_in_dim3A_196 = vector.shape_cast %iota3A_100 : vector<1x17xi32> to vector<1x17xi32>
    %broadcast_in_dim3A_197 = vector.broadcast %broadcast_in_dim3A_196 : vector<1x17xi32> to vector<1024x17xi32>
    %broadcast_in_dim3A_198 = vector.broadcast %jit3A_195 : i32 to vector<1024x17xi32>
    %select_n3A_199 = arith.select %eq3A_194, %broadcast_in_dim3A_197, %broadcast_in_dim3A_198 : vector<1024x17xi1>, vector<1024x17xi32>
    %reduce_min3A_200 = arith.constant dense<2147483647> : vector<1024xi32>
    %reduce_min3A_201 = vector.multi_reduction <minsi>, %select_n3A_199, %reduce_min3A_200 [1] : vector<1024x17xi32> to vector<1024xi32>
    %broadcast_in_dim3A_202 = vector.shape_cast %reduce_min3A_201 : vector<1024xi32> to vector<1024x1xi32>
    %get3A_203 = arith.constant 1 : index
    %get3A_204 = arith.constant 0 : index
    %get3A_205 = vector.load %arg15[%get3A_203, %get3A_204] : memref<8x32xf32, #tpu.memory_space<vmem>>, vector<1x32xf32>
    %mul3A_206 = vector.broadcast %broadcast_in_dim3A_192 : vector<1024x1xf32> to vector<1024x32xf32>
    %mul3A_207 = vector.broadcast %get3A_205 : vector<1x32xf32> to vector<1024x32xf32>
    %mul3A_208 = arith.mulf %mul3A_206, %mul3A_207 : vector<1024x32xf32>
    %add3A_209 = arith.addf %add3A_183, %mul3A_208 : vector<1024x32xf32>
    %eq3A_210 = vector.broadcast %iota3A_100 : vector<1x17xi32> to vector<1024x17xi32>
    %eq3A_211 = vector.broadcast %broadcast_in_dim3A_202 : vector<1024x1xi32> to vector<1024x17xi32>
    %eq3A_212 = arith.cmpi eq, %eq3A_210, %eq3A_211 : vector<1024x17xi32>
    %jit3A_213 = arith.constant -3.000000e+38 : f32
    %broadcast_in_dim3A_214 = vector.broadcast %jit3A_213 : f32 to vector<1024x17xf32>
    %select_n3A_215 = arith.select %eq3A_212, %broadcast_in_dim3A_214, %select_n3A_189 : vector<1024x17xi1>, vector<1024x17xf32>
    %reduce_max3A_216 = arith.constant dense<0xFF800000> : vector<1024xf32>
    %reduce_max3A_217 = vector.multi_reduction <maximumf>, %select_n3A_215, %reduce_max3A_216 [1] : vector<1024x17xf32> to vector<1024xf32>
    %broadcast_in_dim3A_218 = vector.shape_cast %reduce_max3A_217 : vector<1024xf32> to vector<1024x1xf32>
    %eq3A_219 = vector.broadcast %broadcast_in_dim3A_218 : vector<1024x1xf32> to vector<1024x17xf32>
    %eq3A_220 = arith.cmpf oeq, %select_n3A_215, %eq3A_219 : vector<1024x17xf32>
    %jit3A_221 = arith.constant 99 : i32
    %broadcast_in_dim3A_222 = vector.shape_cast %iota3A_100 : vector<1x17xi32> to vector<1x17xi32>
    %broadcast_in_dim3A_223 = vector.broadcast %broadcast_in_dim3A_222 : vector<1x17xi32> to vector<1024x17xi32>
    %broadcast_in_dim3A_224 = vector.broadcast %jit3A_221 : i32 to vector<1024x17xi32>
    %select_n3A_225 = arith.select %eq3A_220, %broadcast_in_dim3A_223, %broadcast_in_dim3A_224 : vector<1024x17xi1>, vector<1024x17xi32>
    %reduce_min3A_226 = arith.constant dense<2147483647> : vector<1024xi32>
    %reduce_min3A_227 = vector.multi_reduction <minsi>, %select_n3A_225, %reduce_min3A_226 [1] : vector<1024x17xi32> to vector<1024xi32>
    %broadcast_in_dim3A_228 = vector.shape_cast %reduce_min3A_227 : vector<1024xi32> to vector<1024x1xi32>
    %get3A_229 = arith.constant 2 : index
    %get3A_230 = arith.constant 0 : index
    %get3A_231 = vector.load %arg15[%get3A_229, %get3A_230] : memref<8x32xf32, #tpu.memory_space<vmem>>, vector<1x32xf32>
    %mul3A_232 = vector.broadcast %broadcast_in_dim3A_218 : vector<1024x1xf32> to vector<1024x32xf32>
    %mul3A_233 = vector.broadcast %get3A_231 : vector<1x32xf32> to vector<1024x32xf32>
    %mul3A_234 = arith.mulf %mul3A_232, %mul3A_233 : vector<1024x32xf32>
    %add3A_235 = arith.addf %add3A_209, %mul3A_234 : vector<1024x32xf32>
    %eq3A_236 = vector.broadcast %iota3A_100 : vector<1x17xi32> to vector<1024x17xi32>
    %eq3A_237 = vector.broadcast %broadcast_in_dim3A_228 : vector<1024x1xi32> to vector<1024x17xi32>
    %eq3A_238 = arith.cmpi eq, %eq3A_236, %eq3A_237 : vector<1024x17xi32>
    %jit3A_239 = arith.constant -3.000000e+38 : f32
    %broadcast_in_dim3A_240 = vector.broadcast %jit3A_239 : f32 to vector<1024x17xf32>
    %select_n3A_241 = arith.select %eq3A_238, %broadcast_in_dim3A_240, %select_n3A_215 : vector<1024x17xi1>, vector<1024x17xf32>
    %reduce_max3A_242 = arith.constant dense<0xFF800000> : vector<1024xf32>
    %reduce_max3A_243 = vector.multi_reduction <maximumf>, %select_n3A_241, %reduce_max3A_242 [1] : vector<1024x17xf32> to vector<1024xf32>
    %broadcast_in_dim3A_244 = vector.shape_cast %reduce_max3A_243 : vector<1024xf32> to vector<1024x1xf32>
    %eq3A_245 = vector.broadcast %broadcast_in_dim3A_244 : vector<1024x1xf32> to vector<1024x17xf32>
    %eq3A_246 = arith.cmpf oeq, %select_n3A_241, %eq3A_245 : vector<1024x17xf32>
    %jit3A_247 = arith.constant 99 : i32
    %broadcast_in_dim3A_248 = vector.shape_cast %iota3A_100 : vector<1x17xi32> to vector<1x17xi32>
    %broadcast_in_dim3A_249 = vector.broadcast %broadcast_in_dim3A_248 : vector<1x17xi32> to vector<1024x17xi32>
    %broadcast_in_dim3A_250 = vector.broadcast %jit3A_247 : i32 to vector<1024x17xi32>
    %select_n3A_251 = arith.select %eq3A_246, %broadcast_in_dim3A_249, %broadcast_in_dim3A_250 : vector<1024x17xi1>, vector<1024x17xi32>
    %reduce_min3A_252 = arith.constant dense<2147483647> : vector<1024xi32>
    %reduce_min3A_253 = vector.multi_reduction <minsi>, %select_n3A_251, %reduce_min3A_252 [1] : vector<1024x17xi32> to vector<1024xi32>
    %broadcast_in_dim3A_254 = vector.shape_cast %reduce_min3A_253 : vector<1024xi32> to vector<1024x1xi32>
    %get3A_255 = arith.constant 3 : index
    %get3A_256 = arith.constant 0 : index
    %get3A_257 = vector.load %arg15[%get3A_255, %get3A_256] : memref<8x32xf32, #tpu.memory_space<vmem>>, vector<1x32xf32>
    %mul3A_258 = vector.broadcast %broadcast_in_dim3A_244 : vector<1024x1xf32> to vector<1024x32xf32>
    %mul3A_259 = vector.broadcast %get3A_257 : vector<1x32xf32> to vector<1024x32xf32>
    %mul3A_260 = arith.mulf %mul3A_258, %mul3A_259 : vector<1024x32xf32>
    %add3A_261 = arith.addf %add3A_235, %mul3A_260 : vector<1024x32xf32>
    %eq3A_262 = vector.broadcast %iota3A_100 : vector<1x17xi32> to vector<1024x17xi32>
    %eq3A_263 = vector.broadcast %broadcast_in_dim3A_254 : vector<1024x1xi32> to vector<1024x17xi32>
    %eq3A_264 = arith.cmpi eq, %eq3A_262, %eq3A_263 : vector<1024x17xi32>
    %jit3A_265 = arith.constant -3.000000e+38 : f32
    %broadcast_in_dim3A_266 = vector.broadcast %jit3A_265 : f32 to vector<1024x17xf32>
    %select_n3A_267 = arith.select %eq3A_264, %broadcast_in_dim3A_266, %select_n3A_241 : vector<1024x17xi1>, vector<1024x17xf32>
    %reduce_max3A_268 = arith.constant dense<0xFF800000> : vector<1024xf32>
    %reduce_max3A_269 = vector.multi_reduction <maximumf>, %select_n3A_267, %reduce_max3A_268 [1] : vector<1024x17xf32> to vector<1024xf32>
    %broadcast_in_dim3A_270 = vector.shape_cast %reduce_max3A_269 : vector<1024xf32> to vector<1024x1xf32>
    %eq3A_271 = vector.broadcast %broadcast_in_dim3A_270 : vector<1024x1xf32> to vector<1024x17xf32>
    %eq3A_272 = arith.cmpf oeq, %select_n3A_267, %eq3A_271 : vector<1024x17xf32>
    %jit3A_273 = arith.constant 99 : i32
    %broadcast_in_dim3A_274 = vector.shape_cast %iota3A_100 : vector<1x17xi32> to vector<1x17xi32>
    %broadcast_in_dim3A_275 = vector.broadcast %broadcast_in_dim3A_274 : vector<1x17xi32> to vector<1024x17xi32>
    %broadcast_in_dim3A_276 = vector.broadcast %jit3A_273 : i32 to vector<1024x17xi32>
    %select_n3A_277 = arith.select %eq3A_272, %broadcast_in_dim3A_275, %broadcast_in_dim3A_276 : vector<1024x17xi1>, vector<1024x17xi32>
    %reduce_min3A_278 = arith.constant dense<2147483647> : vector<1024xi32>
    %reduce_min3A_279 = vector.multi_reduction <minsi>, %select_n3A_277, %reduce_min3A_278 [1] : vector<1024x17xi32> to vector<1024xi32>
    %broadcast_in_dim3A_280 = vector.shape_cast %reduce_min3A_279 : vector<1024xi32> to vector<1024x1xi32>
    %get3A_281 = arith.constant 4 : index
    %get3A_282 = arith.constant 0 : index
    %get3A_283 = vector.load %arg15[%get3A_281, %get3A_282] : memref<8x32xf32, #tpu.memory_space<vmem>>, vector<1x32xf32>
    %mul3A_284 = vector.broadcast %broadcast_in_dim3A_270 : vector<1024x1xf32> to vector<1024x32xf32>
    %mul3A_285 = vector.broadcast %get3A_283 : vector<1x32xf32> to vector<1024x32xf32>
    %mul3A_286 = arith.mulf %mul3A_284, %mul3A_285 : vector<1024x32xf32>
    %add3A_287 = arith.addf %add3A_261, %mul3A_286 : vector<1024x32xf32>
    %eq3A_288 = vector.broadcast %iota3A_100 : vector<1x17xi32> to vector<1024x17xi32>
    %eq3A_289 = vector.broadcast %broadcast_in_dim3A_280 : vector<1024x1xi32> to vector<1024x17xi32>
    %eq3A_290 = arith.cmpi eq, %eq3A_288, %eq3A_289 : vector<1024x17xi32>
    %jit3A_291 = arith.constant -3.000000e+38 : f32
    %broadcast_in_dim3A_292 = vector.broadcast %jit3A_291 : f32 to vector<1024x17xf32>
    %select_n3A_293 = arith.select %eq3A_290, %broadcast_in_dim3A_292, %select_n3A_267 : vector<1024x17xi1>, vector<1024x17xf32>
    %reduce_max3A_294 = arith.constant dense<0xFF800000> : vector<1024xf32>
    %reduce_max3A_295 = vector.multi_reduction <maximumf>, %select_n3A_293, %reduce_max3A_294 [1] : vector<1024x17xf32> to vector<1024xf32>
    %broadcast_in_dim3A_296 = vector.shape_cast %reduce_max3A_295 : vector<1024xf32> to vector<1024x1xf32>
    %eq3A_297 = vector.broadcast %broadcast_in_dim3A_296 : vector<1024x1xf32> to vector<1024x17xf32>
    %eq3A_298 = arith.cmpf oeq, %select_n3A_293, %eq3A_297 : vector<1024x17xf32>
    %jit3A_299 = arith.constant 99 : i32
    %broadcast_in_dim3A_300 = vector.shape_cast %iota3A_100 : vector<1x17xi32> to vector<1x17xi32>
    %broadcast_in_dim3A_301 = vector.broadcast %broadcast_in_dim3A_300 : vector<1x17xi32> to vector<1024x17xi32>
    %broadcast_in_dim3A_302 = vector.broadcast %jit3A_299 : i32 to vector<1024x17xi32>
    %select_n3A_303 = arith.select %eq3A_298, %broadcast_in_dim3A_301, %broadcast_in_dim3A_302 : vector<1024x17xi1>, vector<1024x17xi32>
    %reduce_min3A_304 = arith.constant dense<2147483647> : vector<1024xi32>
    %reduce_min3A_305 = vector.multi_reduction <minsi>, %select_n3A_303, %reduce_min3A_304 [1] : vector<1024x17xi32> to vector<1024xi32>
    %broadcast_in_dim3A_306 = vector.shape_cast %reduce_min3A_305 : vector<1024xi32> to vector<1024x1xi32>
    %get3A_307 = arith.constant 5 : index
    %get3A_308 = arith.constant 0 : index
    %get3A_309 = vector.load %arg15[%get3A_307, %get3A_308] : memref<8x32xf32, #tpu.memory_space<vmem>>, vector<1x32xf32>
    %mul3A_310 = vector.broadcast %broadcast_in_dim3A_296 : vector<1024x1xf32> to vector<1024x32xf32>
    %mul3A_311 = vector.broadcast %get3A_309 : vector<1x32xf32> to vector<1024x32xf32>
    %mul3A_312 = arith.mulf %mul3A_310, %mul3A_311 : vector<1024x32xf32>
    %add3A_313 = arith.addf %add3A_287, %mul3A_312 : vector<1024x32xf32>
    %eq3A_314 = vector.broadcast %iota3A_100 : vector<1x17xi32> to vector<1024x17xi32>
    %eq3A_315 = vector.broadcast %broadcast_in_dim3A_306 : vector<1024x1xi32> to vector<1024x17xi32>
    %eq3A_316 = arith.cmpi eq, %eq3A_314, %eq3A_315 : vector<1024x17xi32>
    %jit3A_317 = arith.constant -3.000000e+38 : f32
    %broadcast_in_dim3A_318 = vector.broadcast %jit3A_317 : f32 to vector<1024x17xf32>
    %select_n3A_319 = arith.select %eq3A_316, %broadcast_in_dim3A_318, %select_n3A_293 : vector<1024x17xi1>, vector<1024x17xf32>
    %reduce_max3A_320 = arith.constant dense<0xFF800000> : vector<1024xf32>
    %reduce_max3A_321 = vector.multi_reduction <maximumf>, %select_n3A_319, %reduce_max3A_320 [1] : vector<1024x17xf32> to vector<1024xf32>
    %broadcast_in_dim3A_322 = vector.shape_cast %reduce_max3A_321 : vector<1024xf32> to vector<1024x1xf32>
    %eq3A_323 = vector.broadcast %broadcast_in_dim3A_322 : vector<1024x1xf32> to vector<1024x17xf32>
    %eq3A_324 = arith.cmpf oeq, %select_n3A_319, %eq3A_323 : vector<1024x17xf32>
    %jit3A_325 = arith.constant 99 : i32
    %broadcast_in_dim3A_326 = vector.shape_cast %iota3A_100 : vector<1x17xi32> to vector<1x17xi32>
    %broadcast_in_dim3A_327 = vector.broadcast %broadcast_in_dim3A_326 : vector<1x17xi32> to vector<1024x17xi32>
    %broadcast_in_dim3A_328 = vector.broadcast %jit3A_325 : i32 to vector<1024x17xi32>
    %select_n3A_329 = arith.select %eq3A_324, %broadcast_in_dim3A_327, %broadcast_in_dim3A_328 : vector<1024x17xi1>, vector<1024x17xi32>
    %reduce_min3A_330 = arith.constant dense<2147483647> : vector<1024xi32>
    %reduce_min3A_331 = vector.multi_reduction <minsi>, %select_n3A_329, %reduce_min3A_330 [1] : vector<1024x17xi32> to vector<1024xi32>
    %broadcast_in_dim3A_332 = vector.shape_cast %reduce_min3A_331 : vector<1024xi32> to vector<1024x1xi32>
    %get3A_333 = arith.constant 6 : index
    %get3A_334 = arith.constant 0 : index
    %get3A_335 = vector.load %arg15[%get3A_333, %get3A_334] : memref<8x32xf32, #tpu.memory_space<vmem>>, vector<1x32xf32>
    %mul3A_336 = vector.broadcast %broadcast_in_dim3A_322 : vector<1024x1xf32> to vector<1024x32xf32>
    %mul3A_337 = vector.broadcast %get3A_335 : vector<1x32xf32> to vector<1024x32xf32>
    %mul3A_338 = arith.mulf %mul3A_336, %mul3A_337 : vector<1024x32xf32>
    %add3A_339 = arith.addf %add3A_313, %mul3A_338 : vector<1024x32xf32>
    %eq3A_340 = vector.broadcast %iota3A_100 : vector<1x17xi32> to vector<1024x17xi32>
    %eq3A_341 = vector.broadcast %broadcast_in_dim3A_332 : vector<1024x1xi32> to vector<1024x17xi32>
    %eq3A_342 = arith.cmpi eq, %eq3A_340, %eq3A_341 : vector<1024x17xi32>
    %jit3A_343 = arith.constant -3.000000e+38 : f32
    %broadcast_in_dim3A_344 = vector.broadcast %jit3A_343 : f32 to vector<1024x17xf32>
    %select_n3A_345 = arith.select %eq3A_342, %broadcast_in_dim3A_344, %select_n3A_319 : vector<1024x17xi1>, vector<1024x17xf32>
    %reduce_max3A_346 = arith.constant dense<0xFF800000> : vector<1024xf32>
    %reduce_max3A_347 = vector.multi_reduction <maximumf>, %select_n3A_345, %reduce_max3A_346 [1] : vector<1024x17xf32> to vector<1024xf32>
    %broadcast_in_dim3A_348 = vector.shape_cast %reduce_max3A_347 : vector<1024xf32> to vector<1024x1xf32>
    %get3A_349 = arith.constant 7 : index
    %get3A_350 = arith.constant 0 : index
    %get3A_351 = vector.load %arg15[%get3A_349, %get3A_350] : memref<8x32xf32, #tpu.memory_space<vmem>>, vector<1x32xf32>
    %mul3A_352 = vector.broadcast %broadcast_in_dim3A_348 : vector<1024x1xf32> to vector<1024x32xf32>
    %mul3A_353 = vector.broadcast %get3A_351 : vector<1x32xf32> to vector<1024x32xf32>
    %mul3A_354 = arith.mulf %mul3A_352, %mul3A_353 : vector<1024x32xf32>
    %add3A_355 = arith.addf %add3A_339, %mul3A_354 : vector<1024x32xf32>
    %tanh3A_356 = math.tanh %add3A_355 : vector<1024x32xf32>
    %get3A_357 = arith.constant 0 : index
    %get3A_358 = arith.constant 0 : index
    %get3A_359 = vector.load %arg17[%get3A_357, %get3A_358] : memref<8x32xf32, #tpu.memory_space<vmem>>, vector<1x32xf32>
    %mul3A_360 = vector.broadcast %get3A_359 : vector<1x32xf32> to vector<1024x32xf32>
    %mul3A_361 = arith.mulf %tanh3A_356, %mul3A_360 : vector<1024x32xf32>
    %reduce_sum3A_362 = arith.constant dense<0.000000e+00> : vector<1024xf32>
    %reduce_sum3A_363 = vector.multi_reduction <add>, %mul3A_361, %reduce_sum3A_362 [1] : vector<1024x32xf32> to vector<1024xf32>
    %broadcast_in_dim3A_364 = vector.shape_cast %reduce_sum3A_363 : vector<1024xf32> to vector<1024x1xf32>
    %get3A_365 = arith.constant 0 : index
    %get3A_366 = arith.constant 0 : index
    %get3A_367 = vector.load %arg18[%get3A_365, %get3A_366] : memref<8x1xf32, #tpu.memory_space<vmem>>, vector<1x1xf32>
    %add3A_368 = vector.broadcast %get3A_367 : vector<1x1xf32> to vector<1024x1xf32>
    %add3A_369 = arith.addf %broadcast_in_dim3A_364, %add3A_368 : vector<1024x1xf32>
    %max3A_370 = arith.maximumf %add3A_62, %add3A_369 : vector<1024x1xf32>
    %sub3A_371 = arith.subf %add3A_62, %max3A_370 : vector<1024x1xf32>
    %exp3A_372 = math.exp %sub3A_371 : vector<1024x1xf32>
    %sub3A_373 = arith.subf %add3A_369, %max3A_370 : vector<1024x1xf32>
    %exp3A_374 = math.exp %sub3A_373 : vector<1024x1xf32>
    %add3A_375 = arith.addf %exp3A_372, %exp3A_374 : vector<1024x1xf32>
    %div3A_376 = arith.divf %exp3A_372, %add3A_375 : vector<1024x1xf32>
    %div3A_377 = arith.divf %exp3A_374, %add3A_375 : vector<1024x1xf32>
    %mul3A_378 = arith.mulf %div3A_376, %broadcast_in_dim3A_38 : vector<1024x1xf32>
    %mul3A_379 = arith.mulf %div3A_377, %get3A_7 : vector<1024x1xf32>
    %add3A_380 = arith.addf %mul3A_378, %mul3A_379 : vector<1024x1xf32>
    %swap3A = arith.constant 0 : index
    %swap3A_381 = arith.constant 0 : index
    %swap3A_382 = vector.load %arg19[%swap3A, %swap3A_381] : memref<1024x1xf32, #tpu.memory_space<vmem>>, vector<1024x1xf32>
    tpu.vector_store %arg19[%swap3A, %swap3A_381], %add3A_380 {strides = array<i32>} : memref<1024x1xf32, #tpu.memory_space<vmem>>, vector<1024x1xf32>,
    %swap3A_383 = arith.constant 0 : index
    %swap3A_384 = arith.constant 0 : index
    %swap3A_385 = vector.load %arg20[%swap3A_383, %swap3A_384] : memref<1024x1xf32, #tpu.memory_space<vmem>>, vector<1024x1xf32>
    tpu.vector_store %arg20[%swap3A_383, %swap3A_384], %broadcast_in_dim3A_38 {strides = array<i32>} : memref<1024x1xf32, #tpu.memory_space<vmem>>, vector<1024x1xf32>,
    %swap3A_386 = arith.constant 0 : index
    %swap3A_387 = arith.constant 0 : index
    %swap3A_388 = vector.load %arg21[%swap3A_386, %swap3A_387] : memref<1024x1xf32, #tpu.memory_space<vmem>>, vector<1024x1xf32>
    tpu.vector_store %arg21[%swap3A_386, %swap3A_387], %div3A_376 {strides = array<i32>} : memref<1024x1xf32, #tpu.memory_space<vmem>>, vector<1024x1xf32>,
    %swap3A_389 = arith.constant 0 : index
    %swap3A_390 = arith.constant 0 : index
    %swap3A_391 = vector.load %arg22[%swap3A_389, %swap3A_390] : memref<1024x1xf32, #tpu.memory_space<vmem>>, vector<1024x1xf32>
    tpu.vector_store %arg22[%swap3A_389, %swap3A_390], %div3A_377 {strides = array<i32>} : memref<1024x1xf32, #tpu.memory_space<vmem>>, vector<1024x1xf32>,
    return
  }
}

</mosaic_0001>

<sc_bundles>
// kernel: gather_offload_async_start
scs
__scs_entry_jumppad:
0x0: {  	(pc) =	sbr.rel $0x88, $3  }
0x1: {  	(tag) =	ssettag $0x0;
	lr =	simm.s32 $0x1  }
0x2: {  	[smem:$0x3F90] =	sst lr;
	_ =	strace $0xD0000000  }
0x3: {  	_ = 	snop  }
0x4: {  	_ = 	snop  }
0x5: {  	_ = 	snop  }
0x6: {  	_ = 	snop  }
0x7: {  	_ = 	snop  }
__scs_overlays_trampoline_lowered:
0x8: {  	[smem:$0x3F9F] =	sst s0  }
0x9: {  	[smem:$0x3FA0] =	sst s1  }
0xa: {  	[smem:$0x3FA1] =	sst s2  }
0xb: {  	[smem:$0x3FA2] =	sst s3  }
0xc: {  	[smem:$0x3FA3] =	sst s4  }
0xd: {  	[smem:$0x3FA4] =	sst s5  }
0xe: {  	[smem:$0x3FA5] =	sst s6  }
0xf: {  	[smem:$0x3FA6] =	sst s7  }
0x10: {  	[smem:$0x3FA7] =	sst s8  }
0x11: {  	[smem:$0x3FA8] =	sst s9;
	s0 =	simm.s32 @!p0 $0x0  }
0x12: {  	s1 =	sld [smem:$0x3F8E];
	s0 =	simm.s32 @p0 $0x1  }
0x13: {  	[smem:$0x3FA9] =	sst s0;
	s0 =	simm.s32 @!p1 $0x0  }
0x14: {  	s2 =	sld [smem:$0x3F8D];
	s0 =	simm.s32 @p1 $0x1  }
0x15: {  	[smem:$0x3FAA] =	sst s0;
	s0 =	simm.s32 @!p2 $0x0  }
0x16: {  	s3 =	sld [smem:$0x3FDB];
	s0 =	simm.s32 @p2 $0x1  }
0x17: {  	s4 =	simm.s32 $0x1BF5;
	[smem:$0x3FAC] =	sst s0  }
0x18: {  	s0 =	sld [smem:$0x3F8F];
	_ =	swait.ge [sflag:s4], $0x0  }
0x19: {  	s7 =	sld [smem:$0x3F90]  }
0x1a: {  	s8 =	sadd.s32 $0xFFFFE003, lr  }
0x1b: {  	s9 =	sadd.s32 $0xFFFFFEF7, lr;
	s5 =	simm.s32 $0xFFFFFFFF;
	p2 =	slt.u32 s8, $0xFFFFF086  }
0x1c: {  	p1 =	slt.u32 s9, $0xF7A;
	s5 =	simm.s32 @!p2 $0x0  }
0x1d: {  	s5 =	simm.s32 @p1 $0x1;
	p0 =	seq.s32 s7, s2  }
0x1e: {  	s7 =	smul.u32 @!p0 $0xF7A, s2;
	p2 =	seq.s32 @!p0 s5, $0x0  }
0x1f: {  	s9 =	smul.u32 $0xF7A, s1;
	s8 =	simm.s32 @!p0 $0x1BF5;
	p2 =	por !p2, p0  }
0x20: {  	[sflag:s8] =	ssyncset.s32 @!p0 $0xFFFFF086;
	s6 =	sadd.s32 @!p0 s3, s7;
	s7 =	simm.s32 @!p0 $0x108  }
0x21: {  	s3 =	sadd.s32 s3, s9;
	s6 =	sadd.s32 @!p0 $0x88, s6;
	s7 =	simm.s32 @p2 $0x1082  }
0x22: {  	[simem:s7], [sflag:s8] =	dma.local @!p0 [hbm:s6], $0xF7A  }
0x23: {  	s9 =	sor.u32 $0xD0000000, s2;
	s6 =	simm.s32 $0x108;
	_ =	swait.ge @!p0 [sflag:s8], $0x0  }
0x24: {  	s3 =	sadd.s32 $0x88, s3;
	s6 =	simm.s32 @!p1 $0x1082;
	[sflag:s4] =	ssyncset.s32 $0xFFFFF086  }
0x25: {  	[simem:s6], [sflag:s4] =	dma.local [hbm:s3], $0xF7A  }
0x26: {  	[smem:$0x3F90] =	sst s1;
	(tag) =	ssettag s2;
	_ =	strace s9  }
0x27: {  	s1 =	sld [smem:$0x3FA0]  }
0x28: {  	s2 =	sld [smem:$0x3FA1]  }
0x29: {  	s4 =	sld [smem:$0x3FA3]  }
0x2a: {  	p0 =	seq.s32 s5, $0x0;
	s5 =	sld [smem:$0x3FA4]  }
0x2b: {  	s6 =	sld [smem:$0x3FA5]  }
0x2c: {  	s7 =	sld [smem:$0x3FA6]  }
0x2d: {  	s3 =	simm.s32 $0x108;
	s8 =	sld [smem:$0x3FA7]  }
0x2e: {  	s3 =	simm.s32 @!p0 $0x1082;
	s9 =	sld [smem:$0x3FA8]  }
0x2f: {  	lr =	sadd.s32 s0, s3;
	s0 =	sld [smem:$0x3F9F]  }
0x30: {  	s3 =	sld [smem:$0x3FA2]  }
0x31: {  	[smem:$0x3FAB] =	sst s10  }
0x32: {  	s10 =	sld [smem:$0x3FA9];
	_ =	sdelay $0x3  }
0x33: {  	p0 =	seq.s32 s10, $0x1;
	s10 =	sld [smem:$0x3FAB];
	_ =	sdelay $0x3  }
0x34: {  	[smem:$0x3FAB] =	sst s10  }
0x35: {  	s10 =	sld [smem:$0x3FAA];
	_ =	sdelay $0x3  }
0x36: {  	p1 =	seq.s32 s10, $0x1;
	s10 =	sld [smem:$0x3FAB];
	_ =	sdelay $0x3  }
0x37: {  	[smem:$0x3FAB] =	sst s10  }
0x38: {  	s10 =	sld [smem:$0x3FAC]  }
0x39: {  	_ = 	snop;
	(pc) =	sbr.ind lr, $3  }
0x3a: {  	_ = 	snop  }
0x3b: {  	_ = 	snop  }
0x3c: {  	p2 =	seq.s32 s10, $0x1;
	s10 =	sld [smem:$0x3FAB]  }
0x3d: {  	_ =	shalt  }
0x3e: {  	_ =	shalt  }
0x3f: {  	_ =	shalt  }
0x40: {  	_ =	shalt  }
0x41: {  	_ =	shalt  }
0x42: {  	_ =	shalt  }
0x43: {  	_ =	shalt  }
0x44: {  	_ =	shalt  }
0x45: {  	_ =	shalt  }
0x46: {  	_ =	shalt  }
0x47: {  	_ =	shalt  }
0x48: {  	_ =	shalt  }
0x49: {  	_ =	shalt  }
0x4a: {  	_ =	shalt  }
0x4b: {  	_ =	shalt  }
0x4c: {  	_ =	shalt  }
0x4d: {  	_ =	shalt  }
0x4e: {  	_ =	shalt  }
0x4f: {  	_ =	shalt  }
0x50: {  	_ =	shalt  }
0x51: {  	_ =	shalt  }
0x52: {  	_ =	shalt  }
0x53: {  	_ =	shalt  }
0x54: {  	_ =	shalt  }
0x55: {  	_ =	shalt  }
0x56: {  	_ =	shalt  }
0x57: {  	_ =	shalt  }
0x58: {  	_ =	shalt  }
0x59: {  	_ =	shalt  }
0x5a: {  	_ =	shalt  }
0x5b: {  	_ =	shalt  }
0x5c: {  	_ =	shalt  }
0x5d: {  	_ =	shalt  }
0x5e: {  	_ =	shalt  }
0x5f: {  	_ =	shalt  }
0x60: {  	_ =	shalt  }
0x61: {  	_ =	shalt  }
0x62: {  	_ =	shalt  }
0x63: {  	_ =	shalt  }
0x64: {  	_ =	shalt  }
0x65: {  	_ =	shalt  }
0x66: {  	_ =	shalt  }
0x67: {  	_ =	shalt  }
0x68: {  	_ =	shalt  }
0x69: {  	_ =	shalt  }
0x6a: {  	_ =	shalt  }
0x6b: {  	_ =	shalt  }
0x6c: {  	_ =	shalt  }
0x6d: {  	_ =	shalt  }
0x6e: {  	_ =	shalt  }
0x6f: {  	_ =	shalt  }
0x70: {  	_ =	shalt  }
0x71: {  	_ =	shalt  }
0x72: {  	_ =	shalt  }
0x73: {  	_ =	shalt  }
0x74: {  	_ =	shalt  }
0x75: {  	_ =	shalt  }
0x76: {  	_ =	shalt  }
0x77: {  	_ =	shalt  }
0x78: {  	_ =	shalt  }
0x79: {  	_ =	shalt  }
0x7a: {  	_ =	shalt  }
0x7b: {  	_ =	shalt  }
0x7c: {  	_ =	shalt  }
0x7d: {  	_ =	shalt  }
0x7e: {  	_ =	shalt  }
0x7f: {  	_ =	shalt  }
0x80: {  	_ =	shalt  }
0x81: {  	_ =	shalt  }
0x82: {  	_ =	shalt  }
0x83: {  	_ =	shalt  }
0x84: {  	_ =	shalt  }
0x85: {  	_ =	shalt  }
0x86: {  	_ =	shalt  }
0x87: {  	_ =	shalt  }
.Lfunc_end0:
.L_simem_size_0:
called_computation_lowered:
.L_overlay_start_0:
0x88: {  	s2 =	sld [smem:$0x3FD9]  }
0x89: {  	s3 =	sld [smem:$0x3FFE];
	_ =	sdelay $0x1  }
0x8a: {  	s1 =	srdreg.scid  }
0x8b: {  	s0 =	sand.u32 $0x1, s1  }
0x8c: {  	s17 =	sshll.u32 s0, $0xA;
	s2 =	sadd.s32 s3, s2  }
0x8d: {  	s2 =	sadd.s32 s2, s17  }
0x8e: {  	[smem:$0x3FB7] =	sst s2  }
0x8f: {  	_ = 	snop  }
0x90: {  	s2 =	sld [smem:$0x3FC5];
	(tm) =	ssettm $0x1  }
0x91: {  	s18 =	sld [smem:$0x3FFB];
	_ =	sdelay $0x3  }
0x92: {  	_ =	strace s18  }
0x93: {  	s3 =	sld [smem:$0x3FFC];
	_ =	sdelay $0x3  }
0x94: {  	_ =	strace s3  }
0x95: {  	s3 =	sld [smem:$0x3FFD];
	_ =	sdelay $0x3  }
0x96: {  	_ =	strace s3  }
0x97: {  	_ =	strace $0x8FFFFFFF  }
0x98: {  	s19 =	sld [smem:$0x3FDB];
	_ =	sdelay $0x1  }
0x99: {  	s4 =	simm.s32 $_scs_section_size  }
0x9a: {  	s5 =	simm.s32 $_size__tile_overlayer_lowered;
	s6 =	simm.s32 $_tile_overlayer_lowered  }
0x9b: {  	s22 =	simm.s32 $0x1BFF;
	s21 =	sshll.u32 s6, $0x1;
	s3 =	sadd.s32 s4, s19  }
0x9c: {  	s7 =	simm.s32 $0x0;
	s20 =	sshll.u32 s5, $0x1;
	s5 =	sadd.s32 s21, s3  }
0x9d: {  	[timem:s7], [sflag:s22] =	dma.local [hbm:s5], s20  }
0x9e: {  	_ =	swait.ge [sflag:s22], s20  }
0x9f: {  	s4 =	ssub.s32 $0x0, s20;
	[sflag:s22] =	ssyncset.done $0x0  }
0xa0: {  	[sflag:s22] =	ssyncadd.s32 s4;
	_ =	sdelay $0x1  }
0xa1: {  	s23 =	simm.s32 $0x1B8B  }
0xa2: {  	_ =	swait.ge [sflag:s23], $0x1  }
0xa3: {  	[sflag:s23] =	ssyncset.done $0x0  }
0xa4: {  	s25 =	simm.s32 $0x1B8E;
	s24 =	sld [smem:$0x3FFE];
	[sflag:s23] =	ssyncadd.s32 $0xFFFFFFFF  }
0xa5: {  	s26 =	simm.s32 $execute0_lowered;
	[smem:$0x3FD2] =	sst s25  }
0xa6: {  	s5 =	sshll.u32 s26, $0x1;
	_ =	strace $0x80000046;
	[dreg:$0x1] =	wrdreg $0xFFFFFFFF  }
0xa7: {  	s28 =	simm.s32 $_size_execute0_lowered;
	s3 =	sadd.s32 s3, s5;
	[dreg:$0x0] =	wrdreg $0x0  }
0xa8: {  	s5 =	sshll.u32 s28, $0x1;
	[dreg:$0x2] =	wrdreg s3  }
0xa9: {  	[dreg:$0x3] =	wrdreg s5  }
0xaa: {  	[dreg:$0x4] =	wrdreg $0xC0  }
0xab: {  	_ =	task [dreg:s7], $0x5FFFF  }
0xac: {  	[dreg:$0x1] =	wrdreg $0xFFFFFFFF  }
0xad: {  	[dreg:$0x0] =	wrdreg $0x60  }
0xae: {  	[dreg:$0x2] =	wrdreg s2  }
0xaf: {  	[dreg:$0x3] =	wrdreg s24  }
0xb0: {  	[dreg:$0x4] =	wrdreg $0x9  }
0xb1: {  	_ =	task.clear_ibuf [dreg:s7], $0x5FFFF;
	_ =	strace $0x90000046  }
0xb2: {  	s29 =	simm.s32 $0x9;
	_ =	strace $0x80000048  }
0xb3: {  	_ =	swait.ge [sflag:s29], $0x1  }
0xb4: {  	[sflag:s29] =	ssyncadd.s32 $0xFFFFFFFF  }
0xb5: {  	_ =	strace $0x90000048  }
0xb6: {  	_ =	sfence  }
0xb7: {  	s30 =	sld [smem:$0x0];
	_ =	sdelay $0x2  }
0xb8: {  	s31 =	sshll.u32 s1, $0xD;
	s1 =	sshrl.u32 s1, $0x2  }
0xb9: {  	s3 =	sand.u32 $0x4000, s31;
	s1 =	sadd.s32 s1, s30  }
0xba: {  	s0 =	sor.u32 s3, s0;
	s1 =	sshll.u32 s1, $0x11  }
0xbb: {  	s0 =	sor.u32 s1, s0  }
0xbc: {  	s0 =	sadd.s32 $0x8F2B, s0  }
0xbd: {  	[sflag:s0] =	ssyncadd.remote.s32 $0x1  }
0xbe: {  	_ =	sfence.sel $0xFFFF  }
0xbf: {  	[dreg:$0x0] =	wrdreg $0xFFFFFFFF;
	(pc) =	sbr.abs _section_cstart, $3  }
0xc0: {  	[dreg:$0x1] =	wrdreg $0xFFFFFFFF  }
0xc1: {  	_ =	task.clear_ibuf [dreg:s7], $0x2FFFF;
	_ =	strace $0x9FFFFFFF  }
0xc2: {  	(tm) =	ssettm $0x7FFFFFFF  }
0xc3: {  	_ =	shalt  }
tec
execute0_lowered:
.L_overlay_start_1:
0x0: {  	(tag) =	ssettag $0x1  }
0x1: {  	s1 =	srdreg.scid;
	s2 =	rddreg [dreg:$0x0]  }
0x2: {  	s0 =	stileid.u32;
	s5 =	rddreg [dreg:$0x1];
	s6 =	simm.s32 $0x1  }
0x3: {  	s9 =	simm.s32 $0x1;
	s10 =	simm.s32 $0x3;
	s1 =	sshll.u32 s1, $0xA  }
0x4: {  	s13 =	simm.s32 $0x0;
	s3 =	sshll.u32 s0, $0xB;
	s4 =	sand.u32 $0x400, s1  }
0x5: {  	s12 =	simm.s32 $0x0;
	s1 =	rddreg [dreg:$0x2];
	s3 =	sor.u32 s3, s4  }
0x6: {  	_ =	strace $0x80000047;
	s4 =	sadd.s32 $0xA000, s5;
	s8 =	ssub.s32 $0x10000, s3  }
.Ltmp0:
0x7: {  	s5 =	sadd.s32 $0x19000, s5;
	s7 =	sand.u32 $0x7C00, s8;
	(pc) =	sbr.rel .LBB2_1-.Ltmp0, $4  }
0x8: {  	[sflag:s6] =	ssyncpa.u1 $0x0;
	s11 =	smov.u32 s3;
	p0 =	sne.s32 s7, $0x0  }
0x9: {  	s8 =	sshrl.u32 s8, $0xF;
	s7 =	simm.s32 $0x2;
	s9 =	simm.s32 @!p0 $0x0  }
0xa: {  	[sflag:s7] =	ssyncpa.u1 $0x0;
	p0 =	por $0x0, $0x0;
	s8 =	sadd.s32 s9, s8  }
0xb: {  	vm0 =	vmmov $0xffff;
	[sflag:s10] =	ssyncpa.u1 $0x0;
	s10 =	simm.s32 $0x0;
	s9 =	sadd.s32 $0x1, s8  }
.LBB2_4:
0xc: {  	v2 =	vnsel vm1, $0x0, v2  }
0xd: {  	vm1 =	vgt.s32 v0, $0x0;
	v2 =	vmin.u32 v2, $0x1869F  }
0xe: {  	v0 =	vnsel vm1, $0x0, v0  }
0xf: {  	v0 =	vmin.u32 v0, $0x1869F  }
0x10: {  	[tilespmem:s15], [sflag:$0x1] =	stream.indirect_vreg.gather [hbm4b:s2+s10], $0x1, v1, vm0, $0x4038;
	[tilespmem:$0x1000] =	vst v63  }
0x11: {  	(ifvalue) =	ssetifvalue $0x7FFFFFFF  }
0x12: {  	[tilespmem:s16], [sflag:$0x1] =	stream.indirect_vreg.gather [hbm4b:s2+s10], $0x1, v2, vm0, $0x4038;
	[tilespmem:$0x1000] =	vst v63  }
0x13: {  	s29 =	sadd.s32 $0x10, s16;
	(ifvalue) =	ssetifvalue $0x7FFFFFFF  }
0x14: {  	[tilespmem:s29], [sflag:$0x1] =	stream.indirect_vreg.gather [hbm4b:s2+s10], $0x1, v0, vm0, $0x4038;
	[tilespmem:$0x1000] =	vst v63  }
0x15: {  	_ =	swait.ge [sflag:s6], $0x400  }
0x16: {  	s30 =	sshrl.u32 s13, $0x3;
	[sflag:s6] =	ssyncset.done $0x0  }
0x17: {  	s31 =	sand.u32 $0x7, s13;
	s15 =	sadd.s32 s5, s30;
	[sflag:s6] =	ssyncadd.s32 $0xFFFFFC00  }
0x18: {  	[hbm4b:s15+s31] =	stream.linear.scatter [tilespmem:s14], [sflag:$0x3], $0x400, $0x38;
	[tilespmem:$0x1000] =	vst v63  }
.LBB2_5:
0x19: {  	s15 =	sadd.s32 $0x8000, s11  }
0x1a: {  	p2 =	sgt.s32 s15, $0xFFFF  }
0x1b: {  	s15 =	smov.u32 @p2 s3;
	p2 =	sne.s32 s12, s9  }
.Ltmp1:
0x1c: {  	p1 =	slt.u32 s12, $0x2;
	(pc) =	sbr.rel @!p2 .LBB2_6-.Ltmp1, $4  }
0x1d: {  	s14 =	simm.s32 @!p1 $0x3  }
0x1e: {  	s16 =	sadd.s32 $0x1, s12;
	_ =	swait.ge @!p1 [sflag:s14], $0x400  }
0x1f: {  	s13 =	smov.u32 s11;
	p0 =	por !p0, !p0;
	[sflag:s14] =	ssyncset.done @!p1 $0x0  }
0x20: {  	s12 =	smov.u32 s16;
	s11 =	smov.u32 s15;
	[sflag:s14] =	ssyncadd.s32 @!p1 $0xFFFFFC00  }
.LBB2_1:
0x21: {  	p1 =	sge.u32 s12, s8  }
0x22: {  	s14 =	sxor.u32 @!p1 $0xFFFFFFFF, s12  }
0x23: {  	s31 =	sadd.s32 $0xFFFFFFFF, s12;
	s15 =	sshrl.u32 @!p1 s11, $0x3;
	s14 =	sshll.u32 @!p1 s14, $0xA  }
0x24: {  	s16 =	sand.u32 @!p1 $0x7, s11;
	s15 =	sadd.s32 @!p1 s4, s15;
	s14 =	sand.u32 @!p1 $0x400, s14  }
0x25: {  	[tilespmem:s14], [sflag:$0x2] =	stream.linear.gather @!p1 [hbm4b:s15+s16], $0x400, $0x38;
	[tilespmem:$0x1000] =	vst v63  }
0x26: {  	p1 =	sge.u32 s31, s8  }
.Ltmp2:
0x27: {  	_ = 	snop;
	(pc) =	sbr.rel @p1 .LBB2_5-.Ltmp2, $1  }
0x28: {  	_ =	sdelay $0x3  }
0x29: {  	s14 =	simm.s32 $0x1  }
0x2a: {  	_ =	swait.ge [sflag:s7], $0x400;
	s14 =	simm.s32 @!p0 $0x0  }
0x2b: {  	[sflag:s7] =	ssyncset.done $0x0;
	s14 =	sshll.u32 s14, $0xA  }
0x2c: {  	[sflag:s7] =	ssyncadd.s32 $0xFFFFFC00;
	(ifvalue) =	ssetifvalue $0x7FFFFFFF;
	v0 =	vld.msk [tilespmem:s14+$0x0 ss:$0x1], $0xffff;
	_ =	sdelay $0x4  }
0x2d: {  	s15 =	sadd.s32 $0x10, s14;
	vm1 =	vgt.s32 v0, $0x0  }
0x2e: {  	v2 =	vld.msk [tilespmem:s15+$0x0 ss:$0x1], $0xffff;
	v1 =	vnsel vm1, $0x0, v0  }
0x2f: {  	v1 =	vmin.u32 v1, $0x1869F;
	_ =	sdelay $0x1  }
0x30: {  	s16 =	sshll.u32 s12, $0xA;
	s18 =	simm.s32 $0x20  }
0x31: {  	s16 =	sand.u32 $0x400, s16;
	s17 =	sadd.s32 $0x10, s15;
	s15 =	sor.u32 $0x800, s14  }
0x32: {  	s14 =	sor.u32 $0x800, s16;
	s16 =	sadd.s32 $0x10, s15;
	v0 =	vld.msk [tilespmem:s17+$0x0 ss:$0x1], $0xffff;
	vm1 =	vgt.s32 v2, $0x0;
	(ifvalue) =	ssetifvalue $0x7FFFFFFF  }
.LBB2_3:
0x33: {  	[tilespmem:s15], [sflag:$0x1] =	stream.indirect_vreg.gather [hbm4b:s2+s10], $0x1, v1, vm0, $0x4038;
	[tilespmem:$0x1000] =	vst v63  }
0x34: {  	s18 =	sadd.s32 $0x10, s18  }
0x35: {  	v2 =	vnsel vm1, $0x0, v2;
	p1 =	slt.u32 s18, $0x3F0  }
.Ltmp3:
0x36: {  	s15 =	smov.u32 s16;
	v1 =	vmin.u32 v2, $0x1869F;
	(pc) =	sbr.rel @p1 .LBB2_3-.Ltmp3, $3  }
0x37: {  	_ =	sdelay $0x1  }
0x38: {  	s17 =	sadd.s32 $0x10, s17  }
0x39: {  	vm1 =	vgt.s32 v0, $0x0;
	s16 =	sadd.s32 $0x10, s16;
	v2 =	vmov v0;
	(ifvalue) =	ssetifvalue $0x7FFFFFFF;
	v0 =	vld.msk [tilespmem:s17+$0x0 ss:$0x1], $0xffff  }
.Ltmp4:
0x3a: {  	_ = 	snop;
	(pc) =	sbr.rel .LBB2_4-.Ltmp4, $1  }
0x3b: {  	_ =	sdelay $0x3  }
.LBB2_6:
0x3c: {  	_ =	sfence.sel $0x180000  }
0x3d: {  	s2 =	simm.s32 $0x2;
	[bflag:$0x0] =	sbarrier.arrive $0xFFFF  }
0x3e: {  	s30 =	simm.s32 $0x3;
	[sflag:s2] =	ssyncpa.u1 $0x1  }
0x3f: {  	s31 =	simm.s32 $0x1;
	[sflag:s30] =	ssyncpa.u1 $0x1  }
0x40: {  	[sflag:s31] =	ssyncpa.u1 $0x1  }
0x41: {  	p0 =	sne.s32 s0, $0x0;
	_ =	strace $0x90000047  }
0x42: {  	s0 =	sadd.s32 @!p0 $0x100000, s1;
	[bflag:$0x2] =	sbarrier.arrive $0xFFFF  }
0x43: {  	[sflag:s0] =	ssyncadd.tile.s32 @!p0 $0x1;
	_ =	shalt  }
.Lfunc_end2:
_tile_overlayer_lowered:
.L_overlay_start_2:
0x44: {  	(tag) =	ssettag $0x2  }
0x45: {  	s0 =	rddreg [dreg:$0x0];
	s2 =	stileid.u32  }
0x46: {  	s1 =	rddreg [dreg:$0x1];
	p0 =	sne.s32 s2, $0x0  }
0x47: {  	s3 =	rddreg [dreg:$0x2];
	[bflag:$0x3] =	sbarrier.arrive $0xFFFF;
	s2 =	simm.s32 @!p0 $0x1C01  }
0x48: {  	[timem:s3], [sflag:s2] =	dma.local @!p0 [hbm:s0], s1  }
0x49: {  	s0 =	simm.s32 @!p0 $0x1  }
0x4a: {  	_ =	swait.ge @!p0 [sflag:s0], s1  }
0x4b: {  	s1 =	ssub.s32 @!p0 $0x0, s1;
	[sflag:s0] =	ssyncset.done @!p0 $0x0  }
0x4c: {  	[sflag:s0] =	ssyncadd.s32 @!p0 s1  }
0x4d: {  	[bflag:$0x3] =	sbarrier.arrive $0xFFFF  }
0x4e: {  	_ =	shalt  }

</sc_bundles>
